<compile_context>
chip_gen: v7x
topology: tpu7x:2x2x1
jax: 0.10.2.dev20260603
libtpu: 0.0.44.dev20260713+nightly
codegen_flags: <defaults>
</compile_context>

<pallas_src>
import functools

import jax
import jax.numpy as jnp
from jax import lax
from jax.experimental import pallas as pl
from jax.experimental.pallas import tpu as pltpu
from jax.experimental.pallas import tpu_sc as plsc

N = 10000
E = 320000
D = 128
H = 16
OUT = 128

NC = 2
NS = 16
NW = NC * NS
CHUNK = 128
EROWS = E // CHUNK
RPT_E = EROWS // NW
XTRA = EROWS - RPT_E * NW
NBUF = 13
NOUTER = RPT_E // NBUF
HBUF = 13
HOUTER = RPT_E // HBUF
NPAD = 10240
RPT_N = NPAD // NS
ZROWS = 128

_f32 = jnp.float32


def _sc_mesh():
    return plsc.VectorSubcoreMesh(core_axis_name="c", subcore_axis_name="s")


_SC_PARAMS = pltpu.CompilerParams(use_tc_tiling_on_sc=False)


def _sc_hist(ei):

    @functools.partial(
        pl.kernel,
        out_type=jax.ShapeDtypeStruct((NC, NPAD, H), _f32),
        mesh=_sc_mesh(),
        compiler_params=_SC_PARAMS,
        scratch_types=[
            pltpu.VMEM((RPT_E, CHUNK), jnp.int32),
            pltpu.VMEM((1, CHUNK), jnp.int32),
            pltpu.VMEM((CHUNK, H), _f32),
            pltpu.VMEM((ZROWS, H), _f32),
            pltpu.VMEM_SHARED((NPAD, H), _f32),
            pltpu.SemaphoreType.DMA,
        ],
    )
    def hist_kernel(ei_hbm, out_hbm, dst_v, xdst_v, ones_v, zbuf, acc_sh, hsem):
        core = lax.axis_index("c")
        sub = lax.axis_index("s")
        wid = core * NS + sub

        @pl.loop(0, ZROWS)
        def _(i):
            zbuf[i, :] = jnp.zeros((H,), _f32)

        @pl.loop(0, CHUNK)
        def _(i):
            ones_v[i, :] = jnp.ones((H,), _f32)

        pltpu.sync_copy(ei_hbm.at[1, pl.ds(wid * RPT_E, RPT_E)], dst_v)

        @pl.loop(0, RPT_N // ZROWS)
        def _(j):
            pltpu.sync_copy(zbuf, acc_sh.at[pl.ds(sub * RPT_N + j * ZROWS, ZROWS)])

        plsc.subcore_barrier()

        @pl.loop(0, HOUTER)
        def _(g):
            base = g * HBUF
            for b in range(HBUF):
                pltpu.async_copy(ones_v, acc_sh.at[dst_v.at[base + b]], hsem,
                                 add=True)
            for b in range(HBUF):
                pltpu.make_async_copy(ones_v, acc_sh.at[dst_v.at[base + b]],
                                      hsem).wait()

        @pl.when(wid < XTRA)
        def _():
            pltpu.sync_copy(ei_hbm.at[1, pl.ds(NW * RPT_E + wid, 1)], xdst_v)
            pltpu.sync_copy(ones_v, acc_sh.at[xdst_v.at[0]], add=True)

        plsc.subcore_barrier()
        pltpu.sync_copy(acc_sh.at[pl.ds(sub * RPT_N, RPT_N)],
                        out_hbm.at[core, pl.ds(sub * RPT_N, RPT_N)])

    return hist_kernel(ei)


def _sc_segment_sum(ei, y):

    @functools.partial(
        pl.kernel,
        out_type=jax.ShapeDtypeStruct((NC, NPAD, H), _f32),
        mesh=_sc_mesh(),
        compiler_params=_SC_PARAMS,
        scratch_types=[
            pltpu.VMEM((RPT_E, CHUNK), jnp.int32),
            pltpu.VMEM((RPT_E, CHUNK), jnp.int32),
            pltpu.VMEM((1, CHUNK), jnp.int32),
            pltpu.VMEM((1, CHUNK), jnp.int32),
            pltpu.VMEM((NBUF, CHUNK, H), _f32),
            pltpu.VMEM((ZROWS, H), _f32),
            pltpu.VMEM_SHARED((NPAD, H), _f32),
            pltpu.SemaphoreType.DMA((NBUF,)),
            pltpu.SemaphoreType.DMA((NBUF,)),
        ],
    )
    def seg_kernel(ei_hbm, y_hbm, out_hbm,
                   src_v, dst_v, xsrc_v, xdst_v, rows_v, zbuf, acc_sh,
                   gsem, ssem):
        core = lax.axis_index("c")
        sub = lax.axis_index("s")
        wid = core * NS + sub

        @pl.loop(0, ZROWS)
        def _(i):
            zbuf[i, :] = jnp.zeros((H,), _f32)

        pltpu.sync_copy(ei_hbm.at[0, pl.ds(wid * RPT_E, RPT_E)], src_v)
        pltpu.sync_copy(ei_hbm.at[1, pl.ds(wid * RPT_E, RPT_E)], dst_v)

        @pl.loop(0, RPT_N // ZROWS)
        def _(j):
            pltpu.sync_copy(zbuf, acc_sh.at[pl.ds(sub * RPT_N + j * ZROWS, ZROWS)])

        plsc.subcore_barrier()

        def gstart(ci, b):
            pltpu.async_copy(y_hbm.at[src_v.at[ci]], rows_v.at[b], gsem.at[b])

        def gwait(ci, b):
            pltpu.make_async_copy(y_hbm.at[src_v.at[ci]], rows_v.at[b],
                                  gsem.at[b]).wait()

        def sstart(ci, b):
            pltpu.async_copy(rows_v.at[b], acc_sh.at[dst_v.at[ci]],
                             ssem.at[b], add=True)

        def swait(ci, b):
            pltpu.make_async_copy(rows_v.at[b], acc_sh.at[dst_v.at[ci]],
                                  ssem.at[b]).wait()

        for b in range(NBUF):
            gstart(b, b)

        @pl.loop(0, NOUTER)
        def _(g):
            base = g * NBUF
            for b in range(NBUF):
                gwait(base + b, b)
                sstart(base + b, b)

            @pl.when(g < NOUTER - 1)
            def _():
                for b in range(NBUF):
                    swait(base + b, b)
                    gstart(base + NBUF + b, b)

        for b in range(NBUF):
            swait(RPT_E - NBUF + b, b)

        @pl.when(wid < XTRA)
        def _():
            pltpu.sync_copy(ei_hbm.at[0, pl.ds(NW * RPT_E + wid, 1)], xsrc_v)
            pltpu.sync_copy(ei_hbm.at[1, pl.ds(NW * RPT_E + wid, 1)], xdst_v)
            pltpu.sync_copy(y_hbm.at[xsrc_v.at[0]], rows_v.at[0])
            pltpu.sync_copy(rows_v.at[0], acc_sh.at[xdst_v.at[0]], add=True)

        plsc.subcore_barrier()
        pltpu.sync_copy(acc_sh.at[pl.ds(sub * RPT_N, RPT_N)],
                        out_hbm.at[core, pl.ds(sub * RPT_N, RPT_N)])

    return seg_kernel(ei, y)



NPV = NPAD * H // 128


def _matmul1_body(x_ref, w_ref, o_ref):
    o_ref[pl.ds(0, N), :] = jnp.dot(x_ref[...], w_ref[...],
                                    preferred_element_type=_f32,
                                    precision=jax.lax.Precision.HIGHEST)
    o_ref[pl.ds(N, NPAD - N), :] = jnp.zeros((NPAD - N, H), _f32)


def _scale_body(p_ref, xw_ref, y_ref, dinv_ref):
    deg = p_ref[0] + p_ref[1] + 1.0
    dinv = lax.rsqrt(deg)
    dinv_ref[...] = dinv
    y_ref[...] = xw_ref[...] * dinv


def _post1_body(u_ref, dinv_ref, xw_ref, b1_ref, h_ref, y2_ref):
    dinv = dinv_ref[...]
    agg = dinv * (u_ref[0] + u_ref[1]) + dinv * dinv * xw_ref[...]
    h = jnp.maximum(agg + b1_ref[...], 0.0)
    h_ref[...] = h
    y2_ref[...] = h * dinv


def _final_body(u_ref, dinv_ref, h_ref, wb2_ref, b2_ref, o_ref):
    dinv = dinv_ref[...]
    agg = dinv * (u_ref[0] + u_ref[1]) + dinv * dinv * h_ref[...]
    o = jnp.dot(agg, wb2_ref[...],
                preferred_element_type=_f32,
                precision=jax.lax.Precision.HIGHEST)
    for j in range(8):
        seg = o[:, 128 * j:128 * (j + 1)] + b2_ref[...]
        m = jnp.max(seg, axis=-1, keepdims=True)
        s = seg - m
        lse = jnp.log(jnp.sum(jnp.exp(s), axis=-1, keepdims=True))
        o_ref[:, 128 * j:128 * (j + 1)] = s - lse


def kernel(x, edge_index, W1, b1, W2, b2):
    ei = edge_index.reshape(2, EROWS, CHUNK)
    b1t = jnp.tile(b1.reshape(1, H), (1, 8))
    wb2 = jnp.kron(jnp.eye(8, dtype=_f32), W2)

    hist = _sc_hist(ei)
    xw1 = pl.pallas_call(
        _matmul1_body,
        out_shape=jax.ShapeDtypeStruct((NPAD, H), _f32),
    )(x, W1)

    hist_v = hist.reshape(NC, NPV, 128)
    xw_v = xw1.reshape(NPV, 128)

    y1_v, dinv_v = pl.pallas_call(
        _scale_body,
        out_shape=(jax.ShapeDtypeStruct((NPV, 128), _f32),
                   jax.ShapeDtypeStruct((NPV, 128), _f32)),
    )(hist_v, xw_v)

    u1 = _sc_segment_sum(ei, y1_v.reshape(NPAD, H))

    h_v, y2_v = pl.pallas_call(
        _post1_body,
        out_shape=(jax.ShapeDtypeStruct((NPV, 128), _f32),
                   jax.ShapeDtypeStruct((NPV, 128), _f32)),
    )(u1.reshape(NC, NPV, 128), dinv_v, xw_v, b1t)

    u2 = _sc_segment_sum(ei, y2_v.reshape(NPAD, H))

    out_big = pl.pallas_call(
        _final_body,
        out_shape=jax.ShapeDtypeStruct((NPV, 1024), _f32),
    )(u2.reshape(NC, NPV, 128), dinv_v, h_v, wb2, b2.reshape(1, OUT))
    return out_big.reshape(NPAD, OUT)[:N]

# --- scband reference (transcript-rebuilt; emitter-appended) ---
"""Pipeline reference for scband-gcn-23278722744979 (READ-ONLY COPY).

The authoritative reference and input builder live on the scoring server;
editing this copy changes nothing except your own understanding.
"""

import jax, jax.numpy as jnp
import numpy as np

N = 10000
E = 320000
D = 128
H = 16
OUT = 128


def gcn_conv(x, src, dst, W, b, num_nodes):
    # x' = D^{-1/2} (A + I) D^{-1/2} X W + b  (PyG GCNConv with add_self_loops=True)
    xw = x @ W
    # degree including self-loop
    deg = jnp.zeros((num_nodes,), dtype=x.dtype).at[dst].add(1.0) + 1.0
    dinv = jax.lax.rsqrt(deg)
    norm = dinv[src] * dinv[dst]
    # neighbor aggregation (gather messages from src, scatter-add into dst)
    agg = jnp.zeros((num_nodes, W.shape[1]), dtype=x.dtype).at[dst].add(xw[src] * norm[:, None])
    # self-loop contribution: norm(i,i) = dinv[i]^2
    agg = agg + xw * (dinv * dinv)[:, None]
    return agg + b


def setup_inputs(seed: int = 0) -> dict:
    key = jax.random.key(seed)
    k0, k1, k2, k3, k4, k5 = jax.random.split(key, 6)
    x = jax.random.normal(k0, (N, D), dtype=jnp.float32)
    edge_index = jax.random.randint(k1, (2, E), 0, N, dtype=jnp.int32)
    W1 = jax.random.normal(k2, (D, H), dtype=jnp.float32) / np.sqrt(D)
    b1 = jnp.zeros((H,), dtype=jnp.float32)
    W2 = jax.random.normal(k3, (H, OUT), dtype=jnp.float32) / np.sqrt(H)
    b2 = jnp.zeros((OUT,), dtype=jnp.float32)
    return {"x": x, "edge_index": edge_index, "W1": W1, "b1": b1, "W2": W2, "b2": b2}


def reference(x, edge_index, W1, b1, W2, b2):
    src = edge_index[0]
    dst = edge_index[1]
    h = gcn_conv(x, src, dst, W1, b1, N)
    h = jax.nn.relu(h)
    # dropout is identity in eval mode (training=False)
    h = gcn_conv(h, src, dst, W2, b2, N)
    return jax.nn.log_softmax(h, axis=-1)

if __name__ == "__main__":
    import jax
    _d = setup_inputs()
    print(jax.jit(kernel)(*tuple(_d.values())))

</pallas_src>

<mosaic_0001>
#map = affine_map<(d0, d1) -> (0, 0, 0)>
module attributes {stable_mosaic.version = 14 : i64} {
  func.func @hist_kernel(%arg0: i32, %arg1: i32, %arg2: memref<2x2500x128xi32, #tpu.memory_space<hbm>>, %arg3: memref<2x10240x16xf32, #tpu.memory_space<hbm>>, %arg4: memref<78x128xi32, #tpu.memory_space<vmem>>, %arg5: memref<1x128xi32, #tpu.memory_space<vmem>>, %arg6: memref<128x16xf32, #tpu.memory_space<vmem>>, %arg7: memref<128x16xf32, #tpu.memory_space<vmem>>, %arg8: memref<10240x16xf32, #tpu.memory_space<vmem_shared>>, %arg9: memref<!tpu.dma_semaphore, #tpu.memory_space<semaphore_mem>>) attributes {dimension_semantics = [#tpu.dimension_semantics<core_parallel>, #tpu.dimension_semantics<subcore_parallel>], iteration_bounds = array<i64: 2, 16>, scalar_prefetch = 0 : i64, scratch_operands = 6 : i64, tpu.core_type = #tpu.core_type<sc_vector_subcore>, window_params = [{transform_indices = #map}, {transform_indices = #map}]} {
    %mul3A = arith.constant 16 : i32
    %mul3A_0 = arith.muli %arg0, %mul3A : i32
    %add3A = arith.addi %mul3A_0, %arg1 : i32
    %scan3A = arith.constant 0 : i32
    %scan3A_1 = arith.constant 128 : i32
    %scan3A_2 = arith.addi %scan3A, %scan3A_1 : i32
    %scan3A_3 = arith.constant 1 : i32
    scf.for %scan3A_29 = %scan3A to %scan3A_2 step %scan3A_3  : i32 {
      %mul3A_30 = arith.constant 1 : i32
      %mul3A_31 = arith.muli %scan3A_29, %mul3A_30 : i32
      %add3A_32 = arith.constant 0 : i32
      %add3A_33 = arith.addi %add3A_32, %mul3A_31 : i32
      %broadcast_in_dim3A = arith.constant 0.000000e+00 : f32
      %broadcast_in_dim3A_34 = vector.broadcast %broadcast_in_dim3A : f32 to vector<16xf32>
      %swap3A = arith.index_cast %add3A_33 : i32 to index
      %swap3A_35 = arith.constant 0 : index
      %swap3A_36 = tpu.vector_load %arg7[%swap3A, %swap3A_35] {strides = array<i32>} : memref<128x16xf32, #tpu.memory_space<vmem>>, vector<1x16xf32>,
      %swap3A_37 = vector.shape_cast %swap3A_36 : vector<1x16xf32> to vector<16xf32>
      %swap3A_38 = vector.shape_cast %broadcast_in_dim3A_34 : vector<16xf32> to vector<1x16xf32>
      tpu.vector_store %arg7[%swap3A, %swap3A_35], %swap3A_38 {strides = array<i32>} : memref<128x16xf32, #tpu.memory_space<vmem>>, vector<1x16xf32>,
    }
    %scan3A_4 = arith.constant 128 : i32
    %scan3A_5 = arith.constant 0 : i32
    %scan3A_6 = arith.constant 128 : i32
    %scan3A_7 = arith.addi %scan3A_5, %scan3A_6 : i32
    %scan3A_8 = arith.constant 1 : i32
    scf.for %scan3A_29 = %scan3A_5 to %scan3A_7 step %scan3A_8  : i32 {
      %mul3A_30 = arith.constant 1 : i32
      %mul3A_31 = arith.muli %scan3A_29, %mul3A_30 : i32
      %add3A_32 = arith.constant 0 : i32
      %add3A_33 = arith.addi %add3A_32, %mul3A_31 : i32
      %broadcast_in_dim3A = arith.constant 1.000000e+00 : f32
      %broadcast_in_dim3A_34 = vector.broadcast %broadcast_in_dim3A : f32 to vector<16xf32>
      %swap3A = arith.index_cast %add3A_33 : i32 to index
      %swap3A_35 = arith.constant 0 : index
      %swap3A_36 = tpu.vector_load %arg6[%swap3A, %swap3A_35] {strides = array<i32>} : memref<128x16xf32, #tpu.memory_space<vmem>>, vector<1x16xf32>,
      %swap3A_37 = vector.shape_cast %swap3A_36 : vector<1x16xf32> to vector<16xf32>
      %swap3A_38 = vector.shape_cast %broadcast_in_dim3A_34 : vector<16xf32> to vector<1x16xf32>
      tpu.vector_store %arg6[%swap3A, %swap3A_35], %swap3A_38 {strides = array<i32>} : memref<128x16xf32, #tpu.memory_space<vmem>>, vector<1x16xf32>,
    }
    %scan3A_9 = arith.constant 128 : i32
    %mul3A_10 = arith.constant 78 : i32
    %mul3A_11 = arith.muli %add3A, %mul3A_10 : i32
    %run_scoped3A = arith.constant 1 : i32
    "tpu.region"() ({
      %run_scoped3A_29 = tpu.sem_alloc : memref<!tpu.dma_semaphore, #tpu.memory_space<semaphore_mem>>
      %dma_start3A = arith.constant 0 : i32
      %dma_start3A_30 = tpu.memref_slice %arg2[%run_scoped3A, %mul3A_11, %dma_start3A] : memref<2x2500x128xi32, #tpu.memory_space<hbm>> -> memref<1x78x128xi32, #tpu.memory_space<hbm>>
      %dma_start3A_31 = tpu.memref_squeeze %dma_start3A_30 : memref<1x78x128xi32, #tpu.memory_space<hbm>> -> memref<78x128xi32, #tpu.memory_space<hbm>>
      %dma_start3A_32 = arith.constant 0 : i32
      %dma_start3A_33 = tpu.memref_slice %arg2[%run_scoped3A, %mul3A_11, %dma_start3A_32] : memref<2x2500x128xi32, #tpu.memory_space<hbm>> -> memref<1x78x128xi32, #tpu.memory_space<hbm>>
      %dma_start3A_34 = tpu.memref_squeeze %dma_start3A_33 : memref<1x78x128xi32, #tpu.memory_space<hbm>> -> memref<78x128xi32, #tpu.memory_space<hbm>>
      tpu.enqueue_dma source(%dma_start3A_34 : memref<78x128xi32, #tpu.memory_space<hbm>>) target(%arg4 : memref<78x128xi32, #tpu.memory_space<vmem>>) target_semaphore(%run_scoped3A_29 : memref<!tpu.dma_semaphore, #tpu.memory_space<semaphore_mem>>)
      %dma_wait3A = arith.constant 0 : i32
      %dma_wait3A_35 = tpu.memref_slice %arg2[%run_scoped3A, %mul3A_11, %dma_wait3A] : memref<2x2500x128xi32, #tpu.memory_space<hbm>> -> memref<1x78x128xi32, #tpu.memory_space<hbm>>
      %dma_wait3A_36 = tpu.memref_squeeze %dma_wait3A_35 : memref<1x78x128xi32, #tpu.memory_space<hbm>> -> memref<78x128xi32, #tpu.memory_space<hbm>>
      %dma_wait3A_37 = arith.constant 0 : i32
      %dma_wait3A_38 = tpu.memref_slice %arg2[%run_scoped3A, %mul3A_11, %dma_wait3A_37] : memref<2x2500x128xi32, #tpu.memory_space<hbm>> -> memref<1x78x128xi32, #tpu.memory_space<hbm>>
      %dma_wait3A_39 = tpu.memref_squeeze %dma_wait3A_38 : memref<1x78x128xi32, #tpu.memory_space<hbm>> -> memref<78x128xi32, #tpu.memory_space<hbm>>
      tpu.wait_dma2 semaphore(%run_scoped3A_29 : memref<!tpu.dma_semaphore, #tpu.memory_space<semaphore_mem>>) src(%dma_wait3A_39 : memref<78x128xi32, #tpu.memory_space<hbm>>) dst(%arg4 : memref<78x128xi32, #tpu.memory_space<vmem>>)
      tpu.yield
    }) : () -> ()
    %scan3A_12 = arith.constant 0 : i32
    %scan3A_13 = arith.constant 5 : i32
    %scan3A_14 = arith.addi %scan3A_12, %scan3A_13 : i32
    %scan3A_15 = arith.constant 1 : i32
    scf.for %scan3A_29 = %scan3A_12 to %scan3A_14 step %scan3A_15  : i32 {
      %mul3A_30 = arith.constant 1 : i32
      %mul3A_31 = arith.muli %scan3A_29, %mul3A_30 : i32
      %add3A_32 = arith.constant 0 : i32
      %add3A_33 = arith.addi %add3A_32, %mul3A_31 : i32
      %mul3A_34 = arith.constant 640 : i32
      %mul3A_35 = arith.muli %arg1, %mul3A_34 : i32
      %mul3A_36 = arith.constant 128 : i32
      %mul3A_37 = arith.muli %add3A_33, %mul3A_36 : i32
      %add3A_38 = arith.addi %mul3A_35, %mul3A_37 : i32
      "tpu.region"() ({
        %run_scoped3A_39 = tpu.sem_alloc : memref<!tpu.dma_semaphore, #tpu.memory_space<semaphore_mem>>
        %dma_start3A = arith.constant 0 : i32
        %dma_start3A_40 = tpu.memref_slice %arg8[%add3A_38, %dma_start3A] : memref<10240x16xf32, #tpu.memory_space<vmem_shared>> -> memref<128x16xf32, #tpu.memory_space<vmem_shared>>
        %dma_start3A_41 = arith.constant 0 : i32
        %dma_start3A_42 = tpu.memref_slice %arg8[%add3A_38, %dma_start3A_41] : memref<10240x16xf32, #tpu.memory_space<vmem_shared>> -> memref<128x16xf32, #tpu.memory_space<vmem_shared>>
        tpu.enqueue_dma source(%arg7 : memref<128x16xf32, #tpu.memory_space<vmem>>) target(%dma_start3A_42 : memref<128x16xf32, #tpu.memory_space<vmem_shared>>) target_semaphore(%run_scoped3A_39 : memref<!tpu.dma_semaphore, #tpu.memory_space<semaphore_mem>>)
        %dma_wait3A = arith.constant 0 : i32
        %dma_wait3A_43 = tpu.memref_slice %arg8[%add3A_38, %dma_wait3A] : memref<10240x16xf32, #tpu.memory_space<vmem_shared>> -> memref<128x16xf32, #tpu.memory_space<vmem_shared>>
        %dma_wait3A_44 = arith.constant 0 : i32
        %dma_wait3A_45 = tpu.memref_slice %arg8[%add3A_38, %dma_wait3A_44] : memref<10240x16xf32, #tpu.memory_space<vmem_shared>> -> memref<128x16xf32, #tpu.memory_space<vmem_shared>>
        tpu.wait_dma2 semaphore(%run_scoped3A_39 : memref<!tpu.dma_semaphore, #tpu.memory_space<semaphore_mem>>) src(%arg7 : memref<128x16xf32, #tpu.memory_space<vmem>>) dst(%dma_wait3A_45 : memref<128x16xf32, #tpu.memory_space<vmem_shared>>)
        tpu.yield
      }) : () -> ()
    }
    %scan3A_16 = arith.constant 5 : i32
    %barrier3A = arith.constant 0 : index
    tpu.barrier barrier_id(%barrier3A)
    %scan3A_17 = arith.constant 0 : i32
    %scan3A_18 = arith.constant 6 : i32
    %scan3A_19 = arith.addi %scan3A_17, %scan3A_18 : i32
    %scan3A_20 = arith.constant 1 : i32
    scf.for %scan3A_29 = %scan3A_17 to %scan3A_19 step %scan3A_20  : i32 {
      %mul3A_30 = arith.constant 1 : i32
      %mul3A_31 = arith.muli %scan3A_29, %mul3A_30 : i32
      %add3A_32 = arith.constant 0 : i32
      %add3A_33 = arith.addi %add3A_32, %mul3A_31 : i32
      %mul3A_34 = arith.constant 13 : i32
      %mul3A_35 = arith.muli %add3A_33, %mul3A_34 : i32
      %add3A_36 = arith.constant 0 : i32
      %add3A_37 = arith.addi %mul3A_35, %add3A_36 : i32
      %dma_start3A = arith.constant 0 : i32
      %dma_start3A_38 = tpu.memref_slice %arg4[%add3A_37, %dma_start3A] : memref<78x128xi32, #tpu.memory_space<vmem>> -> memref<1x128xi32, #tpu.memory_space<vmem>>
      %dma_start3A_39 = tpu.memref_squeeze %dma_start3A_38 : memref<1x128xi32, #tpu.memory_space<vmem>> -> memref<128xi32, #tpu.memory_space<vmem>>
      %dma_start3A_40 = arith.constant 0 : i32
      %dma_start3A_41 = arith.constant 0 : i32
      %dma_start3A_42 = tpu.memref_slice %arg8[%dma_start3A_40, %dma_start3A_41] : memref<10240x16xf32, #tpu.memory_space<vmem_shared>> -> memref<10240x16xf32, #tpu.memory_space<vmem_shared>>
      tpu.enqueue_indirect_dma source(%arg6 : memref<128x16xf32, #tpu.memory_space<vmem>>) target(%dma_start3A_42 : memref<10240x16xf32, #tpu.memory_space<vmem_shared>>) offsets(%dma_start3A_39 : memref<128xi32, #tpu.memory_space<vmem>>) semaphore(%arg9 : memref<!tpu.dma_semaphore, #tpu.memory_space<semaphore_mem>>) {add = true}
      %add3A_43 = arith.constant 1 : i32
      %add3A_44 = arith.addi %mul3A_35, %add3A_43 : i32
      %dma_start3A_45 = arith.constant 0 : i32
      %dma_start3A_46 = tpu.memref_slice %arg4[%add3A_44, %dma_start3A_45] : memref<78x128xi32, #tpu.memory_space<vmem>> -> memref<1x128xi32, #tpu.memory_space<vmem>>
      %dma_start3A_47 = tpu.memref_squeeze %dma_start3A_46 : memref<1x128xi32, #tpu.memory_space<vmem>> -> memref<128xi32, #tpu.memory_space<vmem>>
      %dma_start3A_48 = arith.constant 0 : i32
      %dma_start3A_49 = arith.constant 0 : i32
      %dma_start3A_50 = tpu.memref_slice %arg8[%dma_start3A_48, %dma_start3A_49] : memref<10240x16xf32, #tpu.memory_space<vmem_shared>> -> memref<10240x16xf32, #tpu.memory_space<vmem_shared>>
      tpu.enqueue_indirect_dma source(%arg6 : memref<128x16xf32, #tpu.memory_space<vmem>>) target(%dma_start3A_50 : memref<10240x16xf32, #tpu.memory_space<vmem_shared>>) offsets(%dma_start3A_47 : memref<128xi32, #tpu.memory_space<vmem>>) semaphore(%arg9 : memref<!tpu.dma_semaphore, #tpu.memory_space<semaphore_mem>>) {add = true}
      %add3A_51 = arith.constant 2 : i32
      %add3A_52 = arith.addi %mul3A_35, %add3A_51 : i32
      %dma_start3A_53 = arith.constant 0 : i32
      %dma_start3A_54 = tpu.memref_slice %arg4[%add3A_52, %dma_start3A_53] : memref<78x128xi32, #tpu.memory_space<vmem>> -> memref<1x128xi32, #tpu.memory_space<vmem>>
      %dma_start3A_55 = tpu.memref_squeeze %dma_start3A_54 : memref<1x128xi32, #tpu.memory_space<vmem>> -> memref<128xi32, #tpu.memory_space<vmem>>
      %dma_start3A_56 = arith.constant 0 : i32
      %dma_start3A_57 = arith.constant 0 : i32
      %dma_start3A_58 = tpu.memref_slice %arg8[%dma_start3A_56, %dma_start3A_57] : memref<10240x16xf32, #tpu.memory_space<vmem_shared>> -> memref<10240x16xf32, #tpu.memory_space<vmem_shared>>
      tpu.enqueue_indirect_dma source(%arg6 : memref<128x16xf32, #tpu.memory_space<vmem>>) target(%dma_start3A_58 : memref<10240x16xf32, #tpu.memory_space<vmem_shared>>) offsets(%dma_start3A_55 : memref<128xi32, #tpu.memory_space<vmem>>) semaphore(%arg9 : memref<!tpu.dma_semaphore, #tpu.memory_space<semaphore_mem>>) {add = true}
      %add3A_59 = arith.constant 3 : i32
      %add3A_60 = arith.addi %mul3A_35, %add3A_59 : i32
      %dma_start3A_61 = arith.constant 0 : i32
      %dma_start3A_62 = tpu.memref_slice %arg4[%add3A_60, %dma_start3A_61] : memref<78x128xi32, #tpu.memory_space<vmem>> -> memref<1x128xi32, #tpu.memory_space<vmem>>
      %dma_start3A_63 = tpu.memref_squeeze %dma_start3A_62 : memref<1x128xi32, #tpu.memory_space<vmem>> -> memref<128xi32, #tpu.memory_space<vmem>>
      %dma_start3A_64 = arith.constant 0 : i32
      %dma_start3A_65 = arith.constant 0 : i32
      %dma_start3A_66 = tpu.memref_slice %arg8[%dma_start3A_64, %dma_start3A_65] : memref<10240x16xf32, #tpu.memory_space<vmem_shared>> -> memref<10240x16xf32, #tpu.memory_space<vmem_shared>>
      tpu.enqueue_indirect_dma source(%arg6 : memref<128x16xf32, #tpu.memory_space<vmem>>) target(%dma_start3A_66 : memref<10240x16xf32, #tpu.memory_space<vmem_shared>>) offsets(%dma_start3A_63 : memref<128xi32, #tpu.memory_space<vmem>>) semaphore(%arg9 : memref<!tpu.dma_semaphore, #tpu.memory_space<semaphore_mem>>) {add = true}
      %add3A_67 = arith.constant 4 : i32
      %add3A_68 = arith.addi %mul3A_35, %add3A_67 : i32
      %dma_start3A_69 = arith.constant 0 : i32
      %dma_start3A_70 = tpu.memref_slice %arg4[%add3A_68, %dma_start3A_69] : memref<78x128xi32, #tpu.memory_space<vmem>> -> memref<1x128xi32, #tpu.memory_space<vmem>>
      %dma_start3A_71 = tpu.memref_squeeze %dma_start3A_70 : memref<1x128xi32, #tpu.memory_space<vmem>> -> memref<128xi32, #tpu.memory_space<vmem>>
      %dma_start3A_72 = arith.constant 0 : i32
      %dma_start3A_73 = arith.constant 0 : i32
      %dma_start3A_74 = tpu.memref_slice %arg8[%dma_start3A_72, %dma_start3A_73] : memref<10240x16xf32, #tpu.memory_space<vmem_shared>> -> memref<10240x16xf32, #tpu.memory_space<vmem_shared>>
      tpu.enqueue_indirect_dma source(%arg6 : memref<128x16xf32, #tpu.memory_space<vmem>>) target(%dma_start3A_74 : memref<10240x16xf32, #tpu.memory_space<vmem_shared>>) offsets(%dma_start3A_71 : memref<128xi32, #tpu.memory_space<vmem>>) semaphore(%arg9 : memref<!tpu.dma_semaphore, #tpu.memory_space<semaphore_mem>>) {add = true}
      %add3A_75 = arith.constant 5 : i32
      %add3A_76 = arith.addi %mul3A_35, %add3A_75 : i32
      %dma_start3A_77 = arith.constant 0 : i32
      %dma_start3A_78 = tpu.memref_slice %arg4[%add3A_76, %dma_start3A_77] : memref<78x128xi32, #tpu.memory_space<vmem>> -> memref<1x128xi32, #tpu.memory_space<vmem>>
      %dma_start3A_79 = tpu.memref_squeeze %dma_start3A_78 : memref<1x128xi32, #tpu.memory_space<vmem>> -> memref<128xi32, #tpu.memory_space<vmem>>
      %dma_start3A_80 = arith.constant 0 : i32
      %dma_start3A_81 = arith.constant 0 : i32
      %dma_start3A_82 = tpu.memref_slice %arg8[%dma_start3A_80, %dma_start3A_81] : memref<10240x16xf32, #tpu.memory_space<vmem_shared>> -> memref<10240x16xf32, #tpu.memory_space<vmem_shared>>
      tpu.enqueue_indirect_dma source(%arg6 : memref<128x16xf32, #tpu.memory_space<vmem>>) target(%dma_start3A_82 : memref<10240x16xf32, #tpu.memory_space<vmem_shared>>) offsets(%dma_start3A_79 : memref<128xi32, #tpu.memory_space<vmem>>) semaphore(%arg9 : memref<!tpu.dma_semaphore, #tpu.memory_space<semaphore_mem>>) {add = true}
      %add3A_83 = arith.constant 6 : i32
      %add3A_84 = arith.addi %mul3A_35, %add3A_83 : i32
      %dma_start3A_85 = arith.constant 0 : i32
      %dma_start3A_86 = tpu.memref_slice %arg4[%add3A_84, %dma_start3A_85] : memref<78x128xi32, #tpu.memory_space<vmem>> -> memref<1x128xi32, #tpu.memory_space<vmem>>
      %dma_start3A_87 = tpu.memref_squeeze %dma_start3A_86 : memref<1x128xi32, #tpu.memory_space<vmem>> -> memref<128xi32, #tpu.memory_space<vmem>>
      %dma_start3A_88 = arith.constant 0 : i32
      %dma_start3A_89 = arith.constant 0 : i32
      %dma_start3A_90 = tpu.memref_slice %arg8[%dma_start3A_88, %dma_start3A_89] : memref<10240x16xf32, #tpu.memory_space<vmem_shared>> -> memref<10240x16xf32, #tpu.memory_space<vmem_shared>>
      tpu.enqueue_indirect_dma source(%arg6 : memref<128x16xf32, #tpu.memory_space<vmem>>) target(%dma_start3A_90 : memref<10240x16xf32, #tpu.memory_space<vmem_shared>>) offsets(%dma_start3A_87 : memref<128xi32, #tpu.memory_space<vmem>>) semaphore(%arg9 : memref<!tpu.dma_semaphore, #tpu.memory_space<semaphore_mem>>) {add = true}
      %add3A_91 = arith.constant 7 : i32
      %add3A_92 = arith.addi %mul3A_35, %add3A_91 : i32
      %dma_start3A_93 = arith.constant 0 : i32
      %dma_start3A_94 = tpu.memref_slice %arg4[%add3A_92, %dma_start3A_93] : memref<78x128xi32, #tpu.memory_space<vmem>> -> memref<1x128xi32, #tpu.memory_space<vmem>>
      %dma_start3A_95 = tpu.memref_squeeze %dma_start3A_94 : memref<1x128xi32, #tpu.memory_space<vmem>> -> memref<128xi32, #tpu.memory_space<vmem>>
      %dma_start3A_96 = arith.constant 0 : i32
      %dma_start3A_97 = arith.constant 0 : i32
      %dma_start3A_98 = tpu.memref_slice %arg8[%dma_start3A_96, %dma_start3A_97] : memref<10240x16xf32, #tpu.memory_space<vmem_shared>> -> memref<10240x16xf32, #tpu.memory_space<vmem_shared>>
      tpu.enqueue_indirect_dma source(%arg6 : memref<128x16xf32, #tpu.memory_space<vmem>>) target(%dma_start3A_98 : memref<10240x16xf32, #tpu.memory_space<vmem_shared>>) offsets(%dma_start3A_95 : memref<128xi32, #tpu.memory_space<vmem>>) semaphore(%arg9 : memref<!tpu.dma_semaphore, #tpu.memory_space<semaphore_mem>>) {add = true}
      %add3A_99 = arith.constant 8 : i32
      %add3A_100 = arith.addi %mul3A_35, %add3A_99 : i32
      %dma_start3A_101 = arith.constant 0 : i32
      %dma_start3A_102 = tpu.memref_slice %arg4[%add3A_100, %dma_start3A_101] : memref<78x128xi32, #tpu.memory_space<vmem>> -> memref<1x128xi32, #tpu.memory_space<vmem>>
      %dma_start3A_103 = tpu.memref_squeeze %dma_start3A_102 : memref<1x128xi32, #tpu.memory_space<vmem>> -> memref<128xi32, #tpu.memory_space<vmem>>
      %dma_start3A_104 = arith.constant 0 : i32
      %dma_start3A_105 = arith.constant 0 : i32
      %dma_start3A_106 = tpu.memref_slice %arg8[%dma_start3A_104, %dma_start3A_105] : memref<10240x16xf32, #tpu.memory_space<vmem_shared>> -> memref<10240x16xf32, #tpu.memory_space<vmem_shared>>
      tpu.enqueue_indirect_dma source(%arg6 : memref<128x16xf32, #tpu.memory_space<vmem>>) target(%dma_start3A_106 : memref<10240x16xf32, #tpu.memory_space<vmem_shared>>) offsets(%dma_start3A_103 : memref<128xi32, #tpu.memory_space<vmem>>) semaphore(%arg9 : memref<!tpu.dma_semaphore, #tpu.memory_space<semaphore_mem>>) {add = true}
      %add3A_107 = arith.constant 9 : i32
      %add3A_108 = arith.addi %mul3A_35, %add3A_107 : i32
      %dma_start3A_109 = arith.constant 0 : i32
      %dma_start3A_110 = tpu.memref_slice %arg4[%add3A_108, %dma_start3A_109] : memref<78x128xi32, #tpu.memory_space<vmem>> -> memref<1x128xi32, #tpu.memory_space<vmem>>
      %dma_start3A_111 = tpu.memref_squeeze %dma_start3A_110 : memref<1x128xi32, #tpu.memory_space<vmem>> -> memref<128xi32, #tpu.memory_space<vmem>>
      %dma_start3A_112 = arith.constant 0 : i32
      %dma_start3A_113 = arith.constant 0 : i32
      %dma_start3A_114 = tpu.memref_slice %arg8[%dma_start3A_112, %dma_start3A_113] : memref<10240x16xf32, #tpu.memory_space<vmem_shared>> -> memref<10240x16xf32, #tpu.memory_space<vmem_shared>>
      tpu.enqueue_indirect_dma source(%arg6 : memref<128x16xf32, #tpu.memory_space<vmem>>) target(%dma_start3A_114 : memref<10240x16xf32, #tpu.memory_space<vmem_shared>>) offsets(%dma_start3A_111 : memref<128xi32, #tpu.memory_space<vmem>>) semaphore(%arg9 : memref<!tpu.dma_semaphore, #tpu.memory_space<semaphore_mem>>) {add = true}
      %add3A_115 = arith.constant 10 : i32
      %add3A_116 = arith.addi %mul3A_35, %add3A_115 : i32
      %dma_start3A_117 = arith.constant 0 : i32
      %dma_start3A_118 = tpu.memref_slice %arg4[%add3A_116, %dma_start3A_117] : memref<78x128xi32, #tpu.memory_space<vmem>> -> memref<1x128xi32, #tpu.memory_space<vmem>>
      %dma_start3A_119 = tpu.memref_squeeze %dma_start3A_118 : memref<1x128xi32, #tpu.memory_space<vmem>> -> memref<128xi32, #tpu.memory_space<vmem>>
      %dma_start3A_120 = arith.constant 0 : i32
      %dma_start3A_121 = arith.constant 0 : i32
      %dma_start3A_122 = tpu.memref_slice %arg8[%dma_start3A_120, %dma_start3A_121] : memref<10240x16xf32, #tpu.memory_space<vmem_shared>> -> memref<10240x16xf32, #tpu.memory_space<vmem_shared>>
      tpu.enqueue_indirect_dma source(%arg6 : memref<128x16xf32, #tpu.memory_space<vmem>>) target(%dma_start3A_122 : memref<10240x16xf32, #tpu.memory_space<vmem_shared>>) offsets(%dma_start3A_119 : memref<128xi32, #tpu.memory_space<vmem>>) semaphore(%arg9 : memref<!tpu.dma_semaphore, #tpu.memory_space<semaphore_mem>>) {add = true}
      %add3A_123 = arith.constant 11 : i32
      %add3A_124 = arith.addi %mul3A_35, %add3A_123 : i32
      %dma_start3A_125 = arith.constant 0 : i32
      %dma_start3A_126 = tpu.memref_slice %arg4[%add3A_124, %dma_start3A_125] : memref<78x128xi32, #tpu.memory_space<vmem>> -> memref<1x128xi32, #tpu.memory_space<vmem>>
      %dma_start3A_127 = tpu.memref_squeeze %dma_start3A_126 : memref<1x128xi32, #tpu.memory_space<vmem>> -> memref<128xi32, #tpu.memory_space<vmem>>
      %dma_start3A_128 = arith.constant 0 : i32
      %dma_start3A_129 = arith.constant 0 : i32
      %dma_start3A_130 = tpu.memref_slice %arg8[%dma_start3A_128, %dma_start3A_129] : memref<10240x16xf32, #tpu.memory_space<vmem_shared>> -> memref<10240x16xf32, #tpu.memory_space<vmem_shared>>
      tpu.enqueue_indirect_dma source(%arg6 : memref<128x16xf32, #tpu.memory_space<vmem>>) target(%dma_start3A_130 : memref<10240x16xf32, #tpu.memory_space<vmem_shared>>) offsets(%dma_start3A_127 : memref<128xi32, #tpu.memory_space<vmem>>) semaphore(%arg9 : memref<!tpu.dma_semaphore, #tpu.memory_space<semaphore_mem>>) {add = true}
      %add3A_131 = arith.constant 12 : i32
      %add3A_132 = arith.addi %mul3A_35, %add3A_131 : i32
      %dma_start3A_133 = arith.constant 0 : i32
      %dma_start3A_134 = tpu.memref_slice %arg4[%add3A_132, %dma_start3A_133] : memref<78x128xi32, #tpu.memory_space<vmem>> -> memref<1x128xi32, #tpu.memory_space<vmem>>
      %dma_start3A_135 = tpu.memref_squeeze %dma_start3A_134 : memref<1x128xi32, #tpu.memory_space<vmem>> -> memref<128xi32, #tpu.memory_space<vmem>>
      %dma_start3A_136 = arith.constant 0 : i32
      %dma_start3A_137 = arith.constant 0 : i32
      %dma_start3A_138 = tpu.memref_slice %arg8[%dma_start3A_136, %dma_start3A_137] : memref<10240x16xf32, #tpu.memory_space<vmem_shared>> -> memref<10240x16xf32, #tpu.memory_space<vmem_shared>>
      tpu.enqueue_indirect_dma source(%arg6 : memref<128x16xf32, #tpu.memory_space<vmem>>) target(%dma_start3A_138 : memref<10240x16xf32, #tpu.memory_space<vmem_shared>>) offsets(%dma_start3A_135 : memref<128xi32, #tpu.memory_space<vmem>>) semaphore(%arg9 : memref<!tpu.dma_semaphore, #tpu.memory_space<semaphore_mem>>) {add = true}
      %add3A_139 = arith.constant 0 : i32
      %add3A_140 = arith.addi %mul3A_35, %add3A_139 : i32
      %dma_wait3A = arith.constant 0 : i32
      %dma_wait3A_141 = tpu.memref_slice %arg4[%add3A_140, %dma_wait3A] : memref<78x128xi32, #tpu.memory_space<vmem>> -> memref<1x128xi32, #tpu.memory_space<vmem>>
      %dma_wait3A_142 = tpu.memref_squeeze %dma_wait3A_141 : memref<1x128xi32, #tpu.memory_space<vmem>> -> memref<128xi32, #tpu.memory_space<vmem>>
      %dma_wait3A_143 = arith.constant 0 : i32
      %dma_wait3A_144 = arith.constant 0 : i32
      %dma_wait3A_145 = tpu.memref_slice %arg8[%dma_wait3A_143, %dma_wait3A_144] : memref<10240x16xf32, #tpu.memory_space<vmem_shared>> -> memref<10240x16xf32, #tpu.memory_space<vmem_shared>>
      tpu.wait_indirect_dma semaphore(%arg9 : memref<!tpu.dma_semaphore, #tpu.memory_space<semaphore_mem>>) src(%arg6 : memref<128x16xf32, #tpu.memory_space<vmem>>) dst(%dma_wait3A_145 : memref<10240x16xf32, #tpu.memory_space<vmem_shared>>)
      %add3A_146 = arith.constant 1 : i32
      %add3A_147 = arith.addi %mul3A_35, %add3A_146 : i32
      %dma_wait3A_148 = arith.constant 0 : i32
      %dma_wait3A_149 = tpu.memref_slice %arg4[%add3A_147, %dma_wait3A_148] : memref<78x128xi32, #tpu.memory_space<vmem>> -> memref<1x128xi32, #tpu.memory_space<vmem>>
      %dma_wait3A_150 = tpu.memref_squeeze %dma_wait3A_149 : memref<1x128xi32, #tpu.memory_space<vmem>> -> memref<128xi32, #tpu.memory_space<vmem>>
      %dma_wait3A_151 = arith.constant 0 : i32
      %dma_wait3A_152 = arith.constant 0 : i32
      %dma_wait3A_153 = tpu.memref_slice %arg8[%dma_wait3A_151, %dma_wait3A_152] : memref<10240x16xf32, #tpu.memory_space<vmem_shared>> -> memref<10240x16xf32, #tpu.memory_space<vmem_shared>>
      tpu.wait_indirect_dma semaphore(%arg9 : memref<!tpu.dma_semaphore, #tpu.memory_space<semaphore_mem>>) src(%arg6 : memref<128x16xf32, #tpu.memory_space<vmem>>) dst(%dma_wait3A_153 : memref<10240x16xf32, #tpu.memory_space<vmem_shared>>)
      %add3A_154 = arith.constant 2 : i32
      %add3A_155 = arith.addi %mul3A_35, %add3A_154 : i32
      %dma_wait3A_156 = arith.constant 0 : i32
      %dma_wait3A_157 = tpu.memref_slice %arg4[%add3A_155, %dma_wait3A_156] : memref<78x128xi32, #tpu.memory_space<vmem>> -> memref<1x128xi32, #tpu.memory_space<vmem>>
      %dma_wait3A_158 = tpu.memref_squeeze %dma_wait3A_157 : memref<1x128xi32, #tpu.memory_space<vmem>> -> memref<128xi32, #tpu.memory_space<vmem>>
      %dma_wait3A_159 = arith.constant 0 : i32
      %dma_wait3A_160 = arith.constant 0 : i32
      %dma_wait3A_161 = tpu.memref_slice %arg8[%dma_wait3A_159, %dma_wait3A_160] : memref<10240x16xf32, #tpu.memory_space<vmem_shared>> -> memref<10240x16xf32, #tpu.memory_space<vmem_shared>>
      tpu.wait_indirect_dma semaphore(%arg9 : memref<!tpu.dma_semaphore, #tpu.memory_space<semaphore_mem>>) src(%arg6 : memref<128x16xf32, #tpu.memory_space<vmem>>) dst(%dma_wait3A_161 : memref<10240x16xf32, #tpu.memory_space<vmem_shared>>)
      %add3A_162 = arith.constant 3 : i32
      %add3A_163 = arith.addi %mul3A_35, %add3A_162 : i32
      %dma_wait3A_164 = arith.constant 0 : i32
      %dma_wait3A_165 = tpu.memref_slice %arg4[%add3A_163, %dma_wait3A_164] : memref<78x128xi32, #tpu.memory_space<vmem>> -> memref<1x128xi32, #tpu.memory_space<vmem>>
      %dma_wait3A_166 = tpu.memref_squeeze %dma_wait3A_165 : memref<1x128xi32, #tpu.memory_space<vmem>> -> memref<128xi32, #tpu.memory_space<vmem>>
      %dma_wait3A_167 = arith.constant 0 : i32
      %dma_wait3A_168 = arith.constant 0 : i32
      %dma_wait3A_169 = tpu.memref_slice %arg8[%dma_wait3A_167, %dma_wait3A_168] : memref<10240x16xf32, #tpu.memory_space<vmem_shared>> -> memref<10240x16xf32, #tpu.memory_space<vmem_shared>>
      tpu.wait_indirect_dma semaphore(%arg9 : memref<!tpu.dma_semaphore, #tpu.memory_space<semaphore_mem>>) src(%arg6 : memref<128x16xf32, #tpu.memory_space<vmem>>) dst(%dma_wait3A_169 : memref<10240x16xf32, #tpu.memory_space<vmem_shared>>)
      %add3A_170 = arith.constant 4 : i32
      %add3A_171 = arith.addi %mul3A_35, %add3A_170 : i32
      %dma_wait3A_172 = arith.constant 0 : i32
      %dma_wait3A_173 = tpu.memref_slice %arg4[%add3A_171, %dma_wait3A_172] : memref<78x128xi32, #tpu.memory_space<vmem>> -> memref<1x128xi32, #tpu.memory_space<vmem>>
      %dma_wait3A_174 = tpu.memref_squeeze %dma_wait3A_173 : memref<1x128xi32, #tpu.memory_space<vmem>> -> memref<128xi32, #tpu.memory_space<vmem>>
      %dma_wait3A_175 = arith.constant 0 : i32
      %dma_wait3A_176 = arith.constant 0 : i32
      %dma_wait3A_177 = tpu.memref_slice %arg8[%dma_wait3A_175, %dma_wait3A_176] : memref<10240x16xf32, #tpu.memory_space<vmem_shared>> -> memref<10240x16xf32, #tpu.memory_space<vmem_shared>>
      tpu.wait_indirect_dma semaphore(%arg9 : memref<!tpu.dma_semaphore, #tpu.memory_space<semaphore_mem>>) src(%arg6 : memref<128x16xf32, #tpu.memory_space<vmem>>) dst(%dma_wait3A_177 : memref<10240x16xf32, #tpu.memory_space<vmem_shared>>)
      %add3A_178 = arith.constant 5 : i32
      %add3A_179 = arith.addi %mul3A_35, %add3A_178 : i32
      %dma_wait3A_180 = arith.constant 0 : i32
      %dma_wait3A_181 = tpu.memref_slice %arg4[%add3A_179, %dma_wait3A_180] : memref<78x128xi32, #tpu.memory_space<vmem>> -> memref<1x128xi32, #tpu.memory_space<vmem>>
      %dma_wait3A_182 = tpu.memref_squeeze %dma_wait3A_181 : memref<1x128xi32, #tpu.memory_space<vmem>> -> memref<128xi32, #tpu.memory_space<vmem>>
      %dma_wait3A_183 = arith.constant 0 : i32
      %dma_wait3A_184 = arith.constant 0 : i32
      %dma_wait3A_185 = tpu.memref_slice %arg8[%dma_wait3A_183, %dma_wait3A_184] : memref<10240x16xf32, #tpu.memory_space<vmem_shared>> -> memref<10240x16xf32, #tpu.memory_space<vmem_shared>>
      tpu.wait_indirect_dma semaphore(%arg9 : memref<!tpu.dma_semaphore, #tpu.memory_space<semaphore_mem>>) src(%arg6 : memref<128x16xf32, #tpu.memory_space<vmem>>) dst(%dma_wait3A_185 : memref<10240x16xf32, #tpu.memory_space<vmem_shared>>)
      %add3A_186 = arith.constant 6 : i32
      %add3A_187 = arith.addi %mul3A_35, %add3A_186 : i32
      %dma_wait3A_188 = arith.constant 0 : i32
      %dma_wait3A_189 = tpu.memref_slice %arg4[%add3A_187, %dma_wait3A_188] : memref<78x128xi32, #tpu.memory_space<vmem>> -> memref<1x128xi32, #tpu.memory_space<vmem>>
      %dma_wait3A_190 = tpu.memref_squeeze %dma_wait3A_189 : memref<1x128xi32, #tpu.memory_space<vmem>> -> memref<128xi32, #tpu.memory_space<vmem>>
      %dma_wait3A_191 = arith.constant 0 : i32
      %dma_wait3A_192 = arith.constant 0 : i32
      %dma_wait3A_193 = tpu.memref_slice %arg8[%dma_wait3A_191, %dma_wait3A_192] : memref<10240x16xf32, #tpu.memory_space<vmem_shared>> -> memref<10240x16xf32, #tpu.memory_space<vmem_shared>>
      tpu.wait_indirect_dma semaphore(%arg9 : memref<!tpu.dma_semaphore, #tpu.memory_space<semaphore_mem>>) src(%arg6 : memref<128x16xf32, #tpu.memory_space<vmem>>) dst(%dma_wait3A_193 : memref<10240x16xf32, #tpu.memory_space<vmem_shared>>)
      %add3A_194 = arith.constant 7 : i32
      %add3A_195 = arith.addi %mul3A_35, %add3A_194 : i32
      %dma_wait3A_196 = arith.constant 0 : i32
      %dma_wait3A_197 = tpu.memref_slice %arg4[%add3A_195, %dma_wait3A_196] : memref<78x128xi32, #tpu.memory_space<vmem>> -> memref<1x128xi32, #tpu.memory_space<vmem>>
      %dma_wait3A_198 = tpu.memref_squeeze %dma_wait3A_197 : memref<1x128xi32, #tpu.memory_space<vmem>> -> memref<128xi32, #tpu.memory_space<vmem>>
      %dma_wait3A_199 = arith.constant 0 : i32
      %dma_wait3A_200 = arith.constant 0 : i32
      %dma_wait3A_201 = tpu.memref_slice %arg8[%dma_wait3A_199, %dma_wait3A_200] : memref<10240x16xf32, #tpu.memory_space<vmem_shared>> -> memref<10240x16xf32, #tpu.memory_space<vmem_shared>>
      tpu.wait_indirect_dma semaphore(%arg9 : memref<!tpu.dma_semaphore, #tpu.memory_space<semaphore_mem>>) src(%arg6 : memref<128x16xf32, #tpu.memory_space<vmem>>) dst(%dma_wait3A_201 : memref<10240x16xf32, #tpu.memory_space<vmem_shared>>)
      %add3A_202 = arith.constant 8 : i32
      %add3A_203 = arith.addi %mul3A_35, %add3A_202 : i32
      %dma_wait3A_204 = arith.constant 0 : i32
      %dma_wait3A_205 = tpu.memref_slice %arg4[%add3A_203, %dma_wait3A_204] : memref<78x128xi32, #tpu.memory_space<vmem>> -> memref<1x128xi32, #tpu.memory_space<vmem>>
      %dma_wait3A_206 = tpu.memref_squeeze %dma_wait3A_205 : memref<1x128xi32, #tpu.memory_space<vmem>> -> memref<128xi32, #tpu.memory_space<vmem>>
      %dma_wait3A_207 = arith.constant 0 : i32
      %dma_wait3A_208 = arith.constant 0 : i32
      %dma_wait3A_209 = tpu.memref_slice %arg8[%dma_wait3A_207, %dma_wait3A_208] : memref<10240x16xf32, #tpu.memory_space<vmem_shared>> -> memref<10240x16xf32, #tpu.memory_space<vmem_shared>>
      tpu.wait_indirect_dma semaphore(%arg9 : memref<!tpu.dma_semaphore, #tpu.memory_space<semaphore_mem>>) src(%arg6 : memref<128x16xf32, #tpu.memory_space<vmem>>) dst(%dma_wait3A_209 : memref<10240x16xf32, #tpu.memory_space<vmem_shared>>)
      %add3A_210 = arith.constant 9 : i32
      %add3A_211 = arith.addi %mul3A_35, %add3A_210 : i32
      %dma_wait3A_212 = arith.constant 0 : i32
      %dma_wait3A_213 = tpu.memref_slice %arg4[%add3A_211, %dma_wait3A_212] : memref<78x128xi32, #tpu.memory_space<vmem>> -> memref<1x128xi32, #tpu.memory_space<vmem>>
      %dma_wait3A_214 = tpu.memref_squeeze %dma_wait3A_213 : memref<1x128xi32, #tpu.memory_space<vmem>> -> memref<128xi32, #tpu.memory_space<vmem>>
      %dma_wait3A_215 = arith.constant 0 : i32
      %dma_wait3A_216 = arith.constant 0 : i32
      %dma_wait3A_217 = tpu.memref_slice %arg8[%dma_wait3A_215, %dma_wait3A_216] : memref<10240x16xf32, #tpu.memory_space<vmem_shared>> -> memref<10240x16xf32, #tpu.memory_space<vmem_shared>>
      tpu.wait_indirect_dma semaphore(%arg9 : memref<!tpu.dma_semaphore, #tpu.memory_space<semaphore_mem>>) src(%arg6 : memref<128x16xf32, #tpu.memory_space<vmem>>) dst(%dma_wait3A_217 : memref<10240x16xf32, #tpu.memory_space<vmem_shared>>)
      %add3A_218 = arith.constant 10 : i32
      %add3A_219 = arith.addi %mul3A_35, %add3A_218 : i32
      %dma_wait3A_220 = arith.constant 0 : i32
      %dma_wait3A_221 = tpu.memref_slice %arg4[%add3A_219, %dma_wait3A_220] : memref<78x128xi32, #tpu.memory_space<vmem>> -> memref<1x128xi32, #tpu.memory_space<vmem>>
      %dma_wait3A_222 = tpu.memref_squeeze %dma_wait3A_221 : memref<1x128xi32, #tpu.memory_space<vmem>> -> memref<128xi32, #tpu.memory_space<vmem>>
      %dma_wait3A_223 = arith.constant 0 : i32
      %dma_wait3A_224 = arith.constant 0 : i32
      %dma_wait3A_225 = tpu.memref_slice %arg8[%dma_wait3A_223, %dma_wait3A_224] : memref<10240x16xf32, #tpu.memory_space<vmem_shared>> -> memref<10240x16xf32, #tpu.memory_space<vmem_shared>>
      tpu.wait_indirect_dma semaphore(%arg9 : memref<!tpu.dma_semaphore, #tpu.memory_space<semaphore_mem>>) src(%arg6 : memref<128x16xf32, #tpu.memory_space<vmem>>) dst(%dma_wait3A_225 : memref<10240x16xf32, #tpu.memory_space<vmem_shared>>)
      %add3A_226 = arith.constant 11 : i32
      %add3A_227 = arith.addi %mul3A_35, %add3A_226 : i32
      %dma_wait3A_228 = arith.constant 0 : i32
      %dma_wait3A_229 = tpu.memref_slice %arg4[%add3A_227, %dma_wait3A_228] : memref<78x128xi32, #tpu.memory_space<vmem>> -> memref<1x128xi32, #tpu.memory_space<vmem>>
      %dma_wait3A_230 = tpu.memref_squeeze %dma_wait3A_229 : memref<1x128xi32, #tpu.memory_space<vmem>> -> memref<128xi32, #tpu.memory_space<vmem>>
      %dma_wait3A_231 = arith.constant 0 : i32
      %dma_wait3A_232 = arith.constant 0 : i32
      %dma_wait3A_233 = tpu.memref_slice %arg8[%dma_wait3A_231, %dma_wait3A_232] : memref<10240x16xf32, #tpu.memory_space<vmem_shared>> -> memref<10240x16xf32, #tpu.memory_space<vmem_shared>>
      tpu.wait_indirect_dma semaphore(%arg9 : memref<!tpu.dma_semaphore, #tpu.memory_space<semaphore_mem>>) src(%arg6 : memref<128x16xf32, #tpu.memory_space<vmem>>) dst(%dma_wait3A_233 : memref<10240x16xf32, #tpu.memory_space<vmem_shared>>)
      %add3A_234 = arith.constant 12 : i32
      %add3A_235 = arith.addi %mul3A_35, %add3A_234 : i32
      %dma_wait3A_236 = arith.constant 0 : i32
      %dma_wait3A_237 = tpu.memref_slice %arg4[%add3A_235, %dma_wait3A_236] : memref<78x128xi32, #tpu.memory_space<vmem>> -> memref<1x128xi32, #tpu.memory_space<vmem>>
      %dma_wait3A_238 = tpu.memref_squeeze %dma_wait3A_237 : memref<1x128xi32, #tpu.memory_space<vmem>> -> memref<128xi32, #tpu.memory_space<vmem>>
      %dma_wait3A_239 = arith.constant 0 : i32
      %dma_wait3A_240 = arith.constant 0 : i32
      %dma_wait3A_241 = tpu.memref_slice %arg8[%dma_wait3A_239, %dma_wait3A_240] : memref<10240x16xf32, #tpu.memory_space<vmem_shared>> -> memref<10240x16xf32, #tpu.memory_space<vmem_shared>>
      tpu.wait_indirect_dma semaphore(%arg9 : memref<!tpu.dma_semaphore, #tpu.memory_space<semaphore_mem>>) src(%arg6 : memref<128x16xf32, #tpu.memory_space<vmem>>) dst(%dma_wait3A_241 : memref<10240x16xf32, #tpu.memory_space<vmem_shared>>)
    }
    %scan3A_21 = arith.constant 6 : i32
    %lt3A = arith.constant 4 : i32
    %lt3A_22 = arith.cmpi slt, %add3A, %lt3A : i32
    %convert_element_type3A = arith.extui %lt3A_22 : i1 to i32
    %cond3A = arith.constant 0 : i32
    %cond3A_23 = arith.cmpi ne, %convert_element_type3A, %cond3A : i32
    scf.if %cond3A_23 {
      %add3A_29 = arith.constant 2496 : i32
      %add3A_30 = arith.addi %add3A_29, %add3A : i32
      %run_scoped3A_31 = arith.constant 1 : i32
      "tpu.region"() ({
        %run_scoped3A_33 = tpu.sem_alloc : memref<!tpu.dma_semaphore, #tpu.memory_space<semaphore_mem>>
        %dma_start3A = arith.constant 0 : i32
        %dma_start3A_34 = tpu.memref_slice %arg2[%run_scoped3A_31, %add3A_30, %dma_start3A] : memref<2x2500x128xi32, #tpu.memory_space<hbm>> -> memref<1x1x128xi32, #tpu.memory_space<hbm>>
        %dma_start3A_35 = tpu.memref_squeeze %dma_start3A_34 : memref<1x1x128xi32, #tpu.memory_space<hbm>> -> memref<1x128xi32, #tpu.memory_space<hbm>>
        %dma_start3A_36 = arith.constant 0 : i32
        %dma_start3A_37 = tpu.memref_slice %arg2[%run_scoped3A_31, %add3A_30, %dma_start3A_36] : memref<2x2500x128xi32, #tpu.memory_space<hbm>> -> memref<1x1x128xi32, #tpu.memory_space<hbm>>
        %dma_start3A_38 = tpu.memref_squeeze %dma_start3A_37 : memref<1x1x128xi32, #tpu.memory_space<hbm>> -> memref<1x128xi32, #tpu.memory_space<hbm>>
        tpu.enqueue_dma source(%dma_start3A_38 : memref<1x128xi32, #tpu.memory_space<hbm>>) target(%arg5 : memref<1x128xi32, #tpu.memory_space<vmem>>) target_semaphore(%run_scoped3A_33 : memref<!tpu.dma_semaphore, #tpu.memory_space<semaphore_mem>>)
        %dma_wait3A = arith.constant 0 : i32
        %dma_wait3A_39 = tpu.memref_slice %arg2[%run_scoped3A_31, %add3A_30, %dma_wait3A] : memref<2x2500x128xi32, #tpu.memory_space<hbm>> -> memref<1x1x128xi32, #tpu.memory_space<hbm>>
        %dma_wait3A_40 = tpu.memref_squeeze %dma_wait3A_39 : memref<1x1x128xi32, #tpu.memory_space<hbm>> -> memref<1x128xi32, #tpu.memory_space<hbm>>
        %dma_wait3A_41 = arith.constant 0 : i32
        %dma_wait3A_42 = tpu.memref_slice %arg2[%run_scoped3A_31, %add3A_30, %dma_wait3A_41] : memref<2x2500x128xi32, #tpu.memory_space<hbm>> -> memref<1x1x128xi32, #tpu.memory_space<hbm>>
        %dma_wait3A_43 = tpu.memref_squeeze %dma_wait3A_42 : memref<1x1x128xi32, #tpu.memory_space<hbm>> -> memref<1x128xi32, #tpu.memory_space<hbm>>
        tpu.wait_dma2 semaphore(%run_scoped3A_33 : memref<!tpu.dma_semaphore, #tpu.memory_space<semaphore_mem>>) src(%dma_wait3A_43 : memref<1x128xi32, #tpu.memory_space<hbm>>) dst(%arg5 : memref<1x128xi32, #tpu.memory_space<vmem>>)
        tpu.yield
      }) : () -> ()
      %run_scoped3A_32 = arith.constant 0 : i32
      "tpu.region"() ({
        %run_scoped3A_33 = tpu.sem_alloc : memref<!tpu.dma_semaphore, #tpu.memory_space<semaphore_mem>>
        %dma_start3A = arith.constant 0 : i32
        %dma_start3A_34 = tpu.memref_slice %arg5[%run_scoped3A_32, %dma_start3A] : memref<1x128xi32, #tpu.memory_space<vmem>> -> memref<1x128xi32, #tpu.memory_space<vmem>>
        %dma_start3A_35 = tpu.memref_squeeze %dma_start3A_34 : memref<1x128xi32, #tpu.memory_space<vmem>> -> memref<128xi32, #tpu.memory_space<vmem>>
        %dma_start3A_36 = arith.constant 0 : i32
        %dma_start3A_37 = arith.constant 0 : i32
        %dma_start3A_38 = tpu.memref_slice %arg8[%dma_start3A_36, %dma_start3A_37] : memref<10240x16xf32, #tpu.memory_space<vmem_shared>> -> memref<10240x16xf32, #tpu.memory_space<vmem_shared>>
        tpu.enqueue_indirect_dma source(%arg6 : memref<128x16xf32, #tpu.memory_space<vmem>>) target(%dma_start3A_38 : memref<10240x16xf32, #tpu.memory_space<vmem_shared>>) offsets(%dma_start3A_35 : memref<128xi32, #tpu.memory_space<vmem>>) semaphore(%run_scoped3A_33 : memref<!tpu.dma_semaphore, #tpu.memory_space<semaphore_mem>>) {add = true}
        %dma_wait3A = arith.constant 0 : i32
        %dma_wait3A_39 = tpu.memref_slice %arg5[%run_scoped3A_32, %dma_wait3A] : memref<1x128xi32, #tpu.memory_space<vmem>> -> memref<1x128xi32, #tpu.memory_space<vmem>>
        %dma_wait3A_40 = tpu.memref_squeeze %dma_wait3A_39 : memref<1x128xi32, #tpu.memory_space<vmem>> -> memref<128xi32, #tpu.memory_space<vmem>>
        %dma_wait3A_41 = arith.constant 0 : i32
        %dma_wait3A_42 = arith.constant 0 : i32
        %dma_wait3A_43 = tpu.memref_slice %arg8[%dma_wait3A_41, %dma_wait3A_42] : memref<10240x16xf32, #tpu.memory_space<vmem_shared>> -> memref<10240x16xf32, #tpu.memory_space<vmem_shared>>
        tpu.wait_indirect_dma semaphore(%run_scoped3A_33 : memref<!tpu.dma_semaphore, #tpu.memory_space<semaphore_mem>>) src(%arg6 : memref<128x16xf32, #tpu.memory_space<vmem>>) dst(%dma_wait3A_43 : memref<10240x16xf32, #tpu.memory_space<vmem_shared>>)
        tpu.yield
      }) : () -> ()
    } else {
    }
    %barrier3A_24 = arith.constant 0 : index
    tpu.barrier barrier_id(%barrier3A_24)
    %mul3A_25 = arith.constant 640 : i32
    %mul3A_26 = arith.muli %arg1, %mul3A_25 : i32
    %mul3A_27 = arith.constant 640 : i32
    %mul3A_28 = arith.muli %arg1, %mul3A_27 : i32
    "tpu.region"() ({
      %run_scoped3A_29 = tpu.sem_alloc : memref<!tpu.dma_semaphore, #tpu.memory_space<semaphore_mem>>
      %dma_start3A = arith.constant 0 : i32
      %dma_start3A_30 = tpu.memref_slice %arg3[%arg0, %mul3A_28, %dma_start3A] : memref<2x10240x16xf32, #tpu.memory_space<hbm>> -> memref<1x640x16xf32, #tpu.memory_space<hbm>>
      %dma_start3A_31 = tpu.memref_squeeze %dma_start3A_30 : memref<1x640x16xf32, #tpu.memory_space<hbm>> -> memref<640x16xf32, #tpu.memory_space<hbm>>
      %dma_start3A_32 = arith.constant 0 : i32
      %dma_start3A_33 = tpu.memref_slice %arg8[%mul3A_26, %dma_start3A_32] : memref<10240x16xf32, #tpu.memory_space<vmem_shared>> -> memref<640x16xf32, #tpu.memory_space<vmem_shared>>
      tpu.enqueue_dma source(%dma_start3A_33 : memref<640x16xf32, #tpu.memory_space<vmem_shared>>) target(%dma_start3A_31 : memref<640x16xf32, #tpu.memory_space<hbm>>) target_semaphore(%run_scoped3A_29 : memref<!tpu.dma_semaphore, #tpu.memory_space<semaphore_mem>>)
      %dma_wait3A = arith.constant 0 : i32
      %dma_wait3A_34 = tpu.memref_slice %arg3[%arg0, %mul3A_28, %dma_wait3A] : memref<2x10240x16xf32, #tpu.memory_space<hbm>> -> memref<1x640x16xf32, #tpu.memory_space<hbm>>
      %dma_wait3A_35 = tpu.memref_squeeze %dma_wait3A_34 : memref<1x640x16xf32, #tpu.memory_space<hbm>> -> memref<640x16xf32, #tpu.memory_space<hbm>>
      %dma_wait3A_36 = arith.constant 0 : i32
      %dma_wait3A_37 = tpu.memref_slice %arg8[%mul3A_26, %dma_wait3A_36] : memref<10240x16xf32, #tpu.memory_space<vmem_shared>> -> memref<640x16xf32, #tpu.memory_space<vmem_shared>>
      tpu.wait_dma2 semaphore(%run_scoped3A_29 : memref<!tpu.dma_semaphore, #tpu.memory_space<semaphore_mem>>) src(%dma_wait3A_37 : memref<640x16xf32, #tpu.memory_space<vmem_shared>>) dst(%dma_wait3A_35 : memref<640x16xf32, #tpu.memory_space<hbm>>)
      tpu.yield
    }) : () -> ()
    return
  }
}

#map = affine_map<(d0, d1) -> (0, 0, 0)>
#map1 = affine_map<(d0, d1) -> (0, 0)>
module attributes {stable_mosaic.version = 14 : i64} {
  func.func @seg_kernel(%arg0: i32, %arg1: i32, %arg2: memref<2x2500x128xi32, #tpu.memory_space<hbm>>, %arg3: memref<10240x16xf32, #tpu.memory_space<hbm>>, %arg4: memref<2x10240x16xf32, #tpu.memory_space<hbm>>, %arg5: memref<78x128xi32, #tpu.memory_space<vmem>>, %arg6: memref<78x128xi32, #tpu.memory_space<vmem>>, %arg7: memref<1x128xi32, #tpu.memory_space<vmem>>, %arg8: memref<1x128xi32, #tpu.memory_space<vmem>>, %arg9: memref<13x128x16xf32, #tpu.memory_space<vmem>>, %arg10: memref<128x16xf32, #tpu.memory_space<vmem>>, %arg11: memref<10240x16xf32, #tpu.memory_space<vmem_shared>>, %arg12: memref<13x!tpu.dma_semaphore, #tpu.memory_space<semaphore_mem>>, %arg13: memref<13x!tpu.dma_semaphore, #tpu.memory_space<semaphore_mem>>) attributes {dimension_semantics = [#tpu.dimension_semantics<core_parallel>, #tpu.dimension_semantics<subcore_parallel>], iteration_bounds = array<i64: 2, 16>, scalar_prefetch = 0 : i64, scratch_operands = 9 : i64, tpu.core_type = #tpu.core_type<sc_vector_subcore>, window_params = [{transform_indices = #map}, {transform_indices = #map1}, {transform_indices = #map}]} {
    %mul3A = arith.constant 16 : i32
    %mul3A_0 = arith.muli %arg0, %mul3A : i32
    %add3A = arith.addi %mul3A_0, %arg1 : i32
    %scan3A = arith.constant 0 : i32
    %scan3A_1 = arith.constant 128 : i32
    %scan3A_2 = arith.addi %scan3A, %scan3A_1 : i32
    %scan3A_3 = arith.constant 1 : i32
    scf.for %scan3A_415 = %scan3A to %scan3A_2 step %scan3A_3  : i32 {
      %mul3A_416 = arith.constant 1 : i32
      %mul3A_417 = arith.muli %scan3A_415, %mul3A_416 : i32
      %add3A_418 = arith.constant 0 : i32
      %add3A_419 = arith.addi %add3A_418, %mul3A_417 : i32
      %broadcast_in_dim3A = arith.constant 0.000000e+00 : f32
      %broadcast_in_dim3A_420 = vector.broadcast %broadcast_in_dim3A : f32 to vector<16xf32>
      %swap3A = arith.index_cast %add3A_419 : i32 to index
      %swap3A_421 = arith.constant 0 : index
      %swap3A_422 = tpu.vector_load %arg10[%swap3A, %swap3A_421] {strides = array<i32>} : memref<128x16xf32, #tpu.memory_space<vmem>>, vector<1x16xf32>,
      %swap3A_423 = vector.shape_cast %swap3A_422 : vector<1x16xf32> to vector<16xf32>
      %swap3A_424 = vector.shape_cast %broadcast_in_dim3A_420 : vector<16xf32> to vector<1x16xf32>
      tpu.vector_store %arg10[%swap3A, %swap3A_421], %swap3A_424 {strides = array<i32>} : memref<128x16xf32, #tpu.memory_space<vmem>>, vector<1x16xf32>,
    }
    %scan3A_4 = arith.constant 128 : i32
    %mul3A_5 = arith.constant 78 : i32
    %mul3A_6 = arith.muli %add3A, %mul3A_5 : i32
    %run_scoped3A = arith.constant 0 : i32
    "tpu.region"() ({
      %run_scoped3A_415 = tpu.sem_alloc : memref<!tpu.dma_semaphore, #tpu.memory_space<semaphore_mem>>
      %dma_start3A_416 = arith.constant 0 : i32
      %dma_start3A_417 = tpu.memref_slice %arg2[%run_scoped3A, %mul3A_6, %dma_start3A_416] : memref<2x2500x128xi32, #tpu.memory_space<hbm>> -> memref<1x78x128xi32, #tpu.memory_space<hbm>>
      %dma_start3A_418 = tpu.memref_squeeze %dma_start3A_417 : memref<1x78x128xi32, #tpu.memory_space<hbm>> -> memref<78x128xi32, #tpu.memory_space<hbm>>
      %dma_start3A_419 = arith.constant 0 : i32
      %dma_start3A_420 = tpu.memref_slice %arg2[%run_scoped3A, %mul3A_6, %dma_start3A_419] : memref<2x2500x128xi32, #tpu.memory_space<hbm>> -> memref<1x78x128xi32, #tpu.memory_space<hbm>>
      %dma_start3A_421 = tpu.memref_squeeze %dma_start3A_420 : memref<1x78x128xi32, #tpu.memory_space<hbm>> -> memref<78x128xi32, #tpu.memory_space<hbm>>
      tpu.enqueue_dma source(%dma_start3A_421 : memref<78x128xi32, #tpu.memory_space<hbm>>) target(%arg5 : memref<78x128xi32, #tpu.memory_space<vmem>>) target_semaphore(%run_scoped3A_415 : memref<!tpu.dma_semaphore, #tpu.memory_space<semaphore_mem>>)
      %dma_wait3A_422 = arith.constant 0 : i32
      %dma_wait3A_423 = tpu.memref_slice %arg2[%run_scoped3A, %mul3A_6, %dma_wait3A_422] : memref<2x2500x128xi32, #tpu.memory_space<hbm>> -> memref<1x78x128xi32, #tpu.memory_space<hbm>>
      %dma_wait3A_424 = tpu.memref_squeeze %dma_wait3A_423 : memref<1x78x128xi32, #tpu.memory_space<hbm>> -> memref<78x128xi32, #tpu.memory_space<hbm>>
      %dma_wait3A_425 = arith.constant 0 : i32
      %dma_wait3A_426 = tpu.memref_slice %arg2[%run_scoped3A, %mul3A_6, %dma_wait3A_425] : memref<2x2500x128xi32, #tpu.memory_space<hbm>> -> memref<1x78x128xi32, #tpu.memory_space<hbm>>
      %dma_wait3A_427 = tpu.memref_squeeze %dma_wait3A_426 : memref<1x78x128xi32, #tpu.memory_space<hbm>> -> memref<78x128xi32, #tpu.memory_space<hbm>>
      tpu.wait_dma2 semaphore(%run_scoped3A_415 : memref<!tpu.dma_semaphore, #tpu.memory_space<semaphore_mem>>) src(%dma_wait3A_427 : memref<78x128xi32, #tpu.memory_space<hbm>>) dst(%arg5 : memref<78x128xi32, #tpu.memory_space<vmem>>)
      tpu.yield
    }) : () -> ()
    %mul3A_7 = arith.constant 78 : i32
    %mul3A_8 = arith.muli %add3A, %mul3A_7 : i32
    %run_scoped3A_9 = arith.constant 1 : i32
    "tpu.region"() ({
      %run_scoped3A_415 = tpu.sem_alloc : memref<!tpu.dma_semaphore, #tpu.memory_space<semaphore_mem>>
      %dma_start3A_416 = arith.constant 0 : i32
      %dma_start3A_417 = tpu.memref_slice %arg2[%run_scoped3A_9, %mul3A_8, %dma_start3A_416] : memref<2x2500x128xi32, #tpu.memory_space<hbm>> -> memref<1x78x128xi32, #tpu.memory_space<hbm>>
      %dma_start3A_418 = tpu.memref_squeeze %dma_start3A_417 : memref<1x78x128xi32, #tpu.memory_space<hbm>> -> memref<78x128xi32, #tpu.memory_space<hbm>>
      %dma_start3A_419 = arith.constant 0 : i32
      %dma_start3A_420 = tpu.memref_slice %arg2[%run_scoped3A_9, %mul3A_8, %dma_start3A_419] : memref<2x2500x128xi32, #tpu.memory_space<hbm>> -> memref<1x78x128xi32, #tpu.memory_space<hbm>>
      %dma_start3A_421 = tpu.memref_squeeze %dma_start3A_420 : memref<1x78x128xi32, #tpu.memory_space<hbm>> -> memref<78x128xi32, #tpu.memory_space<hbm>>
      tpu.enqueue_dma source(%dma_start3A_421 : memref<78x128xi32, #tpu.memory_space<hbm>>) target(%arg6 : memref<78x128xi32, #tpu.memory_space<vmem>>) target_semaphore(%run_scoped3A_415 : memref<!tpu.dma_semaphore, #tpu.memory_space<semaphore_mem>>)
      %dma_wait3A_422 = arith.constant 0 : i32
      %dma_wait3A_423 = tpu.memref_slice %arg2[%run_scoped3A_9, %mul3A_8, %dma_wait3A_422] : memref<2x2500x128xi32, #tpu.memory_space<hbm>> -> memref<1x78x128xi32, #tpu.memory_space<hbm>>
      %dma_wait3A_424 = tpu.memref_squeeze %dma_wait3A_423 : memref<1x78x128xi32, #tpu.memory_space<hbm>> -> memref<78x128xi32, #tpu.memory_space<hbm>>
      %dma_wait3A_425 = arith.constant 0 : i32
      %dma_wait3A_426 = tpu.memref_slice %arg2[%run_scoped3A_9, %mul3A_8, %dma_wait3A_425] : memref<2x2500x128xi32, #tpu.memory_space<hbm>> -> memref<1x78x128xi32, #tpu.memory_space<hbm>>
      %dma_wait3A_427 = tpu.memref_squeeze %dma_wait3A_426 : memref<1x78x128xi32, #tpu.memory_space<hbm>> -> memref<78x128xi32, #tpu.memory_space<hbm>>
      tpu.wait_dma2 semaphore(%run_scoped3A_415 : memref<!tpu.dma_semaphore, #tpu.memory_space<semaphore_mem>>) src(%dma_wait3A_427 : memref<78x128xi32, #tpu.memory_space<hbm>>) dst(%arg6 : memref<78x128xi32, #tpu.memory_space<vmem>>)
      tpu.yield
    }) : () -> ()
    %scan3A_10 = arith.constant 0 : i32
    %scan3A_11 = arith.constant 5 : i32
    %scan3A_12 = arith.addi %scan3A_10, %scan3A_11 : i32
    %scan3A_13 = arith.constant 1 : i32
    scf.for %scan3A_415 = %scan3A_10 to %scan3A_12 step %scan3A_13  : i32 {
      %mul3A_416 = arith.constant 1 : i32
      %mul3A_417 = arith.muli %scan3A_415, %mul3A_416 : i32
      %add3A_418 = arith.constant 0 : i32
      %add3A_419 = arith.addi %add3A_418, %mul3A_417 : i32
      %mul3A_420 = arith.constant 640 : i32
      %mul3A_421 = arith.muli %arg1, %mul3A_420 : i32
      %mul3A_422 = arith.constant 128 : i32
      %mul3A_423 = arith.muli %add3A_419, %mul3A_422 : i32
      %add3A_424 = arith.addi %mul3A_421, %mul3A_423 : i32
      "tpu.region"() ({
        %run_scoped3A_425 = tpu.sem_alloc : memref<!tpu.dma_semaphore, #tpu.memory_space<semaphore_mem>>
        %dma_start3A_426 = arith.constant 0 : i32
        %dma_start3A_427 = tpu.memref_slice %arg11[%add3A_424, %dma_start3A_426] : memref<10240x16xf32, #tpu.memory_space<vmem_shared>> -> memref<128x16xf32, #tpu.memory_space<vmem_shared>>
        %dma_start3A_428 = arith.constant 0 : i32
        %dma_start3A_429 = tpu.memref_slice %arg11[%add3A_424, %dma_start3A_428] : memref<10240x16xf32, #tpu.memory_space<vmem_shared>> -> memref<128x16xf32, #tpu.memory_space<vmem_shared>>
        tpu.enqueue_dma source(%arg10 : memref<128x16xf32, #tpu.memory_space<vmem>>) target(%dma_start3A_429 : memref<128x16xf32, #tpu.memory_space<vmem_shared>>) target_semaphore(%run_scoped3A_425 : memref<!tpu.dma_semaphore, #tpu.memory_space<semaphore_mem>>)
        %dma_wait3A_430 = arith.constant 0 : i32
        %dma_wait3A_431 = tpu.memref_slice %arg11[%add3A_424, %dma_wait3A_430] : memref<10240x16xf32, #tpu.memory_space<vmem_shared>> -> memref<128x16xf32, #tpu.memory_space<vmem_shared>>
        %dma_wait3A_432 = arith.constant 0 : i32
        %dma_wait3A_433 = tpu.memref_slice %arg11[%add3A_424, %dma_wait3A_432] : memref<10240x16xf32, #tpu.memory_space<vmem_shared>> -> memref<128x16xf32, #tpu.memory_space<vmem_shared>>
        tpu.wait_dma2 semaphore(%run_scoped3A_425 : memref<!tpu.dma_semaphore, #tpu.memory_space<semaphore_mem>>) src(%arg10 : memref<128x16xf32, #tpu.memory_space<vmem>>) dst(%dma_wait3A_433 : memref<128x16xf32, #tpu.memory_space<vmem_shared>>)
        tpu.yield
      }) : () -> ()
    }
    %scan3A_14 = arith.constant 5 : i32
    %barrier3A = arith.constant 0 : index
    tpu.barrier barrier_id(%barrier3A)
    %dma_start3A = arith.constant 0 : i32
    %dma_start3A_15 = arith.constant 0 : i32
    %dma_start3A_16 = arith.constant 0 : i32
    %dma_start3A_17 = arith.constant 0 : i32
    %dma_start3A_18 = arith.constant 0 : i32
    %dma_start3A_19 = tpu.memref_slice %arg9[%dma_start3A_15, %dma_start3A_17, %dma_start3A_18] : memref<13x128x16xf32, #tpu.memory_space<vmem>> -> memref<1x128x16xf32, #tpu.memory_space<vmem>>
    %dma_start3A_20 = tpu.memref_squeeze %dma_start3A_19 : memref<1x128x16xf32, #tpu.memory_space<vmem>> -> memref<128x16xf32, #tpu.memory_space<vmem>>
    %dma_start3A_21 = arith.constant 0 : i32
    %dma_start3A_22 = tpu.memref_slice %arg5[%dma_start3A, %dma_start3A_21] : memref<78x128xi32, #tpu.memory_space<vmem>> -> memref<1x128xi32, #tpu.memory_space<vmem>>
    %dma_start3A_23 = tpu.memref_squeeze %dma_start3A_22 : memref<1x128xi32, #tpu.memory_space<vmem>> -> memref<128xi32, #tpu.memory_space<vmem>>
    %dma_start3A_24 = arith.constant 0 : i32
    %dma_start3A_25 = arith.constant 0 : i32
    %dma_start3A_26 = tpu.memref_slice %arg3[%dma_start3A_24, %dma_start3A_25] : memref<10240x16xf32, #tpu.memory_space<hbm>> -> memref<10240x16xf32, #tpu.memory_space<hbm>>
    %dma_start3A_27 = tpu.memref_slice %arg12[%dma_start3A_16] : memref<13x!tpu.dma_semaphore, #tpu.memory_space<semaphore_mem>> -> memref<1x!tpu.dma_semaphore, #tpu.memory_space<semaphore_mem>>
    %dma_start3A_28 = tpu.memref_squeeze %dma_start3A_27 : memref<1x!tpu.dma_semaphore, #tpu.memory_space<semaphore_mem>> -> memref<!tpu.dma_semaphore, #tpu.memory_space<semaphore_mem>>
    tpu.enqueue_indirect_dma source(%dma_start3A_26 : memref<10240x16xf32, #tpu.memory_space<hbm>>) target(%dma_start3A_20 : memref<128x16xf32, #tpu.memory_space<vmem>>) offsets(%dma_start3A_23 : memref<128xi32, #tpu.memory_space<vmem>>) semaphore(%dma_start3A_28 : memref<!tpu.dma_semaphore, #tpu.memory_space<semaphore_mem>>)
    %dma_start3A_29 = arith.constant 1 : i32
    %dma_start3A_30 = arith.constant 1 : i32
    %dma_start3A_31 = arith.constant 1 : i32
    %dma_start3A_32 = arith.constant 0 : i32
    %dma_start3A_33 = arith.constant 0 : i32
    %dma_start3A_34 = tpu.memref_slice %arg9[%dma_start3A_30, %dma_start3A_32, %dma_start3A_33] : memref<13x128x16xf32, #tpu.memory_space<vmem>> -> memref<1x128x16xf32, #tpu.memory_space<vmem>>
    %dma_start3A_35 = tpu.memref_squeeze %dma_start3A_34 : memref<1x128x16xf32, #tpu.memory_space<vmem>> -> memref<128x16xf32, #tpu.memory_space<vmem>>
    %dma_start3A_36 = arith.constant 0 : i32
    %dma_start3A_37 = tpu.memref_slice %arg5[%dma_start3A_29, %dma_start3A_36] : memref<78x128xi32, #tpu.memory_space<vmem>> -> memref<1x128xi32, #tpu.memory_space<vmem>>
    %dma_start3A_38 = tpu.memref_squeeze %dma_start3A_37 : memref<1x128xi32, #tpu.memory_space<vmem>> -> memref<128xi32, #tpu.memory_space<vmem>>
    %dma_start3A_39 = arith.constant 0 : i32
    %dma_start3A_40 = arith.constant 0 : i32
    %dma_start3A_41 = tpu.memref_slice %arg3[%dma_start3A_39, %dma_start3A_40] : memref<10240x16xf32, #tpu.memory_space<hbm>> -> memref<10240x16xf32, #tpu.memory_space<hbm>>
    %dma_start3A_42 = tpu.memref_slice %arg12[%dma_start3A_31] : memref<13x!tpu.dma_semaphore, #tpu.memory_space<semaphore_mem>> -> memref<1x!tpu.dma_semaphore, #tpu.memory_space<semaphore_mem>>
    %dma_start3A_43 = tpu.memref_squeeze %dma_start3A_42 : memref<1x!tpu.dma_semaphore, #tpu.memory_space<semaphore_mem>> -> memref<!tpu.dma_semaphore, #tpu.memory_space<semaphore_mem>>
    tpu.enqueue_indirect_dma source(%dma_start3A_41 : memref<10240x16xf32, #tpu.memory_space<hbm>>) target(%dma_start3A_35 : memref<128x16xf32, #tpu.memory_space<vmem>>) offsets(%dma_start3A_38 : memref<128xi32, #tpu.memory_space<vmem>>) semaphore(%dma_start3A_43 : memref<!tpu.dma_semaphore, #tpu.memory_space<semaphore_mem>>)
    %dma_start3A_44 = arith.constant 2 : i32
    %dma_start3A_45 = arith.constant 2 : i32
    %dma_start3A_46 = arith.constant 2 : i32
    %dma_start3A_47 = arith.constant 0 : i32
    %dma_start3A_48 = arith.constant 0 : i32
    %dma_start3A_49 = tpu.memref_slice %arg9[%dma_start3A_45, %dma_start3A_47, %dma_start3A_48] : memref<13x128x16xf32, #tpu.memory_space<vmem>> -> memref<1x128x16xf32, #tpu.memory_space<vmem>>
    %dma_start3A_50 = tpu.memref_squeeze %dma_start3A_49 : memref<1x128x16xf32, #tpu.memory_space<vmem>> -> memref<128x16xf32, #tpu.memory_space<vmem>>
    %dma_start3A_51 = arith.constant 0 : i32
    %dma_start3A_52 = tpu.memref_slice %arg5[%dma_start3A_44, %dma_start3A_51] : memref<78x128xi32, #tpu.memory_space<vmem>> -> memref<1x128xi32, #tpu.memory_space<vmem>>
    %dma_start3A_53 = tpu.memref_squeeze %dma_start3A_52 : memref<1x128xi32, #tpu.memory_space<vmem>> -> memref<128xi32, #tpu.memory_space<vmem>>
    %dma_start3A_54 = arith.constant 0 : i32
    %dma_start3A_55 = arith.constant 0 : i32
    %dma_start3A_56 = tpu.memref_slice %arg3[%dma_start3A_54, %dma_start3A_55] : memref<10240x16xf32, #tpu.memory_space<hbm>> -> memref<10240x16xf32, #tpu.memory_space<hbm>>
    %dma_start3A_57 = tpu.memref_slice %arg12[%dma_start3A_46] : memref<13x!tpu.dma_semaphore, #tpu.memory_space<semaphore_mem>> -> memref<1x!tpu.dma_semaphore, #tpu.memory_space<semaphore_mem>>
    %dma_start3A_58 = tpu.memref_squeeze %dma_start3A_57 : memref<1x!tpu.dma_semaphore, #tpu.memory_space<semaphore_mem>> -> memref<!tpu.dma_semaphore, #tpu.memory_space<semaphore_mem>>
    tpu.enqueue_indirect_dma source(%dma_start3A_56 : memref<10240x16xf32, #tpu.memory_space<hbm>>) target(%dma_start3A_50 : memref<128x16xf32, #tpu.memory_space<vmem>>) offsets(%dma_start3A_53 : memref<128xi32, #tpu.memory_space<vmem>>) semaphore(%dma_start3A_58 : memref<!tpu.dma_semaphore, #tpu.memory_space<semaphore_mem>>)
    %dma_start3A_59 = arith.constant 3 : i32
    %dma_start3A_60 = arith.constant 3 : i32
    %dma_start3A_61 = arith.constant 3 : i32
    %dma_start3A_62 = arith.constant 0 : i32
    %dma_start3A_63 = arith.constant 0 : i32
    %dma_start3A_64 = tpu.memref_slice %arg9[%dma_start3A_60, %dma_start3A_62, %dma_start3A_63] : memref<13x128x16xf32, #tpu.memory_space<vmem>> -> memref<1x128x16xf32, #tpu.memory_space<vmem>>
    %dma_start3A_65 = tpu.memref_squeeze %dma_start3A_64 : memref<1x128x16xf32, #tpu.memory_space<vmem>> -> memref<128x16xf32, #tpu.memory_space<vmem>>
    %dma_start3A_66 = arith.constant 0 : i32
    %dma_start3A_67 = tpu.memref_slice %arg5[%dma_start3A_59, %dma_start3A_66] : memref<78x128xi32, #tpu.memory_space<vmem>> -> memref<1x128xi32, #tpu.memory_space<vmem>>
    %dma_start3A_68 = tpu.memref_squeeze %dma_start3A_67 : memref<1x128xi32, #tpu.memory_space<vmem>> -> memref<128xi32, #tpu.memory_space<vmem>>
    %dma_start3A_69 = arith.constant 0 : i32
    %dma_start3A_70 = arith.constant 0 : i32
    %dma_start3A_71 = tpu.memref_slice %arg3[%dma_start3A_69, %dma_start3A_70] : memref<10240x16xf32, #tpu.memory_space<hbm>> -> memref<10240x16xf32, #tpu.memory_space<hbm>>
    %dma_start3A_72 = tpu.memref_slice %arg12[%dma_start3A_61] : memref<13x!tpu.dma_semaphore, #tpu.memory_space<semaphore_mem>> -> memref<1x!tpu.dma_semaphore, #tpu.memory_space<semaphore_mem>>
    %dma_start3A_73 = tpu.memref_squeeze %dma_start3A_72 : memref<1x!tpu.dma_semaphore, #tpu.memory_space<semaphore_mem>> -> memref<!tpu.dma_semaphore, #tpu.memory_space<semaphore_mem>>
    tpu.enqueue_indirect_dma source(%dma_start3A_71 : memref<10240x16xf32, #tpu.memory_space<hbm>>) target(%dma_start3A_65 : memref<128x16xf32, #tpu.memory_space<vmem>>) offsets(%dma_start3A_68 : memref<128xi32, #tpu.memory_space<vmem>>) semaphore(%dma_start3A_73 : memref<!tpu.dma_semaphore, #tpu.memory_space<semaphore_mem>>)
    %dma_start3A_74 = arith.constant 4 : i32
    %dma_start3A_75 = arith.constant 4 : i32
    %dma_start3A_76 = arith.constant 4 : i32
    %dma_start3A_77 = arith.constant 0 : i32
    %dma_start3A_78 = arith.constant 0 : i32
    %dma_start3A_79 = tpu.memref_slice %arg9[%dma_start3A_75, %dma_start3A_77, %dma_start3A_78] : memref<13x128x16xf32, #tpu.memory_space<vmem>> -> memref<1x128x16xf32, #tpu.memory_space<vmem>>
    %dma_start3A_80 = tpu.memref_squeeze %dma_start3A_79 : memref<1x128x16xf32, #tpu.memory_space<vmem>> -> memref<128x16xf32, #tpu.memory_space<vmem>>
    %dma_start3A_81 = arith.constant 0 : i32
    %dma_start3A_82 = tpu.memref_slice %arg5[%dma_start3A_74, %dma_start3A_81] : memref<78x128xi32, #tpu.memory_space<vmem>> -> memref<1x128xi32, #tpu.memory_space<vmem>>
    %dma_start3A_83 = tpu.memref_squeeze %dma_start3A_82 : memref<1x128xi32, #tpu.memory_space<vmem>> -> memref<128xi32, #tpu.memory_space<vmem>>
    %dma_start3A_84 = arith.constant 0 : i32
    %dma_start3A_85 = arith.constant 0 : i32
    %dma_start3A_86 = tpu.memref_slice %arg3[%dma_start3A_84, %dma_start3A_85] : memref<10240x16xf32, #tpu.memory_space<hbm>> -> memref<10240x16xf32, #tpu.memory_space<hbm>>
    %dma_start3A_87 = tpu.memref_slice %arg12[%dma_start3A_76] : memref<13x!tpu.dma_semaphore, #tpu.memory_space<semaphore_mem>> -> memref<1x!tpu.dma_semaphore, #tpu.memory_space<semaphore_mem>>
    %dma_start3A_88 = tpu.memref_squeeze %dma_start3A_87 : memref<1x!tpu.dma_semaphore, #tpu.memory_space<semaphore_mem>> -> memref<!tpu.dma_semaphore, #tpu.memory_space<semaphore_mem>>
    tpu.enqueue_indirect_dma source(%dma_start3A_86 : memref<10240x16xf32, #tpu.memory_space<hbm>>) target(%dma_start3A_80 : memref<128x16xf32, #tpu.memory_space<vmem>>) offsets(%dma_start3A_83 : memref<128xi32, #tpu.memory_space<vmem>>) semaphore(%dma_start3A_88 : memref<!tpu.dma_semaphore, #tpu.memory_space<semaphore_mem>>)
    %dma_start3A_89 = arith.constant 5 : i32
    %dma_start3A_90 = arith.constant 5 : i32
    %dma_start3A_91 = arith.constant 5 : i32
    %dma_start3A_92 = arith.constant 0 : i32
    %dma_start3A_93 = arith.constant 0 : i32
    %dma_start3A_94 = tpu.memref_slice %arg9[%dma_start3A_90, %dma_start3A_92, %dma_start3A_93] : memref<13x128x16xf32, #tpu.memory_space<vmem>> -> memref<1x128x16xf32, #tpu.memory_space<vmem>>
    %dma_start3A_95 = tpu.memref_squeeze %dma_start3A_94 : memref<1x128x16xf32, #tpu.memory_space<vmem>> -> memref<128x16xf32, #tpu.memory_space<vmem>>
    %dma_start3A_96 = arith.constant 0 : i32
    %dma_start3A_97 = tpu.memref_slice %arg5[%dma_start3A_89, %dma_start3A_96] : memref<78x128xi32, #tpu.memory_space<vmem>> -> memref<1x128xi32, #tpu.memory_space<vmem>>
    %dma_start3A_98 = tpu.memref_squeeze %dma_start3A_97 : memref<1x128xi32, #tpu.memory_space<vmem>> -> memref<128xi32, #tpu.memory_space<vmem>>
    %dma_start3A_99 = arith.constant 0 : i32
    %dma_start3A_100 = arith.constant 0 : i32
    %dma_start3A_101 = tpu.memref_slice %arg3[%dma_start3A_99, %dma_start3A_100] : memref<10240x16xf32, #tpu.memory_space<hbm>> -> memref<10240x16xf32, #tpu.memory_space<hbm>>
    %dma_start3A_102 = tpu.memref_slice %arg12[%dma_start3A_91] : memref<13x!tpu.dma_semaphore, #tpu.memory_space<semaphore_mem>> -> memref<1x!tpu.dma_semaphore, #tpu.memory_space<semaphore_mem>>
    %dma_start3A_103 = tpu.memref_squeeze %dma_start3A_102 : memref<1x!tpu.dma_semaphore, #tpu.memory_space<semaphore_mem>> -> memref<!tpu.dma_semaphore, #tpu.memory_space<semaphore_mem>>
    tpu.enqueue_indirect_dma source(%dma_start3A_101 : memref<10240x16xf32, #tpu.memory_space<hbm>>) target(%dma_start3A_95 : memref<128x16xf32, #tpu.memory_space<vmem>>) offsets(%dma_start3A_98 : memref<128xi32, #tpu.memory_space<vmem>>) semaphore(%dma_start3A_103 : memref<!tpu.dma_semaphore, #tpu.memory_space<semaphore_mem>>)
    %dma_start3A_104 = arith.constant 6 : i32
    %dma_start3A_105 = arith.constant 6 : i32
    %dma_start3A_106 = arith.constant 6 : i32
    %dma_start3A_107 = arith.constant 0 : i32
    %dma_start3A_108 = arith.constant 0 : i32
    %dma_start3A_109 = tpu.memref_slice %arg9[%dma_start3A_105, %dma_start3A_107, %dma_start3A_108] : memref<13x128x16xf32, #tpu.memory_space<vmem>> -> memref<1x128x16xf32, #tpu.memory_space<vmem>>
    %dma_start3A_110 = tpu.memref_squeeze %dma_start3A_109 : memref<1x128x16xf32, #tpu.memory_space<vmem>> -> memref<128x16xf32, #tpu.memory_space<vmem>>
    %dma_start3A_111 = arith.constant 0 : i32
    %dma_start3A_112 = tpu.memref_slice %arg5[%dma_start3A_104, %dma_start3A_111] : memref<78x128xi32, #tpu.memory_space<vmem>> -> memref<1x128xi32, #tpu.memory_space<vmem>>
    %dma_start3A_113 = tpu.memref_squeeze %dma_start3A_112 : memref<1x128xi32, #tpu.memory_space<vmem>> -> memref<128xi32, #tpu.memory_space<vmem>>
    %dma_start3A_114 = arith.constant 0 : i32
    %dma_start3A_115 = arith.constant 0 : i32
    %dma_start3A_116 = tpu.memref_slice %arg3[%dma_start3A_114, %dma_start3A_115] : memref<10240x16xf32, #tpu.memory_space<hbm>> -> memref<10240x16xf32, #tpu.memory_space<hbm>>
    %dma_start3A_117 = tpu.memref_slice %arg12[%dma_start3A_106] : memref<13x!tpu.dma_semaphore, #tpu.memory_space<semaphore_mem>> -> memref<1x!tpu.dma_semaphore, #tpu.memory_space<semaphore_mem>>
    %dma_start3A_118 = tpu.memref_squeeze %dma_start3A_117 : memref<1x!tpu.dma_semaphore, #tpu.memory_space<semaphore_mem>> -> memref<!tpu.dma_semaphore, #tpu.memory_space<semaphore_mem>>
    tpu.enqueue_indirect_dma source(%dma_start3A_116 : memref<10240x16xf32, #tpu.memory_space<hbm>>) target(%dma_start3A_110 : memref<128x16xf32, #tpu.memory_space<vmem>>) offsets(%dma_start3A_113 : memref<128xi32, #tpu.memory_space<vmem>>) semaphore(%dma_start3A_118 : memref<!tpu.dma_semaphore, #tpu.memory_space<semaphore_mem>>)
    %dma_start3A_119 = arith.constant 7 : i32
    %dma_start3A_120 = arith.constant 7 : i32
    %dma_start3A_121 = arith.constant 7 : i32
    %dma_start3A_122 = arith.constant 0 : i32
    %dma_start3A_123 = arith.constant 0 : i32
    %dma_start3A_124 = tpu.memref_slice %arg9[%dma_start3A_120, %dma_start3A_122, %dma_start3A_123] : memref<13x128x16xf32, #tpu.memory_space<vmem>> -> memref<1x128x16xf32, #tpu.memory_space<vmem>>
    %dma_start3A_125 = tpu.memref_squeeze %dma_start3A_124 : memref<1x128x16xf32, #tpu.memory_space<vmem>> -> memref<128x16xf32, #tpu.memory_space<vmem>>
    %dma_start3A_126 = arith.constant 0 : i32
    %dma_start3A_127 = tpu.memref_slice %arg5[%dma_start3A_119, %dma_start3A_126] : memref<78x128xi32, #tpu.memory_space<vmem>> -> memref<1x128xi32, #tpu.memory_space<vmem>>
    %dma_start3A_128 = tpu.memref_squeeze %dma_start3A_127 : memref<1x128xi32, #tpu.memory_space<vmem>> -> memref<128xi32, #tpu.memory_space<vmem>>
    %dma_start3A_129 = arith.constant 0 : i32
    %dma_start3A_130 = arith.constant 0 : i32
    %dma_start3A_131 = tpu.memref_slice %arg3[%dma_start3A_129, %dma_start3A_130] : memref<10240x16xf32, #tpu.memory_space<hbm>> -> memref<10240x16xf32, #tpu.memory_space<hbm>>
    %dma_start3A_132 = tpu.memref_slice %arg12[%dma_start3A_121] : memref<13x!tpu.dma_semaphore, #tpu.memory_space<semaphore_mem>> -> memref<1x!tpu.dma_semaphore, #tpu.memory_space<semaphore_mem>>
    %dma_start3A_133 = tpu.memref_squeeze %dma_start3A_132 : memref<1x!tpu.dma_semaphore, #tpu.memory_space<semaphore_mem>> -> memref<!tpu.dma_semaphore, #tpu.memory_space<semaphore_mem>>
    tpu.enqueue_indirect_dma source(%dma_start3A_131 : memref<10240x16xf32, #tpu.memory_space<hbm>>) target(%dma_start3A_125 : memref<128x16xf32, #tpu.memory_space<vmem>>) offsets(%dma_start3A_128 : memref<128xi32, #tpu.memory_space<vmem>>) semaphore(%dma_start3A_133 : memref<!tpu.dma_semaphore, #tpu.memory_space<semaphore_mem>>)
    %dma_start3A_134 = arith.constant 8 : i32
    %dma_start3A_135 = arith.constant 8 : i32
    %dma_start3A_136 = arith.constant 8 : i32
    %dma_start3A_137 = arith.constant 0 : i32
    %dma_start3A_138 = arith.constant 0 : i32
    %dma_start3A_139 = tpu.memref_slice %arg9[%dma_start3A_135, %dma_start3A_137, %dma_start3A_138] : memref<13x128x16xf32, #tpu.memory_space<vmem>> -> memref<1x128x16xf32, #tpu.memory_space<vmem>>
    %dma_start3A_140 = tpu.memref_squeeze %dma_start3A_139 : memref<1x128x16xf32, #tpu.memory_space<vmem>> -> memref<128x16xf32, #tpu.memory_space<vmem>>
    %dma_start3A_141 = arith.constant 0 : i32
    %dma_start3A_142 = tpu.memref_slice %arg5[%dma_start3A_134, %dma_start3A_141] : memref<78x128xi32, #tpu.memory_space<vmem>> -> memref<1x128xi32, #tpu.memory_space<vmem>>
    %dma_start3A_143 = tpu.memref_squeeze %dma_start3A_142 : memref<1x128xi32, #tpu.memory_space<vmem>> -> memref<128xi32, #tpu.memory_space<vmem>>
    %dma_start3A_144 = arith.constant 0 : i32
    %dma_start3A_145 = arith.constant 0 : i32
    %dma_start3A_146 = tpu.memref_slice %arg3[%dma_start3A_144, %dma_start3A_145] : memref<10240x16xf32, #tpu.memory_space<hbm>> -> memref<10240x16xf32, #tpu.memory_space<hbm>>
    %dma_start3A_147 = tpu.memref_slice %arg12[%dma_start3A_136] : memref<13x!tpu.dma_semaphore, #tpu.memory_space<semaphore_mem>> -> memref<1x!tpu.dma_semaphore, #tpu.memory_space<semaphore_mem>>
    %dma_start3A_148 = tpu.memref_squeeze %dma_start3A_147 : memref<1x!tpu.dma_semaphore, #tpu.memory_space<semaphore_mem>> -> memref<!tpu.dma_semaphore, #tpu.memory_space<semaphore_mem>>
    tpu.enqueue_indirect_dma source(%dma_start3A_146 : memref<10240x16xf32, #tpu.memory_space<hbm>>) target(%dma_start3A_140 : memref<128x16xf32, #tpu.memory_space<vmem>>) offsets(%dma_start3A_143 : memref<128xi32, #tpu.memory_space<vmem>>) semaphore(%dma_start3A_148 : memref<!tpu.dma_semaphore, #tpu.memory_space<semaphore_mem>>)
    %dma_start3A_149 = arith.constant 9 : i32
    %dma_start3A_150 = arith.constant 9 : i32
    %dma_start3A_151 = arith.constant 9 : i32
    %dma_start3A_152 = arith.constant 0 : i32
    %dma_start3A_153 = arith.constant 0 : i32
    %dma_start3A_154 = tpu.memref_slice %arg9[%dma_start3A_150, %dma_start3A_152, %dma_start3A_153] : memref<13x128x16xf32, #tpu.memory_space<vmem>> -> memref<1x128x16xf32, #tpu.memory_space<vmem>>
    %dma_start3A_155 = tpu.memref_squeeze %dma_start3A_154 : memref<1x128x16xf32, #tpu.memory_space<vmem>> -> memref<128x16xf32, #tpu.memory_space<vmem>>
    %dma_start3A_156 = arith.constant 0 : i32
    %dma_start3A_157 = tpu.memref_slice %arg5[%dma_start3A_149, %dma_start3A_156] : memref<78x128xi32, #tpu.memory_space<vmem>> -> memref<1x128xi32, #tpu.memory_space<vmem>>
    %dma_start3A_158 = tpu.memref_squeeze %dma_start3A_157 : memref<1x128xi32, #tpu.memory_space<vmem>> -> memref<128xi32, #tpu.memory_space<vmem>>
    %dma_start3A_159 = arith.constant 0 : i32
    %dma_start3A_160 = arith.constant 0 : i32
    %dma_start3A_161 = tpu.memref_slice %arg3[%dma_start3A_159, %dma_start3A_160] : memref<10240x16xf32, #tpu.memory_space<hbm>> -> memref<10240x16xf32, #tpu.memory_space<hbm>>
    %dma_start3A_162 = tpu.memref_slice %arg12[%dma_start3A_151] : memref<13x!tpu.dma_semaphore, #tpu.memory_space<semaphore_mem>> -> memref<1x!tpu.dma_semaphore, #tpu.memory_space<semaphore_mem>>
    %dma_start3A_163 = tpu.memref_squeeze %dma_start3A_162 : memref<1x!tpu.dma_semaphore, #tpu.memory_space<semaphore_mem>> -> memref<!tpu.dma_semaphore, #tpu.memory_space<semaphore_mem>>
    tpu.enqueue_indirect_dma source(%dma_start3A_161 : memref<10240x16xf32, #tpu.memory_space<hbm>>) target(%dma_start3A_155 : memref<128x16xf32, #tpu.memory_space<vmem>>) offsets(%dma_start3A_158 : memref<128xi32, #tpu.memory_space<vmem>>) semaphore(%dma_start3A_163 : memref<!tpu.dma_semaphore, #tpu.memory_space<semaphore_mem>>)
    %dma_start3A_164 = arith.constant 10 : i32
    %dma_start3A_165 = arith.constant 10 : i32
    %dma_start3A_166 = arith.constant 10 : i32
    %dma_start3A_167 = arith.constant 0 : i32
    %dma_start3A_168 = arith.constant 0 : i32
    %dma_start3A_169 = tpu.memref_slice %arg9[%dma_start3A_165, %dma_start3A_167, %dma_start3A_168] : memref<13x128x16xf32, #tpu.memory_space<vmem>> -> memref<1x128x16xf32, #tpu.memory_space<vmem>>
    %dma_start3A_170 = tpu.memref_squeeze %dma_start3A_169 : memref<1x128x16xf32, #tpu.memory_space<vmem>> -> memref<128x16xf32, #tpu.memory_space<vmem>>
    %dma_start3A_171 = arith.constant 0 : i32
    %dma_start3A_172 = tpu.memref_slice %arg5[%dma_start3A_164, %dma_start3A_171] : memref<78x128xi32, #tpu.memory_space<vmem>> -> memref<1x128xi32, #tpu.memory_space<vmem>>
    %dma_start3A_173 = tpu.memref_squeeze %dma_start3A_172 : memref<1x128xi32, #tpu.memory_space<vmem>> -> memref<128xi32, #tpu.memory_space<vmem>>
    %dma_start3A_174 = arith.constant 0 : i32
    %dma_start3A_175 = arith.constant 0 : i32
    %dma_start3A_176 = tpu.memref_slice %arg3[%dma_start3A_174, %dma_start3A_175] : memref<10240x16xf32, #tpu.memory_space<hbm>> -> memref<10240x16xf32, #tpu.memory_space<hbm>>
    %dma_start3A_177 = tpu.memref_slice %arg12[%dma_start3A_166] : memref<13x!tpu.dma_semaphore, #tpu.memory_space<semaphore_mem>> -> memref<1x!tpu.dma_semaphore, #tpu.memory_space<semaphore_mem>>
    %dma_start3A_178 = tpu.memref_squeeze %dma_start3A_177 : memref<1x!tpu.dma_semaphore, #tpu.memory_space<semaphore_mem>> -> memref<!tpu.dma_semaphore, #tpu.memory_space<semaphore_mem>>
    tpu.enqueue_indirect_dma source(%dma_start3A_176 : memref<10240x16xf32, #tpu.memory_space<hbm>>) target(%dma_start3A_170 : memref<128x16xf32, #tpu.memory_space<vmem>>) offsets(%dma_start3A_173 : memref<128xi32, #tpu.memory_space<vmem>>) semaphore(%dma_start3A_178 : memref<!tpu.dma_semaphore, #tpu.memory_space<semaphore_mem>>)
    %dma_start3A_179 = arith.constant 11 : i32
    %dma_start3A_180 = arith.constant 11 : i32
    %dma_start3A_181 = arith.constant 11 : i32
    %dma_start3A_182 = arith.constant 0 : i32
    %dma_start3A_183 = arith.constant 0 : i32
    %dma_start3A_184 = tpu.memref_slice %arg9[%dma_start3A_180, %dma_start3A_182, %dma_start3A_183] : memref<13x128x16xf32, #tpu.memory_space<vmem>> -> memref<1x128x16xf32, #tpu.memory_space<vmem>>
    %dma_start3A_185 = tpu.memref_squeeze %dma_start3A_184 : memref<1x128x16xf32, #tpu.memory_space<vmem>> -> memref<128x16xf32, #tpu.memory_space<vmem>>
    %dma_start3A_186 = arith.constant 0 : i32
    %dma_start3A_187 = tpu.memref_slice %arg5[%dma_start3A_179, %dma_start3A_186] : memref<78x128xi32, #tpu.memory_space<vmem>> -> memref<1x128xi32, #tpu.memory_space<vmem>>
    %dma_start3A_188 = tpu.memref_squeeze %dma_start3A_187 : memref<1x128xi32, #tpu.memory_space<vmem>> -> memref<128xi32, #tpu.memory_space<vmem>>
    %dma_start3A_189 = arith.constant 0 : i32
    %dma_start3A_190 = arith.constant 0 : i32
    %dma_start3A_191 = tpu.memref_slice %arg3[%dma_start3A_189, %dma_start3A_190] : memref<10240x16xf32, #tpu.memory_space<hbm>> -> memref<10240x16xf32, #tpu.memory_space<hbm>>
    %dma_start3A_192 = tpu.memref_slice %arg12[%dma_start3A_181] : memref<13x!tpu.dma_semaphore, #tpu.memory_space<semaphore_mem>> -> memref<1x!tpu.dma_semaphore, #tpu.memory_space<semaphore_mem>>
    %dma_start3A_193 = tpu.memref_squeeze %dma_start3A_192 : memref<1x!tpu.dma_semaphore, #tpu.memory_space<semaphore_mem>> -> memref<!tpu.dma_semaphore, #tpu.memory_space<semaphore_mem>>
    tpu.enqueue_indirect_dma source(%dma_start3A_191 : memref<10240x16xf32, #tpu.memory_space<hbm>>) target(%dma_start3A_185 : memref<128x16xf32, #tpu.memory_space<vmem>>) offsets(%dma_start3A_188 : memref<128xi32, #tpu.memory_space<vmem>>) semaphore(%dma_start3A_193 : memref<!tpu.dma_semaphore, #tpu.memory_space<semaphore_mem>>)
    %dma_start3A_194 = arith.constant 12 : i32
    %dma_start3A_195 = arith.constant 12 : i32
    %dma_start3A_196 = arith.constant 12 : i32
    %dma_start3A_197 = arith.constant 0 : i32
    %dma_start3A_198 = arith.constant 0 : i32
    %dma_start3A_199 = tpu.memref_slice %arg9[%dma_start3A_195, %dma_start3A_197, %dma_start3A_198] : memref<13x128x16xf32, #tpu.memory_space<vmem>> -> memref<1x128x16xf32, #tpu.memory_space<vmem>>
    %dma_start3A_200 = tpu.memref_squeeze %dma_start3A_199 : memref<1x128x16xf32, #tpu.memory_space<vmem>> -> memref<128x16xf32, #tpu.memory_space<vmem>>
    %dma_start3A_201 = arith.constant 0 : i32
    %dma_start3A_202 = tpu.memref_slice %arg5[%dma_start3A_194, %dma_start3A_201] : memref<78x128xi32, #tpu.memory_space<vmem>> -> memref<1x128xi32, #tpu.memory_space<vmem>>
    %dma_start3A_203 = tpu.memref_squeeze %dma_start3A_202 : memref<1x128xi32, #tpu.memory_space<vmem>> -> memref<128xi32, #tpu.memory_space<vmem>>
    %dma_start3A_204 = arith.constant 0 : i32
    %dma_start3A_205 = arith.constant 0 : i32
    %dma_start3A_206 = tpu.memref_slice %arg3[%dma_start3A_204, %dma_start3A_205] : memref<10240x16xf32, #tpu.memory_space<hbm>> -> memref<10240x16xf32, #tpu.memory_space<hbm>>
    %dma_start3A_207 = tpu.memref_slice %arg12[%dma_start3A_196] : memref<13x!tpu.dma_semaphore, #tpu.memory_space<semaphore_mem>> -> memref<1x!tpu.dma_semaphore, #tpu.memory_space<semaphore_mem>>
    %dma_start3A_208 = tpu.memref_squeeze %dma_start3A_207 : memref<1x!tpu.dma_semaphore, #tpu.memory_space<semaphore_mem>> -> memref<!tpu.dma_semaphore, #tpu.memory_space<semaphore_mem>>
    tpu.enqueue_indirect_dma source(%dma_start3A_206 : memref<10240x16xf32, #tpu.memory_space<hbm>>) target(%dma_start3A_200 : memref<128x16xf32, #tpu.memory_space<vmem>>) offsets(%dma_start3A_203 : memref<128xi32, #tpu.memory_space<vmem>>) semaphore(%dma_start3A_208 : memref<!tpu.dma_semaphore, #tpu.memory_space<semaphore_mem>>)
    %scan3A_209 = arith.constant 0 : i32
    %scan3A_210 = arith.constant 6 : i32
    %scan3A_211 = arith.addi %scan3A_209, %scan3A_210 : i32
    %scan3A_212 = arith.constant 1 : i32
    scf.for %scan3A_415 = %scan3A_209 to %scan3A_211 step %scan3A_212  : i32 {
      %mul3A_416 = arith.constant 1 : i32
      %mul3A_417 = arith.muli %scan3A_415, %mul3A_416 : i32
      %add3A_418 = arith.constant 0 : i32
      %add3A_419 = arith.addi %add3A_418, %mul3A_417 : i32
      %mul3A_420 = arith.constant 13 : i32
      %mul3A_421 = arith.muli %add3A_419, %mul3A_420 : i32
      %add3A_422 = arith.constant 0 : i32
      %add3A_423 = arith.addi %mul3A_421, %add3A_422 : i32
      %dma_wait3A_424 = arith.constant 0 : i32
      %dma_wait3A_425 = arith.constant 0 : i32
      %dma_wait3A_426 = arith.constant 0 : i32
      %dma_wait3A_427 = arith.constant 0 : i32
      %dma_wait3A_428 = tpu.memref_slice %arg9[%dma_wait3A_424, %dma_wait3A_426, %dma_wait3A_427] : memref<13x128x16xf32, #tpu.memory_space<vmem>> -> memref<1x128x16xf32, #tpu.memory_space<vmem>>
      %dma_wait3A_429 = tpu.memref_squeeze %dma_wait3A_428 : memref<1x128x16xf32, #tpu.memory_space<vmem>> -> memref<128x16xf32, #tpu.memory_space<vmem>>
      %dma_wait3A_430 = arith.constant 0 : i32
      %dma_wait3A_431 = tpu.memref_slice %arg5[%add3A_423, %dma_wait3A_430] : memref<78x128xi32, #tpu.memory_space<vmem>> -> memref<1x128xi32, #tpu.memory_space<vmem>>
      %dma_wait3A_432 = tpu.memref_squeeze %dma_wait3A_431 : memref<1x128xi32, #tpu.memory_space<vmem>> -> memref<128xi32, #tpu.memory_space<vmem>>
      %dma_wait3A_433 = arith.constant 0 : i32
      %dma_wait3A_434 = arith.constant 0 : i32
      %dma_wait3A_435 = tpu.memref_slice %arg3[%dma_wait3A_433, %dma_wait3A_434] : memref<10240x16xf32, #tpu.memory_space<hbm>> -> memref<10240x16xf32, #tpu.memory_space<hbm>>
      %dma_wait3A_436 = tpu.memref_slice %arg12[%dma_wait3A_425] : memref<13x!tpu.dma_semaphore, #tpu.memory_space<semaphore_mem>> -> memref<1x!tpu.dma_semaphore, #tpu.memory_space<semaphore_mem>>
      %dma_wait3A_437 = tpu.memref_squeeze %dma_wait3A_436 : memref<1x!tpu.dma_semaphore, #tpu.memory_space<semaphore_mem>> -> memref<!tpu.dma_semaphore, #tpu.memory_space<semaphore_mem>>
      tpu.wait_indirect_dma semaphore(%dma_wait3A_437 : memref<!tpu.dma_semaphore, #tpu.memory_space<semaphore_mem>>) src(%dma_wait3A_435 : memref<10240x16xf32, #tpu.memory_space<hbm>>) dst(%dma_wait3A_429 : memref<128x16xf32, #tpu.memory_space<vmem>>)
      %add3A_438 = arith.constant 0 : i32
      %add3A_439 = arith.addi %mul3A_421, %add3A_438 : i32
      %dma_start3A_440 = arith.constant 0 : i32
      %dma_start3A_441 = arith.constant 0 : i32
      %dma_start3A_442 = arith.constant 0 : i32
      %dma_start3A_443 = arith.constant 0 : i32
      %dma_start3A_444 = tpu.memref_slice %arg9[%dma_start3A_440, %dma_start3A_442, %dma_start3A_443] : memref<13x128x16xf32, #tpu.memory_space<vmem>> -> memref<1x128x16xf32, #tpu.memory_space<vmem>>
      %dma_start3A_445 = tpu.memref_squeeze %dma_start3A_444 : memref<1x128x16xf32, #tpu.memory_space<vmem>> -> memref<128x16xf32, #tpu.memory_space<vmem>>
      %dma_start3A_446 = arith.constant 0 : i32
      %dma_start3A_447 = tpu.memref_slice %arg6[%add3A_439, %dma_start3A_446] : memref<78x128xi32, #tpu.memory_space<vmem>> -> memref<1x128xi32, #tpu.memory_space<vmem>>
      %dma_start3A_448 = tpu.memref_squeeze %dma_start3A_447 : memref<1x128xi32, #tpu.memory_space<vmem>> -> memref<128xi32, #tpu.memory_space<vmem>>
      %dma_start3A_449 = arith.constant 0 : i32
      %dma_start3A_450 = arith.constant 0 : i32
      %dma_start3A_451 = tpu.memref_slice %arg11[%dma_start3A_449, %dma_start3A_450] : memref<10240x16xf32, #tpu.memory_space<vmem_shared>> -> memref<10240x16xf32, #tpu.memory_space<vmem_shared>>
      %dma_start3A_452 = tpu.memref_slice %arg13[%dma_start3A_441] : memref<13x!tpu.dma_semaphore, #tpu.memory_space<semaphore_mem>> -> memref<1x!tpu.dma_semaphore, #tpu.memory_space<semaphore_mem>>
      %dma_start3A_453 = tpu.memref_squeeze %dma_start3A_452 : memref<1x!tpu.dma_semaphore, #tpu.memory_space<semaphore_mem>> -> memref<!tpu.dma_semaphore, #tpu.memory_space<semaphore_mem>>
      tpu.enqueue_indirect_dma source(%dma_start3A_445 : memref<128x16xf32, #tpu.memory_space<vmem>>) target(%dma_start3A_451 : memref<10240x16xf32, #tpu.memory_space<vmem_shared>>) offsets(%dma_start3A_448 : memref<128xi32, #tpu.memory_space<vmem>>) semaphore(%dma_start3A_453 : memref<!tpu.dma_semaphore, #tpu.memory_space<semaphore_mem>>) {add = true}
      %add3A_454 = arith.constant 1 : i32
      %add3A_455 = arith.addi %mul3A_421, %add3A_454 : i32
      %dma_wait3A_456 = arith.constant 1 : i32
      %dma_wait3A_457 = arith.constant 1 : i32
      %dma_wait3A_458 = arith.constant 0 : i32
      %dma_wait3A_459 = arith.constant 0 : i32
      %dma_wait3A_460 = tpu.memref_slice %arg9[%dma_wait3A_456, %dma_wait3A_458, %dma_wait3A_459] : memref<13x128x16xf32, #tpu.memory_space<vmem>> -> memref<1x128x16xf32, #tpu.memory_space<vmem>>
      %dma_wait3A_461 = tpu.memref_squeeze %dma_wait3A_460 : memref<1x128x16xf32, #tpu.memory_space<vmem>> -> memref<128x16xf32, #tpu.memory_space<vmem>>
      %dma_wait3A_462 = arith.constant 0 : i32
      %dma_wait3A_463 = tpu.memref_slice %arg5[%add3A_455, %dma_wait3A_462] : memref<78x128xi32, #tpu.memory_space<vmem>> -> memref<1x128xi32, #tpu.memory_space<vmem>>
      %dma_wait3A_464 = tpu.memref_squeeze %dma_wait3A_463 : memref<1x128xi32, #tpu.memory_space<vmem>> -> memref<128xi32, #tpu.memory_space<vmem>>
      %dma_wait3A_465 = arith.constant 0 : i32
      %dma_wait3A_466 = arith.constant 0 : i32
      %dma_wait3A_467 = tpu.memref_slice %arg3[%dma_wait3A_465, %dma_wait3A_466] : memref<10240x16xf32, #tpu.memory_space<hbm>> -> memref<10240x16xf32, #tpu.memory_space<hbm>>
      %dma_wait3A_468 = tpu.memref_slice %arg12[%dma_wait3A_457] : memref<13x!tpu.dma_semaphore, #tpu.memory_space<semaphore_mem>> -> memref<1x!tpu.dma_semaphore, #tpu.memory_space<semaphore_mem>>
      %dma_wait3A_469 = tpu.memref_squeeze %dma_wait3A_468 : memref<1x!tpu.dma_semaphore, #tpu.memory_space<semaphore_mem>> -> memref<!tpu.dma_semaphore, #tpu.memory_space<semaphore_mem>>
      tpu.wait_indirect_dma semaphore(%dma_wait3A_469 : memref<!tpu.dma_semaphore, #tpu.memory_space<semaphore_mem>>) src(%dma_wait3A_467 : memref<10240x16xf32, #tpu.memory_space<hbm>>) dst(%dma_wait3A_461 : memref<128x16xf32, #tpu.memory_space<vmem>>)
      %add3A_470 = arith.constant 1 : i32
      %add3A_471 = arith.addi %mul3A_421, %add3A_470 : i32
      %dma_start3A_472 = arith.constant 1 : i32
      %dma_start3A_473 = arith.constant 1 : i32
      %dma_start3A_474 = arith.constant 0 : i32
      %dma_start3A_475 = arith.constant 0 : i32
      %dma_start3A_476 = tpu.memref_slice %arg9[%dma_start3A_472, %dma_start3A_474, %dma_start3A_475] : memref<13x128x16xf32, #tpu.memory_space<vmem>> -> memref<1x128x16xf32, #tpu.memory_space<vmem>>
      %dma_start3A_477 = tpu.memref_squeeze %dma_start3A_476 : memref<1x128x16xf32, #tpu.memory_space<vmem>> -> memref<128x16xf32, #tpu.memory_space<vmem>>
      %dma_start3A_478 = arith.constant 0 : i32
      %dma_start3A_479 = tpu.memref_slice %arg6[%add3A_471, %dma_start3A_478] : memref<78x128xi32, #tpu.memory_space<vmem>> -> memref<1x128xi32, #tpu.memory_space<vmem>>
      %dma_start3A_480 = tpu.memref_squeeze %dma_start3A_479 : memref<1x128xi32, #tpu.memory_space<vmem>> -> memref<128xi32, #tpu.memory_space<vmem>>
      %dma_start3A_481 = arith.constant 0 : i32
      %dma_start3A_482 = arith.constant 0 : i32
      %dma_start3A_483 = tpu.memref_slice %arg11[%dma_start3A_481, %dma_start3A_482] : memref<10240x16xf32, #tpu.memory_space<vmem_shared>> -> memref<10240x16xf32, #tpu.memory_space<vmem_shared>>
      %dma_start3A_484 = tpu.memref_slice %arg13[%dma_start3A_473] : memref<13x!tpu.dma_semaphore, #tpu.memory_space<semaphore_mem>> -> memref<1x!tpu.dma_semaphore, #tpu.memory_space<semaphore_mem>>
      %dma_start3A_485 = tpu.memref_squeeze %dma_start3A_484 : memref<1x!tpu.dma_semaphore, #tpu.memory_space<semaphore_mem>> -> memref<!tpu.dma_semaphore, #tpu.memory_space<semaphore_mem>>
      tpu.enqueue_indirect_dma source(%dma_start3A_477 : memref<128x16xf32, #tpu.memory_space<vmem>>) target(%dma_start3A_483 : memref<10240x16xf32, #tpu.memory_space<vmem_shared>>) offsets(%dma_start3A_480 : memref<128xi32, #tpu.memory_space<vmem>>) semaphore(%dma_start3A_485 : memref<!tpu.dma_semaphore, #tpu.memory_space<semaphore_mem>>) {add = true}
      %add3A_486 = arith.constant 2 : i32
      %add3A_487 = arith.addi %mul3A_421, %add3A_486 : i32
      %dma_wait3A_488 = arith.constant 2 : i32
      %dma_wait3A_489 = arith.constant 2 : i32
      %dma_wait3A_490 = arith.constant 0 : i32
      %dma_wait3A_491 = arith.constant 0 : i32
      %dma_wait3A_492 = tpu.memref_slice %arg9[%dma_wait3A_488, %dma_wait3A_490, %dma_wait3A_491] : memref<13x128x16xf32, #tpu.memory_space<vmem>> -> memref<1x128x16xf32, #tpu.memory_space<vmem>>
      %dma_wait3A_493 = tpu.memref_squeeze %dma_wait3A_492 : memref<1x128x16xf32, #tpu.memory_space<vmem>> -> memref<128x16xf32, #tpu.memory_space<vmem>>
      %dma_wait3A_494 = arith.constant 0 : i32
      %dma_wait3A_495 = tpu.memref_slice %arg5[%add3A_487, %dma_wait3A_494] : memref<78x128xi32, #tpu.memory_space<vmem>> -> memref<1x128xi32, #tpu.memory_space<vmem>>
      %dma_wait3A_496 = tpu.memref_squeeze %dma_wait3A_495 : memref<1x128xi32, #tpu.memory_space<vmem>> -> memref<128xi32, #tpu.memory_space<vmem>>
      %dma_wait3A_497 = arith.constant 0 : i32
      %dma_wait3A_498 = arith.constant 0 : i32
      %dma_wait3A_499 = tpu.memref_slice %arg3[%dma_wait3A_497, %dma_wait3A_498] : memref<10240x16xf32, #tpu.memory_space<hbm>> -> memref<10240x16xf32, #tpu.memory_space<hbm>>
      %dma_wait3A_500 = tpu.memref_slice %arg12[%dma_wait3A_489] : memref<13x!tpu.dma_semaphore, #tpu.memory_space<semaphore_mem>> -> memref<1x!tpu.dma_semaphore, #tpu.memory_space<semaphore_mem>>
      %dma_wait3A_501 = tpu.memref_squeeze %dma_wait3A_500 : memref<1x!tpu.dma_semaphore, #tpu.memory_space<semaphore_mem>> -> memref<!tpu.dma_semaphore, #tpu.memory_space<semaphore_mem>>
      tpu.wait_indirect_dma semaphore(%dma_wait3A_501 : memref<!tpu.dma_semaphore, #tpu.memory_space<semaphore_mem>>) src(%dma_wait3A_499 : memref<10240x16xf32, #tpu.memory_space<hbm>>) dst(%dma_wait3A_493 : memref<128x16xf32, #tpu.memory_space<vmem>>)
      %add3A_502 = arith.constant 2 : i32
      %add3A_503 = arith.addi %mul3A_421, %add3A_502 : i32
      %dma_start3A_504 = arith.constant 2 : i32
      %dma_start3A_505 = arith.constant 2 : i32
      %dma_start3A_506 = arith.constant 0 : i32
      %dma_start3A_507 = arith.constant 0 : i32
      %dma_start3A_508 = tpu.memref_slice %arg9[%dma_start3A_504, %dma_start3A_506, %dma_start3A_507] : memref<13x128x16xf32, #tpu.memory_space<vmem>> -> memref<1x128x16xf32, #tpu.memory_space<vmem>>
      %dma_start3A_509 = tpu.memref_squeeze %dma_start3A_508 : memref<1x128x16xf32, #tpu.memory_space<vmem>> -> memref<128x16xf32, #tpu.memory_space<vmem>>
      %dma_start3A_510 = arith.constant 0 : i32
      %dma_start3A_511 = tpu.memref_slice %arg6[%add3A_503, %dma_start3A_510] : memref<78x128xi32, #tpu.memory_space<vmem>> -> memref<1x128xi32, #tpu.memory_space<vmem>>
      %dma_start3A_512 = tpu.memref_squeeze %dma_start3A_511 : memref<1x128xi32, #tpu.memory_space<vmem>> -> memref<128xi32, #tpu.memory_space<vmem>>
      %dma_start3A_513 = arith.constant 0 : i32
      %dma_start3A_514 = arith.constant 0 : i32
      %dma_start3A_515 = tpu.memref_slice %arg11[%dma_start3A_513, %dma_start3A_514] : memref<10240x16xf32, #tpu.memory_space<vmem_shared>> -> memref<10240x16xf32, #tpu.memory_space<vmem_shared>>
      %dma_start3A_516 = tpu.memref_slice %arg13[%dma_start3A_505] : memref<13x!tpu.dma_semaphore, #tpu.memory_space<semaphore_mem>> -> memref<1x!tpu.dma_semaphore, #tpu.memory_space<semaphore_mem>>
      %dma_start3A_517 = tpu.memref_squeeze %dma_start3A_516 : memref<1x!tpu.dma_semaphore, #tpu.memory_space<semaphore_mem>> -> memref<!tpu.dma_semaphore, #tpu.memory_space<semaphore_mem>>
      tpu.enqueue_indirect_dma source(%dma_start3A_509 : memref<128x16xf32, #tpu.memory_space<vmem>>) target(%dma_start3A_515 : memref<10240x16xf32, #tpu.memory_space<vmem_shared>>) offsets(%dma_start3A_512 : memref<128xi32, #tpu.memory_space<vmem>>) semaphore(%dma_start3A_517 : memref<!tpu.dma_semaphore, #tpu.memory_space<semaphore_mem>>) {add = true}
      %add3A_518 = arith.constant 3 : i32
      %add3A_519 = arith.addi %mul3A_421, %add3A_518 : i32
      %dma_wait3A_520 = arith.constant 3 : i32
      %dma_wait3A_521 = arith.constant 3 : i32
      %dma_wait3A_522 = arith.constant 0 : i32
      %dma_wait3A_523 = arith.constant 0 : i32
      %dma_wait3A_524 = tpu.memref_slice %arg9[%dma_wait3A_520, %dma_wait3A_522, %dma_wait3A_523] : memref<13x128x16xf32, #tpu.memory_space<vmem>> -> memref<1x128x16xf32, #tpu.memory_space<vmem>>
      %dma_wait3A_525 = tpu.memref_squeeze %dma_wait3A_524 : memref<1x128x16xf32, #tpu.memory_space<vmem>> -> memref<128x16xf32, #tpu.memory_space<vmem>>
      %dma_wait3A_526 = arith.constant 0 : i32
      %dma_wait3A_527 = tpu.memref_slice %arg5[%add3A_519, %dma_wait3A_526] : memref<78x128xi32, #tpu.memory_space<vmem>> -> memref<1x128xi32, #tpu.memory_space<vmem>>
      %dma_wait3A_528 = tpu.memref_squeeze %dma_wait3A_527 : memref<1x128xi32, #tpu.memory_space<vmem>> -> memref<128xi32, #tpu.memory_space<vmem>>
      %dma_wait3A_529 = arith.constant 0 : i32
      %dma_wait3A_530 = arith.constant 0 : i32
      %dma_wait3A_531 = tpu.memref_slice %arg3[%dma_wait3A_529, %dma_wait3A_530] : memref<10240x16xf32, #tpu.memory_space<hbm>> -> memref<10240x16xf32, #tpu.memory_space<hbm>>
      %dma_wait3A_532 = tpu.memref_slice %arg12[%dma_wait3A_521] : memref<13x!tpu.dma_semaphore, #tpu.memory_space<semaphore_mem>> -> memref<1x!tpu.dma_semaphore, #tpu.memory_space<semaphore_mem>>
      %dma_wait3A_533 = tpu.memref_squeeze %dma_wait3A_532 : memref<1x!tpu.dma_semaphore, #tpu.memory_space<semaphore_mem>> -> memref<!tpu.dma_semaphore, #tpu.memory_space<semaphore_mem>>
      tpu.wait_indirect_dma semaphore(%dma_wait3A_533 : memref<!tpu.dma_semaphore, #tpu.memory_space<semaphore_mem>>) src(%dma_wait3A_531 : memref<10240x16xf32, #tpu.memory_space<hbm>>) dst(%dma_wait3A_525 : memref<128x16xf32, #tpu.memory_space<vmem>>)
      %add3A_534 = arith.constant 3 : i32
      %add3A_535 = arith.addi %mul3A_421, %add3A_534 : i32
      %dma_start3A_536 = arith.constant 3 : i32
      %dma_start3A_537 = arith.constant 3 : i32
      %dma_start3A_538 = arith.constant 0 : i32
      %dma_start3A_539 = arith.constant 0 : i32
      %dma_start3A_540 = tpu.memref_slice %arg9[%dma_start3A_536, %dma_start3A_538, %dma_start3A_539] : memref<13x128x16xf32, #tpu.memory_space<vmem>> -> memref<1x128x16xf32, #tpu.memory_space<vmem>>
      %dma_start3A_541 = tpu.memref_squeeze %dma_start3A_540 : memref<1x128x16xf32, #tpu.memory_space<vmem>> -> memref<128x16xf32, #tpu.memory_space<vmem>>
      %dma_start3A_542 = arith.constant 0 : i32
      %dma_start3A_543 = tpu.memref_slice %arg6[%add3A_535, %dma_start3A_542] : memref<78x128xi32, #tpu.memory_space<vmem>> -> memref<1x128xi32, #tpu.memory_space<vmem>>
      %dma_start3A_544 = tpu.memref_squeeze %dma_start3A_543 : memref<1x128xi32, #tpu.memory_space<vmem>> -> memref<128xi32, #tpu.memory_space<vmem>>
      %dma_start3A_545 = arith.constant 0 : i32
      %dma_start3A_546 = arith.constant 0 : i32
      %dma_start3A_547 = tpu.memref_slice %arg11[%dma_start3A_545, %dma_start3A_546] : memref<10240x16xf32, #tpu.memory_space<vmem_shared>> -> memref<10240x16xf32, #tpu.memory_space<vmem_shared>>
      %dma_start3A_548 = tpu.memref_slice %arg13[%dma_start3A_537] : memref<13x!tpu.dma_semaphore, #tpu.memory_space<semaphore_mem>> -> memref<1x!tpu.dma_semaphore, #tpu.memory_space<semaphore_mem>>
      %dma_start3A_549 = tpu.memref_squeeze %dma_start3A_548 : memref<1x!tpu.dma_semaphore, #tpu.memory_space<semaphore_mem>> -> memref<!tpu.dma_semaphore, #tpu.memory_space<semaphore_mem>>
      tpu.enqueue_indirect_dma source(%dma_start3A_541 : memref<128x16xf32, #tpu.memory_space<vmem>>) target(%dma_start3A_547 : memref<10240x16xf32, #tpu.memory_space<vmem_shared>>) offsets(%dma_start3A_544 : memref<128xi32, #tpu.memory_space<vmem>>) semaphore(%dma_start3A_549 : memref<!tpu.dma_semaphore, #tpu.memory_space<semaphore_mem>>) {add = true}
      %add3A_550 = arith.constant 4 : i32
      %add3A_551 = arith.addi %mul3A_421, %add3A_550 : i32
      %dma_wait3A_552 = arith.constant 4 : i32
      %dma_wait3A_553 = arith.constant 4 : i32
      %dma_wait3A_554 = arith.constant 0 : i32
      %dma_wait3A_555 = arith.constant 0 : i32
      %dma_wait3A_556 = tpu.memref_slice %arg9[%dma_wait3A_552, %dma_wait3A_554, %dma_wait3A_555] : memref<13x128x16xf32, #tpu.memory_space<vmem>> -> memref<1x128x16xf32, #tpu.memory_space<vmem>>
      %dma_wait3A_557 = tpu.memref_squeeze %dma_wait3A_556 : memref<1x128x16xf32, #tpu.memory_space<vmem>> -> memref<128x16xf32, #tpu.memory_space<vmem>>
      %dma_wait3A_558 = arith.constant 0 : i32
      %dma_wait3A_559 = tpu.memref_slice %arg5[%add3A_551, %dma_wait3A_558] : memref<78x128xi32, #tpu.memory_space<vmem>> -> memref<1x128xi32, #tpu.memory_space<vmem>>
      %dma_wait3A_560 = tpu.memref_squeeze %dma_wait3A_559 : memref<1x128xi32, #tpu.memory_space<vmem>> -> memref<128xi32, #tpu.memory_space<vmem>>
      %dma_wait3A_561 = arith.constant 0 : i32
      %dma_wait3A_562 = arith.constant 0 : i32
      %dma_wait3A_563 = tpu.memref_slice %arg3[%dma_wait3A_561, %dma_wait3A_562] : memref<10240x16xf32, #tpu.memory_space<hbm>> -> memref<10240x16xf32, #tpu.memory_space<hbm>>
      %dma_wait3A_564 = tpu.memref_slice %arg12[%dma_wait3A_553] : memref<13x!tpu.dma_semaphore, #tpu.memory_space<semaphore_mem>> -> memref<1x!tpu.dma_semaphore, #tpu.memory_space<semaphore_mem>>
      %dma_wait3A_565 = tpu.memref_squeeze %dma_wait3A_564 : memref<1x!tpu.dma_semaphore, #tpu.memory_space<semaphore_mem>> -> memref<!tpu.dma_semaphore, #tpu.memory_space<semaphore_mem>>
      tpu.wait_indirect_dma semaphore(%dma_wait3A_565 : memref<!tpu.dma_semaphore, #tpu.memory_space<semaphore_mem>>) src(%dma_wait3A_563 : memref<10240x16xf32, #tpu.memory_space<hbm>>) dst(%dma_wait3A_557 : memref<128x16xf32, #tpu.memory_space<vmem>>)
      %add3A_566 = arith.constant 4 : i32
      %add3A_567 = arith.addi %mul3A_421, %add3A_566 : i32
      %dma_start3A_568 = arith.constant 4 : i32
      %dma_start3A_569 = arith.constant 4 : i32
      %dma_start3A_570 = arith.constant 0 : i32
      %dma_start3A_571 = arith.constant 0 : i32
      %dma_start3A_572 = tpu.memref_slice %arg9[%dma_start3A_568, %dma_start3A_570, %dma_start3A_571] : memref<13x128x16xf32, #tpu.memory_space<vmem>> -> memref<1x128x16xf32, #tpu.memory_space<vmem>>
      %dma_start3A_573 = tpu.memref_squeeze %dma_start3A_572 : memref<1x128x16xf32, #tpu.memory_space<vmem>> -> memref<128x16xf32, #tpu.memory_space<vmem>>
      %dma_start3A_574 = arith.constant 0 : i32
      %dma_start3A_575 = tpu.memref_slice %arg6[%add3A_567, %dma_start3A_574] : memref<78x128xi32, #tpu.memory_space<vmem>> -> memref<1x128xi32, #tpu.memory_space<vmem>>
      %dma_start3A_576 = tpu.memref_squeeze %dma_start3A_575 : memref<1x128xi32, #tpu.memory_space<vmem>> -> memref<128xi32, #tpu.memory_space<vmem>>
      %dma_start3A_577 = arith.constant 0 : i32
      %dma_start3A_578 = arith.constant 0 : i32
      %dma_start3A_579 = tpu.memref_slice %arg11[%dma_start3A_577, %dma_start3A_578] : memref<10240x16xf32, #tpu.memory_space<vmem_shared>> -> memref<10240x16xf32, #tpu.memory_space<vmem_shared>>
      %dma_start3A_580 = tpu.memref_slice %arg13[%dma_start3A_569] : memref<13x!tpu.dma_semaphore, #tpu.memory_space<semaphore_mem>> -> memref<1x!tpu.dma_semaphore, #tpu.memory_space<semaphore_mem>>
      %dma_start3A_581 = tpu.memref_squeeze %dma_start3A_580 : memref<1x!tpu.dma_semaphore, #tpu.memory_space<semaphore_mem>> -> memref<!tpu.dma_semaphore, #tpu.memory_space<semaphore_mem>>
      tpu.enqueue_indirect_dma source(%dma_start3A_573 : memref<128x16xf32, #tpu.memory_space<vmem>>) target(%dma_start3A_579 : memref<10240x16xf32, #tpu.memory_space<vmem_shared>>) offsets(%dma_start3A_576 : memref<128xi32, #tpu.memory_space<vmem>>) semaphore(%dma_start3A_581 : memref<!tpu.dma_semaphore, #tpu.memory_space<semaphore_mem>>) {add = true}
      %add3A_582 = arith.constant 5 : i32
      %add3A_583 = arith.addi %mul3A_421, %add3A_582 : i32
      %dma_wait3A_584 = arith.constant 5 : i32
      %dma_wait3A_585 = arith.constant 5 : i32
      %dma_wait3A_586 = arith.constant 0 : i32
      %dma_wait3A_587 = arith.constant 0 : i32
      %dma_wait3A_588 = tpu.memref_slice %arg9[%dma_wait3A_584, %dma_wait3A_586, %dma_wait3A_587] : memref<13x128x16xf32, #tpu.memory_space<vmem>> -> memref<1x128x16xf32, #tpu.memory_space<vmem>>
      %dma_wait3A_589 = tpu.memref_squeeze %dma_wait3A_588 : memref<1x128x16xf32, #tpu.memory_space<vmem>> -> memref<128x16xf32, #tpu.memory_space<vmem>>
      %dma_wait3A_590 = arith.constant 0 : i32
      %dma_wait3A_591 = tpu.memref_slice %arg5[%add3A_583, %dma_wait3A_590] : memref<78x128xi32, #tpu.memory_space<vmem>> -> memref<1x128xi32, #tpu.memory_space<vmem>>
      %dma_wait3A_592 = tpu.memref_squeeze %dma_wait3A_591 : memref<1x128xi32, #tpu.memory_space<vmem>> -> memref<128xi32, #tpu.memory_space<vmem>>
      %dma_wait3A_593 = arith.constant 0 : i32
      %dma_wait3A_594 = arith.constant 0 : i32
      %dma_wait3A_595 = tpu.memref_slice %arg3[%dma_wait3A_593, %dma_wait3A_594] : memref<10240x16xf32, #tpu.memory_space<hbm>> -> memref<10240x16xf32, #tpu.memory_space<hbm>>
      %dma_wait3A_596 = tpu.memref_slice %arg12[%dma_wait3A_585] : memref<13x!tpu.dma_semaphore, #tpu.memory_space<semaphore_mem>> -> memref<1x!tpu.dma_semaphore, #tpu.memory_space<semaphore_mem>>
      %dma_wait3A_597 = tpu.memref_squeeze %dma_wait3A_596 : memref<1x!tpu.dma_semaphore, #tpu.memory_space<semaphore_mem>> -> memref<!tpu.dma_semaphore, #tpu.memory_space<semaphore_mem>>
      tpu.wait_indirect_dma semaphore(%dma_wait3A_597 : memref<!tpu.dma_semaphore, #tpu.memory_space<semaphore_mem>>) src(%dma_wait3A_595 : memref<10240x16xf32, #tpu.memory_space<hbm>>) dst(%dma_wait3A_589 : memref<128x16xf32, #tpu.memory_space<vmem>>)
      %add3A_598 = arith.constant 5 : i32
      %add3A_599 = arith.addi %mul3A_421, %add3A_598 : i32
      %dma_start3A_600 = arith.constant 5 : i32
      %dma_start3A_601 = arith.constant 5 : i32
      %dma_start3A_602 = arith.constant 0 : i32
      %dma_start3A_603 = arith.constant 0 : i32
      %dma_start3A_604 = tpu.memref_slice %arg9[%dma_start3A_600, %dma_start3A_602, %dma_start3A_603] : memref<13x128x16xf32, #tpu.memory_space<vmem>> -> memref<1x128x16xf32, #tpu.memory_space<vmem>>
      %dma_start3A_605 = tpu.memref_squeeze %dma_start3A_604 : memref<1x128x16xf32, #tpu.memory_space<vmem>> -> memref<128x16xf32, #tpu.memory_space<vmem>>
      %dma_start3A_606 = arith.constant 0 : i32
      %dma_start3A_607 = tpu.memref_slice %arg6[%add3A_599, %dma_start3A_606] : memref<78x128xi32, #tpu.memory_space<vmem>> -> memref<1x128xi32, #tpu.memory_space<vmem>>
      %dma_start3A_608 = tpu.memref_squeeze %dma_start3A_607 : memref<1x128xi32, #tpu.memory_space<vmem>> -> memref<128xi32, #tpu.memory_space<vmem>>
      %dma_start3A_609 = arith.constant 0 : i32
      %dma_start3A_610 = arith.constant 0 : i32
      %dma_start3A_611 = tpu.memref_slice %arg11[%dma_start3A_609, %dma_start3A_610] : memref<10240x16xf32, #tpu.memory_space<vmem_shared>> -> memref<10240x16xf32, #tpu.memory_space<vmem_shared>>
      %dma_start3A_612 = tpu.memref_slice %arg13[%dma_start3A_601] : memref<13x!tpu.dma_semaphore, #tpu.memory_space<semaphore_mem>> -> memref<1x!tpu.dma_semaphore, #tpu.memory_space<semaphore_mem>>
      %dma_start3A_613 = tpu.memref_squeeze %dma_start3A_612 : memref<1x!tpu.dma_semaphore, #tpu.memory_space<semaphore_mem>> -> memref<!tpu.dma_semaphore, #tpu.memory_space<semaphore_mem>>
      tpu.enqueue_indirect_dma source(%dma_start3A_605 : memref<128x16xf32, #tpu.memory_space<vmem>>) target(%dma_start3A_611 : memref<10240x16xf32, #tpu.memory_space<vmem_shared>>) offsets(%dma_start3A_608 : memref<128xi32, #tpu.memory_space<vmem>>) semaphore(%dma_start3A_613 : memref<!tpu.dma_semaphore, #tpu.memory_space<semaphore_mem>>) {add = true}
      %add3A_614 = arith.constant 6 : i32
      %add3A_615 = arith.addi %mul3A_421, %add3A_614 : i32
      %dma_wait3A_616 = arith.constant 6 : i32
      %dma_wait3A_617 = arith.constant 6 : i32
      %dma_wait3A_618 = arith.constant 0 : i32
      %dma_wait3A_619 = arith.constant 0 : i32
      %dma_wait3A_620 = tpu.memref_slice %arg9[%dma_wait3A_616, %dma_wait3A_618, %dma_wait3A_619] : memref<13x128x16xf32, #tpu.memory_space<vmem>> -> memref<1x128x16xf32, #tpu.memory_space<vmem>>
      %dma_wait3A_621 = tpu.memref_squeeze %dma_wait3A_620 : memref<1x128x16xf32, #tpu.memory_space<vmem>> -> memref<128x16xf32, #tpu.memory_space<vmem>>
      %dma_wait3A_622 = arith.constant 0 : i32
      %dma_wait3A_623 = tpu.memref_slice %arg5[%add3A_615, %dma_wait3A_622] : memref<78x128xi32, #tpu.memory_space<vmem>> -> memref<1x128xi32, #tpu.memory_space<vmem>>
      %dma_wait3A_624 = tpu.memref_squeeze %dma_wait3A_623 : memref<1x128xi32, #tpu.memory_space<vmem>> -> memref<128xi32, #tpu.memory_space<vmem>>
      %dma_wait3A_625 = arith.constant 0 : i32
      %dma_wait3A_626 = arith.constant 0 : i32
      %dma_wait3A_627 = tpu.memref_slice %arg3[%dma_wait3A_625, %dma_wait3A_626] : memref<10240x16xf32, #tpu.memory_space<hbm>> -> memref<10240x16xf32, #tpu.memory_space<hbm>>
      %dma_wait3A_628 = tpu.memref_slice %arg12[%dma_wait3A_617] : memref<13x!tpu.dma_semaphore, #tpu.memory_space<semaphore_mem>> -> memref<1x!tpu.dma_semaphore, #tpu.memory_space<semaphore_mem>>
      %dma_wait3A_629 = tpu.memref_squeeze %dma_wait3A_628 : memref<1x!tpu.dma_semaphore, #tpu.memory_space<semaphore_mem>> -> memref<!tpu.dma_semaphore, #tpu.memory_space<semaphore_mem>>
      tpu.wait_indirect_dma semaphore(%dma_wait3A_629 : memref<!tpu.dma_semaphore, #tpu.memory_space<semaphore_mem>>) src(%dma_wait3A_627 : memref<10240x16xf32, #tpu.memory_space<hbm>>) dst(%dma_wait3A_621 : memref<128x16xf32, #tpu.memory_space<vmem>>)
      %add3A_630 = arith.constant 6 : i32
      %add3A_631 = arith.addi %mul3A_421, %add3A_630 : i32
      %dma_start3A_632 = arith.constant 6 : i32
      %dma_start3A_633 = arith.constant 6 : i32
      %dma_start3A_634 = arith.constant 0 : i32
      %dma_start3A_635 = arith.constant 0 : i32
      %dma_start3A_636 = tpu.memref_slice %arg9[%dma_start3A_632, %dma_start3A_634, %dma_start3A_635] : memref<13x128x16xf32, #tpu.memory_space<vmem>> -> memref<1x128x16xf32, #tpu.memory_space<vmem>>
      %dma_start3A_637 = tpu.memref_squeeze %dma_start3A_636 : memref<1x128x16xf32, #tpu.memory_space<vmem>> -> memref<128x16xf32, #tpu.memory_space<vmem>>
      %dma_start3A_638 = arith.constant 0 : i32
      %dma_start3A_639 = tpu.memref_slice %arg6[%add3A_631, %dma_start3A_638] : memref<78x128xi32, #tpu.memory_space<vmem>> -> memref<1x128xi32, #tpu.memory_space<vmem>>
      %dma_start3A_640 = tpu.memref_squeeze %dma_start3A_639 : memref<1x128xi32, #tpu.memory_space<vmem>> -> memref<128xi32, #tpu.memory_space<vmem>>
      %dma_start3A_641 = arith.constant 0 : i32
      %dma_start3A_642 = arith.constant 0 : i32
      %dma_start3A_643 = tpu.memref_slice %arg11[%dma_start3A_641, %dma_start3A_642] : memref<10240x16xf32, #tpu.memory_space<vmem_shared>> -> memref<10240x16xf32, #tpu.memory_space<vmem_shared>>
      %dma_start3A_644 = tpu.memref_slice %arg13[%dma_start3A_633] : memref<13x!tpu.dma_semaphore, #tpu.memory_space<semaphore_mem>> -> memref<1x!tpu.dma_semaphore, #tpu.memory_space<semaphore_mem>>
      %dma_start3A_645 = tpu.memref_squeeze %dma_start3A_644 : memref<1x!tpu.dma_semaphore, #tpu.memory_space<semaphore_mem>> -> memref<!tpu.dma_semaphore, #tpu.memory_space<semaphore_mem>>
      tpu.enqueue_indirect_dma source(%dma_start3A_637 : memref<128x16xf32, #tpu.memory_space<vmem>>) target(%dma_start3A_643 : memref<10240x16xf32, #tpu.memory_space<vmem_shared>>) offsets(%dma_start3A_640 : memref<128xi32, #tpu.memory_space<vmem>>) semaphore(%dma_start3A_645 : memref<!tpu.dma_semaphore, #tpu.memory_space<semaphore_mem>>) {add = true}
      %add3A_646 = arith.constant 7 : i32
      %add3A_647 = arith.addi %mul3A_421, %add3A_646 : i32
      %dma_wait3A_648 = arith.constant 7 : i32
      %dma_wait3A_649 = arith.constant 7 : i32
      %dma_wait3A_650 = arith.constant 0 : i32
      %dma_wait3A_651 = arith.constant 0 : i32
      %dma_wait3A_652 = tpu.memref_slice %arg9[%dma_wait3A_648, %dma_wait3A_650, %dma_wait3A_651] : memref<13x128x16xf32, #tpu.memory_space<vmem>> -> memref<1x128x16xf32, #tpu.memory_space<vmem>>
      %dma_wait3A_653 = tpu.memref_squeeze %dma_wait3A_652 : memref<1x128x16xf32, #tpu.memory_space<vmem>> -> memref<128x16xf32, #tpu.memory_space<vmem>>
      %dma_wait3A_654 = arith.constant 0 : i32
      %dma_wait3A_655 = tpu.memref_slice %arg5[%add3A_647, %dma_wait3A_654] : memref<78x128xi32, #tpu.memory_space<vmem>> -> memref<1x128xi32, #tpu.memory_space<vmem>>
      %dma_wait3A_656 = tpu.memref_squeeze %dma_wait3A_655 : memref<1x128xi32, #tpu.memory_space<vmem>> -> memref<128xi32, #tpu.memory_space<vmem>>
      %dma_wait3A_657 = arith.constant 0 : i32
      %dma_wait3A_658 = arith.constant 0 : i32
      %dma_wait3A_659 = tpu.memref_slice %arg3[%dma_wait3A_657, %dma_wait3A_658] : memref<10240x16xf32, #tpu.memory_space<hbm>> -> memref<10240x16xf32, #tpu.memory_space<hbm>>
      %dma_wait3A_660 = tpu.memref_slice %arg12[%dma_wait3A_649] : memref<13x!tpu.dma_semaphore, #tpu.memory_space<semaphore_mem>> -> memref<1x!tpu.dma_semaphore, #tpu.memory_space<semaphore_mem>>
      %dma_wait3A_661 = tpu.memref_squeeze %dma_wait3A_660 : memref<1x!tpu.dma_semaphore, #tpu.memory_space<semaphore_mem>> -> memref<!tpu.dma_semaphore, #tpu.memory_space<semaphore_mem>>
      tpu.wait_indirect_dma semaphore(%dma_wait3A_661 : memref<!tpu.dma_semaphore, #tpu.memory_space<semaphore_mem>>) src(%dma_wait3A_659 : memref<10240x16xf32, #tpu.memory_space<hbm>>) dst(%dma_wait3A_653 : memref<128x16xf32, #tpu.memory_space<vmem>>)
      %add3A_662 = arith.constant 7 : i32
      %add3A_663 = arith.addi %mul3A_421, %add3A_662 : i32
      %dma_start3A_664 = arith.constant 7 : i32
      %dma_start3A_665 = arith.constant 7 : i32
      %dma_start3A_666 = arith.constant 0 : i32
      %dma_start3A_667 = arith.constant 0 : i32
      %dma_start3A_668 = tpu.memref_slice %arg9[%dma_start3A_664, %dma_start3A_666, %dma_start3A_667] : memref<13x128x16xf32, #tpu.memory_space<vmem>> -> memref<1x128x16xf32, #tpu.memory_space<vmem>>
      %dma_start3A_669 = tpu.memref_squeeze %dma_start3A_668 : memref<1x128x16xf32, #tpu.memory_space<vmem>> -> memref<128x16xf32, #tpu.memory_space<vmem>>
      %dma_start3A_670 = arith.constant 0 : i32
      %dma_start3A_671 = tpu.memref_slice %arg6[%add3A_663, %dma_start3A_670] : memref<78x128xi32, #tpu.memory_space<vmem>> -> memref<1x128xi32, #tpu.memory_space<vmem>>
      %dma_start3A_672 = tpu.memref_squeeze %dma_start3A_671 : memref<1x128xi32, #tpu.memory_space<vmem>> -> memref<128xi32, #tpu.memory_space<vmem>>
      %dma_start3A_673 = arith.constant 0 : i32
      %dma_start3A_674 = arith.constant 0 : i32
      %dma_start3A_675 = tpu.memref_slice %arg11[%dma_start3A_673, %dma_start3A_674] : memref<10240x16xf32, #tpu.memory_space<vmem_shared>> -> memref<10240x16xf32, #tpu.memory_space<vmem_shared>>
      %dma_start3A_676 = tpu.memref_slice %arg13[%dma_start3A_665] : memref<13x!tpu.dma_semaphore, #tpu.memory_space<semaphore_mem>> -> memref<1x!tpu.dma_semaphore, #tpu.memory_space<semaphore_mem>>
      %dma_start3A_677 = tpu.memref_squeeze %dma_start3A_676 : memref<1x!tpu.dma_semaphore, #tpu.memory_space<semaphore_mem>> -> memref<!tpu.dma_semaphore, #tpu.memory_space<semaphore_mem>>
      tpu.enqueue_indirect_dma source(%dma_start3A_669 : memref<128x16xf32, #tpu.memory_space<vmem>>) target(%dma_start3A_675 : memref<10240x16xf32, #tpu.memory_space<vmem_shared>>) offsets(%dma_start3A_672 : memref<128xi32, #tpu.memory_space<vmem>>) semaphore(%dma_start3A_677 : memref<!tpu.dma_semaphore, #tpu.memory_space<semaphore_mem>>) {add = true}
      %add3A_678 = arith.constant 8 : i32
      %add3A_679 = arith.addi %mul3A_421, %add3A_678 : i32
      %dma_wait3A_680 = arith.constant 8 : i32
      %dma_wait3A_681 = arith.constant 8 : i32
      %dma_wait3A_682 = arith.constant 0 : i32
      %dma_wait3A_683 = arith.constant 0 : i32
      %dma_wait3A_684 = tpu.memref_slice %arg9[%dma_wait3A_680, %dma_wait3A_682, %dma_wait3A_683] : memref<13x128x16xf32, #tpu.memory_space<vmem>> -> memref<1x128x16xf32, #tpu.memory_space<vmem>>
      %dma_wait3A_685 = tpu.memref_squeeze %dma_wait3A_684 : memref<1x128x16xf32, #tpu.memory_space<vmem>> -> memref<128x16xf32, #tpu.memory_space<vmem>>
      %dma_wait3A_686 = arith.constant 0 : i32
      %dma_wait3A_687 = tpu.memref_slice %arg5[%add3A_679, %dma_wait3A_686] : memref<78x128xi32, #tpu.memory_space<vmem>> -> memref<1x128xi32, #tpu.memory_space<vmem>>
      %dma_wait3A_688 = tpu.memref_squeeze %dma_wait3A_687 : memref<1x128xi32, #tpu.memory_space<vmem>> -> memref<128xi32, #tpu.memory_space<vmem>>
      %dma_wait3A_689 = arith.constant 0 : i32
      %dma_wait3A_690 = arith.constant 0 : i32
      %dma_wait3A_691 = tpu.memref_slice %arg3[%dma_wait3A_689, %dma_wait3A_690] : memref<10240x16xf32, #tpu.memory_space<hbm>> -> memref<10240x16xf32, #tpu.memory_space<hbm>>
      %dma_wait3A_692 = tpu.memref_slice %arg12[%dma_wait3A_681] : memref<13x!tpu.dma_semaphore, #tpu.memory_space<semaphore_mem>> -> memref<1x!tpu.dma_semaphore, #tpu.memory_space<semaphore_mem>>
      %dma_wait3A_693 = tpu.memref_squeeze %dma_wait3A_692 : memref<1x!tpu.dma_semaphore, #tpu.memory_space<semaphore_mem>> -> memref<!tpu.dma_semaphore, #tpu.memory_space<semaphore_mem>>
      tpu.wait_indirect_dma semaphore(%dma_wait3A_693 : memref<!tpu.dma_semaphore, #tpu.memory_space<semaphore_mem>>) src(%dma_wait3A_691 : memref<10240x16xf32, #tpu.memory_space<hbm>>) dst(%dma_wait3A_685 : memref<128x16xf32, #tpu.memory_space<vmem>>)
      %add3A_694 = arith.constant 8 : i32
      %add3A_695 = arith.addi %mul3A_421, %add3A_694 : i32
      %dma_start3A_696 = arith.constant 8 : i32
      %dma_start3A_697 = arith.constant 8 : i32
      %dma_start3A_698 = arith.constant 0 : i32
      %dma_start3A_699 = arith.constant 0 : i32
      %dma_start3A_700 = tpu.memref_slice %arg9[%dma_start3A_696, %dma_start3A_698, %dma_start3A_699] : memref<13x128x16xf32, #tpu.memory_space<vmem>> -> memref<1x128x16xf32, #tpu.memory_space<vmem>>
      %dma_start3A_701 = tpu.memref_squeeze %dma_start3A_700 : memref<1x128x16xf32, #tpu.memory_space<vmem>> -> memref<128x16xf32, #tpu.memory_space<vmem>>
      %dma_start3A_702 = arith.constant 0 : i32
      %dma_start3A_703 = tpu.memref_slice %arg6[%add3A_695, %dma_start3A_702] : memref<78x128xi32, #tpu.memory_space<vmem>> -> memref<1x128xi32, #tpu.memory_space<vmem>>
      %dma_start3A_704 = tpu.memref_squeeze %dma_start3A_703 : memref<1x128xi32, #tpu.memory_space<vmem>> -> memref<128xi32, #tpu.memory_space<vmem>>
      %dma_start3A_705 = arith.constant 0 : i32
      %dma_start3A_706 = arith.constant 0 : i32
      %dma_start3A_707 = tpu.memref_slice %arg11[%dma_start3A_705, %dma_start3A_706] : memref<10240x16xf32, #tpu.memory_space<vmem_shared>> -> memref<10240x16xf32, #tpu.memory_space<vmem_shared>>
      %dma_start3A_708 = tpu.memref_slice %arg13[%dma_start3A_697] : memref<13x!tpu.dma_semaphore, #tpu.memory_space<semaphore_mem>> -> memref<1x!tpu.dma_semaphore, #tpu.memory_space<semaphore_mem>>
      %dma_start3A_709 = tpu.memref_squeeze %dma_start3A_708 : memref<1x!tpu.dma_semaphore, #tpu.memory_space<semaphore_mem>> -> memref<!tpu.dma_semaphore, #tpu.memory_space<semaphore_mem>>
      tpu.enqueue_indirect_dma source(%dma_start3A_701 : memref<128x16xf32, #tpu.memory_space<vmem>>) target(%dma_start3A_707 : memref<10240x16xf32, #tpu.memory_space<vmem_shared>>) offsets(%dma_start3A_704 : memref<128xi32, #tpu.memory_space<vmem>>) semaphore(%dma_start3A_709 : memref<!tpu.dma_semaphore, #tpu.memory_space<semaphore_mem>>) {add = true}
      %add3A_710 = arith.constant 9 : i32
      %add3A_711 = arith.addi %mul3A_421, %add3A_710 : i32
      %dma_wait3A_712 = arith.constant 9 : i32
      %dma_wait3A_713 = arith.constant 9 : i32
      %dma_wait3A_714 = arith.constant 0 : i32
      %dma_wait3A_715 = arith.constant 0 : i32
      %dma_wait3A_716 = tpu.memref_slice %arg9[%dma_wait3A_712, %dma_wait3A_714, %dma_wait3A_715] : memref<13x128x16xf32, #tpu.memory_space<vmem>> -> memref<1x128x16xf32, #tpu.memory_space<vmem>>
      %dma_wait3A_717 = tpu.memref_squeeze %dma_wait3A_716 : memref<1x128x16xf32, #tpu.memory_space<vmem>> -> memref<128x16xf32, #tpu.memory_space<vmem>>
      %dma_wait3A_718 = arith.constant 0 : i32
      %dma_wait3A_719 = tpu.memref_slice %arg5[%add3A_711, %dma_wait3A_718] : memref<78x128xi32, #tpu.memory_space<vmem>> -> memref<1x128xi32, #tpu.memory_space<vmem>>
      %dma_wait3A_720 = tpu.memref_squeeze %dma_wait3A_719 : memref<1x128xi32, #tpu.memory_space<vmem>> -> memref<128xi32, #tpu.memory_space<vmem>>
      %dma_wait3A_721 = arith.constant 0 : i32
      %dma_wait3A_722 = arith.constant 0 : i32
      %dma_wait3A_723 = tpu.memref_slice %arg3[%dma_wait3A_721, %dma_wait3A_722] : memref<10240x16xf32, #tpu.memory_space<hbm>> -> memref<10240x16xf32, #tpu.memory_space<hbm>>
      %dma_wait3A_724 = tpu.memref_slice %arg12[%dma_wait3A_713] : memref<13x!tpu.dma_semaphore, #tpu.memory_space<semaphore_mem>> -> memref<1x!tpu.dma_semaphore, #tpu.memory_space<semaphore_mem>>
      %dma_wait3A_725 = tpu.memref_squeeze %dma_wait3A_724 : memref<1x!tpu.dma_semaphore, #tpu.memory_space<semaphore_mem>> -> memref<!tpu.dma_semaphore, #tpu.memory_space<semaphore_mem>>
      tpu.wait_indirect_dma semaphore(%dma_wait3A_725 : memref<!tpu.dma_semaphore, #tpu.memory_space<semaphore_mem>>) src(%dma_wait3A_723 : memref<10240x16xf32, #tpu.memory_space<hbm>>) dst(%dma_wait3A_717 : memref<128x16xf32, #tpu.memory_space<vmem>>)
      %add3A_726 = arith.constant 9 : i32
      %add3A_727 = arith.addi %mul3A_421, %add3A_726 : i32
      %dma_start3A_728 = arith.constant 9 : i32
      %dma_start3A_729 = arith.constant 9 : i32
      %dma_start3A_730 = arith.constant 0 : i32
      %dma_start3A_731 = arith.constant 0 : i32
      %dma_start3A_732 = tpu.memref_slice %arg9[%dma_start3A_728, %dma_start3A_730, %dma_start3A_731] : memref<13x128x16xf32, #tpu.memory_space<vmem>> -> memref<1x128x16xf32, #tpu.memory_space<vmem>>
      %dma_start3A_733 = tpu.memref_squeeze %dma_start3A_732 : memref<1x128x16xf32, #tpu.memory_space<vmem>> -> memref<128x16xf32, #tpu.memory_space<vmem>>
      %dma_start3A_734 = arith.constant 0 : i32
      %dma_start3A_735 = tpu.memref_slice %arg6[%add3A_727, %dma_start3A_734] : memref<78x128xi32, #tpu.memory_space<vmem>> -> memref<1x128xi32, #tpu.memory_space<vmem>>
      %dma_start3A_736 = tpu.memref_squeeze %dma_start3A_735 : memref<1x128xi32, #tpu.memory_space<vmem>> -> memref<128xi32, #tpu.memory_space<vmem>>
      %dma_start3A_737 = arith.constant 0 : i32
      %dma_start3A_738 = arith.constant 0 : i32
      %dma_start3A_739 = tpu.memref_slice %arg11[%dma_start3A_737, %dma_start3A_738] : memref<10240x16xf32, #tpu.memory_space<vmem_shared>> -> memref<10240x16xf32, #tpu.memory_space<vmem_shared>>
      %dma_start3A_740 = tpu.memref_slice %arg13[%dma_start3A_729] : memref<13x!tpu.dma_semaphore, #tpu.memory_space<semaphore_mem>> -> memref<1x!tpu.dma_semaphore, #tpu.memory_space<semaphore_mem>>
      %dma_start3A_741 = tpu.memref_squeeze %dma_start3A_740 : memref<1x!tpu.dma_semaphore, #tpu.memory_space<semaphore_mem>> -> memref<!tpu.dma_semaphore, #tpu.memory_space<semaphore_mem>>
      tpu.enqueue_indirect_dma source(%dma_start3A_733 : memref<128x16xf32, #tpu.memory_space<vmem>>) target(%dma_start3A_739 : memref<10240x16xf32, #tpu.memory_space<vmem_shared>>) offsets(%dma_start3A_736 : memref<128xi32, #tpu.memory_space<vmem>>) semaphore(%dma_start3A_741 : memref<!tpu.dma_semaphore, #tpu.memory_space<semaphore_mem>>) {add = true}
      %add3A_742 = arith.constant 10 : i32
      %add3A_743 = arith.addi %mul3A_421, %add3A_742 : i32
      %dma_wait3A_744 = arith.constant 10 : i32
      %dma_wait3A_745 = arith.constant 10 : i32
      %dma_wait3A_746 = arith.constant 0 : i32
      %dma_wait3A_747 = arith.constant 0 : i32
      %dma_wait3A_748 = tpu.memref_slice %arg9[%dma_wait3A_744, %dma_wait3A_746, %dma_wait3A_747] : memref<13x128x16xf32, #tpu.memory_space<vmem>> -> memref<1x128x16xf32, #tpu.memory_space<vmem>>
      %dma_wait3A_749 = tpu.memref_squeeze %dma_wait3A_748 : memref<1x128x16xf32, #tpu.memory_space<vmem>> -> memref<128x16xf32, #tpu.memory_space<vmem>>
      %dma_wait3A_750 = arith.constant 0 : i32
      %dma_wait3A_751 = tpu.memref_slice %arg5[%add3A_743, %dma_wait3A_750] : memref<78x128xi32, #tpu.memory_space<vmem>> -> memref<1x128xi32, #tpu.memory_space<vmem>>
      %dma_wait3A_752 = tpu.memref_squeeze %dma_wait3A_751 : memref<1x128xi32, #tpu.memory_space<vmem>> -> memref<128xi32, #tpu.memory_space<vmem>>
      %dma_wait3A_753 = arith.constant 0 : i32
      %dma_wait3A_754 = arith.constant 0 : i32
      %dma_wait3A_755 = tpu.memref_slice %arg3[%dma_wait3A_753, %dma_wait3A_754] : memref<10240x16xf32, #tpu.memory_space<hbm>> -> memref<10240x16xf32, #tpu.memory_space<hbm>>
      %dma_wait3A_756 = tpu.memref_slice %arg12[%dma_wait3A_745] : memref<13x!tpu.dma_semaphore, #tpu.memory_space<semaphore_mem>> -> memref<1x!tpu.dma_semaphore, #tpu.memory_space<semaphore_mem>>
      %dma_wait3A_757 = tpu.memref_squeeze %dma_wait3A_756 : memref<1x!tpu.dma_semaphore, #tpu.memory_space<semaphore_mem>> -> memref<!tpu.dma_semaphore, #tpu.memory_space<semaphore_mem>>
      tpu.wait_indirect_dma semaphore(%dma_wait3A_757 : memref<!tpu.dma_semaphore, #tpu.memory_space<semaphore_mem>>) src(%dma_wait3A_755 : memref<10240x16xf32, #tpu.memory_space<hbm>>) dst(%dma_wait3A_749 : memref<128x16xf32, #tpu.memory_space<vmem>>)
      %add3A_758 = arith.constant 10 : i32
      %add3A_759 = arith.addi %mul3A_421, %add3A_758 : i32
      %dma_start3A_760 = arith.constant 10 : i32
      %dma_start3A_761 = arith.constant 10 : i32
      %dma_start3A_762 = arith.constant 0 : i32
      %dma_start3A_763 = arith.constant 0 : i32
      %dma_start3A_764 = tpu.memref_slice %arg9[%dma_start3A_760, %dma_start3A_762, %dma_start3A_763] : memref<13x128x16xf32, #tpu.memory_space<vmem>> -> memref<1x128x16xf32, #tpu.memory_space<vmem>>
      %dma_start3A_765 = tpu.memref_squeeze %dma_start3A_764 : memref<1x128x16xf32, #tpu.memory_space<vmem>> -> memref<128x16xf32, #tpu.memory_space<vmem>>
      %dma_start3A_766 = arith.constant 0 : i32
      %dma_start3A_767 = tpu.memref_slice %arg6[%add3A_759, %dma_start3A_766] : memref<78x128xi32, #tpu.memory_space<vmem>> -> memref<1x128xi32, #tpu.memory_space<vmem>>
      %dma_start3A_768 = tpu.memref_squeeze %dma_start3A_767 : memref<1x128xi32, #tpu.memory_space<vmem>> -> memref<128xi32, #tpu.memory_space<vmem>>
      %dma_start3A_769 = arith.constant 0 : i32
      %dma_start3A_770 = arith.constant 0 : i32
      %dma_start3A_771 = tpu.memref_slice %arg11[%dma_start3A_769, %dma_start3A_770] : memref<10240x16xf32, #tpu.memory_space<vmem_shared>> -> memref<10240x16xf32, #tpu.memory_space<vmem_shared>>
      %dma_start3A_772 = tpu.memref_slice %arg13[%dma_start3A_761] : memref<13x!tpu.dma_semaphore, #tpu.memory_space<semaphore_mem>> -> memref<1x!tpu.dma_semaphore, #tpu.memory_space<semaphore_mem>>
      %dma_start3A_773 = tpu.memref_squeeze %dma_start3A_772 : memref<1x!tpu.dma_semaphore, #tpu.memory_space<semaphore_mem>> -> memref<!tpu.dma_semaphore, #tpu.memory_space<semaphore_mem>>
      tpu.enqueue_indirect_dma source(%dma_start3A_765 : memref<128x16xf32, #tpu.memory_space<vmem>>) target(%dma_start3A_771 : memref<10240x16xf32, #tpu.memory_space<vmem_shared>>) offsets(%dma_start3A_768 : memref<128xi32, #tpu.memory_space<vmem>>) semaphore(%dma_start3A_773 : memref<!tpu.dma_semaphore, #tpu.memory_space<semaphore_mem>>) {add = true}
      %add3A_774 = arith.constant 11 : i32
      %add3A_775 = arith.addi %mul3A_421, %add3A_774 : i32
      %dma_wait3A_776 = arith.constant 11 : i32
      %dma_wait3A_777 = arith.constant 11 : i32
      %dma_wait3A_778 = arith.constant 0 : i32
      %dma_wait3A_779 = arith.constant 0 : i32
      %dma_wait3A_780 = tpu.memref_slice %arg9[%dma_wait3A_776, %dma_wait3A_778, %dma_wait3A_779] : memref<13x128x16xf32, #tpu.memory_space<vmem>> -> memref<1x128x16xf32, #tpu.memory_space<vmem>>
      %dma_wait3A_781 = tpu.memref_squeeze %dma_wait3A_780 : memref<1x128x16xf32, #tpu.memory_space<vmem>> -> memref<128x16xf32, #tpu.memory_space<vmem>>
      %dma_wait3A_782 = arith.constant 0 : i32
      %dma_wait3A_783 = tpu.memref_slice %arg5[%add3A_775, %dma_wait3A_782] : memref<78x128xi32, #tpu.memory_space<vmem>> -> memref<1x128xi32, #tpu.memory_space<vmem>>
      %dma_wait3A_784 = tpu.memref_squeeze %dma_wait3A_783 : memref<1x128xi32, #tpu.memory_space<vmem>> -> memref<128xi32, #tpu.memory_space<vmem>>
      %dma_wait3A_785 = arith.constant 0 : i32
      %dma_wait3A_786 = arith.constant 0 : i32
      %dma_wait3A_787 = tpu.memref_slice %arg3[%dma_wait3A_785, %dma_wait3A_786] : memref<10240x16xf32, #tpu.memory_space<hbm>> -> memref<10240x16xf32, #tpu.memory_space<hbm>>
      %dma_wait3A_788 = tpu.memref_slice %arg12[%dma_wait3A_777] : memref<13x!tpu.dma_semaphore, #tpu.memory_space<semaphore_mem>> -> memref<1x!tpu.dma_semaphore, #tpu.memory_space<semaphore_mem>>
      %dma_wait3A_789 = tpu.memref_squeeze %dma_wait3A_788 : memref<1x!tpu.dma_semaphore, #tpu.memory_space<semaphore_mem>> -> memref<!tpu.dma_semaphore, #tpu.memory_space<semaphore_mem>>
      tpu.wait_indirect_dma semaphore(%dma_wait3A_789 : memref<!tpu.dma_semaphore, #tpu.memory_space<semaphore_mem>>) src(%dma_wait3A_787 : memref<10240x16xf32, #tpu.memory_space<hbm>>) dst(%dma_wait3A_781 : memref<128x16xf32, #tpu.memory_space<vmem>>)
      %add3A_790 = arith.constant 11 : i32
      %add3A_791 = arith.addi %mul3A_421, %add3A_790 : i32
      %dma_start3A_792 = arith.constant 11 : i32
      %dma_start3A_793 = arith.constant 11 : i32
      %dma_start3A_794 = arith.constant 0 : i32
      %dma_start3A_795 = arith.constant 0 : i32
      %dma_start3A_796 = tpu.memref_slice %arg9[%dma_start3A_792, %dma_start3A_794, %dma_start3A_795] : memref<13x128x16xf32, #tpu.memory_space<vmem>> -> memref<1x128x16xf32, #tpu.memory_space<vmem>>
      %dma_start3A_797 = tpu.memref_squeeze %dma_start3A_796 : memref<1x128x16xf32, #tpu.memory_space<vmem>> -> memref<128x16xf32, #tpu.memory_space<vmem>>
      %dma_start3A_798 = arith.constant 0 : i32
      %dma_start3A_799 = tpu.memref_slice %arg6[%add3A_791, %dma_start3A_798] : memref<78x128xi32, #tpu.memory_space<vmem>> -> memref<1x128xi32, #tpu.memory_space<vmem>>
      %dma_start3A_800 = tpu.memref_squeeze %dma_start3A_799 : memref<1x128xi32, #tpu.memory_space<vmem>> -> memref<128xi32, #tpu.memory_space<vmem>>
      %dma_start3A_801 = arith.constant 0 : i32
      %dma_start3A_802 = arith.constant 0 : i32
      %dma_start3A_803 = tpu.memref_slice %arg11[%dma_start3A_801, %dma_start3A_802] : memref<10240x16xf32, #tpu.memory_space<vmem_shared>> -> memref<10240x16xf32, #tpu.memory_space<vmem_shared>>
      %dma_start3A_804 = tpu.memref_slice %arg13[%dma_start3A_793] : memref<13x!tpu.dma_semaphore, #tpu.memory_space<semaphore_mem>> -> memref<1x!tpu.dma_semaphore, #tpu.memory_space<semaphore_mem>>
      %dma_start3A_805 = tpu.memref_squeeze %dma_start3A_804 : memref<1x!tpu.dma_semaphore, #tpu.memory_space<semaphore_mem>> -> memref<!tpu.dma_semaphore, #tpu.memory_space<semaphore_mem>>
      tpu.enqueue_indirect_dma source(%dma_start3A_797 : memref<128x16xf32, #tpu.memory_space<vmem>>) target(%dma_start3A_803 : memref<10240x16xf32, #tpu.memory_space<vmem_shared>>) offsets(%dma_start3A_800 : memref<128xi32, #tpu.memory_space<vmem>>) semaphore(%dma_start3A_805 : memref<!tpu.dma_semaphore, #tpu.memory_space<semaphore_mem>>) {add = true}
      %add3A_806 = arith.constant 12 : i32
      %add3A_807 = arith.addi %mul3A_421, %add3A_806 : i32
      %dma_wait3A_808 = arith.constant 12 : i32
      %dma_wait3A_809 = arith.constant 12 : i32
      %dma_wait3A_810 = arith.constant 0 : i32
      %dma_wait3A_811 = arith.constant 0 : i32
      %dma_wait3A_812 = tpu.memref_slice %arg9[%dma_wait3A_808, %dma_wait3A_810, %dma_wait3A_811] : memref<13x128x16xf32, #tpu.memory_space<vmem>> -> memref<1x128x16xf32, #tpu.memory_space<vmem>>
      %dma_wait3A_813 = tpu.memref_squeeze %dma_wait3A_812 : memref<1x128x16xf32, #tpu.memory_space<vmem>> -> memref<128x16xf32, #tpu.memory_space<vmem>>
      %dma_wait3A_814 = arith.constant 0 : i32
      %dma_wait3A_815 = tpu.memref_slice %arg5[%add3A_807, %dma_wait3A_814] : memref<78x128xi32, #tpu.memory_space<vmem>> -> memref<1x128xi32, #tpu.memory_space<vmem>>
      %dma_wait3A_816 = tpu.memref_squeeze %dma_wait3A_815 : memref<1x128xi32, #tpu.memory_space<vmem>> -> memref<128xi32, #tpu.memory_space<vmem>>
      %dma_wait3A_817 = arith.constant 0 : i32
      %dma_wait3A_818 = arith.constant 0 : i32
      %dma_wait3A_819 = tpu.memref_slice %arg3[%dma_wait3A_817, %dma_wait3A_818] : memref<10240x16xf32, #tpu.memory_space<hbm>> -> memref<10240x16xf32, #tpu.memory_space<hbm>>
      %dma_wait3A_820 = tpu.memref_slice %arg12[%dma_wait3A_809] : memref<13x!tpu.dma_semaphore, #tpu.memory_space<semaphore_mem>> -> memref<1x!tpu.dma_semaphore, #tpu.memory_space<semaphore_mem>>
      %dma_wait3A_821 = tpu.memref_squeeze %dma_wait3A_820 : memref<1x!tpu.dma_semaphore, #tpu.memory_space<semaphore_mem>> -> memref<!tpu.dma_semaphore, #tpu.memory_space<semaphore_mem>>
      tpu.wait_indirect_dma semaphore(%dma_wait3A_821 : memref<!tpu.dma_semaphore, #tpu.memory_space<semaphore_mem>>) src(%dma_wait3A_819 : memref<10240x16xf32, #tpu.memory_space<hbm>>) dst(%dma_wait3A_813 : memref<128x16xf32, #tpu.memory_space<vmem>>)
      %add3A_822 = arith.constant 12 : i32
      %add3A_823 = arith.addi %mul3A_421, %add3A_822 : i32
      %dma_start3A_824 = arith.constant 12 : i32
      %dma_start3A_825 = arith.constant 12 : i32
      %dma_start3A_826 = arith.constant 0 : i32
      %dma_start3A_827 = arith.constant 0 : i32
      %dma_start3A_828 = tpu.memref_slice %arg9[%dma_start3A_824, %dma_start3A_826, %dma_start3A_827] : memref<13x128x16xf32, #tpu.memory_space<vmem>> -> memref<1x128x16xf32, #tpu.memory_space<vmem>>
      %dma_start3A_829 = tpu.memref_squeeze %dma_start3A_828 : memref<1x128x16xf32, #tpu.memory_space<vmem>> -> memref<128x16xf32, #tpu.memory_space<vmem>>
      %dma_start3A_830 = arith.constant 0 : i32
      %dma_start3A_831 = tpu.memref_slice %arg6[%add3A_823, %dma_start3A_830] : memref<78x128xi32, #tpu.memory_space<vmem>> -> memref<1x128xi32, #tpu.memory_space<vmem>>
      %dma_start3A_832 = tpu.memref_squeeze %dma_start3A_831 : memref<1x128xi32, #tpu.memory_space<vmem>> -> memref<128xi32, #tpu.memory_space<vmem>>
      %dma_start3A_833 = arith.constant 0 : i32
      %dma_start3A_834 = arith.constant 0 : i32
      %dma_start3A_835 = tpu.memref_slice %arg11[%dma_start3A_833, %dma_start3A_834] : memref<10240x16xf32, #tpu.memory_space<vmem_shared>> -> memref<10240x16xf32, #tpu.memory_space<vmem_shared>>
      %dma_start3A_836 = tpu.memref_slice %arg13[%dma_start3A_825] : memref<13x!tpu.dma_semaphore, #tpu.memory_space<semaphore_mem>> -> memref<1x!tpu.dma_semaphore, #tpu.memory_space<semaphore_mem>>
      %dma_start3A_837 = tpu.memref_squeeze %dma_start3A_836 : memref<1x!tpu.dma_semaphore, #tpu.memory_space<semaphore_mem>> -> memref<!tpu.dma_semaphore, #tpu.memory_space<semaphore_mem>>
      tpu.enqueue_indirect_dma source(%dma_start3A_829 : memref<128x16xf32, #tpu.memory_space<vmem>>) target(%dma_start3A_835 : memref<10240x16xf32, #tpu.memory_space<vmem_shared>>) offsets(%dma_start3A_832 : memref<128xi32, #tpu.memory_space<vmem>>) semaphore(%dma_start3A_837 : memref<!tpu.dma_semaphore, #tpu.memory_space<semaphore_mem>>) {add = true}
      %lt3A_838 = arith.constant 5 : i32
      %lt3A_839 = arith.cmpi slt, %add3A_419, %lt3A_838 : i32
      %convert_element_type3A_840 = arith.extui %lt3A_839 : i1 to i32
      %cond3A_841 = arith.constant 0 : i32
      %cond3A_842 = arith.cmpi ne, %convert_element_type3A_840, %cond3A_841 : i32
      scf.if %cond3A_842 {
        %add3A_843 = arith.constant 0 : i32
        %add3A_844 = arith.addi %mul3A_421, %add3A_843 : i32
        %dma_wait3A_845 = arith.constant 0 : i32
        %dma_wait3A_846 = arith.constant 0 : i32
        %dma_wait3A_847 = arith.constant 0 : i32
        %dma_wait3A_848 = arith.constant 0 : i32
        %dma_wait3A_849 = tpu.memref_slice %arg9[%dma_wait3A_845, %dma_wait3A_847, %dma_wait3A_848] : memref<13x128x16xf32, #tpu.memory_space<vmem>> -> memref<1x128x16xf32, #tpu.memory_space<vmem>>
        %dma_wait3A_850 = tpu.memref_squeeze %dma_wait3A_849 : memref<1x128x16xf32, #tpu.memory_space<vmem>> -> memref<128x16xf32, #tpu.memory_space<vmem>>
        %dma_wait3A_851 = arith.constant 0 : i32
        %dma_wait3A_852 = tpu.memref_slice %arg6[%add3A_844, %dma_wait3A_851] : memref<78x128xi32, #tpu.memory_space<vmem>> -> memref<1x128xi32, #tpu.memory_space<vmem>>
        %dma_wait3A_853 = tpu.memref_squeeze %dma_wait3A_852 : memref<1x128xi32, #tpu.memory_space<vmem>> -> memref<128xi32, #tpu.memory_space<vmem>>
        %dma_wait3A_854 = arith.constant 0 : i32
        %dma_wait3A_855 = arith.constant 0 : i32
        %dma_wait3A_856 = tpu.memref_slice %arg11[%dma_wait3A_854, %dma_wait3A_855] : memref<10240x16xf32, #tpu.memory_space<vmem_shared>> -> memref<10240x16xf32, #tpu.memory_space<vmem_shared>>
        %dma_wait3A_857 = tpu.memref_slice %arg13[%dma_wait3A_846] : memref<13x!tpu.dma_semaphore, #tpu.memory_space<semaphore_mem>> -> memref<1x!tpu.dma_semaphore, #tpu.memory_space<semaphore_mem>>
        %dma_wait3A_858 = tpu.memref_squeeze %dma_wait3A_857 : memref<1x!tpu.dma_semaphore, #tpu.memory_space<semaphore_mem>> -> memref<!tpu.dma_semaphore, #tpu.memory_space<semaphore_mem>>
        tpu.wait_indirect_dma semaphore(%dma_wait3A_858 : memref<!tpu.dma_semaphore, #tpu.memory_space<semaphore_mem>>) src(%dma_wait3A_850 : memref<128x16xf32, #tpu.memory_space<vmem>>) dst(%dma_wait3A_856 : memref<10240x16xf32, #tpu.memory_space<vmem_shared>>)
        %add3A_859 = arith.constant 13 : i32
        %add3A_860 = arith.addi %mul3A_421, %add3A_859 : i32
        %add3A_861 = arith.constant 0 : i32
        %add3A_862 = arith.addi %add3A_860, %add3A_861 : i32
        %dma_start3A_863 = arith.constant 0 : i32
        %dma_start3A_864 = arith.constant 0 : i32
        %dma_start3A_865 = arith.constant 0 : i32
        %dma_start3A_866 = arith.constant 0 : i32
        %dma_start3A_867 = tpu.memref_slice %arg9[%dma_start3A_863, %dma_start3A_865, %dma_start3A_866] : memref<13x128x16xf32, #tpu.memory_space<vmem>> -> memref<1x128x16xf32, #tpu.memory_space<vmem>>
        %dma_start3A_868 = tpu.memref_squeeze %dma_start3A_867 : memref<1x128x16xf32, #tpu.memory_space<vmem>> -> memref<128x16xf32, #tpu.memory_space<vmem>>
        %dma_start3A_869 = arith.constant 0 : i32
        %dma_start3A_870 = tpu.memref_slice %arg5[%add3A_862, %dma_start3A_869] : memref<78x128xi32, #tpu.memory_space<vmem>> -> memref<1x128xi32, #tpu.memory_space<vmem>>
        %dma_start3A_871 = tpu.memref_squeeze %dma_start3A_870 : memref<1x128xi32, #tpu.memory_space<vmem>> -> memref<128xi32, #tpu.memory_space<vmem>>
        %dma_start3A_872 = arith.constant 0 : i32
        %dma_start3A_873 = arith.constant 0 : i32
        %dma_start3A_874 = tpu.memref_slice %arg3[%dma_start3A_872, %dma_start3A_873] : memref<10240x16xf32, #tpu.memory_space<hbm>> -> memref<10240x16xf32, #tpu.memory_space<hbm>>
        %dma_start3A_875 = tpu.memref_slice %arg12[%dma_start3A_864] : memref<13x!tpu.dma_semaphore, #tpu.memory_space<semaphore_mem>> -> memref<1x!tpu.dma_semaphore, #tpu.memory_space<semaphore_mem>>
        %dma_start3A_876 = tpu.memref_squeeze %dma_start3A_875 : memref<1x!tpu.dma_semaphore, #tpu.memory_space<semaphore_mem>> -> memref<!tpu.dma_semaphore, #tpu.memory_space<semaphore_mem>>
        tpu.enqueue_indirect_dma source(%dma_start3A_874 : memref<10240x16xf32, #tpu.memory_space<hbm>>) target(%dma_start3A_868 : memref<128x16xf32, #tpu.memory_space<vmem>>) offsets(%dma_start3A_871 : memref<128xi32, #tpu.memory_space<vmem>>) semaphore(%dma_start3A_876 : memref<!tpu.dma_semaphore, #tpu.memory_space<semaphore_mem>>)
        %add3A_877 = arith.constant 1 : i32
        %add3A_878 = arith.addi %mul3A_421, %add3A_877 : i32
        %dma_wait3A_879 = arith.constant 1 : i32
        %dma_wait3A_880 = arith.constant 1 : i32
        %dma_wait3A_881 = arith.constant 0 : i32
        %dma_wait3A_882 = arith.constant 0 : i32
        %dma_wait3A_883 = tpu.memref_slice %arg9[%dma_wait3A_879, %dma_wait3A_881, %dma_wait3A_882] : memref<13x128x16xf32, #tpu.memory_space<vmem>> -> memref<1x128x16xf32, #tpu.memory_space<vmem>>
        %dma_wait3A_884 = tpu.memref_squeeze %dma_wait3A_883 : memref<1x128x16xf32, #tpu.memory_space<vmem>> -> memref<128x16xf32, #tpu.memory_space<vmem>>
        %dma_wait3A_885 = arith.constant 0 : i32
        %dma_wait3A_886 = tpu.memref_slice %arg6[%add3A_878, %dma_wait3A_885] : memref<78x128xi32, #tpu.memory_space<vmem>> -> memref<1x128xi32, #tpu.memory_space<vmem>>
        %dma_wait3A_887 = tpu.memref_squeeze %dma_wait3A_886 : memref<1x128xi32, #tpu.memory_space<vmem>> -> memref<128xi32, #tpu.memory_space<vmem>>
        %dma_wait3A_888 = arith.constant 0 : i32
        %dma_wait3A_889 = arith.constant 0 : i32
        %dma_wait3A_890 = tpu.memref_slice %arg11[%dma_wait3A_888, %dma_wait3A_889] : memref<10240x16xf32, #tpu.memory_space<vmem_shared>> -> memref<10240x16xf32, #tpu.memory_space<vmem_shared>>
        %dma_wait3A_891 = tpu.memref_slice %arg13[%dma_wait3A_880] : memref<13x!tpu.dma_semaphore, #tpu.memory_space<semaphore_mem>> -> memref<1x!tpu.dma_semaphore, #tpu.memory_space<semaphore_mem>>
        %dma_wait3A_892 = tpu.memref_squeeze %dma_wait3A_891 : memref<1x!tpu.dma_semaphore, #tpu.memory_space<semaphore_mem>> -> memref<!tpu.dma_semaphore, #tpu.memory_space<semaphore_mem>>
        tpu.wait_indirect_dma semaphore(%dma_wait3A_892 : memref<!tpu.dma_semaphore, #tpu.memory_space<semaphore_mem>>) src(%dma_wait3A_884 : memref<128x16xf32, #tpu.memory_space<vmem>>) dst(%dma_wait3A_890 : memref<10240x16xf32, #tpu.memory_space<vmem_shared>>)
        %add3A_893 = arith.constant 13 : i32
        %add3A_894 = arith.addi %mul3A_421, %add3A_893 : i32
        %add3A_895 = arith.constant 1 : i32
        %add3A_896 = arith.addi %add3A_894, %add3A_895 : i32
        %dma_start3A_897 = arith.constant 1 : i32
        %dma_start3A_898 = arith.constant 1 : i32
        %dma_start3A_899 = arith.constant 0 : i32
        %dma_start3A_900 = arith.constant 0 : i32
        %dma_start3A_901 = tpu.memref_slice %arg9[%dma_start3A_897, %dma_start3A_899, %dma_start3A_900] : memref<13x128x16xf32, #tpu.memory_space<vmem>> -> memref<1x128x16xf32, #tpu.memory_space<vmem>>
        %dma_start3A_902 = tpu.memref_squeeze %dma_start3A_901 : memref<1x128x16xf32, #tpu.memory_space<vmem>> -> memref<128x16xf32, #tpu.memory_space<vmem>>
        %dma_start3A_903 = arith.constant 0 : i32
        %dma_start3A_904 = tpu.memref_slice %arg5[%add3A_896, %dma_start3A_903] : memref<78x128xi32, #tpu.memory_space<vmem>> -> memref<1x128xi32, #tpu.memory_space<vmem>>
        %dma_start3A_905 = tpu.memref_squeeze %dma_start3A_904 : memref<1x128xi32, #tpu.memory_space<vmem>> -> memref<128xi32, #tpu.memory_space<vmem>>
        %dma_start3A_906 = arith.constant 0 : i32
        %dma_start3A_907 = arith.constant 0 : i32
        %dma_start3A_908 = tpu.memref_slice %arg3[%dma_start3A_906, %dma_start3A_907] : memref<10240x16xf32, #tpu.memory_space<hbm>> -> memref<10240x16xf32, #tpu.memory_space<hbm>>
        %dma_start3A_909 = tpu.memref_slice %arg12[%dma_start3A_898] : memref<13x!tpu.dma_semaphore, #tpu.memory_space<semaphore_mem>> -> memref<1x!tpu.dma_semaphore, #tpu.memory_space<semaphore_mem>>
        %dma_start3A_910 = tpu.memref_squeeze %dma_start3A_909 : memref<1x!tpu.dma_semaphore, #tpu.memory_space<semaphore_mem>> -> memref<!tpu.dma_semaphore, #tpu.memory_space<semaphore_mem>>
        tpu.enqueue_indirect_dma source(%dma_start3A_908 : memref<10240x16xf32, #tpu.memory_space<hbm>>) target(%dma_start3A_902 : memref<128x16xf32, #tpu.memory_space<vmem>>) offsets(%dma_start3A_905 : memref<128xi32, #tpu.memory_space<vmem>>) semaphore(%dma_start3A_910 : memref<!tpu.dma_semaphore, #tpu.memory_space<semaphore_mem>>)
        %add3A_911 = arith.constant 2 : i32
        %add3A_912 = arith.addi %mul3A_421, %add3A_911 : i32
        %dma_wait3A_913 = arith.constant 2 : i32
        %dma_wait3A_914 = arith.constant 2 : i32
        %dma_wait3A_915 = arith.constant 0 : i32
        %dma_wait3A_916 = arith.constant 0 : i32
        %dma_wait3A_917 = tpu.memref_slice %arg9[%dma_wait3A_913, %dma_wait3A_915, %dma_wait3A_916] : memref<13x128x16xf32, #tpu.memory_space<vmem>> -> memref<1x128x16xf32, #tpu.memory_space<vmem>>
        %dma_wait3A_918 = tpu.memref_squeeze %dma_wait3A_917 : memref<1x128x16xf32, #tpu.memory_space<vmem>> -> memref<128x16xf32, #tpu.memory_space<vmem>>
        %dma_wait3A_919 = arith.constant 0 : i32
        %dma_wait3A_920 = tpu.memref_slice %arg6[%add3A_912, %dma_wait3A_919] : memref<78x128xi32, #tpu.memory_space<vmem>> -> memref<1x128xi32, #tpu.memory_space<vmem>>
        %dma_wait3A_921 = tpu.memref_squeeze %dma_wait3A_920 : memref<1x128xi32, #tpu.memory_space<vmem>> -> memref<128xi32, #tpu.memory_space<vmem>>
        %dma_wait3A_922 = arith.constant 0 : i32
        %dma_wait3A_923 = arith.constant 0 : i32
        %dma_wait3A_924 = tpu.memref_slice %arg11[%dma_wait3A_922, %dma_wait3A_923] : memref<10240x16xf32, #tpu.memory_space<vmem_shared>> -> memref<10240x16xf32, #tpu.memory_space<vmem_shared>>
        %dma_wait3A_925 = tpu.memref_slice %arg13[%dma_wait3A_914] : memref<13x!tpu.dma_semaphore, #tpu.memory_space<semaphore_mem>> -> memref<1x!tpu.dma_semaphore, #tpu.memory_space<semaphore_mem>>
        %dma_wait3A_926 = tpu.memref_squeeze %dma_wait3A_925 : memref<1x!tpu.dma_semaphore, #tpu.memory_space<semaphore_mem>> -> memref<!tpu.dma_semaphore, #tpu.memory_space<semaphore_mem>>
        tpu.wait_indirect_dma semaphore(%dma_wait3A_926 : memref<!tpu.dma_semaphore, #tpu.memory_space<semaphore_mem>>) src(%dma_wait3A_918 : memref<128x16xf32, #tpu.memory_space<vmem>>) dst(%dma_wait3A_924 : memref<10240x16xf32, #tpu.memory_space<vmem_shared>>)
        %add3A_927 = arith.constant 13 : i32
        %add3A_928 = arith.addi %mul3A_421, %add3A_927 : i32
        %add3A_929 = arith.constant 2 : i32
        %add3A_930 = arith.addi %add3A_928, %add3A_929 : i32
        %dma_start3A_931 = arith.constant 2 : i32
        %dma_start3A_932 = arith.constant 2 : i32
        %dma_start3A_933 = arith.constant 0 : i32
        %dma_start3A_934 = arith.constant 0 : i32
        %dma_start3A_935 = tpu.memref_slice %arg9[%dma_start3A_931, %dma_start3A_933, %dma_start3A_934] : memref<13x128x16xf32, #tpu.memory_space<vmem>> -> memref<1x128x16xf32, #tpu.memory_space<vmem>>
        %dma_start3A_936 = tpu.memref_squeeze %dma_start3A_935 : memref<1x128x16xf32, #tpu.memory_space<vmem>> -> memref<128x16xf32, #tpu.memory_space<vmem>>
        %dma_start3A_937 = arith.constant 0 : i32
        %dma_start3A_938 = tpu.memref_slice %arg5[%add3A_930, %dma_start3A_937] : memref<78x128xi32, #tpu.memory_space<vmem>> -> memref<1x128xi32, #tpu.memory_space<vmem>>
        %dma_start3A_939 = tpu.memref_squeeze %dma_start3A_938 : memref<1x128xi32, #tpu.memory_space<vmem>> -> memref<128xi32, #tpu.memory_space<vmem>>
        %dma_start3A_940 = arith.constant 0 : i32
        %dma_start3A_941 = arith.constant 0 : i32
        %dma_start3A_942 = tpu.memref_slice %arg3[%dma_start3A_940, %dma_start3A_941] : memref<10240x16xf32, #tpu.memory_space<hbm>> -> memref<10240x16xf32, #tpu.memory_space<hbm>>
        %dma_start3A_943 = tpu.memref_slice %arg12[%dma_start3A_932] : memref<13x!tpu.dma_semaphore, #tpu.memory_space<semaphore_mem>> -> memref<1x!tpu.dma_semaphore, #tpu.memory_space<semaphore_mem>>
        %dma_start3A_944 = tpu.memref_squeeze %dma_start3A_943 : memref<1x!tpu.dma_semaphore, #tpu.memory_space<semaphore_mem>> -> memref<!tpu.dma_semaphore, #tpu.memory_space<semaphore_mem>>
        tpu.enqueue_indirect_dma source(%dma_start3A_942 : memref<10240x16xf32, #tpu.memory_space<hbm>>) target(%dma_start3A_936 : memref<128x16xf32, #tpu.memory_space<vmem>>) offsets(%dma_start3A_939 : memref<128xi32, #tpu.memory_space<vmem>>) semaphore(%dma_start3A_944 : memref<!tpu.dma_semaphore, #tpu.memory_space<semaphore_mem>>)
        %add3A_945 = arith.constant 3 : i32
        %add3A_946 = arith.addi %mul3A_421, %add3A_945 : i32
        %dma_wait3A_947 = arith.constant 3 : i32
        %dma_wait3A_948 = arith.constant 3 : i32
        %dma_wait3A_949 = arith.constant 0 : i32
        %dma_wait3A_950 = arith.constant 0 : i32
        %dma_wait3A_951 = tpu.memref_slice %arg9[%dma_wait3A_947, %dma_wait3A_949, %dma_wait3A_950] : memref<13x128x16xf32, #tpu.memory_space<vmem>> -> memref<1x128x16xf32, #tpu.memory_space<vmem>>
        %dma_wait3A_952 = tpu.memref_squeeze %dma_wait3A_951 : memref<1x128x16xf32, #tpu.memory_space<vmem>> -> memref<128x16xf32, #tpu.memory_space<vmem>>
        %dma_wait3A_953 = arith.constant 0 : i32
        %dma_wait3A_954 = tpu.memref_slice %arg6[%add3A_946, %dma_wait3A_953] : memref<78x128xi32, #tpu.memory_space<vmem>> -> memref<1x128xi32, #tpu.memory_space<vmem>>
        %dma_wait3A_955 = tpu.memref_squeeze %dma_wait3A_954 : memref<1x128xi32, #tpu.memory_space<vmem>> -> memref<128xi32, #tpu.memory_space<vmem>>
        %dma_wait3A_956 = arith.constant 0 : i32
        %dma_wait3A_957 = arith.constant 0 : i32
        %dma_wait3A_958 = tpu.memref_slice %arg11[%dma_wait3A_956, %dma_wait3A_957] : memref<10240x16xf32, #tpu.memory_space<vmem_shared>> -> memref<10240x16xf32, #tpu.memory_space<vmem_shared>>
        %dma_wait3A_959 = tpu.memref_slice %arg13[%dma_wait3A_948] : memref<13x!tpu.dma_semaphore, #tpu.memory_space<semaphore_mem>> -> memref<1x!tpu.dma_semaphore, #tpu.memory_space<semaphore_mem>>
        %dma_wait3A_960 = tpu.memref_squeeze %dma_wait3A_959 : memref<1x!tpu.dma_semaphore, #tpu.memory_space<semaphore_mem>> -> memref<!tpu.dma_semaphore, #tpu.memory_space<semaphore_mem>>
        tpu.wait_indirect_dma semaphore(%dma_wait3A_960 : memref<!tpu.dma_semaphore, #tpu.memory_space<semaphore_mem>>) src(%dma_wait3A_952 : memref<128x16xf32, #tpu.memory_space<vmem>>) dst(%dma_wait3A_958 : memref<10240x16xf32, #tpu.memory_space<vmem_shared>>)
        %add3A_961 = arith.constant 13 : i32
        %add3A_962 = arith.addi %mul3A_421, %add3A_961 : i32
        %add3A_963 = arith.constant 3 : i32
        %add3A_964 = arith.addi %add3A_962, %add3A_963 : i32
        %dma_start3A_965 = arith.constant 3 : i32
        %dma_start3A_966 = arith.constant 3 : i32
        %dma_start3A_967 = arith.constant 0 : i32
        %dma_start3A_968 = arith.constant 0 : i32
        %dma_start3A_969 = tpu.memref_slice %arg9[%dma_start3A_965, %dma_start3A_967, %dma_start3A_968] : memref<13x128x16xf32, #tpu.memory_space<vmem>> -> memref<1x128x16xf32, #tpu.memory_space<vmem>>
        %dma_start3A_970 = tpu.memref_squeeze %dma_start3A_969 : memref<1x128x16xf32, #tpu.memory_space<vmem>> -> memref<128x16xf32, #tpu.memory_space<vmem>>
        %dma_start3A_971 = arith.constant 0 : i32
        %dma_start3A_972 = tpu.memref_slice %arg5[%add3A_964, %dma_start3A_971] : memref<78x128xi32, #tpu.memory_space<vmem>> -> memref<1x128xi32, #tpu.memory_space<vmem>>
        %dma_start3A_973 = tpu.memref_squeeze %dma_start3A_972 : memref<1x128xi32, #tpu.memory_space<vmem>> -> memref<128xi32, #tpu.memory_space<vmem>>
        %dma_start3A_974 = arith.constant 0 : i32
        %dma_start3A_975 = arith.constant 0 : i32
        %dma_start3A_976 = tpu.memref_slice %arg3[%dma_start3A_974, %dma_start3A_975] : memref<10240x16xf32, #tpu.memory_space<hbm>> -> memref<10240x16xf32, #tpu.memory_space<hbm>>
        %dma_start3A_977 = tpu.memref_slice %arg12[%dma_start3A_966] : memref<13x!tpu.dma_semaphore, #tpu.memory_space<semaphore_mem>> -> memref<1x!tpu.dma_semaphore, #tpu.memory_space<semaphore_mem>>
        %dma_start3A_978 = tpu.memref_squeeze %dma_start3A_977 : memref<1x!tpu.dma_semaphore, #tpu.memory_space<semaphore_mem>> -> memref<!tpu.dma_semaphore, #tpu.memory_space<semaphore_mem>>
        tpu.enqueue_indirect_dma source(%dma_start3A_976 : memref<10240x16xf32, #tpu.memory_space<hbm>>) target(%dma_start3A_970 : memref<128x16xf32, #tpu.memory_space<vmem>>) offsets(%dma_start3A_973 : memref<128xi32, #tpu.memory_space<vmem>>) semaphore(%dma_start3A_978 : memref<!tpu.dma_semaphore, #tpu.memory_space<semaphore_mem>>)
        %add3A_979 = arith.constant 4 : i32
        %add3A_980 = arith.addi %mul3A_421, %add3A_979 : i32
        %dma_wait3A_981 = arith.constant 4 : i32
        %dma_wait3A_982 = arith.constant 4 : i32
        %dma_wait3A_983 = arith.constant 0 : i32
        %dma_wait3A_984 = arith.constant 0 : i32
        %dma_wait3A_985 = tpu.memref_slice %arg9[%dma_wait3A_981, %dma_wait3A_983, %dma_wait3A_984] : memref<13x128x16xf32, #tpu.memory_space<vmem>> -> memref<1x128x16xf32, #tpu.memory_space<vmem>>
        %dma_wait3A_986 = tpu.memref_squeeze %dma_wait3A_985 : memref<1x128x16xf32, #tpu.memory_space<vmem>> -> memref<128x16xf32, #tpu.memory_space<vmem>>
        %dma_wait3A_987 = arith.constant 0 : i32
        %dma_wait3A_988 = tpu.memref_slice %arg6[%add3A_980, %dma_wait3A_987] : memref<78x128xi32, #tpu.memory_space<vmem>> -> memref<1x128xi32, #tpu.memory_space<vmem>>
        %dma_wait3A_989 = tpu.memref_squeeze %dma_wait3A_988 : memref<1x128xi32, #tpu.memory_space<vmem>> -> memref<128xi32, #tpu.memory_space<vmem>>
        %dma_wait3A_990 = arith.constant 0 : i32
        %dma_wait3A_991 = arith.constant 0 : i32
        %dma_wait3A_992 = tpu.memref_slice %arg11[%dma_wait3A_990, %dma_wait3A_991] : memref<10240x16xf32, #tpu.memory_space<vmem_shared>> -> memref<10240x16xf32, #tpu.memory_space<vmem_shared>>
        %dma_wait3A_993 = tpu.memref_slice %arg13[%dma_wait3A_982] : memref<13x!tpu.dma_semaphore, #tpu.memory_space<semaphore_mem>> -> memref<1x!tpu.dma_semaphore, #tpu.memory_space<semaphore_mem>>
        %dma_wait3A_994 = tpu.memref_squeeze %dma_wait3A_993 : memref<1x!tpu.dma_semaphore, #tpu.memory_space<semaphore_mem>> -> memref<!tpu.dma_semaphore, #tpu.memory_space<semaphore_mem>>
        tpu.wait_indirect_dma semaphore(%dma_wait3A_994 : memref<!tpu.dma_semaphore, #tpu.memory_space<semaphore_mem>>) src(%dma_wait3A_986 : memref<128x16xf32, #tpu.memory_space<vmem>>) dst(%dma_wait3A_992 : memref<10240x16xf32, #tpu.memory_space<vmem_shared>>)
        %add3A_995 = arith.constant 13 : i32
        %add3A_996 = arith.addi %mul3A_421, %add3A_995 : i32
        %add3A_997 = arith.constant 4 : i32
        %add3A_998 = arith.addi %add3A_996, %add3A_997 : i32
        %dma_start3A_999 = arith.constant 4 : i32
        %dma_start3A_1000 = arith.constant 4 : i32
        %dma_start3A_1001 = arith.constant 0 : i32
        %dma_start3A_1002 = arith.constant 0 : i32
        %dma_start3A_1003 = tpu.memref_slice %arg9[%dma_start3A_999, %dma_start3A_1001, %dma_start3A_1002] : memref<13x128x16xf32, #tpu.memory_space<vmem>> -> memref<1x128x16xf32, #tpu.memory_space<vmem>>
        %dma_start3A_1004 = tpu.memref_squeeze %dma_start3A_1003 : memref<1x128x16xf32, #tpu.memory_space<vmem>> -> memref<128x16xf32, #tpu.memory_space<vmem>>
        %dma_start3A_1005 = arith.constant 0 : i32
        %dma_start3A_1006 = tpu.memref_slice %arg5[%add3A_998, %dma_start3A_1005] : memref<78x128xi32, #tpu.memory_space<vmem>> -> memref<1x128xi32, #tpu.memory_space<vmem>>
        %dma_start3A_1007 = tpu.memref_squeeze %dma_start3A_1006 : memref<1x128xi32, #tpu.memory_space<vmem>> -> memref<128xi32, #tpu.memory_space<vmem>>
        %dma_start3A_1008 = arith.constant 0 : i32
        %dma_start3A_1009 = arith.constant 0 : i32
        %dma_start3A_1010 = tpu.memref_slice %arg3[%dma_start3A_1008, %dma_start3A_1009] : memref<10240x16xf32, #tpu.memory_space<hbm>> -> memref<10240x16xf32, #tpu.memory_space<hbm>>
        %dma_start3A_1011 = tpu.memref_slice %arg12[%dma_start3A_1000] : memref<13x!tpu.dma_semaphore, #tpu.memory_space<semaphore_mem>> -> memref<1x!tpu.dma_semaphore, #tpu.memory_space<semaphore_mem>>
        %dma_start3A_1012 = tpu.memref_squeeze %dma_start3A_1011 : memref<1x!tpu.dma_semaphore, #tpu.memory_space<semaphore_mem>> -> memref<!tpu.dma_semaphore, #tpu.memory_space<semaphore_mem>>
        tpu.enqueue_indirect_dma source(%dma_start3A_1010 : memref<10240x16xf32, #tpu.memory_space<hbm>>) target(%dma_start3A_1004 : memref<128x16xf32, #tpu.memory_space<vmem>>) offsets(%dma_start3A_1007 : memref<128xi32, #tpu.memory_space<vmem>>) semaphore(%dma_start3A_1012 : memref<!tpu.dma_semaphore, #tpu.memory_space<semaphore_mem>>)
        %add3A_1013 = arith.constant 5 : i32
        %add3A_1014 = arith.addi %mul3A_421, %add3A_1013 : i32
        %dma_wait3A_1015 = arith.constant 5 : i32
        %dma_wait3A_1016 = arith.constant 5 : i32
        %dma_wait3A_1017 = arith.constant 0 : i32
        %dma_wait3A_1018 = arith.constant 0 : i32
        %dma_wait3A_1019 = tpu.memref_slice %arg9[%dma_wait3A_1015, %dma_wait3A_1017, %dma_wait3A_1018] : memref<13x128x16xf32, #tpu.memory_space<vmem>> -> memref<1x128x16xf32, #tpu.memory_space<vmem>>
        %dma_wait3A_1020 = tpu.memref_squeeze %dma_wait3A_1019 : memref<1x128x16xf32, #tpu.memory_space<vmem>> -> memref<128x16xf32, #tpu.memory_space<vmem>>
        %dma_wait3A_1021 = arith.constant 0 : i32
        %dma_wait3A_1022 = tpu.memref_slice %arg6[%add3A_1014, %dma_wait3A_1021] : memref<78x128xi32, #tpu.memory_space<vmem>> -> memref<1x128xi32, #tpu.memory_space<vmem>>
        %dma_wait3A_1023 = tpu.memref_squeeze %dma_wait3A_1022 : memref<1x128xi32, #tpu.memory_space<vmem>> -> memref<128xi32, #tpu.memory_space<vmem>>
        %dma_wait3A_1024 = arith.constant 0 : i32
        %dma_wait3A_1025 = arith.constant 0 : i32
        %dma_wait3A_1026 = tpu.memref_slice %arg11[%dma_wait3A_1024, %dma_wait3A_1025] : memref<10240x16xf32, #tpu.memory_space<vmem_shared>> -> memref<10240x16xf32, #tpu.memory_space<vmem_shared>>
        %dma_wait3A_1027 = tpu.memref_slice %arg13[%dma_wait3A_1016] : memref<13x!tpu.dma_semaphore, #tpu.memory_space<semaphore_mem>> -> memref<1x!tpu.dma_semaphore, #tpu.memory_space<semaphore_mem>>
        %dma_wait3A_1028 = tpu.memref_squeeze %dma_wait3A_1027 : memref<1x!tpu.dma_semaphore, #tpu.memory_space<semaphore_mem>> -> memref<!tpu.dma_semaphore, #tpu.memory_space<semaphore_mem>>
        tpu.wait_indirect_dma semaphore(%dma_wait3A_1028 : memref<!tpu.dma_semaphore, #tpu.memory_space<semaphore_mem>>) src(%dma_wait3A_1020 : memref<128x16xf32, #tpu.memory_space<vmem>>) dst(%dma_wait3A_1026 : memref<10240x16xf32, #tpu.memory_space<vmem_shared>>)
        %add3A_1029 = arith.constant 13 : i32
        %add3A_1030 = arith.addi %mul3A_421, %add3A_1029 : i32
        %add3A_1031 = arith.constant 5 : i32
        %add3A_1032 = arith.addi %add3A_1030, %add3A_1031 : i32
        %dma_start3A_1033 = arith.constant 5 : i32
        %dma_start3A_1034 = arith.constant 5 : i32
        %dma_start3A_1035 = arith.constant 0 : i32
        %dma_start3A_1036 = arith.constant 0 : i32
        %dma_start3A_1037 = tpu.memref_slice %arg9[%dma_start3A_1033, %dma_start3A_1035, %dma_start3A_1036] : memref<13x128x16xf32, #tpu.memory_space<vmem>> -> memref<1x128x16xf32, #tpu.memory_space<vmem>>
        %dma_start3A_1038 = tpu.memref_squeeze %dma_start3A_1037 : memref<1x128x16xf32, #tpu.memory_space<vmem>> -> memref<128x16xf32, #tpu.memory_space<vmem>>
        %dma_start3A_1039 = arith.constant 0 : i32
        %dma_start3A_1040 = tpu.memref_slice %arg5[%add3A_1032, %dma_start3A_1039] : memref<78x128xi32, #tpu.memory_space<vmem>> -> memref<1x128xi32, #tpu.memory_space<vmem>>
        %dma_start3A_1041 = tpu.memref_squeeze %dma_start3A_1040 : memref<1x128xi32, #tpu.memory_space<vmem>> -> memref<128xi32, #tpu.memory_space<vmem>>
        %dma_start3A_1042 = arith.constant 0 : i32
        %dma_start3A_1043 = arith.constant 0 : i32
        %dma_start3A_1044 = tpu.memref_slice %arg3[%dma_start3A_1042, %dma_start3A_1043] : memref<10240x16xf32, #tpu.memory_space<hbm>> -> memref<10240x16xf32, #tpu.memory_space<hbm>>
        %dma_start3A_1045 = tpu.memref_slice %arg12[%dma_start3A_1034] : memref<13x!tpu.dma_semaphore, #tpu.memory_space<semaphore_mem>> -> memref<1x!tpu.dma_semaphore, #tpu.memory_space<semaphore_mem>>
        %dma_start3A_1046 = tpu.memref_squeeze %dma_start3A_1045 : memref<1x!tpu.dma_semaphore, #tpu.memory_space<semaphore_mem>> -> memref<!tpu.dma_semaphore, #tpu.memory_space<semaphore_mem>>
        tpu.enqueue_indirect_dma source(%dma_start3A_1044 : memref<10240x16xf32, #tpu.memory_space<hbm>>) target(%dma_start3A_1038 : memref<128x16xf32, #tpu.memory_space<vmem>>) offsets(%dma_start3A_1041 : memref<128xi32, #tpu.memory_space<vmem>>) semaphore(%dma_start3A_1046 : memref<!tpu.dma_semaphore, #tpu.memory_space<semaphore_mem>>)
        %add3A_1047 = arith.constant 6 : i32
        %add3A_1048 = arith.addi %mul3A_421, %add3A_1047 : i32
        %dma_wait3A_1049 = arith.constant 6 : i32
        %dma_wait3A_1050 = arith.constant 6 : i32
        %dma_wait3A_1051 = arith.constant 0 : i32
        %dma_wait3A_1052 = arith.constant 0 : i32
        %dma_wait3A_1053 = tpu.memref_slice %arg9[%dma_wait3A_1049, %dma_wait3A_1051, %dma_wait3A_1052] : memref<13x128x16xf32, #tpu.memory_space<vmem>> -> memref<1x128x16xf32, #tpu.memory_space<vmem>>
        %dma_wait3A_1054 = tpu.memref_squeeze %dma_wait3A_1053 : memref<1x128x16xf32, #tpu.memory_space<vmem>> -> memref<128x16xf32, #tpu.memory_space<vmem>>
        %dma_wait3A_1055 = arith.constant 0 : i32
        %dma_wait3A_1056 = tpu.memref_slice %arg6[%add3A_1048, %dma_wait3A_1055] : memref<78x128xi32, #tpu.memory_space<vmem>> -> memref<1x128xi32, #tpu.memory_space<vmem>>
        %dma_wait3A_1057 = tpu.memref_squeeze %dma_wait3A_1056 : memref<1x128xi32, #tpu.memory_space<vmem>> -> memref<128xi32, #tpu.memory_space<vmem>>
        %dma_wait3A_1058 = arith.constant 0 : i32
        %dma_wait3A_1059 = arith.constant 0 : i32
        %dma_wait3A_1060 = tpu.memref_slice %arg11[%dma_wait3A_1058, %dma_wait3A_1059] : memref<10240x16xf32, #tpu.memory_space<vmem_shared>> -> memref<10240x16xf32, #tpu.memory_space<vmem_shared>>
        %dma_wait3A_1061 = tpu.memref_slice %arg13[%dma_wait3A_1050] : memref<13x!tpu.dma_semaphore, #tpu.memory_space<semaphore_mem>> -> memref<1x!tpu.dma_semaphore, #tpu.memory_space<semaphore_mem>>
        %dma_wait3A_1062 = tpu.memref_squeeze %dma_wait3A_1061 : memref<1x!tpu.dma_semaphore, #tpu.memory_space<semaphore_mem>> -> memref<!tpu.dma_semaphore, #tpu.memory_space<semaphore_mem>>
        tpu.wait_indirect_dma semaphore(%dma_wait3A_1062 : memref<!tpu.dma_semaphore, #tpu.memory_space<semaphore_mem>>) src(%dma_wait3A_1054 : memref<128x16xf32, #tpu.memory_space<vmem>>) dst(%dma_wait3A_1060 : memref<10240x16xf32, #tpu.memory_space<vmem_shared>>)
        %add3A_1063 = arith.constant 13 : i32
        %add3A_1064 = arith.addi %mul3A_421, %add3A_1063 : i32
        %add3A_1065 = arith.constant 6 : i32
        %add3A_1066 = arith.addi %add3A_1064, %add3A_1065 : i32
        %dma_start3A_1067 = arith.constant 6 : i32
        %dma_start3A_1068 = arith.constant 6 : i32
        %dma_start3A_1069 = arith.constant 0 : i32
        %dma_start3A_1070 = arith.constant 0 : i32
        %dma_start3A_1071 = tpu.memref_slice %arg9[%dma_start3A_1067, %dma_start3A_1069, %dma_start3A_1070] : memref<13x128x16xf32, #tpu.memory_space<vmem>> -> memref<1x128x16xf32, #tpu.memory_space<vmem>>
        %dma_start3A_1072 = tpu.memref_squeeze %dma_start3A_1071 : memref<1x128x16xf32, #tpu.memory_space<vmem>> -> memref<128x16xf32, #tpu.memory_space<vmem>>
        %dma_start3A_1073 = arith.constant 0 : i32
        %dma_start3A_1074 = tpu.memref_slice %arg5[%add3A_1066, %dma_start3A_1073] : memref<78x128xi32, #tpu.memory_space<vmem>> -> memref<1x128xi32, #tpu.memory_space<vmem>>
        %dma_start3A_1075 = tpu.memref_squeeze %dma_start3A_1074 : memref<1x128xi32, #tpu.memory_space<vmem>> -> memref<128xi32, #tpu.memory_space<vmem>>
        %dma_start3A_1076 = arith.constant 0 : i32
        %dma_start3A_1077 = arith.constant 0 : i32
        %dma_start3A_1078 = tpu.memref_slice %arg3[%dma_start3A_1076, %dma_start3A_1077] : memref<10240x16xf32, #tpu.memory_space<hbm>> -> memref<10240x16xf32, #tpu.memory_space<hbm>>
        %dma_start3A_1079 = tpu.memref_slice %arg12[%dma_start3A_1068] : memref<13x!tpu.dma_semaphore, #tpu.memory_space<semaphore_mem>> -> memref<1x!tpu.dma_semaphore, #tpu.memory_space<semaphore_mem>>
        %dma_start3A_1080 = tpu.memref_squeeze %dma_start3A_1079 : memref<1x!tpu.dma_semaphore, #tpu.memory_space<semaphore_mem>> -> memref<!tpu.dma_semaphore, #tpu.memory_space<semaphore_mem>>
        tpu.enqueue_indirect_dma source(%dma_start3A_1078 : memref<10240x16xf32, #tpu.memory_space<hbm>>) target(%dma_start3A_1072 : memref<128x16xf32, #tpu.memory_space<vmem>>) offsets(%dma_start3A_1075 : memref<128xi32, #tpu.memory_space<vmem>>) semaphore(%dma_start3A_1080 : memref<!tpu.dma_semaphore, #tpu.memory_space<semaphore_mem>>)
        %add3A_1081 = arith.constant 7 : i32
        %add3A_1082 = arith.addi %mul3A_421, %add3A_1081 : i32
        %dma_wait3A_1083 = arith.constant 7 : i32
        %dma_wait3A_1084 = arith.constant 7 : i32
        %dma_wait3A_1085 = arith.constant 0 : i32
        %dma_wait3A_1086 = arith.constant 0 : i32
        %dma_wait3A_1087 = tpu.memref_slice %arg9[%dma_wait3A_1083, %dma_wait3A_1085, %dma_wait3A_1086] : memref<13x128x16xf32, #tpu.memory_space<vmem>> -> memref<1x128x16xf32, #tpu.memory_space<vmem>>
        %dma_wait3A_1088 = tpu.memref_squeeze %dma_wait3A_1087 : memref<1x128x16xf32, #tpu.memory_space<vmem>> -> memref<128x16xf32, #tpu.memory_space<vmem>>
        %dma_wait3A_1089 = arith.constant 0 : i32
        %dma_wait3A_1090 = tpu.memref_slice %arg6[%add3A_1082, %dma_wait3A_1089] : memref<78x128xi32, #tpu.memory_space<vmem>> -> memref<1x128xi32, #tpu.memory_space<vmem>>
        %dma_wait3A_1091 = tpu.memref_squeeze %dma_wait3A_1090 : memref<1x128xi32, #tpu.memory_space<vmem>> -> memref<128xi32, #tpu.memory_space<vmem>>
        %dma_wait3A_1092 = arith.constant 0 : i32
        %dma_wait3A_1093 = arith.constant 0 : i32
        %dma_wait3A_1094 = tpu.memref_slice %arg11[%dma_wait3A_1092, %dma_wait3A_1093] : memref<10240x16xf32, #tpu.memory_space<vmem_shared>> -> memref<10240x16xf32, #tpu.memory_space<vmem_shared>>
        %dma_wait3A_1095 = tpu.memref_slice %arg13[%dma_wait3A_1084] : memref<13x!tpu.dma_semaphore, #tpu.memory_space<semaphore_mem>> -> memref<1x!tpu.dma_semaphore, #tpu.memory_space<semaphore_mem>>
        %dma_wait3A_1096 = tpu.memref_squeeze %dma_wait3A_1095 : memref<1x!tpu.dma_semaphore, #tpu.memory_space<semaphore_mem>> -> memref<!tpu.dma_semaphore, #tpu.memory_space<semaphore_mem>>
        tpu.wait_indirect_dma semaphore(%dma_wait3A_1096 : memref<!tpu.dma_semaphore, #tpu.memory_space<semaphore_mem>>) src(%dma_wait3A_1088 : memref<128x16xf32, #tpu.memory_space<vmem>>) dst(%dma_wait3A_1094 : memref<10240x16xf32, #tpu.memory_space<vmem_shared>>)
        %add3A_1097 = arith.constant 13 : i32
        %add3A_1098 = arith.addi %mul3A_421, %add3A_1097 : i32
        %add3A_1099 = arith.constant 7 : i32
        %add3A_1100 = arith.addi %add3A_1098, %add3A_1099 : i32
        %dma_start3A_1101 = arith.constant 7 : i32
        %dma_start3A_1102 = arith.constant 7 : i32
        %dma_start3A_1103 = arith.constant 0 : i32
        %dma_start3A_1104 = arith.constant 0 : i32
        %dma_start3A_1105 = tpu.memref_slice %arg9[%dma_start3A_1101, %dma_start3A_1103, %dma_start3A_1104] : memref<13x128x16xf32, #tpu.memory_space<vmem>> -> memref<1x128x16xf32, #tpu.memory_space<vmem>>
        %dma_start3A_1106 = tpu.memref_squeeze %dma_start3A_1105 : memref<1x128x16xf32, #tpu.memory_space<vmem>> -> memref<128x16xf32, #tpu.memory_space<vmem>>
        %dma_start3A_1107 = arith.constant 0 : i32
        %dma_start3A_1108 = tpu.memref_slice %arg5[%add3A_1100, %dma_start3A_1107] : memref<78x128xi32, #tpu.memory_space<vmem>> -> memref<1x128xi32, #tpu.memory_space<vmem>>
        %dma_start3A_1109 = tpu.memref_squeeze %dma_start3A_1108 : memref<1x128xi32, #tpu.memory_space<vmem>> -> memref<128xi32, #tpu.memory_space<vmem>>
        %dma_start3A_1110 = arith.constant 0 : i32
        %dma_start3A_1111 = arith.constant 0 : i32
        %dma_start3A_1112 = tpu.memref_slice %arg3[%dma_start3A_1110, %dma_start3A_1111] : memref<10240x16xf32, #tpu.memory_space<hbm>> -> memref<10240x16xf32, #tpu.memory_space<hbm>>
        %dma_start3A_1113 = tpu.memref_slice %arg12[%dma_start3A_1102] : memref<13x!tpu.dma_semaphore, #tpu.memory_space<semaphore_mem>> -> memref<1x!tpu.dma_semaphore, #tpu.memory_space<semaphore_mem>>
        %dma_start3A_1114 = tpu.memref_squeeze %dma_start3A_1113 : memref<1x!tpu.dma_semaphore, #tpu.memory_space<semaphore_mem>> -> memref<!tpu.dma_semaphore, #tpu.memory_space<semaphore_mem>>
        tpu.enqueue_indirect_dma source(%dma_start3A_1112 : memref<10240x16xf32, #tpu.memory_space<hbm>>) target(%dma_start3A_1106 : memref<128x16xf32, #tpu.memory_space<vmem>>) offsets(%dma_start3A_1109 : memref<128xi32, #tpu.memory_space<vmem>>) semaphore(%dma_start3A_1114 : memref<!tpu.dma_semaphore, #tpu.memory_space<semaphore_mem>>)
        %add3A_1115 = arith.constant 8 : i32
        %add3A_1116 = arith.addi %mul3A_421, %add3A_1115 : i32
        %dma_wait3A_1117 = arith.constant 8 : i32
        %dma_wait3A_1118 = arith.constant 8 : i32
        %dma_wait3A_1119 = arith.constant 0 : i32
        %dma_wait3A_1120 = arith.constant 0 : i32
        %dma_wait3A_1121 = tpu.memref_slice %arg9[%dma_wait3A_1117, %dma_wait3A_1119, %dma_wait3A_1120] : memref<13x128x16xf32, #tpu.memory_space<vmem>> -> memref<1x128x16xf32, #tpu.memory_space<vmem>>
        %dma_wait3A_1122 = tpu.memref_squeeze %dma_wait3A_1121 : memref<1x128x16xf32, #tpu.memory_space<vmem>> -> memref<128x16xf32, #tpu.memory_space<vmem>>
        %dma_wait3A_1123 = arith.constant 0 : i32
        %dma_wait3A_1124 = tpu.memref_slice %arg6[%add3A_1116, %dma_wait3A_1123] : memref<78x128xi32, #tpu.memory_space<vmem>> -> memref<1x128xi32, #tpu.memory_space<vmem>>
        %dma_wait3A_1125 = tpu.memref_squeeze %dma_wait3A_1124 : memref<1x128xi32, #tpu.memory_space<vmem>> -> memref<128xi32, #tpu.memory_space<vmem>>
        %dma_wait3A_1126 = arith.constant 0 : i32
        %dma_wait3A_1127 = arith.constant 0 : i32
        %dma_wait3A_1128 = tpu.memref_slice %arg11[%dma_wait3A_1126, %dma_wait3A_1127] : memref<10240x16xf32, #tpu.memory_space<vmem_shared>> -> memref<10240x16xf32, #tpu.memory_space<vmem_shared>>
        %dma_wait3A_1129 = tpu.memref_slice %arg13[%dma_wait3A_1118] : memref<13x!tpu.dma_semaphore, #tpu.memory_space<semaphore_mem>> -> memref<1x!tpu.dma_semaphore, #tpu.memory_space<semaphore_mem>>
        %dma_wait3A_1130 = tpu.memref_squeeze %dma_wait3A_1129 : memref<1x!tpu.dma_semaphore, #tpu.memory_space<semaphore_mem>> -> memref<!tpu.dma_semaphore, #tpu.memory_space<semaphore_mem>>
        tpu.wait_indirect_dma semaphore(%dma_wait3A_1130 : memref<!tpu.dma_semaphore, #tpu.memory_space<semaphore_mem>>) src(%dma_wait3A_1122 : memref<128x16xf32, #tpu.memory_space<vmem>>) dst(%dma_wait3A_1128 : memref<10240x16xf32, #tpu.memory_space<vmem_shared>>)
        %add3A_1131 = arith.constant 13 : i32
        %add3A_1132 = arith.addi %mul3A_421, %add3A_1131 : i32
        %add3A_1133 = arith.constant 8 : i32
        %add3A_1134 = arith.addi %add3A_1132, %add3A_1133 : i32
        %dma_start3A_1135 = arith.constant 8 : i32
        %dma_start3A_1136 = arith.constant 8 : i32
        %dma_start3A_1137 = arith.constant 0 : i32
        %dma_start3A_1138 = arith.constant 0 : i32
        %dma_start3A_1139 = tpu.memref_slice %arg9[%dma_start3A_1135, %dma_start3A_1137, %dma_start3A_1138] : memref<13x128x16xf32, #tpu.memory_space<vmem>> -> memref<1x128x16xf32, #tpu.memory_space<vmem>>
        %dma_start3A_1140 = tpu.memref_squeeze %dma_start3A_1139 : memref<1x128x16xf32, #tpu.memory_space<vmem>> -> memref<128x16xf32, #tpu.memory_space<vmem>>
        %dma_start3A_1141 = arith.constant 0 : i32
        %dma_start3A_1142 = tpu.memref_slice %arg5[%add3A_1134, %dma_start3A_1141] : memref<78x128xi32, #tpu.memory_space<vmem>> -> memref<1x128xi32, #tpu.memory_space<vmem>>
        %dma_start3A_1143 = tpu.memref_squeeze %dma_start3A_1142 : memref<1x128xi32, #tpu.memory_space<vmem>> -> memref<128xi32, #tpu.memory_space<vmem>>
        %dma_start3A_1144 = arith.constant 0 : i32
        %dma_start3A_1145 = arith.constant 0 : i32
        %dma_start3A_1146 = tpu.memref_slice %arg3[%dma_start3A_1144, %dma_start3A_1145] : memref<10240x16xf32, #tpu.memory_space<hbm>> -> memref<10240x16xf32, #tpu.memory_space<hbm>>
        %dma_start3A_1147 = tpu.memref_slice %arg12[%dma_start3A_1136] : memref<13x!tpu.dma_semaphore, #tpu.memory_space<semaphore_mem>> -> memref<1x!tpu.dma_semaphore, #tpu.memory_space<semaphore_mem>>
        %dma_start3A_1148 = tpu.memref_squeeze %dma_start3A_1147 : memref<1x!tpu.dma_semaphore, #tpu.memory_space<semaphore_mem>> -> memref<!tpu.dma_semaphore, #tpu.memory_space<semaphore_mem>>
        tpu.enqueue_indirect_dma source(%dma_start3A_1146 : memref<10240x16xf32, #tpu.memory_space<hbm>>) target(%dma_start3A_1140 : memref<128x16xf32, #tpu.memory_space<vmem>>) offsets(%dma_start3A_1143 : memref<128xi32, #tpu.memory_space<vmem>>) semaphore(%dma_start3A_1148 : memref<!tpu.dma_semaphore, #tpu.memory_space<semaphore_mem>>)
        %add3A_1149 = arith.constant 9 : i32
        %add3A_1150 = arith.addi %mul3A_421, %add3A_1149 : i32
        %dma_wait3A_1151 = arith.constant 9 : i32
        %dma_wait3A_1152 = arith.constant 9 : i32
        %dma_wait3A_1153 = arith.constant 0 : i32
        %dma_wait3A_1154 = arith.constant 0 : i32
        %dma_wait3A_1155 = tpu.memref_slice %arg9[%dma_wait3A_1151, %dma_wait3A_1153, %dma_wait3A_1154] : memref<13x128x16xf32, #tpu.memory_space<vmem>> -> memref<1x128x16xf32, #tpu.memory_space<vmem>>
        %dma_wait3A_1156 = tpu.memref_squeeze %dma_wait3A_1155 : memref<1x128x16xf32, #tpu.memory_space<vmem>> -> memref<128x16xf32, #tpu.memory_space<vmem>>
        %dma_wait3A_1157 = arith.constant 0 : i32
        %dma_wait3A_1158 = tpu.memref_slice %arg6[%add3A_1150, %dma_wait3A_1157] : memref<78x128xi32, #tpu.memory_space<vmem>> -> memref<1x128xi32, #tpu.memory_space<vmem>>
        %dma_wait3A_1159 = tpu.memref_squeeze %dma_wait3A_1158 : memref<1x128xi32, #tpu.memory_space<vmem>> -> memref<128xi32, #tpu.memory_space<vmem>>
        %dma_wait3A_1160 = arith.constant 0 : i32
        %dma_wait3A_1161 = arith.constant 0 : i32
        %dma_wait3A_1162 = tpu.memref_slice %arg11[%dma_wait3A_1160, %dma_wait3A_1161] : memref<10240x16xf32, #tpu.memory_space<vmem_shared>> -> memref<10240x16xf32, #tpu.memory_space<vmem_shared>>
        %dma_wait3A_1163 = tpu.memref_slice %arg13[%dma_wait3A_1152] : memref<13x!tpu.dma_semaphore, #tpu.memory_space<semaphore_mem>> -> memref<1x!tpu.dma_semaphore, #tpu.memory_space<semaphore_mem>>
        %dma_wait3A_1164 = tpu.memref_squeeze %dma_wait3A_1163 : memref<1x!tpu.dma_semaphore, #tpu.memory_space<semaphore_mem>> -> memref<!tpu.dma_semaphore, #tpu.memory_space<semaphore_mem>>
        tpu.wait_indirect_dma semaphore(%dma_wait3A_1164 : memref<!tpu.dma_semaphore, #tpu.memory_space<semaphore_mem>>) src(%dma_wait3A_1156 : memref<128x16xf32, #tpu.memory_space<vmem>>) dst(%dma_wait3A_1162 : memref<10240x16xf32, #tpu.memory_space<vmem_shared>>)
        %add3A_1165 = arith.constant 13 : i32
        %add3A_1166 = arith.addi %mul3A_421, %add3A_1165 : i32
        %add3A_1167 = arith.constant 9 : i32
        %add3A_1168 = arith.addi %add3A_1166, %add3A_1167 : i32
        %dma_start3A_1169 = arith.constant 9 : i32
        %dma_start3A_1170 = arith.constant 9 : i32
        %dma_start3A_1171 = arith.constant 0 : i32
        %dma_start3A_1172 = arith.constant 0 : i32
        %dma_start3A_1173 = tpu.memref_slice %arg9[%dma_start3A_1169, %dma_start3A_1171, %dma_start3A_1172] : memref<13x128x16xf32, #tpu.memory_space<vmem>> -> memref<1x128x16xf32, #tpu.memory_space<vmem>>
        %dma_start3A_1174 = tpu.memref_squeeze %dma_start3A_1173 : memref<1x128x16xf32, #tpu.memory_space<vmem>> -> memref<128x16xf32, #tpu.memory_space<vmem>>
        %dma_start3A_1175 = arith.constant 0 : i32
        %dma_start3A_1176 = tpu.memref_slice %arg5[%add3A_1168, %dma_start3A_1175] : memref<78x128xi32, #tpu.memory_space<vmem>> -> memref<1x128xi32, #tpu.memory_space<vmem>>
        %dma_start3A_1177 = tpu.memref_squeeze %dma_start3A_1176 : memref<1x128xi32, #tpu.memory_space<vmem>> -> memref<128xi32, #tpu.memory_space<vmem>>
        %dma_start3A_1178 = arith.constant 0 : i32
        %dma_start3A_1179 = arith.constant 0 : i32
        %dma_start3A_1180 = tpu.memref_slice %arg3[%dma_start3A_1178, %dma_start3A_1179] : memref<10240x16xf32, #tpu.memory_space<hbm>> -> memref<10240x16xf32, #tpu.memory_space<hbm>>
        %dma_start3A_1181 = tpu.memref_slice %arg12[%dma_start3A_1170] : memref<13x!tpu.dma_semaphore, #tpu.memory_space<semaphore_mem>> -> memref<1x!tpu.dma_semaphore, #tpu.memory_space<semaphore_mem>>
        %dma_start3A_1182 = tpu.memref_squeeze %dma_start3A_1181 : memref<1x!tpu.dma_semaphore, #tpu.memory_space<semaphore_mem>> -> memref<!tpu.dma_semaphore, #tpu.memory_space<semaphore_mem>>
        tpu.enqueue_indirect_dma source(%dma_start3A_1180 : memref<10240x16xf32, #tpu.memory_space<hbm>>) target(%dma_start3A_1174 : memref<128x16xf32, #tpu.memory_space<vmem>>) offsets(%dma_start3A_1177 : memref<128xi32, #tpu.memory_space<vmem>>) semaphore(%dma_start3A_1182 : memref<!tpu.dma_semaphore, #tpu.memory_space<semaphore_mem>>)
        %add3A_1183 = arith.constant 10 : i32
        %add3A_1184 = arith.addi %mul3A_421, %add3A_1183 : i32
        %dma_wait3A_1185 = arith.constant 10 : i32
        %dma_wait3A_1186 = arith.constant 10 : i32
        %dma_wait3A_1187 = arith.constant 0 : i32
        %dma_wait3A_1188 = arith.constant 0 : i32
        %dma_wait3A_1189 = tpu.memref_slice %arg9[%dma_wait3A_1185, %dma_wait3A_1187, %dma_wait3A_1188] : memref<13x128x16xf32, #tpu.memory_space<vmem>> -> memref<1x128x16xf32, #tpu.memory_space<vmem>>
        %dma_wait3A_1190 = tpu.memref_squeeze %dma_wait3A_1189 : memref<1x128x16xf32, #tpu.memory_space<vmem>> -> memref<128x16xf32, #tpu.memory_space<vmem>>
        %dma_wait3A_1191 = arith.constant 0 : i32
        %dma_wait3A_1192 = tpu.memref_slice %arg6[%add3A_1184, %dma_wait3A_1191] : memref<78x128xi32, #tpu.memory_space<vmem>> -> memref<1x128xi32, #tpu.memory_space<vmem>>
        %dma_wait3A_1193 = tpu.memref_squeeze %dma_wait3A_1192 : memref<1x128xi32, #tpu.memory_space<vmem>> -> memref<128xi32, #tpu.memory_space<vmem>>
        %dma_wait3A_1194 = arith.constant 0 : i32
        %dma_wait3A_1195 = arith.constant 0 : i32
        %dma_wait3A_1196 = tpu.memref_slice %arg11[%dma_wait3A_1194, %dma_wait3A_1195] : memref<10240x16xf32, #tpu.memory_space<vmem_shared>> -> memref<10240x16xf32, #tpu.memory_space<vmem_shared>>
        %dma_wait3A_1197 = tpu.memref_slice %arg13[%dma_wait3A_1186] : memref<13x!tpu.dma_semaphore, #tpu.memory_space<semaphore_mem>> -> memref<1x!tpu.dma_semaphore, #tpu.memory_space<semaphore_mem>>
        %dma_wait3A_1198 = tpu.memref_squeeze %dma_wait3A_1197 : memref<1x!tpu.dma_semaphore, #tpu.memory_space<semaphore_mem>> -> memref<!tpu.dma_semaphore, #tpu.memory_space<semaphore_mem>>
        tpu.wait_indirect_dma semaphore(%dma_wait3A_1198 : memref<!tpu.dma_semaphore, #tpu.memory_space<semaphore_mem>>) src(%dma_wait3A_1190 : memref<128x16xf32, #tpu.memory_space<vmem>>) dst(%dma_wait3A_1196 : memref<10240x16xf32, #tpu.memory_space<vmem_shared>>)
        %add3A_1199 = arith.constant 13 : i32
        %add3A_1200 = arith.addi %mul3A_421, %add3A_1199 : i32
        %add3A_1201 = arith.constant 10 : i32
        %add3A_1202 = arith.addi %add3A_1200, %add3A_1201 : i32
        %dma_start3A_1203 = arith.constant 10 : i32
        %dma_start3A_1204 = arith.constant 10 : i32
        %dma_start3A_1205 = arith.constant 0 : i32
        %dma_start3A_1206 = arith.constant 0 : i32
        %dma_start3A_1207 = tpu.memref_slice %arg9[%dma_start3A_1203, %dma_start3A_1205, %dma_start3A_1206] : memref<13x128x16xf32, #tpu.memory_space<vmem>> -> memref<1x128x16xf32, #tpu.memory_space<vmem>>
        %dma_start3A_1208 = tpu.memref_squeeze %dma_start3A_1207 : memref<1x128x16xf32, #tpu.memory_space<vmem>> -> memref<128x16xf32, #tpu.memory_space<vmem>>
        %dma_start3A_1209 = arith.constant 0 : i32
        %dma_start3A_1210 = tpu.memref_slice %arg5[%add3A_1202, %dma_start3A_1209] : memref<78x128xi32, #tpu.memory_space<vmem>> -> memref<1x128xi32, #tpu.memory_space<vmem>>
        %dma_start3A_1211 = tpu.memref_squeeze %dma_start3A_1210 : memref<1x128xi32, #tpu.memory_space<vmem>> -> memref<128xi32, #tpu.memory_space<vmem>>
        %dma_start3A_1212 = arith.constant 0 : i32
        %dma_start3A_1213 = arith.constant 0 : i32
        %dma_start3A_1214 = tpu.memref_slice %arg3[%dma_start3A_1212, %dma_start3A_1213] : memref<10240x16xf32, #tpu.memory_space<hbm>> -> memref<10240x16xf32, #tpu.memory_space<hbm>>
        %dma_start3A_1215 = tpu.memref_slice %arg12[%dma_start3A_1204] : memref<13x!tpu.dma_semaphore, #tpu.memory_space<semaphore_mem>> -> memref<1x!tpu.dma_semaphore, #tpu.memory_space<semaphore_mem>>
        %dma_start3A_1216 = tpu.memref_squeeze %dma_start3A_1215 : memref<1x!tpu.dma_semaphore, #tpu.memory_space<semaphore_mem>> -> memref<!tpu.dma_semaphore, #tpu.memory_space<semaphore_mem>>
        tpu.enqueue_indirect_dma source(%dma_start3A_1214 : memref<10240x16xf32, #tpu.memory_space<hbm>>) target(%dma_start3A_1208 : memref<128x16xf32, #tpu.memory_space<vmem>>) offsets(%dma_start3A_1211 : memref<128xi32, #tpu.memory_space<vmem>>) semaphore(%dma_start3A_1216 : memref<!tpu.dma_semaphore, #tpu.memory_space<semaphore_mem>>)
        %add3A_1217 = arith.constant 11 : i32
        %add3A_1218 = arith.addi %mul3A_421, %add3A_1217 : i32
        %dma_wait3A_1219 = arith.constant 11 : i32
        %dma_wait3A_1220 = arith.constant 11 : i32
        %dma_wait3A_1221 = arith.constant 0 : i32
        %dma_wait3A_1222 = arith.constant 0 : i32
        %dma_wait3A_1223 = tpu.memref_slice %arg9[%dma_wait3A_1219, %dma_wait3A_1221, %dma_wait3A_1222] : memref<13x128x16xf32, #tpu.memory_space<vmem>> -> memref<1x128x16xf32, #tpu.memory_space<vmem>>
        %dma_wait3A_1224 = tpu.memref_squeeze %dma_wait3A_1223 : memref<1x128x16xf32, #tpu.memory_space<vmem>> -> memref<128x16xf32, #tpu.memory_space<vmem>>
        %dma_wait3A_1225 = arith.constant 0 : i32
        %dma_wait3A_1226 = tpu.memref_slice %arg6[%add3A_1218, %dma_wait3A_1225] : memref<78x128xi32, #tpu.memory_space<vmem>> -> memref<1x128xi32, #tpu.memory_space<vmem>>
        %dma_wait3A_1227 = tpu.memref_squeeze %dma_wait3A_1226 : memref<1x128xi32, #tpu.memory_space<vmem>> -> memref<128xi32, #tpu.memory_space<vmem>>
        %dma_wait3A_1228 = arith.constant 0 : i32
        %dma_wait3A_1229 = arith.constant 0 : i32
        %dma_wait3A_1230 = tpu.memref_slice %arg11[%dma_wait3A_1228, %dma_wait3A_1229] : memref<10240x16xf32, #tpu.memory_space<vmem_shared>> -> memref<10240x16xf32, #tpu.memory_space<vmem_shared>>
        %dma_wait3A_1231 = tpu.memref_slice %arg13[%dma_wait3A_1220] : memref<13x!tpu.dma_semaphore, #tpu.memory_space<semaphore_mem>> -> memref<1x!tpu.dma_semaphore, #tpu.memory_space<semaphore_mem>>
        %dma_wait3A_1232 = tpu.memref_squeeze %dma_wait3A_1231 : memref<1x!tpu.dma_semaphore, #tpu.memory_space<semaphore_mem>> -> memref<!tpu.dma_semaphore, #tpu.memory_space<semaphore_mem>>
        tpu.wait_indirect_dma semaphore(%dma_wait3A_1232 : memref<!tpu.dma_semaphore, #tpu.memory_space<semaphore_mem>>) src(%dma_wait3A_1224 : memref<128x16xf32, #tpu.memory_space<vmem>>) dst(%dma_wait3A_1230 : memref<10240x16xf32, #tpu.memory_space<vmem_shared>>)
        %add3A_1233 = arith.constant 13 : i32
        %add3A_1234 = arith.addi %mul3A_421, %add3A_1233 : i32
        %add3A_1235 = arith.constant 11 : i32
        %add3A_1236 = arith.addi %add3A_1234, %add3A_1235 : i32
        %dma_start3A_1237 = arith.constant 11 : i32
        %dma_start3A_1238 = arith.constant 11 : i32
        %dma_start3A_1239 = arith.constant 0 : i32
        %dma_start3A_1240 = arith.constant 0 : i32
        %dma_start3A_1241 = tpu.memref_slice %arg9[%dma_start3A_1237, %dma_start3A_1239, %dma_start3A_1240] : memref<13x128x16xf32, #tpu.memory_space<vmem>> -> memref<1x128x16xf32, #tpu.memory_space<vmem>>
        %dma_start3A_1242 = tpu.memref_squeeze %dma_start3A_1241 : memref<1x128x16xf32, #tpu.memory_space<vmem>> -> memref<128x16xf32, #tpu.memory_space<vmem>>
        %dma_start3A_1243 = arith.constant 0 : i32
        %dma_start3A_1244 = tpu.memref_slice %arg5[%add3A_1236, %dma_start3A_1243] : memref<78x128xi32, #tpu.memory_space<vmem>> -> memref<1x128xi32, #tpu.memory_space<vmem>>
        %dma_start3A_1245 = tpu.memref_squeeze %dma_start3A_1244 : memref<1x128xi32, #tpu.memory_space<vmem>> -> memref<128xi32, #tpu.memory_space<vmem>>
        %dma_start3A_1246 = arith.constant 0 : i32
        %dma_start3A_1247 = arith.constant 0 : i32
        %dma_start3A_1248 = tpu.memref_slice %arg3[%dma_start3A_1246, %dma_start3A_1247] : memref<10240x16xf32, #tpu.memory_space<hbm>> -> memref<10240x16xf32, #tpu.memory_space<hbm>>
        %dma_start3A_1249 = tpu.memref_slice %arg12[%dma_start3A_1238] : memref<13x!tpu.dma_semaphore, #tpu.memory_space<semaphore_mem>> -> memref<1x!tpu.dma_semaphore, #tpu.memory_space<semaphore_mem>>
        %dma_start3A_1250 = tpu.memref_squeeze %dma_start3A_1249 : memref<1x!tpu.dma_semaphore, #tpu.memory_space<semaphore_mem>> -> memref<!tpu.dma_semaphore, #tpu.memory_space<semaphore_mem>>
        tpu.enqueue_indirect_dma source(%dma_start3A_1248 : memref<10240x16xf32, #tpu.memory_space<hbm>>) target(%dma_start3A_1242 : memref<128x16xf32, #tpu.memory_space<vmem>>) offsets(%dma_start3A_1245 : memref<128xi32, #tpu.memory_space<vmem>>) semaphore(%dma_start3A_1250 : memref<!tpu.dma_semaphore, #tpu.memory_space<semaphore_mem>>)
        %add3A_1251 = arith.constant 12 : i32
        %add3A_1252 = arith.addi %mul3A_421, %add3A_1251 : i32
        %dma_wait3A_1253 = arith.constant 12 : i32
        %dma_wait3A_1254 = arith.constant 12 : i32
        %dma_wait3A_1255 = arith.constant 0 : i32
        %dma_wait3A_1256 = arith.constant 0 : i32
        %dma_wait3A_1257 = tpu.memref_slice %arg9[%dma_wait3A_1253, %dma_wait3A_1255, %dma_wait3A_1256] : memref<13x128x16xf32, #tpu.memory_space<vmem>> -> memref<1x128x16xf32, #tpu.memory_space<vmem>>
        %dma_wait3A_1258 = tpu.memref_squeeze %dma_wait3A_1257 : memref<1x128x16xf32, #tpu.memory_space<vmem>> -> memref<128x16xf32, #tpu.memory_space<vmem>>
        %dma_wait3A_1259 = arith.constant 0 : i32
        %dma_wait3A_1260 = tpu.memref_slice %arg6[%add3A_1252, %dma_wait3A_1259] : memref<78x128xi32, #tpu.memory_space<vmem>> -> memref<1x128xi32, #tpu.memory_space<vmem>>
        %dma_wait3A_1261 = tpu.memref_squeeze %dma_wait3A_1260 : memref<1x128xi32, #tpu.memory_space<vmem>> -> memref<128xi32, #tpu.memory_space<vmem>>
        %dma_wait3A_1262 = arith.constant 0 : i32
        %dma_wait3A_1263 = arith.constant 0 : i32
        %dma_wait3A_1264 = tpu.memref_slice %arg11[%dma_wait3A_1262, %dma_wait3A_1263] : memref<10240x16xf32, #tpu.memory_space<vmem_shared>> -> memref<10240x16xf32, #tpu.memory_space<vmem_shared>>
        %dma_wait3A_1265 = tpu.memref_slice %arg13[%dma_wait3A_1254] : memref<13x!tpu.dma_semaphore, #tpu.memory_space<semaphore_mem>> -> memref<1x!tpu.dma_semaphore, #tpu.memory_space<semaphore_mem>>
        %dma_wait3A_1266 = tpu.memref_squeeze %dma_wait3A_1265 : memref<1x!tpu.dma_semaphore, #tpu.memory_space<semaphore_mem>> -> memref<!tpu.dma_semaphore, #tpu.memory_space<semaphore_mem>>
        tpu.wait_indirect_dma semaphore(%dma_wait3A_1266 : memref<!tpu.dma_semaphore, #tpu.memory_space<semaphore_mem>>) src(%dma_wait3A_1258 : memref<128x16xf32, #tpu.memory_space<vmem>>) dst(%dma_wait3A_1264 : memref<10240x16xf32, #tpu.memory_space<vmem_shared>>)
        %add3A_1267 = arith.constant 13 : i32
        %add3A_1268 = arith.addi %mul3A_421, %add3A_1267 : i32
        %add3A_1269 = arith.constant 12 : i32
        %add3A_1270 = arith.addi %add3A_1268, %add3A_1269 : i32
        %dma_start3A_1271 = arith.constant 12 : i32
        %dma_start3A_1272 = arith.constant 12 : i32
        %dma_start3A_1273 = arith.constant 0 : i32
        %dma_start3A_1274 = arith.constant 0 : i32
        %dma_start3A_1275 = tpu.memref_slice %arg9[%dma_start3A_1271, %dma_start3A_1273, %dma_start3A_1274] : memref<13x128x16xf32, #tpu.memory_space<vmem>> -> memref<1x128x16xf32, #tpu.memory_space<vmem>>
        %dma_start3A_1276 = tpu.memref_squeeze %dma_start3A_1275 : memref<1x128x16xf32, #tpu.memory_space<vmem>> -> memref<128x16xf32, #tpu.memory_space<vmem>>
        %dma_start3A_1277 = arith.constant 0 : i32
        %dma_start3A_1278 = tpu.memref_slice %arg5[%add3A_1270, %dma_start3A_1277] : memref<78x128xi32, #tpu.memory_space<vmem>> -> memref<1x128xi32, #tpu.memory_space<vmem>>
        %dma_start3A_1279 = tpu.memref_squeeze %dma_start3A_1278 : memref<1x128xi32, #tpu.memory_space<vmem>> -> memref<128xi32, #tpu.memory_space<vmem>>
        %dma_start3A_1280 = arith.constant 0 : i32
        %dma_start3A_1281 = arith.constant 0 : i32
        %dma_start3A_1282 = tpu.memref_slice %arg3[%dma_start3A_1280, %dma_start3A_1281] : memref<10240x16xf32, #tpu.memory_space<hbm>> -> memref<10240x16xf32, #tpu.memory_space<hbm>>
        %dma_start3A_1283 = tpu.memref_slice %arg12[%dma_start3A_1272] : memref<13x!tpu.dma_semaphore, #tpu.memory_space<semaphore_mem>> -> memref<1x!tpu.dma_semaphore, #tpu.memory_space<semaphore_mem>>
        %dma_start3A_1284 = tpu.memref_squeeze %dma_start3A_1283 : memref<1x!tpu.dma_semaphore, #tpu.memory_space<semaphore_mem>> -> memref<!tpu.dma_semaphore, #tpu.memory_space<semaphore_mem>>
        tpu.enqueue_indirect_dma source(%dma_start3A_1282 : memref<10240x16xf32, #tpu.memory_space<hbm>>) target(%dma_start3A_1276 : memref<128x16xf32, #tpu.memory_space<vmem>>) offsets(%dma_start3A_1279 : memref<128xi32, #tpu.memory_space<vmem>>) semaphore(%dma_start3A_1284 : memref<!tpu.dma_semaphore, #tpu.memory_space<semaphore_mem>>)
      } else {
      }
    }
    %scan3A_213 = arith.constant 6 : i32
    %dma_wait3A = arith.constant 0 : i32
    %dma_wait3A_214 = arith.constant 65 : i32
    %dma_wait3A_215 = arith.constant 0 : i32
    %dma_wait3A_216 = arith.constant 0 : i32
    %dma_wait3A_217 = arith.constant 0 : i32
    %dma_wait3A_218 = tpu.memref_slice %arg9[%dma_wait3A, %dma_wait3A_216, %dma_wait3A_217] : memref<13x128x16xf32, #tpu.memory_space<vmem>> -> memref<1x128x16xf32, #tpu.memory_space<vmem>>
    %dma_wait3A_219 = tpu.memref_squeeze %dma_wait3A_218 : memref<1x128x16xf32, #tpu.memory_space<vmem>> -> memref<128x16xf32, #tpu.memory_space<vmem>>
    %dma_wait3A_220 = arith.constant 0 : i32
    %dma_wait3A_221 = tpu.memref_slice %arg6[%dma_wait3A_214, %dma_wait3A_220] : memref<78x128xi32, #tpu.memory_space<vmem>> -> memref<1x128xi32, #tpu.memory_space<vmem>>
    %dma_wait3A_222 = tpu.memref_squeeze %dma_wait3A_221 : memref<1x128xi32, #tpu.memory_space<vmem>> -> memref<128xi32, #tpu.memory_space<vmem>>
    %dma_wait3A_223 = arith.constant 0 : i32
    %dma_wait3A_224 = arith.constant 0 : i32
    %dma_wait3A_225 = tpu.memref_slice %arg11[%dma_wait3A_223, %dma_wait3A_224] : memref<10240x16xf32, #tpu.memory_space<vmem_shared>> -> memref<10240x16xf32, #tpu.memory_space<vmem_shared>>
    %dma_wait3A_226 = tpu.memref_slice %arg13[%dma_wait3A_215] : memref<13x!tpu.dma_semaphore, #tpu.memory_space<semaphore_mem>> -> memref<1x!tpu.dma_semaphore, #tpu.memory_space<semaphore_mem>>
    %dma_wait3A_227 = tpu.memref_squeeze %dma_wait3A_226 : memref<1x!tpu.dma_semaphore, #tpu.memory_space<semaphore_mem>> -> memref<!tpu.dma_semaphore, #tpu.memory_space<semaphore_mem>>
    tpu.wait_indirect_dma semaphore(%dma_wait3A_227 : memref<!tpu.dma_semaphore, #tpu.memory_space<semaphore_mem>>) src(%dma_wait3A_219 : memref<128x16xf32, #tpu.memory_space<vmem>>) dst(%dma_wait3A_225 : memref<10240x16xf32, #tpu.memory_space<vmem_shared>>)
    %dma_wait3A_228 = arith.constant 1 : i32
    %dma_wait3A_229 = arith.constant 66 : i32
    %dma_wait3A_230 = arith.constant 1 : i32
    %dma_wait3A_231 = arith.constant 0 : i32
    %dma_wait3A_232 = arith.constant 0 : i32
    %dma_wait3A_233 = tpu.memref_slice %arg9[%dma_wait3A_228, %dma_wait3A_231, %dma_wait3A_232] : memref<13x128x16xf32, #tpu.memory_space<vmem>> -> memref<1x128x16xf32, #tpu.memory_space<vmem>>
    %dma_wait3A_234 = tpu.memref_squeeze %dma_wait3A_233 : memref<1x128x16xf32, #tpu.memory_space<vmem>> -> memref<128x16xf32, #tpu.memory_space<vmem>>
    %dma_wait3A_235 = arith.constant 0 : i32
    %dma_wait3A_236 = tpu.memref_slice %arg6[%dma_wait3A_229, %dma_wait3A_235] : memref<78x128xi32, #tpu.memory_space<vmem>> -> memref<1x128xi32, #tpu.memory_space<vmem>>
    %dma_wait3A_237 = tpu.memref_squeeze %dma_wait3A_236 : memref<1x128xi32, #tpu.memory_space<vmem>> -> memref<128xi32, #tpu.memory_space<vmem>>
    %dma_wait3A_238 = arith.constant 0 : i32
    %dma_wait3A_239 = arith.constant 0 : i32
    %dma_wait3A_240 = tpu.memref_slice %arg11[%dma_wait3A_238, %dma_wait3A_239] : memref<10240x16xf32, #tpu.memory_space<vmem_shared>> -> memref<10240x16xf32, #tpu.memory_space<vmem_shared>>
    %dma_wait3A_241 = tpu.memref_slice %arg13[%dma_wait3A_230] : memref<13x!tpu.dma_semaphore, #tpu.memory_space<semaphore_mem>> -> memref<1x!tpu.dma_semaphore, #tpu.memory_space<semaphore_mem>>
    %dma_wait3A_242 = tpu.memref_squeeze %dma_wait3A_241 : memref<1x!tpu.dma_semaphore, #tpu.memory_space<semaphore_mem>> -> memref<!tpu.dma_semaphore, #tpu.memory_space<semaphore_mem>>
    tpu.wait_indirect_dma semaphore(%dma_wait3A_242 : memref<!tpu.dma_semaphore, #tpu.memory_space<semaphore_mem>>) src(%dma_wait3A_234 : memref<128x16xf32, #tpu.memory_space<vmem>>) dst(%dma_wait3A_240 : memref<10240x16xf32, #tpu.memory_space<vmem_shared>>)
    %dma_wait3A_243 = arith.constant 2 : i32
    %dma_wait3A_244 = arith.constant 67 : i32
    %dma_wait3A_245 = arith.constant 2 : i32
    %dma_wait3A_246 = arith.constant 0 : i32
    %dma_wait3A_247 = arith.constant 0 : i32
    %dma_wait3A_248 = tpu.memref_slice %arg9[%dma_wait3A_243, %dma_wait3A_246, %dma_wait3A_247] : memref<13x128x16xf32, #tpu.memory_space<vmem>> -> memref<1x128x16xf32, #tpu.memory_space<vmem>>
    %dma_wait3A_249 = tpu.memref_squeeze %dma_wait3A_248 : memref<1x128x16xf32, #tpu.memory_space<vmem>> -> memref<128x16xf32, #tpu.memory_space<vmem>>
    %dma_wait3A_250 = arith.constant 0 : i32
    %dma_wait3A_251 = tpu.memref_slice %arg6[%dma_wait3A_244, %dma_wait3A_250] : memref<78x128xi32, #tpu.memory_space<vmem>> -> memref<1x128xi32, #tpu.memory_space<vmem>>
    %dma_wait3A_252 = tpu.memref_squeeze %dma_wait3A_251 : memref<1x128xi32, #tpu.memory_space<vmem>> -> memref<128xi32, #tpu.memory_space<vmem>>
    %dma_wait3A_253 = arith.constant 0 : i32
    %dma_wait3A_254 = arith.constant 0 : i32
    %dma_wait3A_255 = tpu.memref_slice %arg11[%dma_wait3A_253, %dma_wait3A_254] : memref<10240x16xf32, #tpu.memory_space<vmem_shared>> -> memref<10240x16xf32, #tpu.memory_space<vmem_shared>>
    %dma_wait3A_256 = tpu.memref_slice %arg13[%dma_wait3A_245] : memref<13x!tpu.dma_semaphore, #tpu.memory_space<semaphore_mem>> -> memref<1x!tpu.dma_semaphore, #tpu.memory_space<semaphore_mem>>
    %dma_wait3A_257 = tpu.memref_squeeze %dma_wait3A_256 : memref<1x!tpu.dma_semaphore, #tpu.memory_space<semaphore_mem>> -> memref<!tpu.dma_semaphore, #tpu.memory_space<semaphore_mem>>
    tpu.wait_indirect_dma semaphore(%dma_wait3A_257 : memref<!tpu.dma_semaphore, #tpu.memory_space<semaphore_mem>>) src(%dma_wait3A_249 : memref<128x16xf32, #tpu.memory_space<vmem>>) dst(%dma_wait3A_255 : memref<10240x16xf32, #tpu.memory_space<vmem_shared>>)
    %dma_wait3A_258 = arith.constant 3 : i32
    %dma_wait3A_259 = arith.constant 68 : i32
    %dma_wait3A_260 = arith.constant 3 : i32
    %dma_wait3A_261 = arith.constant 0 : i32
    %dma_wait3A_262 = arith.constant 0 : i32
    %dma_wait3A_263 = tpu.memref_slice %arg9[%dma_wait3A_258, %dma_wait3A_261, %dma_wait3A_262] : memref<13x128x16xf32, #tpu.memory_space<vmem>> -> memref<1x128x16xf32, #tpu.memory_space<vmem>>
    %dma_wait3A_264 = tpu.memref_squeeze %dma_wait3A_263 : memref<1x128x16xf32, #tpu.memory_space<vmem>> -> memref<128x16xf32, #tpu.memory_space<vmem>>
    %dma_wait3A_265 = arith.constant 0 : i32
    %dma_wait3A_266 = tpu.memref_slice %arg6[%dma_wait3A_259, %dma_wait3A_265] : memref<78x128xi32, #tpu.memory_space<vmem>> -> memref<1x128xi32, #tpu.memory_space<vmem>>
    %dma_wait3A_267 = tpu.memref_squeeze %dma_wait3A_266 : memref<1x128xi32, #tpu.memory_space<vmem>> -> memref<128xi32, #tpu.memory_space<vmem>>
    %dma_wait3A_268 = arith.constant 0 : i32
    %dma_wait3A_269 = arith.constant 0 : i32
    %dma_wait3A_270 = tpu.memref_slice %arg11[%dma_wait3A_268, %dma_wait3A_269] : memref<10240x16xf32, #tpu.memory_space<vmem_shared>> -> memref<10240x16xf32, #tpu.memory_space<vmem_shared>>
    %dma_wait3A_271 = tpu.memref_slice %arg13[%dma_wait3A_260] : memref<13x!tpu.dma_semaphore, #tpu.memory_space<semaphore_mem>> -> memref<1x!tpu.dma_semaphore, #tpu.memory_space<semaphore_mem>>
    %dma_wait3A_272 = tpu.memref_squeeze %dma_wait3A_271 : memref<1x!tpu.dma_semaphore, #tpu.memory_space<semaphore_mem>> -> memref<!tpu.dma_semaphore, #tpu.memory_space<semaphore_mem>>
    tpu.wait_indirect_dma semaphore(%dma_wait3A_272 : memref<!tpu.dma_semaphore, #tpu.memory_space<semaphore_mem>>) src(%dma_wait3A_264 : memref<128x16xf32, #tpu.memory_space<vmem>>) dst(%dma_wait3A_270 : memref<10240x16xf32, #tpu.memory_space<vmem_shared>>)
    %dma_wait3A_273 = arith.constant 4 : i32
    %dma_wait3A_274 = arith.constant 69 : i32
    %dma_wait3A_275 = arith.constant 4 : i32
    %dma_wait3A_276 = arith.constant 0 : i32
    %dma_wait3A_277 = arith.constant 0 : i32
    %dma_wait3A_278 = tpu.memref_slice %arg9[%dma_wait3A_273, %dma_wait3A_276, %dma_wait3A_277] : memref<13x128x16xf32, #tpu.memory_space<vmem>> -> memref<1x128x16xf32, #tpu.memory_space<vmem>>
    %dma_wait3A_279 = tpu.memref_squeeze %dma_wait3A_278 : memref<1x128x16xf32, #tpu.memory_space<vmem>> -> memref<128x16xf32, #tpu.memory_space<vmem>>
    %dma_wait3A_280 = arith.constant 0 : i32
    %dma_wait3A_281 = tpu.memref_slice %arg6[%dma_wait3A_274, %dma_wait3A_280] : memref<78x128xi32, #tpu.memory_space<vmem>> -> memref<1x128xi32, #tpu.memory_space<vmem>>
    %dma_wait3A_282 = tpu.memref_squeeze %dma_wait3A_281 : memref<1x128xi32, #tpu.memory_space<vmem>> -> memref<128xi32, #tpu.memory_space<vmem>>
    %dma_wait3A_283 = arith.constant 0 : i32
    %dma_wait3A_284 = arith.constant 0 : i32
    %dma_wait3A_285 = tpu.memref_slice %arg11[%dma_wait3A_283, %dma_wait3A_284] : memref<10240x16xf32, #tpu.memory_space<vmem_shared>> -> memref<10240x16xf32, #tpu.memory_space<vmem_shared>>
    %dma_wait3A_286 = tpu.memref_slice %arg13[%dma_wait3A_275] : memref<13x!tpu.dma_semaphore, #tpu.memory_space<semaphore_mem>> -> memref<1x!tpu.dma_semaphore, #tpu.memory_space<semaphore_mem>>
    %dma_wait3A_287 = tpu.memref_squeeze %dma_wait3A_286 : memref<1x!tpu.dma_semaphore, #tpu.memory_space<semaphore_mem>> -> memref<!tpu.dma_semaphore, #tpu.memory_space<semaphore_mem>>
    tpu.wait_indirect_dma semaphore(%dma_wait3A_287 : memref<!tpu.dma_semaphore, #tpu.memory_space<semaphore_mem>>) src(%dma_wait3A_279 : memref<128x16xf32, #tpu.memory_space<vmem>>) dst(%dma_wait3A_285 : memref<10240x16xf32, #tpu.memory_space<vmem_shared>>)
    %dma_wait3A_288 = arith.constant 5 : i32
    %dma_wait3A_289 = arith.constant 70 : i32
    %dma_wait3A_290 = arith.constant 5 : i32
    %dma_wait3A_291 = arith.constant 0 : i32
    %dma_wait3A_292 = arith.constant 0 : i32
    %dma_wait3A_293 = tpu.memref_slice %arg9[%dma_wait3A_288, %dma_wait3A_291, %dma_wait3A_292] : memref<13x128x16xf32, #tpu.memory_space<vmem>> -> memref<1x128x16xf32, #tpu.memory_space<vmem>>
    %dma_wait3A_294 = tpu.memref_squeeze %dma_wait3A_293 : memref<1x128x16xf32, #tpu.memory_space<vmem>> -> memref<128x16xf32, #tpu.memory_space<vmem>>
    %dma_wait3A_295 = arith.constant 0 : i32
    %dma_wait3A_296 = tpu.memref_slice %arg6[%dma_wait3A_289, %dma_wait3A_295] : memref<78x128xi32, #tpu.memory_space<vmem>> -> memref<1x128xi32, #tpu.memory_space<vmem>>
    %dma_wait3A_297 = tpu.memref_squeeze %dma_wait3A_296 : memref<1x128xi32, #tpu.memory_space<vmem>> -> memref<128xi32, #tpu.memory_space<vmem>>
    %dma_wait3A_298 = arith.constant 0 : i32
    %dma_wait3A_299 = arith.constant 0 : i32
    %dma_wait3A_300 = tpu.memref_slice %arg11[%dma_wait3A_298, %dma_wait3A_299] : memref<10240x16xf32, #tpu.memory_space<vmem_shared>> -> memref<10240x16xf32, #tpu.memory_space<vmem_shared>>
    %dma_wait3A_301 = tpu.memref_slice %arg13[%dma_wait3A_290] : memref<13x!tpu.dma_semaphore, #tpu.memory_space<semaphore_mem>> -> memref<1x!tpu.dma_semaphore, #tpu.memory_space<semaphore_mem>>
    %dma_wait3A_302 = tpu.memref_squeeze %dma_wait3A_301 : memref<1x!tpu.dma_semaphore, #tpu.memory_space<semaphore_mem>> -> memref<!tpu.dma_semaphore, #tpu.memory_space<semaphore_mem>>
    tpu.wait_indirect_dma semaphore(%dma_wait3A_302 : memref<!tpu.dma_semaphore, #tpu.memory_space<semaphore_mem>>) src(%dma_wait3A_294 : memref<128x16xf32, #tpu.memory_space<vmem>>) dst(%dma_wait3A_300 : memref<10240x16xf32, #tpu.memory_space<vmem_shared>>)
    %dma_wait3A_303 = arith.constant 6 : i32
    %dma_wait3A_304 = arith.constant 71 : i32
    %dma_wait3A_305 = arith.constant 6 : i32
    %dma_wait3A_306 = arith.constant 0 : i32
    %dma_wait3A_307 = arith.constant 0 : i32
    %dma_wait3A_308 = tpu.memref_slice %arg9[%dma_wait3A_303, %dma_wait3A_306, %dma_wait3A_307] : memref<13x128x16xf32, #tpu.memory_space<vmem>> -> memref<1x128x16xf32, #tpu.memory_space<vmem>>
    %dma_wait3A_309 = tpu.memref_squeeze %dma_wait3A_308 : memref<1x128x16xf32, #tpu.memory_space<vmem>> -> memref<128x16xf32, #tpu.memory_space<vmem>>
    %dma_wait3A_310 = arith.constant 0 : i32
    %dma_wait3A_311 = tpu.memref_slice %arg6[%dma_wait3A_304, %dma_wait3A_310] : memref<78x128xi32, #tpu.memory_space<vmem>> -> memref<1x128xi32, #tpu.memory_space<vmem>>
    %dma_wait3A_312 = tpu.memref_squeeze %dma_wait3A_311 : memref<1x128xi32, #tpu.memory_space<vmem>> -> memref<128xi32, #tpu.memory_space<vmem>>
    %dma_wait3A_313 = arith.constant 0 : i32
    %dma_wait3A_314 = arith.constant 0 : i32
    %dma_wait3A_315 = tpu.memref_slice %arg11[%dma_wait3A_313, %dma_wait3A_314] : memref<10240x16xf32, #tpu.memory_space<vmem_shared>> -> memref<10240x16xf32, #tpu.memory_space<vmem_shared>>
    %dma_wait3A_316 = tpu.memref_slice %arg13[%dma_wait3A_305] : memref<13x!tpu.dma_semaphore, #tpu.memory_space<semaphore_mem>> -> memref<1x!tpu.dma_semaphore, #tpu.memory_space<semaphore_mem>>
    %dma_wait3A_317 = tpu.memref_squeeze %dma_wait3A_316 : memref<1x!tpu.dma_semaphore, #tpu.memory_space<semaphore_mem>> -> memref<!tpu.dma_semaphore, #tpu.memory_space<semaphore_mem>>
    tpu.wait_indirect_dma semaphore(%dma_wait3A_317 : memref<!tpu.dma_semaphore, #tpu.memory_space<semaphore_mem>>) src(%dma_wait3A_309 : memref<128x16xf32, #tpu.memory_space<vmem>>) dst(%dma_wait3A_315 : memref<10240x16xf32, #tpu.memory_space<vmem_shared>>)
    %dma_wait3A_318 = arith.constant 7 : i32
    %dma_wait3A_319 = arith.constant 72 : i32
    %dma_wait3A_320 = arith.constant 7 : i32
    %dma_wait3A_321 = arith.constant 0 : i32
    %dma_wait3A_322 = arith.constant 0 : i32
    %dma_wait3A_323 = tpu.memref_slice %arg9[%dma_wait3A_318, %dma_wait3A_321, %dma_wait3A_322] : memref<13x128x16xf32, #tpu.memory_space<vmem>> -> memref<1x128x16xf32, #tpu.memory_space<vmem>>
    %dma_wait3A_324 = tpu.memref_squeeze %dma_wait3A_323 : memref<1x128x16xf32, #tpu.memory_space<vmem>> -> memref<128x16xf32, #tpu.memory_space<vmem>>
    %dma_wait3A_325 = arith.constant 0 : i32
    %dma_wait3A_326 = tpu.memref_slice %arg6[%dma_wait3A_319, %dma_wait3A_325] : memref<78x128xi32, #tpu.memory_space<vmem>> -> memref<1x128xi32, #tpu.memory_space<vmem>>
    %dma_wait3A_327 = tpu.memref_squeeze %dma_wait3A_326 : memref<1x128xi32, #tpu.memory_space<vmem>> -> memref<128xi32, #tpu.memory_space<vmem>>
    %dma_wait3A_328 = arith.constant 0 : i32
    %dma_wait3A_329 = arith.constant 0 : i32
    %dma_wait3A_330 = tpu.memref_slice %arg11[%dma_wait3A_328, %dma_wait3A_329] : memref<10240x16xf32, #tpu.memory_space<vmem_shared>> -> memref<10240x16xf32, #tpu.memory_space<vmem_shared>>
    %dma_wait3A_331 = tpu.memref_slice %arg13[%dma_wait3A_320] : memref<13x!tpu.dma_semaphore, #tpu.memory_space<semaphore_mem>> -> memref<1x!tpu.dma_semaphore, #tpu.memory_space<semaphore_mem>>
    %dma_wait3A_332 = tpu.memref_squeeze %dma_wait3A_331 : memref<1x!tpu.dma_semaphore, #tpu.memory_space<semaphore_mem>> -> memref<!tpu.dma_semaphore, #tpu.memory_space<semaphore_mem>>
    tpu.wait_indirect_dma semaphore(%dma_wait3A_332 : memref<!tpu.dma_semaphore, #tpu.memory_space<semaphore_mem>>) src(%dma_wait3A_324 : memref<128x16xf32, #tpu.memory_space<vmem>>) dst(%dma_wait3A_330 : memref<10240x16xf32, #tpu.memory_space<vmem_shared>>)
    %dma_wait3A_333 = arith.constant 8 : i32
    %dma_wait3A_334 = arith.constant 73 : i32
    %dma_wait3A_335 = arith.constant 8 : i32
    %dma_wait3A_336 = arith.constant 0 : i32
    %dma_wait3A_337 = arith.constant 0 : i32
    %dma_wait3A_338 = tpu.memref_slice %arg9[%dma_wait3A_333, %dma_wait3A_336, %dma_wait3A_337] : memref<13x128x16xf32, #tpu.memory_space<vmem>> -> memref<1x128x16xf32, #tpu.memory_space<vmem>>
    %dma_wait3A_339 = tpu.memref_squeeze %dma_wait3A_338 : memref<1x128x16xf32, #tpu.memory_space<vmem>> -> memref<128x16xf32, #tpu.memory_space<vmem>>
    %dma_wait3A_340 = arith.constant 0 : i32
    %dma_wait3A_341 = tpu.memref_slice %arg6[%dma_wait3A_334, %dma_wait3A_340] : memref<78x128xi32, #tpu.memory_space<vmem>> -> memref<1x128xi32, #tpu.memory_space<vmem>>
    %dma_wait3A_342 = tpu.memref_squeeze %dma_wait3A_341 : memref<1x128xi32, #tpu.memory_space<vmem>> -> memref<128xi32, #tpu.memory_space<vmem>>
    %dma_wait3A_343 = arith.constant 0 : i32
    %dma_wait3A_344 = arith.constant 0 : i32
    %dma_wait3A_345 = tpu.memref_slice %arg11[%dma_wait3A_343, %dma_wait3A_344] : memref<10240x16xf32, #tpu.memory_space<vmem_shared>> -> memref<10240x16xf32, #tpu.memory_space<vmem_shared>>
    %dma_wait3A_346 = tpu.memref_slice %arg13[%dma_wait3A_335] : memref<13x!tpu.dma_semaphore, #tpu.memory_space<semaphore_mem>> -> memref<1x!tpu.dma_semaphore, #tpu.memory_space<semaphore_mem>>
    %dma_wait3A_347 = tpu.memref_squeeze %dma_wait3A_346 : memref<1x!tpu.dma_semaphore, #tpu.memory_space<semaphore_mem>> -> memref<!tpu.dma_semaphore, #tpu.memory_space<semaphore_mem>>
    tpu.wait_indirect_dma semaphore(%dma_wait3A_347 : memref<!tpu.dma_semaphore, #tpu.memory_space<semaphore_mem>>) src(%dma_wait3A_339 : memref<128x16xf32, #tpu.memory_space<vmem>>) dst(%dma_wait3A_345 : memref<10240x16xf32, #tpu.memory_space<vmem_shared>>)
    %dma_wait3A_348 = arith.constant 9 : i32
    %dma_wait3A_349 = arith.constant 74 : i32
    %dma_wait3A_350 = arith.constant 9 : i32
    %dma_wait3A_351 = arith.constant 0 : i32
    %dma_wait3A_352 = arith.constant 0 : i32
    %dma_wait3A_353 = tpu.memref_slice %arg9[%dma_wait3A_348, %dma_wait3A_351, %dma_wait3A_352] : memref<13x128x16xf32, #tpu.memory_space<vmem>> -> memref<1x128x16xf32, #tpu.memory_space<vmem>>
    %dma_wait3A_354 = tpu.memref_squeeze %dma_wait3A_353 : memref<1x128x16xf32, #tpu.memory_space<vmem>> -> memref<128x16xf32, #tpu.memory_space<vmem>>
    %dma_wait3A_355 = arith.constant 0 : i32
    %dma_wait3A_356 = tpu.memref_slice %arg6[%dma_wait3A_349, %dma_wait3A_355] : memref<78x128xi32, #tpu.memory_space<vmem>> -> memref<1x128xi32, #tpu.memory_space<vmem>>
    %dma_wait3A_357 = tpu.memref_squeeze %dma_wait3A_356 : memref<1x128xi32, #tpu.memory_space<vmem>> -> memref<128xi32, #tpu.memory_space<vmem>>
    %dma_wait3A_358 = arith.constant 0 : i32
    %dma_wait3A_359 = arith.constant 0 : i32
    %dma_wait3A_360 = tpu.memref_slice %arg11[%dma_wait3A_358, %dma_wait3A_359] : memref<10240x16xf32, #tpu.memory_space<vmem_shared>> -> memref<10240x16xf32, #tpu.memory_space<vmem_shared>>
    %dma_wait3A_361 = tpu.memref_slice %arg13[%dma_wait3A_350] : memref<13x!tpu.dma_semaphore, #tpu.memory_space<semaphore_mem>> -> memref<1x!tpu.dma_semaphore, #tpu.memory_space<semaphore_mem>>
    %dma_wait3A_362 = tpu.memref_squeeze %dma_wait3A_361 : memref<1x!tpu.dma_semaphore, #tpu.memory_space<semaphore_mem>> -> memref<!tpu.dma_semaphore, #tpu.memory_space<semaphore_mem>>
    tpu.wait_indirect_dma semaphore(%dma_wait3A_362 : memref<!tpu.dma_semaphore, #tpu.memory_space<semaphore_mem>>) src(%dma_wait3A_354 : memref<128x16xf32, #tpu.memory_space<vmem>>) dst(%dma_wait3A_360 : memref<10240x16xf32, #tpu.memory_space<vmem_shared>>)
    %dma_wait3A_363 = arith.constant 10 : i32
    %dma_wait3A_364 = arith.constant 75 : i32
    %dma_wait3A_365 = arith.constant 10 : i32
    %dma_wait3A_366 = arith.constant 0 : i32
    %dma_wait3A_367 = arith.constant 0 : i32
    %dma_wait3A_368 = tpu.memref_slice %arg9[%dma_wait3A_363, %dma_wait3A_366, %dma_wait3A_367] : memref<13x128x16xf32, #tpu.memory_space<vmem>> -> memref<1x128x16xf32, #tpu.memory_space<vmem>>
    %dma_wait3A_369 = tpu.memref_squeeze %dma_wait3A_368 : memref<1x128x16xf32, #tpu.memory_space<vmem>> -> memref<128x16xf32, #tpu.memory_space<vmem>>
    %dma_wait3A_370 = arith.constant 0 : i32
    %dma_wait3A_371 = tpu.memref_slice %arg6[%dma_wait3A_364, %dma_wait3A_370] : memref<78x128xi32, #tpu.memory_space<vmem>> -> memref<1x128xi32, #tpu.memory_space<vmem>>
    %dma_wait3A_372 = tpu.memref_squeeze %dma_wait3A_371 : memref<1x128xi32, #tpu.memory_space<vmem>> -> memref<128xi32, #tpu.memory_space<vmem>>
    %dma_wait3A_373 = arith.constant 0 : i32
    %dma_wait3A_374 = arith.constant 0 : i32
    %dma_wait3A_375 = tpu.memref_slice %arg11[%dma_wait3A_373, %dma_wait3A_374] : memref<10240x16xf32, #tpu.memory_space<vmem_shared>> -> memref<10240x16xf32, #tpu.memory_space<vmem_shared>>
    %dma_wait3A_376 = tpu.memref_slice %arg13[%dma_wait3A_365] : memref<13x!tpu.dma_semaphore, #tpu.memory_space<semaphore_mem>> -> memref<1x!tpu.dma_semaphore, #tpu.memory_space<semaphore_mem>>
    %dma_wait3A_377 = tpu.memref_squeeze %dma_wait3A_376 : memref<1x!tpu.dma_semaphore, #tpu.memory_space<semaphore_mem>> -> memref<!tpu.dma_semaphore, #tpu.memory_space<semaphore_mem>>
    tpu.wait_indirect_dma semaphore(%dma_wait3A_377 : memref<!tpu.dma_semaphore, #tpu.memory_space<semaphore_mem>>) src(%dma_wait3A_369 : memref<128x16xf32, #tpu.memory_space<vmem>>) dst(%dma_wait3A_375 : memref<10240x16xf32, #tpu.memory_space<vmem_shared>>)
    %dma_wait3A_378 = arith.constant 11 : i32
    %dma_wait3A_379 = arith.constant 76 : i32
    %dma_wait3A_380 = arith.constant 11 : i32
    %dma_wait3A_381 = arith.constant 0 : i32
    %dma_wait3A_382 = arith.constant 0 : i32
    %dma_wait3A_383 = tpu.memref_slice %arg9[%dma_wait3A_378, %dma_wait3A_381, %dma_wait3A_382] : memref<13x128x16xf32, #tpu.memory_space<vmem>> -> memref<1x128x16xf32, #tpu.memory_space<vmem>>
    %dma_wait3A_384 = tpu.memref_squeeze %dma_wait3A_383 : memref<1x128x16xf32, #tpu.memory_space<vmem>> -> memref<128x16xf32, #tpu.memory_space<vmem>>
    %dma_wait3A_385 = arith.constant 0 : i32
    %dma_wait3A_386 = tpu.memref_slice %arg6[%dma_wait3A_379, %dma_wait3A_385] : memref<78x128xi32, #tpu.memory_space<vmem>> -> memref<1x128xi32, #tpu.memory_space<vmem>>
    %dma_wait3A_387 = tpu.memref_squeeze %dma_wait3A_386 : memref<1x128xi32, #tpu.memory_space<vmem>> -> memref<128xi32, #tpu.memory_space<vmem>>
    %dma_wait3A_388 = arith.constant 0 : i32
    %dma_wait3A_389 = arith.constant 0 : i32
    %dma_wait3A_390 = tpu.memref_slice %arg11[%dma_wait3A_388, %dma_wait3A_389] : memref<10240x16xf32, #tpu.memory_space<vmem_shared>> -> memref<10240x16xf32, #tpu.memory_space<vmem_shared>>
    %dma_wait3A_391 = tpu.memref_slice %arg13[%dma_wait3A_380] : memref<13x!tpu.dma_semaphore, #tpu.memory_space<semaphore_mem>> -> memref<1x!tpu.dma_semaphore, #tpu.memory_space<semaphore_mem>>
    %dma_wait3A_392 = tpu.memref_squeeze %dma_wait3A_391 : memref<1x!tpu.dma_semaphore, #tpu.memory_space<semaphore_mem>> -> memref<!tpu.dma_semaphore, #tpu.memory_space<semaphore_mem>>
    tpu.wait_indirect_dma semaphore(%dma_wait3A_392 : memref<!tpu.dma_semaphore, #tpu.memory_space<semaphore_mem>>) src(%dma_wait3A_384 : memref<128x16xf32, #tpu.memory_space<vmem>>) dst(%dma_wait3A_390 : memref<10240x16xf32, #tpu.memory_space<vmem_shared>>)
    %dma_wait3A_393 = arith.constant 12 : i32
    %dma_wait3A_394 = arith.constant 77 : i32
    %dma_wait3A_395 = arith.constant 12 : i32
    %dma_wait3A_396 = arith.constant 0 : i32
    %dma_wait3A_397 = arith.constant 0 : i32
    %dma_wait3A_398 = tpu.memref_slice %arg9[%dma_wait3A_393, %dma_wait3A_396, %dma_wait3A_397] : memref<13x128x16xf32, #tpu.memory_space<vmem>> -> memref<1x128x16xf32, #tpu.memory_space<vmem>>
    %dma_wait3A_399 = tpu.memref_squeeze %dma_wait3A_398 : memref<1x128x16xf32, #tpu.memory_space<vmem>> -> memref<128x16xf32, #tpu.memory_space<vmem>>
    %dma_wait3A_400 = arith.constant 0 : i32
    %dma_wait3A_401 = tpu.memref_slice %arg6[%dma_wait3A_394, %dma_wait3A_400] : memref<78x128xi32, #tpu.memory_space<vmem>> -> memref<1x128xi32, #tpu.memory_space<vmem>>
    %dma_wait3A_402 = tpu.memref_squeeze %dma_wait3A_401 : memref<1x128xi32, #tpu.memory_space<vmem>> -> memref<128xi32, #tpu.memory_space<vmem>>
    %dma_wait3A_403 = arith.constant 0 : i32
    %dma_wait3A_404 = arith.constant 0 : i32
    %dma_wait3A_405 = tpu.memref_slice %arg11[%dma_wait3A_403, %dma_wait3A_404] : memref<10240x16xf32, #tpu.memory_space<vmem_shared>> -> memref<10240x16xf32, #tpu.memory_space<vmem_shared>>
    %dma_wait3A_406 = tpu.memref_slice %arg13[%dma_wait3A_395] : memref<13x!tpu.dma_semaphore, #tpu.memory_space<semaphore_mem>> -> memref<1x!tpu.dma_semaphore, #tpu.memory_space<semaphore_mem>>
    %dma_wait3A_407 = tpu.memref_squeeze %dma_wait3A_406 : memref<1x!tpu.dma_semaphore, #tpu.memory_space<semaphore_mem>> -> memref<!tpu.dma_semaphore, #tpu.memory_space<semaphore_mem>>
    tpu.wait_indirect_dma semaphore(%dma_wait3A_407 : memref<!tpu.dma_semaphore, #tpu.memory_space<semaphore_mem>>) src(%dma_wait3A_399 : memref<128x16xf32, #tpu.memory_space<vmem>>) dst(%dma_wait3A_405 : memref<10240x16xf32, #tpu.memory_space<vmem_shared>>)
    %lt3A = arith.constant 4 : i32
    %lt3A_408 = arith.cmpi slt, %add3A, %lt3A : i32
    %convert_element_type3A = arith.extui %lt3A_408 : i1 to i32
    %cond3A = arith.constant 0 : i32
    %cond3A_409 = arith.cmpi ne, %convert_element_type3A, %cond3A : i32
    scf.if %cond3A_409 {
      %add3A_415 = arith.constant 2496 : i32
      %add3A_416 = arith.addi %add3A_415, %add3A : i32
      %run_scoped3A_417 = arith.constant 0 : i32
      "tpu.region"() ({
        %run_scoped3A_425 = tpu.sem_alloc : memref<!tpu.dma_semaphore, #tpu.memory_space<semaphore_mem>>
        %dma_start3A_426 = arith.constant 0 : i32
        %dma_start3A_427 = tpu.memref_slice %arg2[%run_scoped3A_417, %add3A_416, %dma_start3A_426] : memref<2x2500x128xi32, #tpu.memory_space<hbm>> -> memref<1x1x128xi32, #tpu.memory_space<hbm>>
        %dma_start3A_428 = tpu.memref_squeeze %dma_start3A_427 : memref<1x1x128xi32, #tpu.memory_space<hbm>> -> memref<1x128xi32, #tpu.memory_space<hbm>>
        %dma_start3A_429 = arith.constant 0 : i32
        %dma_start3A_430 = tpu.memref_slice %arg2[%run_scoped3A_417, %add3A_416, %dma_start3A_429] : memref<2x2500x128xi32, #tpu.memory_space<hbm>> -> memref<1x1x128xi32, #tpu.memory_space<hbm>>
        %dma_start3A_431 = tpu.memref_squeeze %dma_start3A_430 : memref<1x1x128xi32, #tpu.memory_space<hbm>> -> memref<1x128xi32, #tpu.memory_space<hbm>>
        tpu.enqueue_dma source(%dma_start3A_431 : memref<1x128xi32, #tpu.memory_space<hbm>>) target(%arg7 : memref<1x128xi32, #tpu.memory_space<vmem>>) target_semaphore(%run_scoped3A_425 : memref<!tpu.dma_semaphore, #tpu.memory_space<semaphore_mem>>)
        %dma_wait3A_432 = arith.constant 0 : i32
        %dma_wait3A_433 = tpu.memref_slice %arg2[%run_scoped3A_417, %add3A_416, %dma_wait3A_432] : memref<2x2500x128xi32, #tpu.memory_space<hbm>> -> memref<1x1x128xi32, #tpu.memory_space<hbm>>
        %dma_wait3A_434 = tpu.memref_squeeze %dma_wait3A_433 : memref<1x1x128xi32, #tpu.memory_space<hbm>> -> memref<1x128xi32, #tpu.memory_space<hbm>>
        %dma_wait3A_435 = arith.constant 0 : i32
        %dma_wait3A_436 = tpu.memref_slice %arg2[%run_scoped3A_417, %add3A_416, %dma_wait3A_435] : memref<2x2500x128xi32, #tpu.memory_space<hbm>> -> memref<1x1x128xi32, #tpu.memory_space<hbm>>
        %dma_wait3A_437 = tpu.memref_squeeze %dma_wait3A_436 : memref<1x1x128xi32, #tpu.memory_space<hbm>> -> memref<1x128xi32, #tpu.memory_space<hbm>>
        tpu.wait_dma2 semaphore(%run_scoped3A_425 : memref<!tpu.dma_semaphore, #tpu.memory_space<semaphore_mem>>) src(%dma_wait3A_437 : memref<1x128xi32, #tpu.memory_space<hbm>>) dst(%arg7 : memref<1x128xi32, #tpu.memory_space<vmem>>)
        tpu.yield
      }) : () -> ()
      %add3A_418 = arith.constant 2496 : i32
      %add3A_419 = arith.addi %add3A_418, %add3A : i32
      %run_scoped3A_420 = arith.constant 1 : i32
      "tpu.region"() ({
        %run_scoped3A_425 = tpu.sem_alloc : memref<!tpu.dma_semaphore, #tpu.memory_space<semaphore_mem>>
        %dma_start3A_426 = arith.constant 0 : i32
        %dma_start3A_427 = tpu.memref_slice %arg2[%run_scoped3A_420, %add3A_419, %dma_start3A_426] : memref<2x2500x128xi32, #tpu.memory_space<hbm>> -> memref<1x1x128xi32, #tpu.memory_space<hbm>>
        %dma_start3A_428 = tpu.memref_squeeze %dma_start3A_427 : memref<1x1x128xi32, #tpu.memory_space<hbm>> -> memref<1x128xi32, #tpu.memory_space<hbm>>
        %dma_start3A_429 = arith.constant 0 : i32
        %dma_start3A_430 = tpu.memref_slice %arg2[%run_scoped3A_420, %add3A_419, %dma_start3A_429] : memref<2x2500x128xi32, #tpu.memory_space<hbm>> -> memref<1x1x128xi32, #tpu.memory_space<hbm>>
        %dma_start3A_431 = tpu.memref_squeeze %dma_start3A_430 : memref<1x1x128xi32, #tpu.memory_space<hbm>> -> memref<1x128xi32, #tpu.memory_space<hbm>>
        tpu.enqueue_dma source(%dma_start3A_431 : memref<1x128xi32, #tpu.memory_space<hbm>>) target(%arg8 : memref<1x128xi32, #tpu.memory_space<vmem>>) target_semaphore(%run_scoped3A_425 : memref<!tpu.dma_semaphore, #tpu.memory_space<semaphore_mem>>)
        %dma_wait3A_432 = arith.constant 0 : i32
        %dma_wait3A_433 = tpu.memref_slice %arg2[%run_scoped3A_420, %add3A_419, %dma_wait3A_432] : memref<2x2500x128xi32, #tpu.memory_space<hbm>> -> memref<1x1x128xi32, #tpu.memory_space<hbm>>
        %dma_wait3A_434 = tpu.memref_squeeze %dma_wait3A_433 : memref<1x1x128xi32, #tpu.memory_space<hbm>> -> memref<1x128xi32, #tpu.memory_space<hbm>>
        %dma_wait3A_435 = arith.constant 0 : i32
        %dma_wait3A_436 = tpu.memref_slice %arg2[%run_scoped3A_420, %add3A_419, %dma_wait3A_435] : memref<2x2500x128xi32, #tpu.memory_space<hbm>> -> memref<1x1x128xi32, #tpu.memory_space<hbm>>
        %dma_wait3A_437 = tpu.memref_squeeze %dma_wait3A_436 : memref<1x1x128xi32, #tpu.memory_space<hbm>> -> memref<1x128xi32, #tpu.memory_space<hbm>>
        tpu.wait_dma2 semaphore(%run_scoped3A_425 : memref<!tpu.dma_semaphore, #tpu.memory_space<semaphore_mem>>) src(%dma_wait3A_437 : memref<1x128xi32, #tpu.memory_space<hbm>>) dst(%arg8 : memref<1x128xi32, #tpu.memory_space<vmem>>)
        tpu.yield
      }) : () -> ()
      %run_scoped3A_421 = arith.constant 0 : i32
      %run_scoped3A_422 = arith.constant 0 : i32
      "tpu.region"() ({
        %run_scoped3A_425 = tpu.sem_alloc : memref<!tpu.dma_semaphore, #tpu.memory_space<semaphore_mem>>
        %dma_start3A_426 = arith.constant 0 : i32
        %dma_start3A_427 = arith.constant 0 : i32
        %dma_start3A_428 = tpu.memref_slice %arg9[%run_scoped3A_422, %dma_start3A_426, %dma_start3A_427] : memref<13x128x16xf32, #tpu.memory_space<vmem>> -> memref<1x128x16xf32, #tpu.memory_space<vmem>>
        %dma_start3A_429 = tpu.memref_squeeze %dma_start3A_428 : memref<1x128x16xf32, #tpu.memory_space<vmem>> -> memref<128x16xf32, #tpu.memory_space<vmem>>
        %dma_start3A_430 = arith.constant 0 : i32
        %dma_start3A_431 = tpu.memref_slice %arg7[%run_scoped3A_421, %dma_start3A_430] : memref<1x128xi32, #tpu.memory_space<vmem>> -> memref<1x128xi32, #tpu.memory_space<vmem>>
        %dma_start3A_432 = tpu.memref_squeeze %dma_start3A_431 : memref<1x128xi32, #tpu.memory_space<vmem>> -> memref<128xi32, #tpu.memory_space<vmem>>
        %dma_start3A_433 = arith.constant 0 : i32
        %dma_start3A_434 = arith.constant 0 : i32
        %dma_start3A_435 = tpu.memref_slice %arg3[%dma_start3A_433, %dma_start3A_434] : memref<10240x16xf32, #tpu.memory_space<hbm>> -> memref<10240x16xf32, #tpu.memory_space<hbm>>
        tpu.enqueue_indirect_dma source(%dma_start3A_435 : memref<10240x16xf32, #tpu.memory_space<hbm>>) target(%dma_start3A_429 : memref<128x16xf32, #tpu.memory_space<vmem>>) offsets(%dma_start3A_432 : memref<128xi32, #tpu.memory_space<vmem>>) semaphore(%run_scoped3A_425 : memref<!tpu.dma_semaphore, #tpu.memory_space<semaphore_mem>>)
        %dma_wait3A_436 = arith.constant 0 : i32
        %dma_wait3A_437 = arith.constant 0 : i32
        %dma_wait3A_438 = tpu.memref_slice %arg9[%run_scoped3A_422, %dma_wait3A_436, %dma_wait3A_437] : memref<13x128x16xf32, #tpu.memory_space<vmem>> -> memref<1x128x16xf32, #tpu.memory_space<vmem>>
        %dma_wait3A_439 = tpu.memref_squeeze %dma_wait3A_438 : memref<1x128x16xf32, #tpu.memory_space<vmem>> -> memref<128x16xf32, #tpu.memory_space<vmem>>
        %dma_wait3A_440 = arith.constant 0 : i32
        %dma_wait3A_441 = tpu.memref_slice %arg7[%run_scoped3A_421, %dma_wait3A_440] : memref<1x128xi32, #tpu.memory_space<vmem>> -> memref<1x128xi32, #tpu.memory_space<vmem>>
        %dma_wait3A_442 = tpu.memref_squeeze %dma_wait3A_441 : memref<1x128xi32, #tpu.memory_space<vmem>> -> memref<128xi32, #tpu.memory_space<vmem>>
        %dma_wait3A_443 = arith.constant 0 : i32
        %dma_wait3A_444 = arith.constant 0 : i32
        %dma_wait3A_445 = tpu.memref_slice %arg3[%dma_wait3A_443, %dma_wait3A_444] : memref<10240x16xf32, #tpu.memory_space<hbm>> -> memref<10240x16xf32, #tpu.memory_space<hbm>>
        tpu.wait_indirect_dma semaphore(%run_scoped3A_425 : memref<!tpu.dma_semaphore, #tpu.memory_space<semaphore_mem>>) src(%dma_wait3A_445 : memref<10240x16xf32, #tpu.memory_space<hbm>>) dst(%dma_wait3A_439 : memref<128x16xf32, #tpu.memory_space<vmem>>)
        tpu.yield
      }) : () -> ()
      %run_scoped3A_423 = arith.constant 0 : i32
      %run_scoped3A_424 = arith.constant 0 : i32
      "tpu.region"() ({
        %run_scoped3A_425 = tpu.sem_alloc : memref<!tpu.dma_semaphore, #tpu.memory_space<semaphore_mem>>
        %dma_start3A_426 = arith.constant 0 : i32
        %dma_start3A_427 = arith.constant 0 : i32
        %dma_start3A_428 = tpu.memref_slice %arg9[%run_scoped3A_423, %dma_start3A_426, %dma_start3A_427] : memref<13x128x16xf32, #tpu.memory_space<vmem>> -> memref<1x128x16xf32, #tpu.memory_space<vmem>>
        %dma_start3A_429 = tpu.memref_squeeze %dma_start3A_428 : memref<1x128x16xf32, #tpu.memory_space<vmem>> -> memref<128x16xf32, #tpu.memory_space<vmem>>
        %dma_start3A_430 = arith.constant 0 : i32
        %dma_start3A_431 = tpu.memref_slice %arg8[%run_scoped3A_424, %dma_start3A_430] : memref<1x128xi32, #tpu.memory_space<vmem>> -> memref<1x128xi32, #tpu.memory_space<vmem>>
        %dma_start3A_432 = tpu.memref_squeeze %dma_start3A_431 : memref<1x128xi32, #tpu.memory_space<vmem>> -> memref<128xi32, #tpu.memory_space<vmem>>
        %dma_start3A_433 = arith.constant 0 : i32
        %dma_start3A_434 = arith.constant 0 : i32
        %dma_start3A_435 = tpu.memref_slice %arg11[%dma_start3A_433, %dma_start3A_434] : memref<10240x16xf32, #tpu.memory_space<vmem_shared>> -> memref<10240x16xf32, #tpu.memory_space<vmem_shared>>
        tpu.enqueue_indirect_dma source(%dma_start3A_429 : memref<128x16xf32, #tpu.memory_space<vmem>>) target(%dma_start3A_435 : memref<10240x16xf32, #tpu.memory_space<vmem_shared>>) offsets(%dma_start3A_432 : memref<128xi32, #tpu.memory_space<vmem>>) semaphore(%run_scoped3A_425 : memref<!tpu.dma_semaphore, #tpu.memory_space<semaphore_mem>>) {add = true}
        %dma_wait3A_436 = arith.constant 0 : i32
        %dma_wait3A_437 = arith.constant 0 : i32
        %dma_wait3A_438 = tpu.memref_slice %arg9[%run_scoped3A_423, %dma_wait3A_436, %dma_wait3A_437] : memref<13x128x16xf32, #tpu.memory_space<vmem>> -> memref<1x128x16xf32, #tpu.memory_space<vmem>>
        %dma_wait3A_439 = tpu.memref_squeeze %dma_wait3A_438 : memref<1x128x16xf32, #tpu.memory_space<vmem>> -> memref<128x16xf32, #tpu.memory_space<vmem>>
        %dma_wait3A_440 = arith.constant 0 : i32
        %dma_wait3A_441 = tpu.memref_slice %arg8[%run_scoped3A_424, %dma_wait3A_440] : memref<1x128xi32, #tpu.memory_space<vmem>> -> memref<1x128xi32, #tpu.memory_space<vmem>>
        %dma_wait3A_442 = tpu.memref_squeeze %dma_wait3A_441 : memref<1x128xi32, #tpu.memory_space<vmem>> -> memref<128xi32, #tpu.memory_space<vmem>>
        %dma_wait3A_443 = arith.constant 0 : i32
        %dma_wait3A_444 = arith.constant 0 : i32
        %dma_wait3A_445 = tpu.memref_slice %arg11[%dma_wait3A_443, %dma_wait3A_444] : memref<10240x16xf32, #tpu.memory_space<vmem_shared>> -> memref<10240x16xf32, #tpu.memory_space<vmem_shared>>
        tpu.wait_indirect_dma semaphore(%run_scoped3A_425 : memref<!tpu.dma_semaphore, #tpu.memory_space<semaphore_mem>>) src(%dma_wait3A_439 : memref<128x16xf32, #tpu.memory_space<vmem>>) dst(%dma_wait3A_445 : memref<10240x16xf32, #tpu.memory_space<vmem_shared>>)
        tpu.yield
      }) : () -> ()
    } else {
    }
    %barrier3A_410 = arith.constant 0 : index
    tpu.barrier barrier_id(%barrier3A_410)
    %mul3A_411 = arith.constant 640 : i32
    %mul3A_412 = arith.muli %arg1, %mul3A_411 : i32
    %mul3A_413 = arith.constant 640 : i32
    %mul3A_414 = arith.muli %arg1, %mul3A_413 : i32
    "tpu.region"() ({
      %run_scoped3A_415 = tpu.sem_alloc : memref<!tpu.dma_semaphore, #tpu.memory_space<semaphore_mem>>
      %dma_start3A_416 = arith.constant 0 : i32
      %dma_start3A_417 = tpu.memref_slice %arg4[%arg0, %mul3A_414, %dma_start3A_416] : memref<2x10240x16xf32, #tpu.memory_space<hbm>> -> memref<1x640x16xf32, #tpu.memory_space<hbm>>
      %dma_start3A_418 = tpu.memref_squeeze %dma_start3A_417 : memref<1x640x16xf32, #tpu.memory_space<hbm>> -> memref<640x16xf32, #tpu.memory_space<hbm>>
      %dma_start3A_419 = arith.constant 0 : i32
      %dma_start3A_420 = tpu.memref_slice %arg11[%mul3A_412, %dma_start3A_419] : memref<10240x16xf32, #tpu.memory_space<vmem_shared>> -> memref<640x16xf32, #tpu.memory_space<vmem_shared>>
      tpu.enqueue_dma source(%dma_start3A_420 : memref<640x16xf32, #tpu.memory_space<vmem_shared>>) target(%dma_start3A_418 : memref<640x16xf32, #tpu.memory_space<hbm>>) target_semaphore(%run_scoped3A_415 : memref<!tpu.dma_semaphore, #tpu.memory_space<semaphore_mem>>)
      %dma_wait3A_421 = arith.constant 0 : i32
      %dma_wait3A_422 = tpu.memref_slice %arg4[%arg0, %mul3A_414, %dma_wait3A_421] : memref<2x10240x16xf32, #tpu.memory_space<hbm>> -> memref<1x640x16xf32, #tpu.memory_space<hbm>>
      %dma_wait3A_423 = tpu.memref_squeeze %dma_wait3A_422 : memref<1x640x16xf32, #tpu.memory_space<hbm>> -> memref<640x16xf32, #tpu.memory_space<hbm>>
      %dma_wait3A_424 = arith.constant 0 : i32
      %dma_wait3A_425 = tpu.memref_slice %arg11[%mul3A_412, %dma_wait3A_424] : memref<10240x16xf32, #tpu.memory_space<vmem_shared>> -> memref<640x16xf32, #tpu.memory_space<vmem_shared>>
      tpu.wait_dma2 semaphore(%run_scoped3A_415 : memref<!tpu.dma_semaphore, #tpu.memory_space<semaphore_mem>>) src(%dma_wait3A_425 : memref<640x16xf32, #tpu.memory_space<vmem_shared>>) dst(%dma_wait3A_423 : memref<640x16xf32, #tpu.memory_space<hbm>>)
      tpu.yield
    }) : () -> ()
    return
  }
}

#map = affine_map<(d0, d1) -> (0, 0, 0)>
#map1 = affine_map<(d0, d1) -> (0, 0)>
module attributes {stable_mosaic.version = 14 : i64} {
  func.func @seg_kernel(%arg0: i32, %arg1: i32, %arg2: memref<2x2500x128xi32, #tpu.memory_space<hbm>>, %arg3: memref<10240x16xf32, #tpu.memory_space<hbm>>, %arg4: memref<2x10240x16xf32, #tpu.memory_space<hbm>>, %arg5: memref<78x128xi32, #tpu.memory_space<vmem>>, %arg6: memref<78x128xi32, #tpu.memory_space<vmem>>, %arg7: memref<1x128xi32, #tpu.memory_space<vmem>>, %arg8: memref<1x128xi32, #tpu.memory_space<vmem>>, %arg9: memref<13x128x16xf32, #tpu.memory_space<vmem>>, %arg10: memref<128x16xf32, #tpu.memory_space<vmem>>, %arg11: memref<10240x16xf32, #tpu.memory_space<vmem_shared>>, %arg12: memref<13x!tpu.dma_semaphore, #tpu.memory_space<semaphore_mem>>, %arg13: memref<13x!tpu.dma_semaphore, #tpu.memory_space<semaphore_mem>>) attributes {dimension_semantics = [#tpu.dimension_semantics<core_parallel>, #tpu.dimension_semantics<subcore_parallel>], iteration_bounds = array<i64: 2, 16>, scalar_prefetch = 0 : i64, scratch_operands = 9 : i64, tpu.core_type = #tpu.core_type<sc_vector_subcore>, window_params = [{transform_indices = #map}, {transform_indices = #map1}, {transform_indices = #map}]} {
    %mul3A = arith.constant 16 : i32
    %mul3A_0 = arith.muli %arg0, %mul3A : i32
    %add3A = arith.addi %mul3A_0, %arg1 : i32
    %scan3A = arith.constant 0 : i32
    %scan3A_1 = arith.constant 128 : i32
    %scan3A_2 = arith.addi %scan3A, %scan3A_1 : i32
    %scan3A_3 = arith.constant 1 : i32
    scf.for %scan3A_415 = %scan3A to %scan3A_2 step %scan3A_3  : i32 {
      %mul3A_416 = arith.constant 1 : i32
      %mul3A_417 = arith.muli %scan3A_415, %mul3A_416 : i32
      %add3A_418 = arith.constant 0 : i32
      %add3A_419 = arith.addi %add3A_418, %mul3A_417 : i32
      %broadcast_in_dim3A = arith.constant 0.000000e+00 : f32
      %broadcast_in_dim3A_420 = vector.broadcast %broadcast_in_dim3A : f32 to vector<16xf32>
      %swap3A = arith.index_cast %add3A_419 : i32 to index
      %swap3A_421 = arith.constant 0 : index
      %swap3A_422 = tpu.vector_load %arg10[%swap3A, %swap3A_421] {strides = array<i32>} : memref<128x16xf32, #tpu.memory_space<vmem>>, vector<1x16xf32>,
      %swap3A_423 = vector.shape_cast %swap3A_422 : vector<1x16xf32> to vector<16xf32>
      %swap3A_424 = vector.shape_cast %broadcast_in_dim3A_420 : vector<16xf32> to vector<1x16xf32>
      tpu.vector_store %arg10[%swap3A, %swap3A_421], %swap3A_424 {strides = array<i32>} : memref<128x16xf32, #tpu.memory_space<vmem>>, vector<1x16xf32>,
    }
    %scan3A_4 = arith.constant 128 : i32
    %mul3A_5 = arith.constant 78 : i32
    %mul3A_6 = arith.muli %add3A, %mul3A_5 : i32
    %run_scoped3A = arith.constant 0 : i32
    "tpu.region"() ({
      %run_scoped3A_415 = tpu.sem_alloc : memref<!tpu.dma_semaphore, #tpu.memory_space<semaphore_mem>>
      %dma_start3A_416 = arith.constant 0 : i32
      %dma_start3A_417 = tpu.memref_slice %arg2[%run_scoped3A, %mul3A_6, %dma_start3A_416] : memref<2x2500x128xi32, #tpu.memory_space<hbm>> -> memref<1x78x128xi32, #tpu.memory_space<hbm>>
      %dma_start3A_418 = tpu.memref_squeeze %dma_start3A_417 : memref<1x78x128xi32, #tpu.memory_space<hbm>> -> memref<78x128xi32, #tpu.memory_space<hbm>>
      %dma_start3A_419 = arith.constant 0 : i32
      %dma_start3A_420 = tpu.memref_slice %arg2[%run_scoped3A, %mul3A_6, %dma_start3A_419] : memref<2x2500x128xi32, #tpu.memory_space<hbm>> -> memref<1x78x128xi32, #tpu.memory_space<hbm>>
      %dma_start3A_421 = tpu.memref_squeeze %dma_start3A_420 : memref<1x78x128xi32, #tpu.memory_space<hbm>> -> memref<78x128xi32, #tpu.memory_space<hbm>>
      tpu.enqueue_dma source(%dma_start3A_421 : memref<78x128xi32, #tpu.memory_space<hbm>>) target(%arg5 : memref<78x128xi32, #tpu.memory_space<vmem>>) target_semaphore(%run_scoped3A_415 : memref<!tpu.dma_semaphore, #tpu.memory_space<semaphore_mem>>)
      %dma_wait3A_422 = arith.constant 0 : i32
      %dma_wait3A_423 = tpu.memref_slice %arg2[%run_scoped3A, %mul3A_6, %dma_wait3A_422] : memref<2x2500x128xi32, #tpu.memory_space<hbm>> -> memref<1x78x128xi32, #tpu.memory_space<hbm>>
      %dma_wait3A_424 = tpu.memref_squeeze %dma_wait3A_423 : memref<1x78x128xi32, #tpu.memory_space<hbm>> -> memref<78x128xi32, #tpu.memory_space<hbm>>
      %dma_wait3A_425 = arith.constant 0 : i32
      %dma_wait3A_426 = tpu.memref_slice %arg2[%run_scoped3A, %mul3A_6, %dma_wait3A_425] : memref<2x2500x128xi32, #tpu.memory_space<hbm>> -> memref<1x78x128xi32, #tpu.memory_space<hbm>>
      %dma_wait3A_427 = tpu.memref_squeeze %dma_wait3A_426 : memref<1x78x128xi32, #tpu.memory_space<hbm>> -> memref<78x128xi32, #tpu.memory_space<hbm>>
      tpu.wait_dma2 semaphore(%run_scoped3A_415 : memref<!tpu.dma_semaphore, #tpu.memory_space<semaphore_mem>>) src(%dma_wait3A_427 : memref<78x128xi32, #tpu.memory_space<hbm>>) dst(%arg5 : memref<78x128xi32, #tpu.memory_space<vmem>>)
      tpu.yield
    }) : () -> ()
    %mul3A_7 = arith.constant 78 : i32
    %mul3A_8 = arith.muli %add3A, %mul3A_7 : i32
    %run_scoped3A_9 = arith.constant 1 : i32
    "tpu.region"() ({
      %run_scoped3A_415 = tpu.sem_alloc : memref<!tpu.dma_semaphore, #tpu.memory_space<semaphore_mem>>
      %dma_start3A_416 = arith.constant 0 : i32
      %dma_start3A_417 = tpu.memref_slice %arg2[%run_scoped3A_9, %mul3A_8, %dma_start3A_416] : memref<2x2500x128xi32, #tpu.memory_space<hbm>> -> memref<1x78x128xi32, #tpu.memory_space<hbm>>
      %dma_start3A_418 = tpu.memref_squeeze %dma_start3A_417 : memref<1x78x128xi32, #tpu.memory_space<hbm>> -> memref<78x128xi32, #tpu.memory_space<hbm>>
      %dma_start3A_419 = arith.constant 0 : i32
      %dma_start3A_420 = tpu.memref_slice %arg2[%run_scoped3A_9, %mul3A_8, %dma_start3A_419] : memref<2x2500x128xi32, #tpu.memory_space<hbm>> -> memref<1x78x128xi32, #tpu.memory_space<hbm>>
      %dma_start3A_421 = tpu.memref_squeeze %dma_start3A_420 : memref<1x78x128xi32, #tpu.memory_space<hbm>> -> memref<78x128xi32, #tpu.memory_space<hbm>>
      tpu.enqueue_dma source(%dma_start3A_421 : memref<78x128xi32, #tpu.memory_space<hbm>>) target(%arg6 : memref<78x128xi32, #tpu.memory_space<vmem>>) target_semaphore(%run_scoped3A_415 : memref<!tpu.dma_semaphore, #tpu.memory_space<semaphore_mem>>)
      %dma_wait3A_422 = arith.constant 0 : i32
      %dma_wait3A_423 = tpu.memref_slice %arg2[%run_scoped3A_9, %mul3A_8, %dma_wait3A_422] : memref<2x2500x128xi32, #tpu.memory_space<hbm>> -> memref<1x78x128xi32, #tpu.memory_space<hbm>>
      %dma_wait3A_424 = tpu.memref_squeeze %dma_wait3A_423 : memref<1x78x128xi32, #tpu.memory_space<hbm>> -> memref<78x128xi32, #tpu.memory_space<hbm>>
      %dma_wait3A_425 = arith.constant 0 : i32
      %dma_wait3A_426 = tpu.memref_slice %arg2[%run_scoped3A_9, %mul3A_8, %dma_wait3A_425] : memref<2x2500x128xi32, #tpu.memory_space<hbm>> -> memref<1x78x128xi32, #tpu.memory_space<hbm>>
      %dma_wait3A_427 = tpu.memref_squeeze %dma_wait3A_426 : memref<1x78x128xi32, #tpu.memory_space<hbm>> -> memref<78x128xi32, #tpu.memory_space<hbm>>
      tpu.wait_dma2 semaphore(%run_scoped3A_415 : memref<!tpu.dma_semaphore, #tpu.memory_space<semaphore_mem>>) src(%dma_wait3A_427 : memref<78x128xi32, #tpu.memory_space<hbm>>) dst(%arg6 : memref<78x128xi32, #tpu.memory_space<vmem>>)
      tpu.yield
    }) : () -> ()
    %scan3A_10 = arith.constant 0 : i32
    %scan3A_11 = arith.constant 5 : i32
    %scan3A_12 = arith.addi %scan3A_10, %scan3A_11 : i32
    %scan3A_13 = arith.constant 1 : i32
    scf.for %scan3A_415 = %scan3A_10 to %scan3A_12 step %scan3A_13  : i32 {
      %mul3A_416 = arith.constant 1 : i32
      %mul3A_417 = arith.muli %scan3A_415, %mul3A_416 : i32
      %add3A_418 = arith.constant 0 : i32
      %add3A_419 = arith.addi %add3A_418, %mul3A_417 : i32
      %mul3A_420 = arith.constant 640 : i32
      %mul3A_421 = arith.muli %arg1, %mul3A_420 : i32
      %mul3A_422 = arith.constant 128 : i32
      %mul3A_423 = arith.muli %add3A_419, %mul3A_422 : i32
      %add3A_424 = arith.addi %mul3A_421, %mul3A_423 : i32
      "tpu.region"() ({
        %run_scoped3A_425 = tpu.sem_alloc : memref<!tpu.dma_semaphore, #tpu.memory_space<semaphore_mem>>
        %dma_start3A_426 = arith.constant 0 : i32
        %dma_start3A_427 = tpu.memref_slice %arg11[%add3A_424, %dma_start3A_426] : memref<10240x16xf32, #tpu.memory_space<vmem_shared>> -> memref<128x16xf32, #tpu.memory_space<vmem_shared>>
        %dma_start3A_428 = arith.constant 0 : i32
        %dma_start3A_429 = tpu.memref_slice %arg11[%add3A_424, %dma_start3A_428] : memref<10240x16xf32, #tpu.memory_space<vmem_shared>> -> memref<128x16xf32, #tpu.memory_space<vmem_shared>>
        tpu.enqueue_dma source(%arg10 : memref<128x16xf32, #tpu.memory_space<vmem>>) target(%dma_start3A_429 : memref<128x16xf32, #tpu.memory_space<vmem_shared>>) target_semaphore(%run_scoped3A_425 : memref<!tpu.dma_semaphore, #tpu.memory_space<semaphore_mem>>)
        %dma_wait3A_430 = arith.constant 0 : i32
        %dma_wait3A_431 = tpu.memref_slice %arg11[%add3A_424, %dma_wait3A_430] : memref<10240x16xf32, #tpu.memory_space<vmem_shared>> -> memref<128x16xf32, #tpu.memory_space<vmem_shared>>
        %dma_wait3A_432 = arith.constant 0 : i32
        %dma_wait3A_433 = tpu.memref_slice %arg11[%add3A_424, %dma_wait3A_432] : memref<10240x16xf32, #tpu.memory_space<vmem_shared>> -> memref<128x16xf32, #tpu.memory_space<vmem_shared>>
        tpu.wait_dma2 semaphore(%run_scoped3A_425 : memref<!tpu.dma_semaphore, #tpu.memory_space<semaphore_mem>>) src(%arg10 : memref<128x16xf32, #tpu.memory_space<vmem>>) dst(%dma_wait3A_433 : memref<128x16xf32, #tpu.memory_space<vmem_shared>>)
        tpu.yield
      }) : () -> ()
    }
    %scan3A_14 = arith.constant 5 : i32
    %barrier3A = arith.constant 0 : index
    tpu.barrier barrier_id(%barrier3A)
    %dma_start3A = arith.constant 0 : i32
    %dma_start3A_15 = arith.constant 0 : i32
    %dma_start3A_16 = arith.constant 0 : i32
    %dma_start3A_17 = arith.constant 0 : i32
    %dma_start3A_18 = arith.constant 0 : i32
    %dma_start3A_19 = tpu.memref_slice %arg9[%dma_start3A_15, %dma_start3A_17, %dma_start3A_18] : memref<13x128x16xf32, #tpu.memory_space<vmem>> -> memref<1x128x16xf32, #tpu.memory_space<vmem>>
    %dma_start3A_20 = tpu.memref_squeeze %dma_start3A_19 : memref<1x128x16xf32, #tpu.memory_space<vmem>> -> memref<128x16xf32, #tpu.memory_space<vmem>>
    %dma_start3A_21 = arith.constant 0 : i32
    %dma_start3A_22 = tpu.memref_slice %arg5[%dma_start3A, %dma_start3A_21] : memref<78x128xi32, #tpu.memory_space<vmem>> -> memref<1x128xi32, #tpu.memory_space<vmem>>
    %dma_start3A_23 = tpu.memref_squeeze %dma_start3A_22 : memref<1x128xi32, #tpu.memory_space<vmem>> -> memref<128xi32, #tpu.memory_space<vmem>>
    %dma_start3A_24 = arith.constant 0 : i32
    %dma_start3A_25 = arith.constant 0 : i32
    %dma_start3A_26 = tpu.memref_slice %arg3[%dma_start3A_24, %dma_start3A_25] : memref<10240x16xf32, #tpu.memory_space<hbm>> -> memref<10240x16xf32, #tpu.memory_space<hbm>>
    %dma_start3A_27 = tpu.memref_slice %arg12[%dma_start3A_16] : memref<13x!tpu.dma_semaphore, #tpu.memory_space<semaphore_mem>> -> memref<1x!tpu.dma_semaphore, #tpu.memory_space<semaphore_mem>>
    %dma_start3A_28 = tpu.memref_squeeze %dma_start3A_27 : memref<1x!tpu.dma_semaphore, #tpu.memory_space<semaphore_mem>> -> memref<!tpu.dma_semaphore, #tpu.memory_space<semaphore_mem>>
    tpu.enqueue_indirect_dma source(%dma_start3A_26 : memref<10240x16xf32, #tpu.memory_space<hbm>>) target(%dma_start3A_20 : memref<128x16xf32, #tpu.memory_space<vmem>>) offsets(%dma_start3A_23 : memref<128xi32, #tpu.memory_space<vmem>>) semaphore(%dma_start3A_28 : memref<!tpu.dma_semaphore, #tpu.memory_space<semaphore_mem>>)
    %dma_start3A_29 = arith.constant 1 : i32
    %dma_start3A_30 = arith.constant 1 : i32
    %dma_start3A_31 = arith.constant 1 : i32
    %dma_start3A_32 = arith.constant 0 : i32
    %dma_start3A_33 = arith.constant 0 : i32
    %dma_start3A_34 = tpu.memref_slice %arg9[%dma_start3A_30, %dma_start3A_32, %dma_start3A_33] : memref<13x128x16xf32, #tpu.memory_space<vmem>> -> memref<1x128x16xf32, #tpu.memory_space<vmem>>
    %dma_start3A_35 = tpu.memref_squeeze %dma_start3A_34 : memref<1x128x16xf32, #tpu.memory_space<vmem>> -> memref<128x16xf32, #tpu.memory_space<vmem>>
    %dma_start3A_36 = arith.constant 0 : i32
    %dma_start3A_37 = tpu.memref_slice %arg5[%dma_start3A_29, %dma_start3A_36] : memref<78x128xi32, #tpu.memory_space<vmem>> -> memref<1x128xi32, #tpu.memory_space<vmem>>
    %dma_start3A_38 = tpu.memref_squeeze %dma_start3A_37 : memref<1x128xi32, #tpu.memory_space<vmem>> -> memref<128xi32, #tpu.memory_space<vmem>>
    %dma_start3A_39 = arith.constant 0 : i32
    %dma_start3A_40 = arith.constant 0 : i32
    %dma_start3A_41 = tpu.memref_slice %arg3[%dma_start3A_39, %dma_start3A_40] : memref<10240x16xf32, #tpu.memory_space<hbm>> -> memref<10240x16xf32, #tpu.memory_space<hbm>>
    %dma_start3A_42 = tpu.memref_slice %arg12[%dma_start3A_31] : memref<13x!tpu.dma_semaphore, #tpu.memory_space<semaphore_mem>> -> memref<1x!tpu.dma_semaphore, #tpu.memory_space<semaphore_mem>>
    %dma_start3A_43 = tpu.memref_squeeze %dma_start3A_42 : memref<1x!tpu.dma_semaphore, #tpu.memory_space<semaphore_mem>> -> memref<!tpu.dma_semaphore, #tpu.memory_space<semaphore_mem>>
    tpu.enqueue_indirect_dma source(%dma_start3A_41 : memref<10240x16xf32, #tpu.memory_space<hbm>>) target(%dma_start3A_35 : memref<128x16xf32, #tpu.memory_space<vmem>>) offsets(%dma_start3A_38 : memref<128xi32, #tpu.memory_space<vmem>>) semaphore(%dma_start3A_43 : memref<!tpu.dma_semaphore, #tpu.memory_space<semaphore_mem>>)
    %dma_start3A_44 = arith.constant 2 : i32
    %dma_start3A_45 = arith.constant 2 : i32
    %dma_start3A_46 = arith.constant 2 : i32
    %dma_start3A_47 = arith.constant 0 : i32
    %dma_start3A_48 = arith.constant 0 : i32
    %dma_start3A_49 = tpu.memref_slice %arg9[%dma_start3A_45, %dma_start3A_47, %dma_start3A_48] : memref<13x128x16xf32, #tpu.memory_space<vmem>> -> memref<1x128x16xf32, #tpu.memory_space<vmem>>
    %dma_start3A_50 = tpu.memref_squeeze %dma_start3A_49 : memref<1x128x16xf32, #tpu.memory_space<vmem>> -> memref<128x16xf32, #tpu.memory_space<vmem>>
    %dma_start3A_51 = arith.constant 0 : i32
    %dma_start3A_52 = tpu.memref_slice %arg5[%dma_start3A_44, %dma_start3A_51] : memref<78x128xi32, #tpu.memory_space<vmem>> -> memref<1x128xi32, #tpu.memory_space<vmem>>
    %dma_start3A_53 = tpu.memref_squeeze %dma_start3A_52 : memref<1x128xi32, #tpu.memory_space<vmem>> -> memref<128xi32, #tpu.memory_space<vmem>>
    %dma_start3A_54 = arith.constant 0 : i32
    %dma_start3A_55 = arith.constant 0 : i32
    %dma_start3A_56 = tpu.memref_slice %arg3[%dma_start3A_54, %dma_start3A_55] : memref<10240x16xf32, #tpu.memory_space<hbm>> -> memref<10240x16xf32, #tpu.memory_space<hbm>>
    %dma_start3A_57 = tpu.memref_slice %arg12[%dma_start3A_46] : memref<13x!tpu.dma_semaphore, #tpu.memory_space<semaphore_mem>> -> memref<1x!tpu.dma_semaphore, #tpu.memory_space<semaphore_mem>>
    %dma_start3A_58 = tpu.memref_squeeze %dma_start3A_57 : memref<1x!tpu.dma_semaphore, #tpu.memory_space<semaphore_mem>> -> memref<!tpu.dma_semaphore, #tpu.memory_space<semaphore_mem>>
    tpu.enqueue_indirect_dma source(%dma_start3A_56 : memref<10240x16xf32, #tpu.memory_space<hbm>>) target(%dma_start3A_50 : memref<128x16xf32, #tpu.memory_space<vmem>>) offsets(%dma_start3A_53 : memref<128xi32, #tpu.memory_space<vmem>>) semaphore(%dma_start3A_58 : memref<!tpu.dma_semaphore, #tpu.memory_space<semaphore_mem>>)
    %dma_start3A_59 = arith.constant 3 : i32
    %dma_start3A_60 = arith.constant 3 : i32
    %dma_start3A_61 = arith.constant 3 : i32
    %dma_start3A_62 = arith.constant 0 : i32
    %dma_start3A_63 = arith.constant 0 : i32
    %dma_start3A_64 = tpu.memref_slice %arg9[%dma_start3A_60, %dma_start3A_62, %dma_start3A_63] : memref<13x128x16xf32, #tpu.memory_space<vmem>> -> memref<1x128x16xf32, #tpu.memory_space<vmem>>
    %dma_start3A_65 = tpu.memref_squeeze %dma_start3A_64 : memref<1x128x16xf32, #tpu.memory_space<vmem>> -> memref<128x16xf32, #tpu.memory_space<vmem>>
    %dma_start3A_66 = arith.constant 0 : i32
    %dma_start3A_67 = tpu.memref_slice %arg5[%dma_start3A_59, %dma_start3A_66] : memref<78x128xi32, #tpu.memory_space<vmem>> -> memref<1x128xi32, #tpu.memory_space<vmem>>
    %dma_start3A_68 = tpu.memref_squeeze %dma_start3A_67 : memref<1x128xi32, #tpu.memory_space<vmem>> -> memref<128xi32, #tpu.memory_space<vmem>>
    %dma_start3A_69 = arith.constant 0 : i32
    %dma_start3A_70 = arith.constant 0 : i32
    %dma_start3A_71 = tpu.memref_slice %arg3[%dma_start3A_69, %dma_start3A_70] : memref<10240x16xf32, #tpu.memory_space<hbm>> -> memref<10240x16xf32, #tpu.memory_space<hbm>>
    %dma_start3A_72 = tpu.memref_slice %arg12[%dma_start3A_61] : memref<13x!tpu.dma_semaphore, #tpu.memory_space<semaphore_mem>> -> memref<1x!tpu.dma_semaphore, #tpu.memory_space<semaphore_mem>>
    %dma_start3A_73 = tpu.memref_squeeze %dma_start3A_72 : memref<1x!tpu.dma_semaphore, #tpu.memory_space<semaphore_mem>> -> memref<!tpu.dma_semaphore, #tpu.memory_space<semaphore_mem>>
    tpu.enqueue_indirect_dma source(%dma_start3A_71 : memref<10240x16xf32, #tpu.memory_space<hbm>>) target(%dma_start3A_65 : memref<128x16xf32, #tpu.memory_space<vmem>>) offsets(%dma_start3A_68 : memref<128xi32, #tpu.memory_space<vmem>>) semaphore(%dma_start3A_73 : memref<!tpu.dma_semaphore, #tpu.memory_space<semaphore_mem>>)
    %dma_start3A_74 = arith.constant 4 : i32
    %dma_start3A_75 = arith.constant 4 : i32
    %dma_start3A_76 = arith.constant 4 : i32
    %dma_start3A_77 = arith.constant 0 : i32
    %dma_start3A_78 = arith.constant 0 : i32
    %dma_start3A_79 = tpu.memref_slice %arg9[%dma_start3A_75, %dma_start3A_77, %dma_start3A_78] : memref<13x128x16xf32, #tpu.memory_space<vmem>> -> memref<1x128x16xf32, #tpu.memory_space<vmem>>
    %dma_start3A_80 = tpu.memref_squeeze %dma_start3A_79 : memref<1x128x16xf32, #tpu.memory_space<vmem>> -> memref<128x16xf32, #tpu.memory_space<vmem>>
    %dma_start3A_81 = arith.constant 0 : i32
    %dma_start3A_82 = tpu.memref_slice %arg5[%dma_start3A_74, %dma_start3A_81] : memref<78x128xi32, #tpu.memory_space<vmem>> -> memref<1x128xi32, #tpu.memory_space<vmem>>
    %dma_start3A_83 = tpu.memref_squeeze %dma_start3A_82 : memref<1x128xi32, #tpu.memory_space<vmem>> -> memref<128xi32, #tpu.memory_space<vmem>>
    %dma_start3A_84 = arith.constant 0 : i32
    %dma_start3A_85 = arith.constant 0 : i32
    %dma_start3A_86 = tpu.memref_slice %arg3[%dma_start3A_84, %dma_start3A_85] : memref<10240x16xf32, #tpu.memory_space<hbm>> -> memref<10240x16xf32, #tpu.memory_space<hbm>>
    %dma_start3A_87 = tpu.memref_slice %arg12[%dma_start3A_76] : memref<13x!tpu.dma_semaphore, #tpu.memory_space<semaphore_mem>> -> memref<1x!tpu.dma_semaphore, #tpu.memory_space<semaphore_mem>>
    %dma_start3A_88 = tpu.memref_squeeze %dma_start3A_87 : memref<1x!tpu.dma_semaphore, #tpu.memory_space<semaphore_mem>> -> memref<!tpu.dma_semaphore, #tpu.memory_space<semaphore_mem>>
    tpu.enqueue_indirect_dma source(%dma_start3A_86 : memref<10240x16xf32, #tpu.memory_space<hbm>>) target(%dma_start3A_80 : memref<128x16xf32, #tpu.memory_space<vmem>>) offsets(%dma_start3A_83 : memref<128xi32, #tpu.memory_space<vmem>>) semaphore(%dma_start3A_88 : memref<!tpu.dma_semaphore, #tpu.memory_space<semaphore_mem>>)
    %dma_start3A_89 = arith.constant 5 : i32
    %dma_start3A_90 = arith.constant 5 : i32
    %dma_start3A_91 = arith.constant 5 : i32
    %dma_start3A_92 = arith.constant 0 : i32
    %dma_start3A_93 = arith.constant 0 : i32
    %dma_start3A_94 = tpu.memref_slice %arg9[%dma_start3A_90, %dma_start3A_92, %dma_start3A_93] : memref<13x128x16xf32, #tpu.memory_space<vmem>> -> memref<1x128x16xf32, #tpu.memory_space<vmem>>
    %dma_start3A_95 = tpu.memref_squeeze %dma_start3A_94 : memref<1x128x16xf32, #tpu.memory_space<vmem>> -> memref<128x16xf32, #tpu.memory_space<vmem>>
    %dma_start3A_96 = arith.constant 0 : i32
    %dma_start3A_97 = tpu.memref_slice %arg5[%dma_start3A_89, %dma_start3A_96] : memref<78x128xi32, #tpu.memory_space<vmem>> -> memref<1x128xi32, #tpu.memory_space<vmem>>
    %dma_start3A_98 = tpu.memref_squeeze %dma_start3A_97 : memref<1x128xi32, #tpu.memory_space<vmem>> -> memref<128xi32, #tpu.memory_space<vmem>>
    %dma_start3A_99 = arith.constant 0 : i32
    %dma_start3A_100 = arith.constant 0 : i32
    %dma_start3A_101 = tpu.memref_slice %arg3[%dma_start3A_99, %dma_start3A_100] : memref<10240x16xf32, #tpu.memory_space<hbm>> -> memref<10240x16xf32, #tpu.memory_space<hbm>>
    %dma_start3A_102 = tpu.memref_slice %arg12[%dma_start3A_91] : memref<13x!tpu.dma_semaphore, #tpu.memory_space<semaphore_mem>> -> memref<1x!tpu.dma_semaphore, #tpu.memory_space<semaphore_mem>>
    %dma_start3A_103 = tpu.memref_squeeze %dma_start3A_102 : memref<1x!tpu.dma_semaphore, #tpu.memory_space<semaphore_mem>> -> memref<!tpu.dma_semaphore, #tpu.memory_space<semaphore_mem>>
    tpu.enqueue_indirect_dma source(%dma_start3A_101 : memref<10240x16xf32, #tpu.memory_space<hbm>>) target(%dma_start3A_95 : memref<128x16xf32, #tpu.memory_space<vmem>>) offsets(%dma_start3A_98 : memref<128xi32, #tpu.memory_space<vmem>>) semaphore(%dma_start3A_103 : memref<!tpu.dma_semaphore, #tpu.memory_space<semaphore_mem>>)
    %dma_start3A_104 = arith.constant 6 : i32
    %dma_start3A_105 = arith.constant 6 : i32
    %dma_start3A_106 = arith.constant 6 : i32
    %dma_start3A_107 = arith.constant 0 : i32
    %dma_start3A_108 = arith.constant 0 : i32
    %dma_start3A_109 = tpu.memref_slice %arg9[%dma_start3A_105, %dma_start3A_107, %dma_start3A_108] : memref<13x128x16xf32, #tpu.memory_space<vmem>> -> memref<1x128x16xf32, #tpu.memory_space<vmem>>
    %dma_start3A_110 = tpu.memref_squeeze %dma_start3A_109 : memref<1x128x16xf32, #tpu.memory_space<vmem>> -> memref<128x16xf32, #tpu.memory_space<vmem>>
    %dma_start3A_111 = arith.constant 0 : i32
    %dma_start3A_112 = tpu.memref_slice %arg5[%dma_start3A_104, %dma_start3A_111] : memref<78x128xi32, #tpu.memory_space<vmem>> -> memref<1x128xi32, #tpu.memory_space<vmem>>
    %dma_start3A_113 = tpu.memref_squeeze %dma_start3A_112 : memref<1x128xi32, #tpu.memory_space<vmem>> -> memref<128xi32, #tpu.memory_space<vmem>>
    %dma_start3A_114 = arith.constant 0 : i32
    %dma_start3A_115 = arith.constant 0 : i32
    %dma_start3A_116 = tpu.memref_slice %arg3[%dma_start3A_114, %dma_start3A_115] : memref<10240x16xf32, #tpu.memory_space<hbm>> -> memref<10240x16xf32, #tpu.memory_space<hbm>>
    %dma_start3A_117 = tpu.memref_slice %arg12[%dma_start3A_106] : memref<13x!tpu.dma_semaphore, #tpu.memory_space<semaphore_mem>> -> memref<1x!tpu.dma_semaphore, #tpu.memory_space<semaphore_mem>>
    %dma_start3A_118 = tpu.memref_squeeze %dma_start3A_117 : memref<1x!tpu.dma_semaphore, #tpu.memory_space<semaphore_mem>> -> memref<!tpu.dma_semaphore, #tpu.memory_space<semaphore_mem>>
    tpu.enqueue_indirect_dma source(%dma_start3A_116 : memref<10240x16xf32, #tpu.memory_space<hbm>>) target(%dma_start3A_110 : memref<128x16xf32, #tpu.memory_space<vmem>>) offsets(%dma_start3A_113 : memref<128xi32, #tpu.memory_space<vmem>>) semaphore(%dma_start3A_118 : memref<!tpu.dma_semaphore, #tpu.memory_space<semaphore_mem>>)
    %dma_start3A_119 = arith.constant 7 : i32
    %dma_start3A_120 = arith.constant 7 : i32
    %dma_start3A_121 = arith.constant 7 : i32
    %dma_start3A_122 = arith.constant 0 : i32
    %dma_start3A_123 = arith.constant 0 : i32
    %dma_start3A_124 = tpu.memref_slice %arg9[%dma_start3A_120, %dma_start3A_122, %dma_start3A_123] : memref<13x128x16xf32, #tpu.memory_space<vmem>> -> memref<1x128x16xf32, #tpu.memory_space<vmem>>
    %dma_start3A_125 = tpu.memref_squeeze %dma_start3A_124 : memref<1x128x16xf32, #tpu.memory_space<vmem>> -> memref<128x16xf32, #tpu.memory_space<vmem>>
    %dma_start3A_126 = arith.constant 0 : i32
    %dma_start3A_127 = tpu.memref_slice %arg5[%dma_start3A_119, %dma_start3A_126] : memref<78x128xi32, #tpu.memory_space<vmem>> -> memref<1x128xi32, #tpu.memory_space<vmem>>
    %dma_start3A_128 = tpu.memref_squeeze %dma_start3A_127 : memref<1x128xi32, #tpu.memory_space<vmem>> -> memref<128xi32, #tpu.memory_space<vmem>>
    %dma_start3A_129 = arith.constant 0 : i32
    %dma_start3A_130 = arith.constant 0 : i32
    %dma_start3A_131 = tpu.memref_slice %arg3[%dma_start3A_129, %dma_start3A_130] : memref<10240x16xf32, #tpu.memory_space<hbm>> -> memref<10240x16xf32, #tpu.memory_space<hbm>>
    %dma_start3A_132 = tpu.memref_slice %arg12[%dma_start3A_121] : memref<13x!tpu.dma_semaphore, #tpu.memory_space<semaphore_mem>> -> memref<1x!tpu.dma_semaphore, #tpu.memory_space<semaphore_mem>>
    %dma_start3A_133 = tpu.memref_squeeze %dma_start3A_132 : memref<1x!tpu.dma_semaphore, #tpu.memory_space<semaphore_mem>> -> memref<!tpu.dma_semaphore, #tpu.memory_space<semaphore_mem>>
    tpu.enqueue_indirect_dma source(%dma_start3A_131 : memref<10240x16xf32, #tpu.memory_space<hbm>>) target(%dma_start3A_125 : memref<128x16xf32, #tpu.memory_space<vmem>>) offsets(%dma_start3A_128 : memref<128xi32, #tpu.memory_space<vmem>>) semaphore(%dma_start3A_133 : memref<!tpu.dma_semaphore, #tpu.memory_space<semaphore_mem>>)
    %dma_start3A_134 = arith.constant 8 : i32
    %dma_start3A_135 = arith.constant 8 : i32
    %dma_start3A_136 = arith.constant 8 : i32
    %dma_start3A_137 = arith.constant 0 : i32
    %dma_start3A_138 = arith.constant 0 : i32
    %dma_start3A_139 = tpu.memref_slice %arg9[%dma_start3A_135, %dma_start3A_137, %dma_start3A_138] : memref<13x128x16xf32, #tpu.memory_space<vmem>> -> memref<1x128x16xf32, #tpu.memory_space<vmem>>
    %dma_start3A_140 = tpu.memref_squeeze %dma_start3A_139 : memref<1x128x16xf32, #tpu.memory_space<vmem>> -> memref<128x16xf32, #tpu.memory_space<vmem>>
    %dma_start3A_141 = arith.constant 0 : i32
    %dma_start3A_142 = tpu.memref_slice %arg5[%dma_start3A_134, %dma_start3A_141] : memref<78x128xi32, #tpu.memory_space<vmem>> -> memref<1x128xi32, #tpu.memory_space<vmem>>
    %dma_start3A_143 = tpu.memref_squeeze %dma_start3A_142 : memref<1x128xi32, #tpu.memory_space<vmem>> -> memref<128xi32, #tpu.memory_space<vmem>>
    %dma_start3A_144 = arith.constant 0 : i32
    %dma_start3A_145 = arith.constant 0 : i32
    %dma_start3A_146 = tpu.memref_slice %arg3[%dma_start3A_144, %dma_start3A_145] : memref<10240x16xf32, #tpu.memory_space<hbm>> -> memref<10240x16xf32, #tpu.memory_space<hbm>>
    %dma_start3A_147 = tpu.memref_slice %arg12[%dma_start3A_136] : memref<13x!tpu.dma_semaphore, #tpu.memory_space<semaphore_mem>> -> memref<1x!tpu.dma_semaphore, #tpu.memory_space<semaphore_mem>>
    %dma_start3A_148 = tpu.memref_squeeze %dma_start3A_147 : memref<1x!tpu.dma_semaphore, #tpu.memory_space<semaphore_mem>> -> memref<!tpu.dma_semaphore, #tpu.memory_space<semaphore_mem>>
    tpu.enqueue_indirect_dma source(%dma_start3A_146 : memref<10240x16xf32, #tpu.memory_space<hbm>>) target(%dma_start3A_140 : memref<128x16xf32, #tpu.memory_space<vmem>>) offsets(%dma_start3A_143 : memref<128xi32, #tpu.memory_space<vmem>>) semaphore(%dma_start3A_148 : memref<!tpu.dma_semaphore, #tpu.memory_space<semaphore_mem>>)
    %dma_start3A_149 = arith.constant 9 : i32
    %dma_start3A_150 = arith.constant 9 : i32
    %dma_start3A_151 = arith.constant 9 : i32
    %dma_start3A_152 = arith.constant 0 : i32
    %dma_start3A_153 = arith.constant 0 : i32
    %dma_start3A_154 = tpu.memref_slice %arg9[%dma_start3A_150, %dma_start3A_152, %dma_start3A_153] : memref<13x128x16xf32, #tpu.memory_space<vmem>> -> memref<1x128x16xf32, #tpu.memory_space<vmem>>
    %dma_start3A_155 = tpu.memref_squeeze %dma_start3A_154 : memref<1x128x16xf32, #tpu.memory_space<vmem>> -> memref<128x16xf32, #tpu.memory_space<vmem>>
    %dma_start3A_156 = arith.constant 0 : i32
    %dma_start3A_157 = tpu.memref_slice %arg5[%dma_start3A_149, %dma_start3A_156] : memref<78x128xi32, #tpu.memory_space<vmem>> -> memref<1x128xi32, #tpu.memory_space<vmem>>
    %dma_start3A_158 = tpu.memref_squeeze %dma_start3A_157 : memref<1x128xi32, #tpu.memory_space<vmem>> -> memref<128xi32, #tpu.memory_space<vmem>>
    %dma_start3A_159 = arith.constant 0 : i32
    %dma_start3A_160 = arith.constant 0 : i32
    %dma_start3A_161 = tpu.memref_slice %arg3[%dma_start3A_159, %dma_start3A_160] : memref<10240x16xf32, #tpu.memory_space<hbm>> -> memref<10240x16xf32, #tpu.memory_space<hbm>>
    %dma_start3A_162 = tpu.memref_slice %arg12[%dma_start3A_151] : memref<13x!tpu.dma_semaphore, #tpu.memory_space<semaphore_mem>> -> memref<1x!tpu.dma_semaphore, #tpu.memory_space<semaphore_mem>>
    %dma_start3A_163 = tpu.memref_squeeze %dma_start3A_162 : memref<1x!tpu.dma_semaphore, #tpu.memory_space<semaphore_mem>> -> memref<!tpu.dma_semaphore, #tpu.memory_space<semaphore_mem>>
    tpu.enqueue_indirect_dma source(%dma_start3A_161 : memref<10240x16xf32, #tpu.memory_space<hbm>>) target(%dma_start3A_155 : memref<128x16xf32, #tpu.memory_space<vmem>>) offsets(%dma_start3A_158 : memref<128xi32, #tpu.memory_space<vmem>>) semaphore(%dma_start3A_163 : memref<!tpu.dma_semaphore, #tpu.memory_space<semaphore_mem>>)
    %dma_start3A_164 = arith.constant 10 : i32
    %dma_start3A_165 = arith.constant 10 : i32
    %dma_start3A_166 = arith.constant 10 : i32
    %dma_start3A_167 = arith.constant 0 : i32
    %dma_start3A_168 = arith.constant 0 : i32
    %dma_start3A_169 = tpu.memref_slice %arg9[%dma_start3A_165, %dma_start3A_167, %dma_start3A_168] : memref<13x128x16xf32, #tpu.memory_space<vmem>> -> memref<1x128x16xf32, #tpu.memory_space<vmem>>
    %dma_start3A_170 = tpu.memref_squeeze %dma_start3A_169 : memref<1x128x16xf32, #tpu.memory_space<vmem>> -> memref<128x16xf32, #tpu.memory_space<vmem>>
    %dma_start3A_171 = arith.constant 0 : i32
    %dma_start3A_172 = tpu.memref_slice %arg5[%dma_start3A_164, %dma_start3A_171] : memref<78x128xi32, #tpu.memory_space<vmem>> -> memref<1x128xi32, #tpu.memory_space<vmem>>
    %dma_start3A_173 = tpu.memref_squeeze %dma_start3A_172 : memref<1x128xi32, #tpu.memory_space<vmem>> -> memref<128xi32, #tpu.memory_space<vmem>>
    %dma_start3A_174 = arith.constant 0 : i32
    %dma_start3A_175 = arith.constant 0 : i32
    %dma_start3A_176 = tpu.memref_slice %arg3[%dma_start3A_174, %dma_start3A_175] : memref<10240x16xf32, #tpu.memory_space<hbm>> -> memref<10240x16xf32, #tpu.memory_space<hbm>>
    %dma_start3A_177 = tpu.memref_slice %arg12[%dma_start3A_166] : memref<13x!tpu.dma_semaphore, #tpu.memory_space<semaphore_mem>> -> memref<1x!tpu.dma_semaphore, #tpu.memory_space<semaphore_mem>>
    %dma_start3A_178 = tpu.memref_squeeze %dma_start3A_177 : memref<1x!tpu.dma_semaphore, #tpu.memory_space<semaphore_mem>> -> memref<!tpu.dma_semaphore, #tpu.memory_space<semaphore_mem>>
    tpu.enqueue_indirect_dma source(%dma_start3A_176 : memref<10240x16xf32, #tpu.memory_space<hbm>>) target(%dma_start3A_170 : memref<128x16xf32, #tpu.memory_space<vmem>>) offsets(%dma_start3A_173 : memref<128xi32, #tpu.memory_space<vmem>>) semaphore(%dma_start3A_178 : memref<!tpu.dma_semaphore, #tpu.memory_space<semaphore_mem>>)
    %dma_start3A_179 = arith.constant 11 : i32
    %dma_start3A_180 = arith.constant 11 : i32
    %dma_start3A_181 = arith.constant 11 : i32
    %dma_start3A_182 = arith.constant 0 : i32
    %dma_start3A_183 = arith.constant 0 : i32
    %dma_start3A_184 = tpu.memref_slice %arg9[%dma_start3A_180, %dma_start3A_182, %dma_start3A_183] : memref<13x128x16xf32, #tpu.memory_space<vmem>> -> memref<1x128x16xf32, #tpu.memory_space<vmem>>
    %dma_start3A_185 = tpu.memref_squeeze %dma_start3A_184 : memref<1x128x16xf32, #tpu.memory_space<vmem>> -> memref<128x16xf32, #tpu.memory_space<vmem>>
    %dma_start3A_186 = arith.constant 0 : i32
    %dma_start3A_187 = tpu.memref_slice %arg5[%dma_start3A_179, %dma_start3A_186] : memref<78x128xi32, #tpu.memory_space<vmem>> -> memref<1x128xi32, #tpu.memory_space<vmem>>
    %dma_start3A_188 = tpu.memref_squeeze %dma_start3A_187 : memref<1x128xi32, #tpu.memory_space<vmem>> -> memref<128xi32, #tpu.memory_space<vmem>>
    %dma_start3A_189 = arith.constant 0 : i32
    %dma_start3A_190 = arith.constant 0 : i32
    %dma_start3A_191 = tpu.memref_slice %arg3[%dma_start3A_189, %dma_start3A_190] : memref<10240x16xf32, #tpu.memory_space<hbm>> -> memref<10240x16xf32, #tpu.memory_space<hbm>>
    %dma_start3A_192 = tpu.memref_slice %arg12[%dma_start3A_181] : memref<13x!tpu.dma_semaphore, #tpu.memory_space<semaphore_mem>> -> memref<1x!tpu.dma_semaphore, #tpu.memory_space<semaphore_mem>>
    %dma_start3A_193 = tpu.memref_squeeze %dma_start3A_192 : memref<1x!tpu.dma_semaphore, #tpu.memory_space<semaphore_mem>> -> memref<!tpu.dma_semaphore, #tpu.memory_space<semaphore_mem>>
    tpu.enqueue_indirect_dma source(%dma_start3A_191 : memref<10240x16xf32, #tpu.memory_space<hbm>>) target(%dma_start3A_185 : memref<128x16xf32, #tpu.memory_space<vmem>>) offsets(%dma_start3A_188 : memref<128xi32, #tpu.memory_space<vmem>>) semaphore(%dma_start3A_193 : memref<!tpu.dma_semaphore, #tpu.memory_space<semaphore_mem>>)
    %dma_start3A_194 = arith.constant 12 : i32
    %dma_start3A_195 = arith.constant 12 : i32
    %dma_start3A_196 = arith.constant 12 : i32
    %dma_start3A_197 = arith.constant 0 : i32
    %dma_start3A_198 = arith.constant 0 : i32
    %dma_start3A_199 = tpu.memref_slice %arg9[%dma_start3A_195, %dma_start3A_197, %dma_start3A_198] : memref<13x128x16xf32, #tpu.memory_space<vmem>> -> memref<1x128x16xf32, #tpu.memory_space<vmem>>
    %dma_start3A_200 = tpu.memref_squeeze %dma_start3A_199 : memref<1x128x16xf32, #tpu.memory_space<vmem>> -> memref<128x16xf32, #tpu.memory_space<vmem>>
    %dma_start3A_201 = arith.constant 0 : i32
    %dma_start3A_202 = tpu.memref_slice %arg5[%dma_start3A_194, %dma_start3A_201] : memref<78x128xi32, #tpu.memory_space<vmem>> -> memref<1x128xi32, #tpu.memory_space<vmem>>
    %dma_start3A_203 = tpu.memref_squeeze %dma_start3A_202 : memref<1x128xi32, #tpu.memory_space<vmem>> -> memref<128xi32, #tpu.memory_space<vmem>>
    %dma_start3A_204 = arith.constant 0 : i32
    %dma_start3A_205 = arith.constant 0 : i32
    %dma_start3A_206 = tpu.memref_slice %arg3[%dma_start3A_204, %dma_start3A_205] : memref<10240x16xf32, #tpu.memory_space<hbm>> -> memref<10240x16xf32, #tpu.memory_space<hbm>>
    %dma_start3A_207 = tpu.memref_slice %arg12[%dma_start3A_196] : memref<13x!tpu.dma_semaphore, #tpu.memory_space<semaphore_mem>> -> memref<1x!tpu.dma_semaphore, #tpu.memory_space<semaphore_mem>>
    %dma_start3A_208 = tpu.memref_squeeze %dma_start3A_207 : memref<1x!tpu.dma_semaphore, #tpu.memory_space<semaphore_mem>> -> memref<!tpu.dma_semaphore, #tpu.memory_space<semaphore_mem>>
    tpu.enqueue_indirect_dma source(%dma_start3A_206 : memref<10240x16xf32, #tpu.memory_space<hbm>>) target(%dma_start3A_200 : memref<128x16xf32, #tpu.memory_space<vmem>>) offsets(%dma_start3A_203 : memref<128xi32, #tpu.memory_space<vmem>>) semaphore(%dma_start3A_208 : memref<!tpu.dma_semaphore, #tpu.memory_space<semaphore_mem>>)
    %scan3A_209 = arith.constant 0 : i32
    %scan3A_210 = arith.constant 6 : i32
    %scan3A_211 = arith.addi %scan3A_209, %scan3A_210 : i32
    %scan3A_212 = arith.constant 1 : i32
    scf.for %scan3A_415 = %scan3A_209 to %scan3A_211 step %scan3A_212  : i32 {
      %mul3A_416 = arith.constant 1 : i32
      %mul3A_417 = arith.muli %scan3A_415, %mul3A_416 : i32
      %add3A_418 = arith.constant 0 : i32
      %add3A_419 = arith.addi %add3A_418, %mul3A_417 : i32
      %mul3A_420 = arith.constant 13 : i32
      %mul3A_421 = arith.muli %add3A_419, %mul3A_420 : i32
      %add3A_422 = arith.constant 0 : i32
      %add3A_423 = arith.addi %mul3A_421, %add3A_422 : i32
      %dma_wait3A_424 = arith.constant 0 : i32
      %dma_wait3A_425 = arith.constant 0 : i32
      %dma_wait3A_426 = arith.constant 0 : i32
      %dma_wait3A_427 = arith.constant 0 : i32
      %dma_wait3A_428 = tpu.memref_slice %arg9[%dma_wait3A_424, %dma_wait3A_426, %dma_wait3A_427] : memref<13x128x16xf32, #tpu.memory_space<vmem>> -> memref<1x128x16xf32, #tpu.memory_space<vmem>>
      %dma_wait3A_429 = tpu.memref_squeeze %dma_wait3A_428 : memref<1x128x16xf32, #tpu.memory_space<vmem>> -> memref<128x16xf32, #tpu.memory_space<vmem>>
      %dma_wait3A_430 = arith.constant 0 : i32
      %dma_wait3A_431 = tpu.memref_slice %arg5[%add3A_423, %dma_wait3A_430] : memref<78x128xi32, #tpu.memory_space<vmem>> -> memref<1x128xi32, #tpu.memory_space<vmem>>
      %dma_wait3A_432 = tpu.memref_squeeze %dma_wait3A_431 : memref<1x128xi32, #tpu.memory_space<vmem>> -> memref<128xi32, #tpu.memory_space<vmem>>
      %dma_wait3A_433 = arith.constant 0 : i32
      %dma_wait3A_434 = arith.constant 0 : i32
      %dma_wait3A_435 = tpu.memref_slice %arg3[%dma_wait3A_433, %dma_wait3A_434] : memref<10240x16xf32, #tpu.memory_space<hbm>> -> memref<10240x16xf32, #tpu.memory_space<hbm>>
      %dma_wait3A_436 = tpu.memref_slice %arg12[%dma_wait3A_425] : memref<13x!tpu.dma_semaphore, #tpu.memory_space<semaphore_mem>> -> memref<1x!tpu.dma_semaphore, #tpu.memory_space<semaphore_mem>>
      %dma_wait3A_437 = tpu.memref_squeeze %dma_wait3A_436 : memref<1x!tpu.dma_semaphore, #tpu.memory_space<semaphore_mem>> -> memref<!tpu.dma_semaphore, #tpu.memory_space<semaphore_mem>>
      tpu.wait_indirect_dma semaphore(%dma_wait3A_437 : memref<!tpu.dma_semaphore, #tpu.memory_space<semaphore_mem>>) src(%dma_wait3A_435 : memref<10240x16xf32, #tpu.memory_space<hbm>>) dst(%dma_wait3A_429 : memref<128x16xf32, #tpu.memory_space<vmem>>)
      %add3A_438 = arith.constant 0 : i32
      %add3A_439 = arith.addi %mul3A_421, %add3A_438 : i32
      %dma_start3A_440 = arith.constant 0 : i32
      %dma_start3A_441 = arith.constant 0 : i32
      %dma_start3A_442 = arith.constant 0 : i32
      %dma_start3A_443 = arith.constant 0 : i32
      %dma_start3A_444 = tpu.memref_slice %arg9[%dma_start3A_440, %dma_start3A_442, %dma_start3A_443] : memref<13x128x16xf32, #tpu.memory_space<vmem>> -> memref<1x128x16xf32, #tpu.memory_space<vmem>>
      %dma_start3A_445 = tpu.memref_squeeze %dma_start3A_444 : memref<1x128x16xf32, #tpu.memory_space<vmem>> -> memref<128x16xf32, #tpu.memory_space<vmem>>
      %dma_start3A_446 = arith.constant 0 : i32
      %dma_start3A_447 = tpu.memref_slice %arg6[%add3A_439, %dma_start3A_446] : memref<78x128xi32, #tpu.memory_space<vmem>> -> memref<1x128xi32, #tpu.memory_space<vmem>>
      %dma_start3A_448 = tpu.memref_squeeze %dma_start3A_447 : memref<1x128xi32, #tpu.memory_space<vmem>> -> memref<128xi32, #tpu.memory_space<vmem>>
      %dma_start3A_449 = arith.constant 0 : i32
      %dma_start3A_450 = arith.constant 0 : i32
      %dma_start3A_451 = tpu.memref_slice %arg11[%dma_start3A_449, %dma_start3A_450] : memref<10240x16xf32, #tpu.memory_space<vmem_shared>> -> memref<10240x16xf32, #tpu.memory_space<vmem_shared>>
      %dma_start3A_452 = tpu.memref_slice %arg13[%dma_start3A_441] : memref<13x!tpu.dma_semaphore, #tpu.memory_space<semaphore_mem>> -> memref<1x!tpu.dma_semaphore, #tpu.memory_space<semaphore_mem>>
      %dma_start3A_453 = tpu.memref_squeeze %dma_start3A_452 : memref<1x!tpu.dma_semaphore, #tpu.memory_space<semaphore_mem>> -> memref<!tpu.dma_semaphore, #tpu.memory_space<semaphore_mem>>
      tpu.enqueue_indirect_dma source(%dma_start3A_445 : memref<128x16xf32, #tpu.memory_space<vmem>>) target(%dma_start3A_451 : memref<10240x16xf32, #tpu.memory_space<vmem_shared>>) offsets(%dma_start3A_448 : memref<128xi32, #tpu.memory_space<vmem>>) semaphore(%dma_start3A_453 : memref<!tpu.dma_semaphore, #tpu.memory_space<semaphore_mem>>) {add = true}
      %add3A_454 = arith.constant 1 : i32
      %add3A_455 = arith.addi %mul3A_421, %add3A_454 : i32
      %dma_wait3A_456 = arith.constant 1 : i32
      %dma_wait3A_457 = arith.constant 1 : i32
      %dma_wait3A_458 = arith.constant 0 : i32
      %dma_wait3A_459 = arith.constant 0 : i32
      %dma_wait3A_460 = tpu.memref_slice %arg9[%dma_wait3A_456, %dma_wait3A_458, %dma_wait3A_459] : memref<13x128x16xf32, #tpu.memory_space<vmem>> -> memref<1x128x16xf32, #tpu.memory_space<vmem>>
      %dma_wait3A_461 = tpu.memref_squeeze %dma_wait3A_460 : memref<1x128x16xf32, #tpu.memory_space<vmem>> -> memref<128x16xf32, #tpu.memory_space<vmem>>
      %dma_wait3A_462 = arith.constant 0 : i32
      %dma_wait3A_463 = tpu.memref_slice %arg5[%add3A_455, %dma_wait3A_462] : memref<78x128xi32, #tpu.memory_space<vmem>> -> memref<1x128xi32, #tpu.memory_space<vmem>>
      %dma_wait3A_464 = tpu.memref_squeeze %dma_wait3A_463 : memref<1x128xi32, #tpu.memory_space<vmem>> -> memref<128xi32, #tpu.memory_space<vmem>>
      %dma_wait3A_465 = arith.constant 0 : i32
      %dma_wait3A_466 = arith.constant 0 : i32
      %dma_wait3A_467 = tpu.memref_slice %arg3[%dma_wait3A_465, %dma_wait3A_466] : memref<10240x16xf32, #tpu.memory_space<hbm>> -> memref<10240x16xf32, #tpu.memory_space<hbm>>
      %dma_wait3A_468 = tpu.memref_slice %arg12[%dma_wait3A_457] : memref<13x!tpu.dma_semaphore, #tpu.memory_space<semaphore_mem>> -> memref<1x!tpu.dma_semaphore, #tpu.memory_space<semaphore_mem>>
      %dma_wait3A_469 = tpu.memref_squeeze %dma_wait3A_468 : memref<1x!tpu.dma_semaphore, #tpu.memory_space<semaphore_mem>> -> memref<!tpu.dma_semaphore, #tpu.memory_space<semaphore_mem>>
      tpu.wait_indirect_dma semaphore(%dma_wait3A_469 : memref<!tpu.dma_semaphore, #tpu.memory_space<semaphore_mem>>) src(%dma_wait3A_467 : memref<10240x16xf32, #tpu.memory_space<hbm>>) dst(%dma_wait3A_461 : memref<128x16xf32, #tpu.memory_space<vmem>>)
      %add3A_470 = arith.constant 1 : i32
      %add3A_471 = arith.addi %mul3A_421, %add3A_470 : i32
      %dma_start3A_472 = arith.constant 1 : i32
      %dma_start3A_473 = arith.constant 1 : i32
      %dma_start3A_474 = arith.constant 0 : i32
      %dma_start3A_475 = arith.constant 0 : i32
      %dma_start3A_476 = tpu.memref_slice %arg9[%dma_start3A_472, %dma_start3A_474, %dma_start3A_475] : memref<13x128x16xf32, #tpu.memory_space<vmem>> -> memref<1x128x16xf32, #tpu.memory_space<vmem>>
      %dma_start3A_477 = tpu.memref_squeeze %dma_start3A_476 : memref<1x128x16xf32, #tpu.memory_space<vmem>> -> memref<128x16xf32, #tpu.memory_space<vmem>>
      %dma_start3A_478 = arith.constant 0 : i32
      %dma_start3A_479 = tpu.memref_slice %arg6[%add3A_471, %dma_start3A_478] : memref<78x128xi32, #tpu.memory_space<vmem>> -> memref<1x128xi32, #tpu.memory_space<vmem>>
      %dma_start3A_480 = tpu.memref_squeeze %dma_start3A_479 : memref<1x128xi32, #tpu.memory_space<vmem>> -> memref<128xi32, #tpu.memory_space<vmem>>
      %dma_start3A_481 = arith.constant 0 : i32
      %dma_start3A_482 = arith.constant 0 : i32
      %dma_start3A_483 = tpu.memref_slice %arg11[%dma_start3A_481, %dma_start3A_482] : memref<10240x16xf32, #tpu.memory_space<vmem_shared>> -> memref<10240x16xf32, #tpu.memory_space<vmem_shared>>
      %dma_start3A_484 = tpu.memref_slice %arg13[%dma_start3A_473] : memref<13x!tpu.dma_semaphore, #tpu.memory_space<semaphore_mem>> -> memref<1x!tpu.dma_semaphore, #tpu.memory_space<semaphore_mem>>
      %dma_start3A_485 = tpu.memref_squeeze %dma_start3A_484 : memref<1x!tpu.dma_semaphore, #tpu.memory_space<semaphore_mem>> -> memref<!tpu.dma_semaphore, #tpu.memory_space<semaphore_mem>>
      tpu.enqueue_indirect_dma source(%dma_start3A_477 : memref<128x16xf32, #tpu.memory_space<vmem>>) target(%dma_start3A_483 : memref<10240x16xf32, #tpu.memory_space<vmem_shared>>) offsets(%dma_start3A_480 : memref<128xi32, #tpu.memory_space<vmem>>) semaphore(%dma_start3A_485 : memref<!tpu.dma_semaphore, #tpu.memory_space<semaphore_mem>>) {add = true}
      %add3A_486 = arith.constant 2 : i32
      %add3A_487 = arith.addi %mul3A_421, %add3A_486 : i32
      %dma_wait3A_488 = arith.constant 2 : i32
      %dma_wait3A_489 = arith.constant 2 : i32
      %dma_wait3A_490 = arith.constant 0 : i32
      %dma_wait3A_491 = arith.constant 0 : i32
      %dma_wait3A_492 = tpu.memref_slice %arg9[%dma_wait3A_488, %dma_wait3A_490, %dma_wait3A_491] : memref<13x128x16xf32, #tpu.memory_space<vmem>> -> memref<1x128x16xf32, #tpu.memory_space<vmem>>
      %dma_wait3A_493 = tpu.memref_squeeze %dma_wait3A_492 : memref<1x128x16xf32, #tpu.memory_space<vmem>> -> memref<128x16xf32, #tpu.memory_space<vmem>>
      %dma_wait3A_494 = arith.constant 0 : i32
      %dma_wait3A_495 = tpu.memref_slice %arg5[%add3A_487, %dma_wait3A_494] : memref<78x128xi32, #tpu.memory_space<vmem>> -> memref<1x128xi32, #tpu.memory_space<vmem>>
      %dma_wait3A_496 = tpu.memref_squeeze %dma_wait3A_495 : memref<1x128xi32, #tpu.memory_space<vmem>> -> memref<128xi32, #tpu.memory_space<vmem>>
      %dma_wait3A_497 = arith.constant 0 : i32
      %dma_wait3A_498 = arith.constant 0 : i32
      %dma_wait3A_499 = tpu.memref_slice %arg3[%dma_wait3A_497, %dma_wait3A_498] : memref<10240x16xf32, #tpu.memory_space<hbm>> -> memref<10240x16xf32, #tpu.memory_space<hbm>>
      %dma_wait3A_500 = tpu.memref_slice %arg12[%dma_wait3A_489] : memref<13x!tpu.dma_semaphore, #tpu.memory_space<semaphore_mem>> -> memref<1x!tpu.dma_semaphore, #tpu.memory_space<semaphore_mem>>
      %dma_wait3A_501 = tpu.memref_squeeze %dma_wait3A_500 : memref<1x!tpu.dma_semaphore, #tpu.memory_space<semaphore_mem>> -> memref<!tpu.dma_semaphore, #tpu.memory_space<semaphore_mem>>
      tpu.wait_indirect_dma semaphore(%dma_wait3A_501 : memref<!tpu.dma_semaphore, #tpu.memory_space<semaphore_mem>>) src(%dma_wait3A_499 : memref<10240x16xf32, #tpu.memory_space<hbm>>) dst(%dma_wait3A_493 : memref<128x16xf32, #tpu.memory_space<vmem>>)
      %add3A_502 = arith.constant 2 : i32
      %add3A_503 = arith.addi %mul3A_421, %add3A_502 : i32
      %dma_start3A_504 = arith.constant 2 : i32
      %dma_start3A_505 = arith.constant 2 : i32
      %dma_start3A_506 = arith.constant 0 : i32
      %dma_start3A_507 = arith.constant 0 : i32
      %dma_start3A_508 = tpu.memref_slice %arg9[%dma_start3A_504, %dma_start3A_506, %dma_start3A_507] : memref<13x128x16xf32, #tpu.memory_space<vmem>> -> memref<1x128x16xf32, #tpu.memory_space<vmem>>
      %dma_start3A_509 = tpu.memref_squeeze %dma_start3A_508 : memref<1x128x16xf32, #tpu.memory_space<vmem>> -> memref<128x16xf32, #tpu.memory_space<vmem>>
      %dma_start3A_510 = arith.constant 0 : i32
      %dma_start3A_511 = tpu.memref_slice %arg6[%add3A_503, %dma_start3A_510] : memref<78x128xi32, #tpu.memory_space<vmem>> -> memref<1x128xi32, #tpu.memory_space<vmem>>
      %dma_start3A_512 = tpu.memref_squeeze %dma_start3A_511 : memref<1x128xi32, #tpu.memory_space<vmem>> -> memref<128xi32, #tpu.memory_space<vmem>>
      %dma_start3A_513 = arith.constant 0 : i32
      %dma_start3A_514 = arith.constant 0 : i32
      %dma_start3A_515 = tpu.memref_slice %arg11[%dma_start3A_513, %dma_start3A_514] : memref<10240x16xf32, #tpu.memory_space<vmem_shared>> -> memref<10240x16xf32, #tpu.memory_space<vmem_shared>>
      %dma_start3A_516 = tpu.memref_slice %arg13[%dma_start3A_505] : memref<13x!tpu.dma_semaphore, #tpu.memory_space<semaphore_mem>> -> memref<1x!tpu.dma_semaphore, #tpu.memory_space<semaphore_mem>>
      %dma_start3A_517 = tpu.memref_squeeze %dma_start3A_516 : memref<1x!tpu.dma_semaphore, #tpu.memory_space<semaphore_mem>> -> memref<!tpu.dma_semaphore, #tpu.memory_space<semaphore_mem>>
      tpu.enqueue_indirect_dma source(%dma_start3A_509 : memref<128x16xf32, #tpu.memory_space<vmem>>) target(%dma_start3A_515 : memref<10240x16xf32, #tpu.memory_space<vmem_shared>>) offsets(%dma_start3A_512 : memref<128xi32, #tpu.memory_space<vmem>>) semaphore(%dma_start3A_517 : memref<!tpu.dma_semaphore, #tpu.memory_space<semaphore_mem>>) {add = true}
      %add3A_518 = arith.constant 3 : i32
      %add3A_519 = arith.addi %mul3A_421, %add3A_518 : i32
      %dma_wait3A_520 = arith.constant 3 : i32
      %dma_wait3A_521 = arith.constant 3 : i32
      %dma_wait3A_522 = arith.constant 0 : i32
      %dma_wait3A_523 = arith.constant 0 : i32
      %dma_wait3A_524 = tpu.memref_slice %arg9[%dma_wait3A_520, %dma_wait3A_522, %dma_wait3A_523] : memref<13x128x16xf32, #tpu.memory_space<vmem>> -> memref<1x128x16xf32, #tpu.memory_space<vmem>>
      %dma_wait3A_525 = tpu.memref_squeeze %dma_wait3A_524 : memref<1x128x16xf32, #tpu.memory_space<vmem>> -> memref<128x16xf32, #tpu.memory_space<vmem>>
      %dma_wait3A_526 = arith.constant 0 : i32
      %dma_wait3A_527 = tpu.memref_slice %arg5[%add3A_519, %dma_wait3A_526] : memref<78x128xi32, #tpu.memory_space<vmem>> -> memref<1x128xi32, #tpu.memory_space<vmem>>
      %dma_wait3A_528 = tpu.memref_squeeze %dma_wait3A_527 : memref<1x128xi32, #tpu.memory_space<vmem>> -> memref<128xi32, #tpu.memory_space<vmem>>
      %dma_wait3A_529 = arith.constant 0 : i32
      %dma_wait3A_530 = arith.constant 0 : i32
      %dma_wait3A_531 = tpu.memref_slice %arg3[%dma_wait3A_529, %dma_wait3A_530] : memref<10240x16xf32, #tpu.memory_space<hbm>> -> memref<10240x16xf32, #tpu.memory_space<hbm>>
      %dma_wait3A_532 = tpu.memref_slice %arg12[%dma_wait3A_521] : memref<13x!tpu.dma_semaphore, #tpu.memory_space<semaphore_mem>> -> memref<1x!tpu.dma_semaphore, #tpu.memory_space<semaphore_mem>>
      %dma_wait3A_533 = tpu.memref_squeeze %dma_wait3A_532 : memref<1x!tpu.dma_semaphore, #tpu.memory_space<semaphore_mem>> -> memref<!tpu.dma_semaphore, #tpu.memory_space<semaphore_mem>>
      tpu.wait_indirect_dma semaphore(%dma_wait3A_533 : memref<!tpu.dma_semaphore, #tpu.memory_space<semaphore_mem>>) src(%dma_wait3A_531 : memref<10240x16xf32, #tpu.memory_space<hbm>>) dst(%dma_wait3A_525 : memref<128x16xf32, #tpu.memory_space<vmem>>)
      %add3A_534 = arith.constant 3 : i32
      %add3A_535 = arith.addi %mul3A_421, %add3A_534 : i32
      %dma_start3A_536 = arith.constant 3 : i32
      %dma_start3A_537 = arith.constant 3 : i32
      %dma_start3A_538 = arith.constant 0 : i32
      %dma_start3A_539 = arith.constant 0 : i32
      %dma_start3A_540 = tpu.memref_slice %arg9[%dma_start3A_536, %dma_start3A_538, %dma_start3A_539] : memref<13x128x16xf32, #tpu.memory_space<vmem>> -> memref<1x128x16xf32, #tpu.memory_space<vmem>>
      %dma_start3A_541 = tpu.memref_squeeze %dma_start3A_540 : memref<1x128x16xf32, #tpu.memory_space<vmem>> -> memref<128x16xf32, #tpu.memory_space<vmem>>
      %dma_start3A_542 = arith.constant 0 : i32
      %dma_start3A_543 = tpu.memref_slice %arg6[%add3A_535, %dma_start3A_542] : memref<78x128xi32, #tpu.memory_space<vmem>> -> memref<1x128xi32, #tpu.memory_space<vmem>>
      %dma_start3A_544 = tpu.memref_squeeze %dma_start3A_543 : memref<1x128xi32, #tpu.memory_space<vmem>> -> memref<128xi32, #tpu.memory_space<vmem>>
      %dma_start3A_545 = arith.constant 0 : i32
      %dma_start3A_546 = arith.constant 0 : i32
      %dma_start3A_547 = tpu.memref_slice %arg11[%dma_start3A_545, %dma_start3A_546] : memref<10240x16xf32, #tpu.memory_space<vmem_shared>> -> memref<10240x16xf32, #tpu.memory_space<vmem_shared>>
      %dma_start3A_548 = tpu.memref_slice %arg13[%dma_start3A_537] : memref<13x!tpu.dma_semaphore, #tpu.memory_space<semaphore_mem>> -> memref<1x!tpu.dma_semaphore, #tpu.memory_space<semaphore_mem>>
      %dma_start3A_549 = tpu.memref_squeeze %dma_start3A_548 : memref<1x!tpu.dma_semaphore, #tpu.memory_space<semaphore_mem>> -> memref<!tpu.dma_semaphore, #tpu.memory_space<semaphore_mem>>
      tpu.enqueue_indirect_dma source(%dma_start3A_541 : memref<128x16xf32, #tpu.memory_space<vmem>>) target(%dma_start3A_547 : memref<10240x16xf32, #tpu.memory_space<vmem_shared>>) offsets(%dma_start3A_544 : memref<128xi32, #tpu.memory_space<vmem>>) semaphore(%dma_start3A_549 : memref<!tpu.dma_semaphore, #tpu.memory_space<semaphore_mem>>) {add = true}
      %add3A_550 = arith.constant 4 : i32
      %add3A_551 = arith.addi %mul3A_421, %add3A_550 : i32
      %dma_wait3A_552 = arith.constant 4 : i32
      %dma_wait3A_553 = arith.constant 4 : i32
      %dma_wait3A_554 = arith.constant 0 : i32
      %dma_wait3A_555 = arith.constant 0 : i32
      %dma_wait3A_556 = tpu.memref_slice %arg9[%dma_wait3A_552, %dma_wait3A_554, %dma_wait3A_555] : memref<13x128x16xf32, #tpu.memory_space<vmem>> -> memref<1x128x16xf32, #tpu.memory_space<vmem>>
      %dma_wait3A_557 = tpu.memref_squeeze %dma_wait3A_556 : memref<1x128x16xf32, #tpu.memory_space<vmem>> -> memref<128x16xf32, #tpu.memory_space<vmem>>
      %dma_wait3A_558 = arith.constant 0 : i32
      %dma_wait3A_559 = tpu.memref_slice %arg5[%add3A_551, %dma_wait3A_558] : memref<78x128xi32, #tpu.memory_space<vmem>> -> memref<1x128xi32, #tpu.memory_space<vmem>>
      %dma_wait3A_560 = tpu.memref_squeeze %dma_wait3A_559 : memref<1x128xi32, #tpu.memory_space<vmem>> -> memref<128xi32, #tpu.memory_space<vmem>>
      %dma_wait3A_561 = arith.constant 0 : i32
      %dma_wait3A_562 = arith.constant 0 : i32
      %dma_wait3A_563 = tpu.memref_slice %arg3[%dma_wait3A_561, %dma_wait3A_562] : memref<10240x16xf32, #tpu.memory_space<hbm>> -> memref<10240x16xf32, #tpu.memory_space<hbm>>
      %dma_wait3A_564 = tpu.memref_slice %arg12[%dma_wait3A_553] : memref<13x!tpu.dma_semaphore, #tpu.memory_space<semaphore_mem>> -> memref<1x!tpu.dma_semaphore, #tpu.memory_space<semaphore_mem>>
      %dma_wait3A_565 = tpu.memref_squeeze %dma_wait3A_564 : memref<1x!tpu.dma_semaphore, #tpu.memory_space<semaphore_mem>> -> memref<!tpu.dma_semaphore, #tpu.memory_space<semaphore_mem>>
      tpu.wait_indirect_dma semaphore(%dma_wait3A_565 : memref<!tpu.dma_semaphore, #tpu.memory_space<semaphore_mem>>) src(%dma_wait3A_563 : memref<10240x16xf32, #tpu.memory_space<hbm>>) dst(%dma_wait3A_557 : memref<128x16xf32, #tpu.memory_space<vmem>>)
      %add3A_566 = arith.constant 4 : i32
      %add3A_567 = arith.addi %mul3A_421, %add3A_566 : i32
      %dma_start3A_568 = arith.constant 4 : i32
      %dma_start3A_569 = arith.constant 4 : i32
      %dma_start3A_570 = arith.constant 0 : i32
      %dma_start3A_571 = arith.constant 0 : i32
      %dma_start3A_572 = tpu.memref_slice %arg9[%dma_start3A_568, %dma_start3A_570, %dma_start3A_571] : memref<13x128x16xf32, #tpu.memory_space<vmem>> -> memref<1x128x16xf32, #tpu.memory_space<vmem>>
      %dma_start3A_573 = tpu.memref_squeeze %dma_start3A_572 : memref<1x128x16xf32, #tpu.memory_space<vmem>> -> memref<128x16xf32, #tpu.memory_space<vmem>>
      %dma_start3A_574 = arith.constant 0 : i32
      %dma_start3A_575 = tpu.memref_slice %arg6[%add3A_567, %dma_start3A_574] : memref<78x128xi32, #tpu.memory_space<vmem>> -> memref<1x128xi32, #tpu.memory_space<vmem>>
      %dma_start3A_576 = tpu.memref_squeeze %dma_start3A_575 : memref<1x128xi32, #tpu.memory_space<vmem>> -> memref<128xi32, #tpu.memory_space<vmem>>
      %dma_start3A_577 = arith.constant 0 : i32
      %dma_start3A_578 = arith.constant 0 : i32
      %dma_start3A_579 = tpu.memref_slice %arg11[%dma_start3A_577, %dma_start3A_578] : memref<10240x16xf32, #tpu.memory_space<vmem_shared>> -> memref<10240x16xf32, #tpu.memory_space<vmem_shared>>
      %dma_start3A_580 = tpu.memref_slice %arg13[%dma_start3A_569] : memref<13x!tpu.dma_semaphore, #tpu.memory_space<semaphore_mem>> -> memref<1x!tpu.dma_semaphore, #tpu.memory_space<semaphore_mem>>
      %dma_start3A_581 = tpu.memref_squeeze %dma_start3A_580 : memref<1x!tpu.dma_semaphore, #tpu.memory_space<semaphore_mem>> -> memref<!tpu.dma_semaphore, #tpu.memory_space<semaphore_mem>>
      tpu.enqueue_indirect_dma source(%dma_start3A_573 : memref<128x16xf32, #tpu.memory_space<vmem>>) target(%dma_start3A_579 : memref<10240x16xf32, #tpu.memory_space<vmem_shared>>) offsets(%dma_start3A_576 : memref<128xi32, #tpu.memory_space<vmem>>) semaphore(%dma_start3A_581 : memref<!tpu.dma_semaphore, #tpu.memory_space<semaphore_mem>>) {add = true}
      %add3A_582 = arith.constant 5 : i32
      %add3A_583 = arith.addi %mul3A_421, %add3A_582 : i32
      %dma_wait3A_584 = arith.constant 5 : i32
      %dma_wait3A_585 = arith.constant 5 : i32
      %dma_wait3A_586 = arith.constant 0 : i32
      %dma_wait3A_587 = arith.constant 0 : i32
      %dma_wait3A_588 = tpu.memref_slice %arg9[%dma_wait3A_584, %dma_wait3A_586, %dma_wait3A_587] : memref<13x128x16xf32, #tpu.memory_space<vmem>> -> memref<1x128x16xf32, #tpu.memory_space<vmem>>
      %dma_wait3A_589 = tpu.memref_squeeze %dma_wait3A_588 : memref<1x128x16xf32, #tpu.memory_space<vmem>> -> memref<128x16xf32, #tpu.memory_space<vmem>>
      %dma_wait3A_590 = arith.constant 0 : i32
      %dma_wait3A_591 = tpu.memref_slice %arg5[%add3A_583, %dma_wait3A_590] : memref<78x128xi32, #tpu.memory_space<vmem>> -> memref<1x128xi32, #tpu.memory_space<vmem>>
      %dma_wait3A_592 = tpu.memref_squeeze %dma_wait3A_591 : memref<1x128xi32, #tpu.memory_space<vmem>> -> memref<128xi32, #tpu.memory_space<vmem>>
      %dma_wait3A_593 = arith.constant 0 : i32
      %dma_wait3A_594 = arith.constant 0 : i32
      %dma_wait3A_595 = tpu.memref_slice %arg3[%dma_wait3A_593, %dma_wait3A_594] : memref<10240x16xf32, #tpu.memory_space<hbm>> -> memref<10240x16xf32, #tpu.memory_space<hbm>>
      %dma_wait3A_596 = tpu.memref_slice %arg12[%dma_wait3A_585] : memref<13x!tpu.dma_semaphore, #tpu.memory_space<semaphore_mem>> -> memref<1x!tpu.dma_semaphore, #tpu.memory_space<semaphore_mem>>
      %dma_wait3A_597 = tpu.memref_squeeze %dma_wait3A_596 : memref<1x!tpu.dma_semaphore, #tpu.memory_space<semaphore_mem>> -> memref<!tpu.dma_semaphore, #tpu.memory_space<semaphore_mem>>
      tpu.wait_indirect_dma semaphore(%dma_wait3A_597 : memref<!tpu.dma_semaphore, #tpu.memory_space<semaphore_mem>>) src(%dma_wait3A_595 : memref<10240x16xf32, #tpu.memory_space<hbm>>) dst(%dma_wait3A_589 : memref<128x16xf32, #tpu.memory_space<vmem>>)
      %add3A_598 = arith.constant 5 : i32
      %add3A_599 = arith.addi %mul3A_421, %add3A_598 : i32
      %dma_start3A_600 = arith.constant 5 : i32
      %dma_start3A_601 = arith.constant 5 : i32
      %dma_start3A_602 = arith.constant 0 : i32
      %dma_start3A_603 = arith.constant 0 : i32
      %dma_start3A_604 = tpu.memref_slice %arg9[%dma_start3A_600, %dma_start3A_602, %dma_start3A_603] : memref<13x128x16xf32, #tpu.memory_space<vmem>> -> memref<1x128x16xf32, #tpu.memory_space<vmem>>
      %dma_start3A_605 = tpu.memref_squeeze %dma_start3A_604 : memref<1x128x16xf32, #tpu.memory_space<vmem>> -> memref<128x16xf32, #tpu.memory_space<vmem>>
      %dma_start3A_606 = arith.constant 0 : i32
      %dma_start3A_607 = tpu.memref_slice %arg6[%add3A_599, %dma_start3A_606] : memref<78x128xi32, #tpu.memory_space<vmem>> -> memref<1x128xi32, #tpu.memory_space<vmem>>
      %dma_start3A_608 = tpu.memref_squeeze %dma_start3A_607 : memref<1x128xi32, #tpu.memory_space<vmem>> -> memref<128xi32, #tpu.memory_space<vmem>>
      %dma_start3A_609 = arith.constant 0 : i32
      %dma_start3A_610 = arith.constant 0 : i32
      %dma_start3A_611 = tpu.memref_slice %arg11[%dma_start3A_609, %dma_start3A_610] : memref<10240x16xf32, #tpu.memory_space<vmem_shared>> -> memref<10240x16xf32, #tpu.memory_space<vmem_shared>>
      %dma_start3A_612 = tpu.memref_slice %arg13[%dma_start3A_601] : memref<13x!tpu.dma_semaphore, #tpu.memory_space<semaphore_mem>> -> memref<1x!tpu.dma_semaphore, #tpu.memory_space<semaphore_mem>>
      %dma_start3A_613 = tpu.memref_squeeze %dma_start3A_612 : memref<1x!tpu.dma_semaphore, #tpu.memory_space<semaphore_mem>> -> memref<!tpu.dma_semaphore, #tpu.memory_space<semaphore_mem>>
      tpu.enqueue_indirect_dma source(%dma_start3A_605 : memref<128x16xf32, #tpu.memory_space<vmem>>) target(%dma_start3A_611 : memref<10240x16xf32, #tpu.memory_space<vmem_shared>>) offsets(%dma_start3A_608 : memref<128xi32, #tpu.memory_space<vmem>>) semaphore(%dma_start3A_613 : memref<!tpu.dma_semaphore, #tpu.memory_space<semaphore_mem>>) {add = true}
      %add3A_614 = arith.constant 6 : i32
      %add3A_615 = arith.addi %mul3A_421, %add3A_614 : i32
      %dma_wait3A_616 = arith.constant 6 : i32
      %dma_wait3A_617 = arith.constant 6 : i32
      %dma_wait3A_618 = arith.constant 0 : i32
      %dma_wait3A_619 = arith.constant 0 : i32
      %dma_wait3A_620 = tpu.memref_slice %arg9[%dma_wait3A_616, %dma_wait3A_618, %dma_wait3A_619] : memref<13x128x16xf32, #tpu.memory_space<vmem>> -> memref<1x128x16xf32, #tpu.memory_space<vmem>>
      %dma_wait3A_621 = tpu.memref_squeeze %dma_wait3A_620 : memref<1x128x16xf32, #tpu.memory_space<vmem>> -> memref<128x16xf32, #tpu.memory_space<vmem>>
      %dma_wait3A_622 = arith.constant 0 : i32
      %dma_wait3A_623 = tpu.memref_slice %arg5[%add3A_615, %dma_wait3A_622] : memref<78x128xi32, #tpu.memory_space<vmem>> -> memref<1x128xi32, #tpu.memory_space<vmem>>
      %dma_wait3A_624 = tpu.memref_squeeze %dma_wait3A_623 : memref<1x128xi32, #tpu.memory_space<vmem>> -> memref<128xi32, #tpu.memory_space<vmem>>
      %dma_wait3A_625 = arith.constant 0 : i32
      %dma_wait3A_626 = arith.constant 0 : i32
      %dma_wait3A_627 = tpu.memref_slice %arg3[%dma_wait3A_625, %dma_wait3A_626] : memref<10240x16xf32, #tpu.memory_space<hbm>> -> memref<10240x16xf32, #tpu.memory_space<hbm>>
      %dma_wait3A_628 = tpu.memref_slice %arg12[%dma_wait3A_617] : memref<13x!tpu.dma_semaphore, #tpu.memory_space<semaphore_mem>> -> memref<1x!tpu.dma_semaphore, #tpu.memory_space<semaphore_mem>>
      %dma_wait3A_629 = tpu.memref_squeeze %dma_wait3A_628 : memref<1x!tpu.dma_semaphore, #tpu.memory_space<semaphore_mem>> -> memref<!tpu.dma_semaphore, #tpu.memory_space<semaphore_mem>>
      tpu.wait_indirect_dma semaphore(%dma_wait3A_629 : memref<!tpu.dma_semaphore, #tpu.memory_space<semaphore_mem>>) src(%dma_wait3A_627 : memref<10240x16xf32, #tpu.memory_space<hbm>>) dst(%dma_wait3A_621 : memref<128x16xf32, #tpu.memory_space<vmem>>)
      %add3A_630 = arith.constant 6 : i32
      %add3A_631 = arith.addi %mul3A_421, %add3A_630 : i32
      %dma_start3A_632 = arith.constant 6 : i32
      %dma_start3A_633 = arith.constant 6 : i32
      %dma_start3A_634 = arith.constant 0 : i32
      %dma_start3A_635 = arith.constant 0 : i32
      %dma_start3A_636 = tpu.memref_slice %arg9[%dma_start3A_632, %dma_start3A_634, %dma_start3A_635] : memref<13x128x16xf32, #tpu.memory_space<vmem>> -> memref<1x128x16xf32, #tpu.memory_space<vmem>>
      %dma_start3A_637 = tpu.memref_squeeze %dma_start3A_636 : memref<1x128x16xf32, #tpu.memory_space<vmem>> -> memref<128x16xf32, #tpu.memory_space<vmem>>
      %dma_start3A_638 = arith.constant 0 : i32
      %dma_start3A_639 = tpu.memref_slice %arg6[%add3A_631, %dma_start3A_638] : memref<78x128xi32, #tpu.memory_space<vmem>> -> memref<1x128xi32, #tpu.memory_space<vmem>>
      %dma_start3A_640 = tpu.memref_squeeze %dma_start3A_639 : memref<1x128xi32, #tpu.memory_space<vmem>> -> memref<128xi32, #tpu.memory_space<vmem>>
      %dma_start3A_641 = arith.constant 0 : i32
      %dma_start3A_642 = arith.constant 0 : i32
      %dma_start3A_643 = tpu.memref_slice %arg11[%dma_start3A_641, %dma_start3A_642] : memref<10240x16xf32, #tpu.memory_space<vmem_shared>> -> memref<10240x16xf32, #tpu.memory_space<vmem_shared>>
      %dma_start3A_644 = tpu.memref_slice %arg13[%dma_start3A_633] : memref<13x!tpu.dma_semaphore, #tpu.memory_space<semaphore_mem>> -> memref<1x!tpu.dma_semaphore, #tpu.memory_space<semaphore_mem>>
      %dma_start3A_645 = tpu.memref_squeeze %dma_start3A_644 : memref<1x!tpu.dma_semaphore, #tpu.memory_space<semaphore_mem>> -> memref<!tpu.dma_semaphore, #tpu.memory_space<semaphore_mem>>
      tpu.enqueue_indirect_dma source(%dma_start3A_637 : memref<128x16xf32, #tpu.memory_space<vmem>>) target(%dma_start3A_643 : memref<10240x16xf32, #tpu.memory_space<vmem_shared>>) offsets(%dma_start3A_640 : memref<128xi32, #tpu.memory_space<vmem>>) semaphore(%dma_start3A_645 : memref<!tpu.dma_semaphore, #tpu.memory_space<semaphore_mem>>) {add = true}
      %add3A_646 = arith.constant 7 : i32
      %add3A_647 = arith.addi %mul3A_421, %add3A_646 : i32
      %dma_wait3A_648 = arith.constant 7 : i32
      %dma_wait3A_649 = arith.constant 7 : i32
      %dma_wait3A_650 = arith.constant 0 : i32
      %dma_wait3A_651 = arith.constant 0 : i32
      %dma_wait3A_652 = tpu.memref_slice %arg9[%dma_wait3A_648, %dma_wait3A_650, %dma_wait3A_651] : memref<13x128x16xf32, #tpu.memory_space<vmem>> -> memref<1x128x16xf32, #tpu.memory_space<vmem>>
      %dma_wait3A_653 = tpu.memref_squeeze %dma_wait3A_652 : memref<1x128x16xf32, #tpu.memory_space<vmem>> -> memref<128x16xf32, #tpu.memory_space<vmem>>
      %dma_wait3A_654 = arith.constant 0 : i32
      %dma_wait3A_655 = tpu.memref_slice %arg5[%add3A_647, %dma_wait3A_654] : memref<78x128xi32, #tpu.memory_space<vmem>> -> memref<1x128xi32, #tpu.memory_space<vmem>>
      %dma_wait3A_656 = tpu.memref_squeeze %dma_wait3A_655 : memref<1x128xi32, #tpu.memory_space<vmem>> -> memref<128xi32, #tpu.memory_space<vmem>>
      %dma_wait3A_657 = arith.constant 0 : i32
      %dma_wait3A_658 = arith.constant 0 : i32
      %dma_wait3A_659 = tpu.memref_slice %arg3[%dma_wait3A_657, %dma_wait3A_658] : memref<10240x16xf32, #tpu.memory_space<hbm>> -> memref<10240x16xf32, #tpu.memory_space<hbm>>
      %dma_wait3A_660 = tpu.memref_slice %arg12[%dma_wait3A_649] : memref<13x!tpu.dma_semaphore, #tpu.memory_space<semaphore_mem>> -> memref<1x!tpu.dma_semaphore, #tpu.memory_space<semaphore_mem>>
      %dma_wait3A_661 = tpu.memref_squeeze %dma_wait3A_660 : memref<1x!tpu.dma_semaphore, #tpu.memory_space<semaphore_mem>> -> memref<!tpu.dma_semaphore, #tpu.memory_space<semaphore_mem>>
      tpu.wait_indirect_dma semaphore(%dma_wait3A_661 : memref<!tpu.dma_semaphore, #tpu.memory_space<semaphore_mem>>) src(%dma_wait3A_659 : memref<10240x16xf32, #tpu.memory_space<hbm>>) dst(%dma_wait3A_653 : memref<128x16xf32, #tpu.memory_space<vmem>>)
      %add3A_662 = arith.constant 7 : i32
      %add3A_663 = arith.addi %mul3A_421, %add3A_662 : i32
      %dma_start3A_664 = arith.constant 7 : i32
      %dma_start3A_665 = arith.constant 7 : i32
      %dma_start3A_666 = arith.constant 0 : i32
      %dma_start3A_667 = arith.constant 0 : i32
      %dma_start3A_668 = tpu.memref_slice %arg9[%dma_start3A_664, %dma_start3A_666, %dma_start3A_667] : memref<13x128x16xf32, #tpu.memory_space<vmem>> -> memref<1x128x16xf32, #tpu.memory_space<vmem>>
      %dma_start3A_669 = tpu.memref_squeeze %dma_start3A_668 : memref<1x128x16xf32, #tpu.memory_space<vmem>> -> memref<128x16xf32, #tpu.memory_space<vmem>>
      %dma_start3A_670 = arith.constant 0 : i32
      %dma_start3A_671 = tpu.memref_slice %arg6[%add3A_663, %dma_start3A_670] : memref<78x128xi32, #tpu.memory_space<vmem>> -> memref<1x128xi32, #tpu.memory_space<vmem>>
      %dma_start3A_672 = tpu.memref_squeeze %dma_start3A_671 : memref<1x128xi32, #tpu.memory_space<vmem>> -> memref<128xi32, #tpu.memory_space<vmem>>
      %dma_start3A_673 = arith.constant 0 : i32
      %dma_start3A_674 = arith.constant 0 : i32
      %dma_start3A_675 = tpu.memref_slice %arg11[%dma_start3A_673, %dma_start3A_674] : memref<10240x16xf32, #tpu.memory_space<vmem_shared>> -> memref<10240x16xf32, #tpu.memory_space<vmem_shared>>
      %dma_start3A_676 = tpu.memref_slice %arg13[%dma_start3A_665] : memref<13x!tpu.dma_semaphore, #tpu.memory_space<semaphore_mem>> -> memref<1x!tpu.dma_semaphore, #tpu.memory_space<semaphore_mem>>
      %dma_start3A_677 = tpu.memref_squeeze %dma_start3A_676 : memref<1x!tpu.dma_semaphore, #tpu.memory_space<semaphore_mem>> -> memref<!tpu.dma_semaphore, #tpu.memory_space<semaphore_mem>>
      tpu.enqueue_indirect_dma source(%dma_start3A_669 : memref<128x16xf32, #tpu.memory_space<vmem>>) target(%dma_start3A_675 : memref<10240x16xf32, #tpu.memory_space<vmem_shared>>) offsets(%dma_start3A_672 : memref<128xi32, #tpu.memory_space<vmem>>) semaphore(%dma_start3A_677 : memref<!tpu.dma_semaphore, #tpu.memory_space<semaphore_mem>>) {add = true}
      %add3A_678 = arith.constant 8 : i32
      %add3A_679 = arith.addi %mul3A_421, %add3A_678 : i32
      %dma_wait3A_680 = arith.constant 8 : i32
      %dma_wait3A_681 = arith.constant 8 : i32
      %dma_wait3A_682 = arith.constant 0 : i32
      %dma_wait3A_683 = arith.constant 0 : i32
      %dma_wait3A_684 = tpu.memref_slice %arg9[%dma_wait3A_680, %dma_wait3A_682, %dma_wait3A_683] : memref<13x128x16xf32, #tpu.memory_space<vmem>> -> memref<1x128x16xf32, #tpu.memory_space<vmem>>
      %dma_wait3A_685 = tpu.memref_squeeze %dma_wait3A_684 : memref<1x128x16xf32, #tpu.memory_space<vmem>> -> memref<128x16xf32, #tpu.memory_space<vmem>>
      %dma_wait3A_686 = arith.constant 0 : i32
      %dma_wait3A_687 = tpu.memref_slice %arg5[%add3A_679, %dma_wait3A_686] : memref<78x128xi32, #tpu.memory_space<vmem>> -> memref<1x128xi32, #tpu.memory_space<vmem>>
      %dma_wait3A_688 = tpu.memref_squeeze %dma_wait3A_687 : memref<1x128xi32, #tpu.memory_space<vmem>> -> memref<128xi32, #tpu.memory_space<vmem>>
      %dma_wait3A_689 = arith.constant 0 : i32
      %dma_wait3A_690 = arith.constant 0 : i32
      %dma_wait3A_691 = tpu.memref_slice %arg3[%dma_wait3A_689, %dma_wait3A_690] : memref<10240x16xf32, #tpu.memory_space<hbm>> -> memref<10240x16xf32, #tpu.memory_space<hbm>>
      %dma_wait3A_692 = tpu.memref_slice %arg12[%dma_wait3A_681] : memref<13x!tpu.dma_semaphore, #tpu.memory_space<semaphore_mem>> -> memref<1x!tpu.dma_semaphore, #tpu.memory_space<semaphore_mem>>
      %dma_wait3A_693 = tpu.memref_squeeze %dma_wait3A_692 : memref<1x!tpu.dma_semaphore, #tpu.memory_space<semaphore_mem>> -> memref<!tpu.dma_semaphore, #tpu.memory_space<semaphore_mem>>
      tpu.wait_indirect_dma semaphore(%dma_wait3A_693 : memref<!tpu.dma_semaphore, #tpu.memory_space<semaphore_mem>>) src(%dma_wait3A_691 : memref<10240x16xf32, #tpu.memory_space<hbm>>) dst(%dma_wait3A_685 : memref<128x16xf32, #tpu.memory_space<vmem>>)
      %add3A_694 = arith.constant 8 : i32
      %add3A_695 = arith.addi %mul3A_421, %add3A_694 : i32
      %dma_start3A_696 = arith.constant 8 : i32
      %dma_start3A_697 = arith.constant 8 : i32
      %dma_start3A_698 = arith.constant 0 : i32
      %dma_start3A_699 = arith.constant 0 : i32
      %dma_start3A_700 = tpu.memref_slice %arg9[%dma_start3A_696, %dma_start3A_698, %dma_start3A_699] : memref<13x128x16xf32, #tpu.memory_space<vmem>> -> memref<1x128x16xf32, #tpu.memory_space<vmem>>
      %dma_start3A_701 = tpu.memref_squeeze %dma_start3A_700 : memref<1x128x16xf32, #tpu.memory_space<vmem>> -> memref<128x16xf32, #tpu.memory_space<vmem>>
      %dma_start3A_702 = arith.constant 0 : i32
      %dma_start3A_703 = tpu.memref_slice %arg6[%add3A_695, %dma_start3A_702] : memref<78x128xi32, #tpu.memory_space<vmem>> -> memref<1x128xi32, #tpu.memory_space<vmem>>
      %dma_start3A_704 = tpu.memref_squeeze %dma_start3A_703 : memref<1x128xi32, #tpu.memory_space<vmem>> -> memref<128xi32, #tpu.memory_space<vmem>>
      %dma_start3A_705 = arith.constant 0 : i32
      %dma_start3A_706 = arith.constant 0 : i32
      %dma_start3A_707 = tpu.memref_slice %arg11[%dma_start3A_705, %dma_start3A_706] : memref<10240x16xf32, #tpu.memory_space<vmem_shared>> -> memref<10240x16xf32, #tpu.memory_space<vmem_shared>>
      %dma_start3A_708 = tpu.memref_slice %arg13[%dma_start3A_697] : memref<13x!tpu.dma_semaphore, #tpu.memory_space<semaphore_mem>> -> memref<1x!tpu.dma_semaphore, #tpu.memory_space<semaphore_mem>>
      %dma_start3A_709 = tpu.memref_squeeze %dma_start3A_708 : memref<1x!tpu.dma_semaphore, #tpu.memory_space<semaphore_mem>> -> memref<!tpu.dma_semaphore, #tpu.memory_space<semaphore_mem>>
      tpu.enqueue_indirect_dma source(%dma_start3A_701 : memref<128x16xf32, #tpu.memory_space<vmem>>) target(%dma_start3A_707 : memref<10240x16xf32, #tpu.memory_space<vmem_shared>>) offsets(%dma_start3A_704 : memref<128xi32, #tpu.memory_space<vmem>>) semaphore(%dma_start3A_709 : memref<!tpu.dma_semaphore, #tpu.memory_space<semaphore_mem>>) {add = true}
      %add3A_710 = arith.constant 9 : i32
      %add3A_711 = arith.addi %mul3A_421, %add3A_710 : i32
      %dma_wait3A_712 = arith.constant 9 : i32
      %dma_wait3A_713 = arith.constant 9 : i32
      %dma_wait3A_714 = arith.constant 0 : i32
      %dma_wait3A_715 = arith.constant 0 : i32
      %dma_wait3A_716 = tpu.memref_slice %arg9[%dma_wait3A_712, %dma_wait3A_714, %dma_wait3A_715] : memref<13x128x16xf32, #tpu.memory_space<vmem>> -> memref<1x128x16xf32, #tpu.memory_space<vmem>>
      %dma_wait3A_717 = tpu.memref_squeeze %dma_wait3A_716 : memref<1x128x16xf32, #tpu.memory_space<vmem>> -> memref<128x16xf32, #tpu.memory_space<vmem>>
      %dma_wait3A_718 = arith.constant 0 : i32
      %dma_wait3A_719 = tpu.memref_slice %arg5[%add3A_711, %dma_wait3A_718] : memref<78x128xi32, #tpu.memory_space<vmem>> -> memref<1x128xi32, #tpu.memory_space<vmem>>
      %dma_wait3A_720 = tpu.memref_squeeze %dma_wait3A_719 : memref<1x128xi32, #tpu.memory_space<vmem>> -> memref<128xi32, #tpu.memory_space<vmem>>
      %dma_wait3A_721 = arith.constant 0 : i32
      %dma_wait3A_722 = arith.constant 0 : i32
      %dma_wait3A_723 = tpu.memref_slice %arg3[%dma_wait3A_721, %dma_wait3A_722] : memref<10240x16xf32, #tpu.memory_space<hbm>> -> memref<10240x16xf32, #tpu.memory_space<hbm>>
      %dma_wait3A_724 = tpu.memref_slice %arg12[%dma_wait3A_713] : memref<13x!tpu.dma_semaphore, #tpu.memory_space<semaphore_mem>> -> memref<1x!tpu.dma_semaphore, #tpu.memory_space<semaphore_mem>>
      %dma_wait3A_725 = tpu.memref_squeeze %dma_wait3A_724 : memref<1x!tpu.dma_semaphore, #tpu.memory_space<semaphore_mem>> -> memref<!tpu.dma_semaphore, #tpu.memory_space<semaphore_mem>>
      tpu.wait_indirect_dma semaphore(%dma_wait3A_725 : memref<!tpu.dma_semaphore, #tpu.memory_space<semaphore_mem>>) src(%dma_wait3A_723 : memref<10240x16xf32, #tpu.memory_space<hbm>>) dst(%dma_wait3A_717 : memref<128x16xf32, #tpu.memory_space<vmem>>)
      %add3A_726 = arith.constant 9 : i32
      %add3A_727 = arith.addi %mul3A_421, %add3A_726 : i32
      %dma_start3A_728 = arith.constant 9 : i32
      %dma_start3A_729 = arith.constant 9 : i32
      %dma_start3A_730 = arith.constant 0 : i32
      %dma_start3A_731 = arith.constant 0 : i32
      %dma_start3A_732 = tpu.memref_slice %arg9[%dma_start3A_728, %dma_start3A_730, %dma_start3A_731] : memref<13x128x16xf32, #tpu.memory_space<vmem>> -> memref<1x128x16xf32, #tpu.memory_space<vmem>>
      %dma_start3A_733 = tpu.memref_squeeze %dma_start3A_732 : memref<1x128x16xf32, #tpu.memory_space<vmem>> -> memref<128x16xf32, #tpu.memory_space<vmem>>
      %dma_start3A_734 = arith.constant 0 : i32
      %dma_start3A_735 = tpu.memref_slice %arg6[%add3A_727, %dma_start3A_734] : memref<78x128xi32, #tpu.memory_space<vmem>> -> memref<1x128xi32, #tpu.memory_space<vmem>>
      %dma_start3A_736 = tpu.memref_squeeze %dma_start3A_735 : memref<1x128xi32, #tpu.memory_space<vmem>> -> memref<128xi32, #tpu.memory_space<vmem>>
      %dma_start3A_737 = arith.constant 0 : i32
      %dma_start3A_738 = arith.constant 0 : i32
      %dma_start3A_739 = tpu.memref_slice %arg11[%dma_start3A_737, %dma_start3A_738] : memref<10240x16xf32, #tpu.memory_space<vmem_shared>> -> memref<10240x16xf32, #tpu.memory_space<vmem_shared>>
      %dma_start3A_740 = tpu.memref_slice %arg13[%dma_start3A_729] : memref<13x!tpu.dma_semaphore, #tpu.memory_space<semaphore_mem>> -> memref<1x!tpu.dma_semaphore, #tpu.memory_space<semaphore_mem>>
      %dma_start3A_741 = tpu.memref_squeeze %dma_start3A_740 : memref<1x!tpu.dma_semaphore, #tpu.memory_space<semaphore_mem>> -> memref<!tpu.dma_semaphore, #tpu.memory_space<semaphore_mem>>
      tpu.enqueue_indirect_dma source(%dma_start3A_733 : memref<128x16xf32, #tpu.memory_space<vmem>>) target(%dma_start3A_739 : memref<10240x16xf32, #tpu.memory_space<vmem_shared>>) offsets(%dma_start3A_736 : memref<128xi32, #tpu.memory_space<vmem>>) semaphore(%dma_start3A_741 : memref<!tpu.dma_semaphore, #tpu.memory_space<semaphore_mem>>) {add = true}
      %add3A_742 = arith.constant 10 : i32
      %add3A_743 = arith.addi %mul3A_421, %add3A_742 : i32
      %dma_wait3A_744 = arith.constant 10 : i32
      %dma_wait3A_745 = arith.constant 10 : i32
      %dma_wait3A_746 = arith.constant 0 : i32
      %dma_wait3A_747 = arith.constant 0 : i32
      %dma_wait3A_748 = tpu.memref_slice %arg9[%dma_wait3A_744, %dma_wait3A_746, %dma_wait3A_747] : memref<13x128x16xf32, #tpu.memory_space<vmem>> -> memref<1x128x16xf32, #tpu.memory_space<vmem>>
      %dma_wait3A_749 = tpu.memref_squeeze %dma_wait3A_748 : memref<1x128x16xf32, #tpu.memory_space<vmem>> -> memref<128x16xf32, #tpu.memory_space<vmem>>
      %dma_wait3A_750 = arith.constant 0 : i32
      %dma_wait3A_751 = tpu.memref_slice %arg5[%add3A_743, %dma_wait3A_750] : memref<78x128xi32, #tpu.memory_space<vmem>> -> memref<1x128xi32, #tpu.memory_space<vmem>>
      %dma_wait3A_752 = tpu.memref_squeeze %dma_wait3A_751 : memref<1x128xi32, #tpu.memory_space<vmem>> -> memref<128xi32, #tpu.memory_space<vmem>>
      %dma_wait3A_753 = arith.constant 0 : i32
      %dma_wait3A_754 = arith.constant 0 : i32
      %dma_wait3A_755 = tpu.memref_slice %arg3[%dma_wait3A_753, %dma_wait3A_754] : memref<10240x16xf32, #tpu.memory_space<hbm>> -> memref<10240x16xf32, #tpu.memory_space<hbm>>
      %dma_wait3A_756 = tpu.memref_slice %arg12[%dma_wait3A_745] : memref<13x!tpu.dma_semaphore, #tpu.memory_space<semaphore_mem>> -> memref<1x!tpu.dma_semaphore, #tpu.memory_space<semaphore_mem>>
      %dma_wait3A_757 = tpu.memref_squeeze %dma_wait3A_756 : memref<1x!tpu.dma_semaphore, #tpu.memory_space<semaphore_mem>> -> memref<!tpu.dma_semaphore, #tpu.memory_space<semaphore_mem>>
      tpu.wait_indirect_dma semaphore(%dma_wait3A_757 : memref<!tpu.dma_semaphore, #tpu.memory_space<semaphore_mem>>) src(%dma_wait3A_755 : memref<10240x16xf32, #tpu.memory_space<hbm>>) dst(%dma_wait3A_749 : memref<128x16xf32, #tpu.memory_space<vmem>>)
      %add3A_758 = arith.constant 10 : i32
      %add3A_759 = arith.addi %mul3A_421, %add3A_758 : i32
      %dma_start3A_760 = arith.constant 10 : i32
      %dma_start3A_761 = arith.constant 10 : i32
      %dma_start3A_762 = arith.constant 0 : i32
      %dma_start3A_763 = arith.constant 0 : i32
      %dma_start3A_764 = tpu.memref_slice %arg9[%dma_start3A_760, %dma_start3A_762, %dma_start3A_763] : memref<13x128x16xf32, #tpu.memory_space<vmem>> -> memref<1x128x16xf32, #tpu.memory_space<vmem>>
      %dma_start3A_765 = tpu.memref_squeeze %dma_start3A_764 : memref<1x128x16xf32, #tpu.memory_space<vmem>> -> memref<128x16xf32, #tpu.memory_space<vmem>>
      %dma_start3A_766 = arith.constant 0 : i32
      %dma_start3A_767 = tpu.memref_slice %arg6[%add3A_759, %dma_start3A_766] : memref<78x128xi32, #tpu.memory_space<vmem>> -> memref<1x128xi32, #tpu.memory_space<vmem>>
      %dma_start3A_768 = tpu.memref_squeeze %dma_start3A_767 : memref<1x128xi32, #tpu.memory_space<vmem>> -> memref<128xi32, #tpu.memory_space<vmem>>
      %dma_start3A_769 = arith.constant 0 : i32
      %dma_start3A_770 = arith.constant 0 : i32
      %dma_start3A_771 = tpu.memref_slice %arg11[%dma_start3A_769, %dma_start3A_770] : memref<10240x16xf32, #tpu.memory_space<vmem_shared>> -> memref<10240x16xf32, #tpu.memory_space<vmem_shared>>
      %dma_start3A_772 = tpu.memref_slice %arg13[%dma_start3A_761] : memref<13x!tpu.dma_semaphore, #tpu.memory_space<semaphore_mem>> -> memref<1x!tpu.dma_semaphore, #tpu.memory_space<semaphore_mem>>
      %dma_start3A_773 = tpu.memref_squeeze %dma_start3A_772 : memref<1x!tpu.dma_semaphore, #tpu.memory_space<semaphore_mem>> -> memref<!tpu.dma_semaphore, #tpu.memory_space<semaphore_mem>>
      tpu.enqueue_indirect_dma source(%dma_start3A_765 : memref<128x16xf32, #tpu.memory_space<vmem>>) target(%dma_start3A_771 : memref<10240x16xf32, #tpu.memory_space<vmem_shared>>) offsets(%dma_start3A_768 : memref<128xi32, #tpu.memory_space<vmem>>) semaphore(%dma_start3A_773 : memref<!tpu.dma_semaphore, #tpu.memory_space<semaphore_mem>>) {add = true}
      %add3A_774 = arith.constant 11 : i32
      %add3A_775 = arith.addi %mul3A_421, %add3A_774 : i32
      %dma_wait3A_776 = arith.constant 11 : i32
      %dma_wait3A_777 = arith.constant 11 : i32
      %dma_wait3A_778 = arith.constant 0 : i32
      %dma_wait3A_779 = arith.constant 0 : i32
      %dma_wait3A_780 = tpu.memref_slice %arg9[%dma_wait3A_776, %dma_wait3A_778, %dma_wait3A_779] : memref<13x128x16xf32, #tpu.memory_space<vmem>> -> memref<1x128x16xf32, #tpu.memory_space<vmem>>
      %dma_wait3A_781 = tpu.memref_squeeze %dma_wait3A_780 : memref<1x128x16xf32, #tpu.memory_space<vmem>> -> memref<128x16xf32, #tpu.memory_space<vmem>>
      %dma_wait3A_782 = arith.constant 0 : i32
      %dma_wait3A_783 = tpu.memref_slice %arg5[%add3A_775, %dma_wait3A_782] : memref<78x128xi32, #tpu.memory_space<vmem>> -> memref<1x128xi32, #tpu.memory_space<vmem>>
      %dma_wait3A_784 = tpu.memref_squeeze %dma_wait3A_783 : memref<1x128xi32, #tpu.memory_space<vmem>> -> memref<128xi32, #tpu.memory_space<vmem>>
      %dma_wait3A_785 = arith.constant 0 : i32
      %dma_wait3A_786 = arith.constant 0 : i32
      %dma_wait3A_787 = tpu.memref_slice %arg3[%dma_wait3A_785, %dma_wait3A_786] : memref<10240x16xf32, #tpu.memory_space<hbm>> -> memref<10240x16xf32, #tpu.memory_space<hbm>>
      %dma_wait3A_788 = tpu.memref_slice %arg12[%dma_wait3A_777] : memref<13x!tpu.dma_semaphore, #tpu.memory_space<semaphore_mem>> -> memref<1x!tpu.dma_semaphore, #tpu.memory_space<semaphore_mem>>
      %dma_wait3A_789 = tpu.memref_squeeze %dma_wait3A_788 : memref<1x!tpu.dma_semaphore, #tpu.memory_space<semaphore_mem>> -> memref<!tpu.dma_semaphore, #tpu.memory_space<semaphore_mem>>
      tpu.wait_indirect_dma semaphore(%dma_wait3A_789 : memref<!tpu.dma_semaphore, #tpu.memory_space<semaphore_mem>>) src(%dma_wait3A_787 : memref<10240x16xf32, #tpu.memory_space<hbm>>) dst(%dma_wait3A_781 : memref<128x16xf32, #tpu.memory_space<vmem>>)
      %add3A_790 = arith.constant 11 : i32
      %add3A_791 = arith.addi %mul3A_421, %add3A_790 : i32
      %dma_start3A_792 = arith.constant 11 : i32
      %dma_start3A_793 = arith.constant 11 : i32
      %dma_start3A_794 = arith.constant 0 : i32
      %dma_start3A_795 = arith.constant 0 : i32
      %dma_start3A_796 = tpu.memref_slice %arg9[%dma_start3A_792, %dma_start3A_794, %dma_start3A_795] : memref<13x128x16xf32, #tpu.memory_space<vmem>> -> memref<1x128x16xf32, #tpu.memory_space<vmem>>
      %dma_start3A_797 = tpu.memref_squeeze %dma_start3A_796 : memref<1x128x16xf32, #tpu.memory_space<vmem>> -> memref<128x16xf32, #tpu.memory_space<vmem>>
      %dma_start3A_798 = arith.constant 0 : i32
      %dma_start3A_799 = tpu.memref_slice %arg6[%add3A_791, %dma_start3A_798] : memref<78x128xi32, #tpu.memory_space<vmem>> -> memref<1x128xi32, #tpu.memory_space<vmem>>
      %dma_start3A_800 = tpu.memref_squeeze %dma_start3A_799 : memref<1x128xi32, #tpu.memory_space<vmem>> -> memref<128xi32, #tpu.memory_space<vmem>>
      %dma_start3A_801 = arith.constant 0 : i32
      %dma_start3A_802 = arith.constant 0 : i32
      %dma_start3A_803 = tpu.memref_slice %arg11[%dma_start3A_801, %dma_start3A_802] : memref<10240x16xf32, #tpu.memory_space<vmem_shared>> -> memref<10240x16xf32, #tpu.memory_space<vmem_shared>>
      %dma_start3A_804 = tpu.memref_slice %arg13[%dma_start3A_793] : memref<13x!tpu.dma_semaphore, #tpu.memory_space<semaphore_mem>> -> memref<1x!tpu.dma_semaphore, #tpu.memory_space<semaphore_mem>>
      %dma_start3A_805 = tpu.memref_squeeze %dma_start3A_804 : memref<1x!tpu.dma_semaphore, #tpu.memory_space<semaphore_mem>> -> memref<!tpu.dma_semaphore, #tpu.memory_space<semaphore_mem>>
      tpu.enqueue_indirect_dma source(%dma_start3A_797 : memref<128x16xf32, #tpu.memory_space<vmem>>) target(%dma_start3A_803 : memref<10240x16xf32, #tpu.memory_space<vmem_shared>>) offsets(%dma_start3A_800 : memref<128xi32, #tpu.memory_space<vmem>>) semaphore(%dma_start3A_805 : memref<!tpu.dma_semaphore, #tpu.memory_space<semaphore_mem>>) {add = true}
      %add3A_806 = arith.constant 12 : i32
      %add3A_807 = arith.addi %mul3A_421, %add3A_806 : i32
      %dma_wait3A_808 = arith.constant 12 : i32
      %dma_wait3A_809 = arith.constant 12 : i32
      %dma_wait3A_810 = arith.constant 0 : i32
      %dma_wait3A_811 = arith.constant 0 : i32
      %dma_wait3A_812 = tpu.memref_slice %arg9[%dma_wait3A_808, %dma_wait3A_810, %dma_wait3A_811] : memref<13x128x16xf32, #tpu.memory_space<vmem>> -> memref<1x128x16xf32, #tpu.memory_space<vmem>>
      %dma_wait3A_813 = tpu.memref_squeeze %dma_wait3A_812 : memref<1x128x16xf32, #tpu.memory_space<vmem>> -> memref<128x16xf32, #tpu.memory_space<vmem>>
      %dma_wait3A_814 = arith.constant 0 : i32
      %dma_wait3A_815 = tpu.memref_slice %arg5[%add3A_807, %dma_wait3A_814] : memref<78x128xi32, #tpu.memory_space<vmem>> -> memref<1x128xi32, #tpu.memory_space<vmem>>
      %dma_wait3A_816 = tpu.memref_squeeze %dma_wait3A_815 : memref<1x128xi32, #tpu.memory_space<vmem>> -> memref<128xi32, #tpu.memory_space<vmem>>
      %dma_wait3A_817 = arith.constant 0 : i32
      %dma_wait3A_818 = arith.constant 0 : i32
      %dma_wait3A_819 = tpu.memref_slice %arg3[%dma_wait3A_817, %dma_wait3A_818] : memref<10240x16xf32, #tpu.memory_space<hbm>> -> memref<10240x16xf32, #tpu.memory_space<hbm>>
      %dma_wait3A_820 = tpu.memref_slice %arg12[%dma_wait3A_809] : memref<13x!tpu.dma_semaphore, #tpu.memory_space<semaphore_mem>> -> memref<1x!tpu.dma_semaphore, #tpu.memory_space<semaphore_mem>>
      %dma_wait3A_821 = tpu.memref_squeeze %dma_wait3A_820 : memref<1x!tpu.dma_semaphore, #tpu.memory_space<semaphore_mem>> -> memref<!tpu.dma_semaphore, #tpu.memory_space<semaphore_mem>>
      tpu.wait_indirect_dma semaphore(%dma_wait3A_821 : memref<!tpu.dma_semaphore, #tpu.memory_space<semaphore_mem>>) src(%dma_wait3A_819 : memref<10240x16xf32, #tpu.memory_space<hbm>>) dst(%dma_wait3A_813 : memref<128x16xf32, #tpu.memory_space<vmem>>)
      %add3A_822 = arith.constant 12 : i32
      %add3A_823 = arith.addi %mul3A_421, %add3A_822 : i32
      %dma_start3A_824 = arith.constant 12 : i32
      %dma_start3A_825 = arith.constant 12 : i32
      %dma_start3A_826 = arith.constant 0 : i32
      %dma_start3A_827 = arith.constant 0 : i32
      %dma_start3A_828 = tpu.memref_slice %arg9[%dma_start3A_824, %dma_start3A_826, %dma_start3A_827] : memref<13x128x16xf32, #tpu.memory_space<vmem>> -> memref<1x128x16xf32, #tpu.memory_space<vmem>>
      %dma_start3A_829 = tpu.memref_squeeze %dma_start3A_828 : memref<1x128x16xf32, #tpu.memory_space<vmem>> -> memref<128x16xf32, #tpu.memory_space<vmem>>
      %dma_start3A_830 = arith.constant 0 : i32
      %dma_start3A_831 = tpu.memref_slice %arg6[%add3A_823, %dma_start3A_830] : memref<78x128xi32, #tpu.memory_space<vmem>> -> memref<1x128xi32, #tpu.memory_space<vmem>>
      %dma_start3A_832 = tpu.memref_squeeze %dma_start3A_831 : memref<1x128xi32, #tpu.memory_space<vmem>> -> memref<128xi32, #tpu.memory_space<vmem>>
      %dma_start3A_833 = arith.constant 0 : i32
      %dma_start3A_834 = arith.constant 0 : i32
      %dma_start3A_835 = tpu.memref_slice %arg11[%dma_start3A_833, %dma_start3A_834] : memref<10240x16xf32, #tpu.memory_space<vmem_shared>> -> memref<10240x16xf32, #tpu.memory_space<vmem_shared>>
      %dma_start3A_836 = tpu.memref_slice %arg13[%dma_start3A_825] : memref<13x!tpu.dma_semaphore, #tpu.memory_space<semaphore_mem>> -> memref<1x!tpu.dma_semaphore, #tpu.memory_space<semaphore_mem>>
      %dma_start3A_837 = tpu.memref_squeeze %dma_start3A_836 : memref<1x!tpu.dma_semaphore, #tpu.memory_space<semaphore_mem>> -> memref<!tpu.dma_semaphore, #tpu.memory_space<semaphore_mem>>
      tpu.enqueue_indirect_dma source(%dma_start3A_829 : memref<128x16xf32, #tpu.memory_space<vmem>>) target(%dma_start3A_835 : memref<10240x16xf32, #tpu.memory_space<vmem_shared>>) offsets(%dma_start3A_832 : memref<128xi32, #tpu.memory_space<vmem>>) semaphore(%dma_start3A_837 : memref<!tpu.dma_semaphore, #tpu.memory_space<semaphore_mem>>) {add = true}
      %lt3A_838 = arith.constant 5 : i32
      %lt3A_839 = arith.cmpi slt, %add3A_419, %lt3A_838 : i32
      %convert_element_type3A_840 = arith.extui %lt3A_839 : i1 to i32
      %cond3A_841 = arith.constant 0 : i32
      %cond3A_842 = arith.cmpi ne, %convert_element_type3A_840, %cond3A_841 : i32
      scf.if %cond3A_842 {
        %add3A_843 = arith.constant 0 : i32
        %add3A_844 = arith.addi %mul3A_421, %add3A_843 : i32
        %dma_wait3A_845 = arith.constant 0 : i32
        %dma_wait3A_846 = arith.constant 0 : i32
        %dma_wait3A_847 = arith.constant 0 : i32
        %dma_wait3A_848 = arith.constant 0 : i32
        %dma_wait3A_849 = tpu.memref_slice %arg9[%dma_wait3A_845, %dma_wait3A_847, %dma_wait3A_848] : memref<13x128x16xf32, #tpu.memory_space<vmem>> -> memref<1x128x16xf32, #tpu.memory_space<vmem>>
        %dma_wait3A_850 = tpu.memref_squeeze %dma_wait3A_849 : memref<1x128x16xf32, #tpu.memory_space<vmem>> -> memref<128x16xf32, #tpu.memory_space<vmem>>
        %dma_wait3A_851 = arith.constant 0 : i32
        %dma_wait3A_852 = tpu.memref_slice %arg6[%add3A_844, %dma_wait3A_851] : memref<78x128xi32, #tpu.memory_space<vmem>> -> memref<1x128xi32, #tpu.memory_space<vmem>>
        %dma_wait3A_853 = tpu.memref_squeeze %dma_wait3A_852 : memref<1x128xi32, #tpu.memory_space<vmem>> -> memref<128xi32, #tpu.memory_space<vmem>>
        %dma_wait3A_854 = arith.constant 0 : i32
        %dma_wait3A_855 = arith.constant 0 : i32
        %dma_wait3A_856 = tpu.memref_slice %arg11[%dma_wait3A_854, %dma_wait3A_855] : memref<10240x16xf32, #tpu.memory_space<vmem_shared>> -> memref<10240x16xf32, #tpu.memory_space<vmem_shared>>
        %dma_wait3A_857 = tpu.memref_slice %arg13[%dma_wait3A_846] : memref<13x!tpu.dma_semaphore, #tpu.memory_space<semaphore_mem>> -> memref<1x!tpu.dma_semaphore, #tpu.memory_space<semaphore_mem>>
        %dma_wait3A_858 = tpu.memref_squeeze %dma_wait3A_857 : memref<1x!tpu.dma_semaphore, #tpu.memory_space<semaphore_mem>> -> memref<!tpu.dma_semaphore, #tpu.memory_space<semaphore_mem>>
        tpu.wait_indirect_dma semaphore(%dma_wait3A_858 : memref<!tpu.dma_semaphore, #tpu.memory_space<semaphore_mem>>) src(%dma_wait3A_850 : memref<128x16xf32, #tpu.memory_space<vmem>>) dst(%dma_wait3A_856 : memref<10240x16xf32, #tpu.memory_space<vmem_shared>>)
        %add3A_859 = arith.constant 13 : i32
        %add3A_860 = arith.addi %mul3A_421, %add3A_859 : i32
        %add3A_861 = arith.constant 0 : i32
        %add3A_862 = arith.addi %add3A_860, %add3A_861 : i32
        %dma_start3A_863 = arith.constant 0 : i32
        %dma_start3A_864 = arith.constant 0 : i32
        %dma_start3A_865 = arith.constant 0 : i32
        %dma_start3A_866 = arith.constant 0 : i32
        %dma_start3A_867 = tpu.memref_slice %arg9[%dma_start3A_863, %dma_start3A_865, %dma_start3A_866] : memref<13x128x16xf32, #tpu.memory_space<vmem>> -> memref<1x128x16xf32, #tpu.memory_space<vmem>>
        %dma_start3A_868 = tpu.memref_squeeze %dma_start3A_867 : memref<1x128x16xf32, #tpu.memory_space<vmem>> -> memref<128x16xf32, #tpu.memory_space<vmem>>
        %dma_start3A_869 = arith.constant 0 : i32
        %dma_start3A_870 = tpu.memref_slice %arg5[%add3A_862, %dma_start3A_869] : memref<78x128xi32, #tpu.memory_space<vmem>> -> memref<1x128xi32, #tpu.memory_space<vmem>>
        %dma_start3A_871 = tpu.memref_squeeze %dma_start3A_870 : memref<1x128xi32, #tpu.memory_space<vmem>> -> memref<128xi32, #tpu.memory_space<vmem>>
        %dma_start3A_872 = arith.constant 0 : i32
        %dma_start3A_873 = arith.constant 0 : i32
        %dma_start3A_874 = tpu.memref_slice %arg3[%dma_start3A_872, %dma_start3A_873] : memref<10240x16xf32, #tpu.memory_space<hbm>> -> memref<10240x16xf32, #tpu.memory_space<hbm>>
        %dma_start3A_875 = tpu.memref_slice %arg12[%dma_start3A_864] : memref<13x!tpu.dma_semaphore, #tpu.memory_space<semaphore_mem>> -> memref<1x!tpu.dma_semaphore, #tpu.memory_space<semaphore_mem>>
        %dma_start3A_876 = tpu.memref_squeeze %dma_start3A_875 : memref<1x!tpu.dma_semaphore, #tpu.memory_space<semaphore_mem>> -> memref<!tpu.dma_semaphore, #tpu.memory_space<semaphore_mem>>
        tpu.enqueue_indirect_dma source(%dma_start3A_874 : memref<10240x16xf32, #tpu.memory_space<hbm>>) target(%dma_start3A_868 : memref<128x16xf32, #tpu.memory_space<vmem>>) offsets(%dma_start3A_871 : memref<128xi32, #tpu.memory_space<vmem>>) semaphore(%dma_start3A_876 : memref<!tpu.dma_semaphore, #tpu.memory_space<semaphore_mem>>)
        %add3A_877 = arith.constant 1 : i32
        %add3A_878 = arith.addi %mul3A_421, %add3A_877 : i32
        %dma_wait3A_879 = arith.constant 1 : i32
        %dma_wait3A_880 = arith.constant 1 : i32
        %dma_wait3A_881 = arith.constant 0 : i32
        %dma_wait3A_882 = arith.constant 0 : i32
        %dma_wait3A_883 = tpu.memref_slice %arg9[%dma_wait3A_879, %dma_wait3A_881, %dma_wait3A_882] : memref<13x128x16xf32, #tpu.memory_space<vmem>> -> memref<1x128x16xf32, #tpu.memory_space<vmem>>
        %dma_wait3A_884 = tpu.memref_squeeze %dma_wait3A_883 : memref<1x128x16xf32, #tpu.memory_space<vmem>> -> memref<128x16xf32, #tpu.memory_space<vmem>>
        %dma_wait3A_885 = arith.constant 0 : i32
        %dma_wait3A_886 = tpu.memref_slice %arg6[%add3A_878, %dma_wait3A_885] : memref<78x128xi32, #tpu.memory_space<vmem>> -> memref<1x128xi32, #tpu.memory_space<vmem>>
        %dma_wait3A_887 = tpu.memref_squeeze %dma_wait3A_886 : memref<1x128xi32, #tpu.memory_space<vmem>> -> memref<128xi32, #tpu.memory_space<vmem>>
        %dma_wait3A_888 = arith.constant 0 : i32
        %dma_wait3A_889 = arith.constant 0 : i32
        %dma_wait3A_890 = tpu.memref_slice %arg11[%dma_wait3A_888, %dma_wait3A_889] : memref<10240x16xf32, #tpu.memory_space<vmem_shared>> -> memref<10240x16xf32, #tpu.memory_space<vmem_shared>>
        %dma_wait3A_891 = tpu.memref_slice %arg13[%dma_wait3A_880] : memref<13x!tpu.dma_semaphore, #tpu.memory_space<semaphore_mem>> -> memref<1x!tpu.dma_semaphore, #tpu.memory_space<semaphore_mem>>
        %dma_wait3A_892 = tpu.memref_squeeze %dma_wait3A_891 : memref<1x!tpu.dma_semaphore, #tpu.memory_space<semaphore_mem>> -> memref<!tpu.dma_semaphore, #tpu.memory_space<semaphore_mem>>
        tpu.wait_indirect_dma semaphore(%dma_wait3A_892 : memref<!tpu.dma_semaphore, #tpu.memory_space<semaphore_mem>>) src(%dma_wait3A_884 : memref<128x16xf32, #tpu.memory_space<vmem>>) dst(%dma_wait3A_890 : memref<10240x16xf32, #tpu.memory_space<vmem_shared>>)
        %add3A_893 = arith.constant 13 : i32
        %add3A_894 = arith.addi %mul3A_421, %add3A_893 : i32
        %add3A_895 = arith.constant 1 : i32
        %add3A_896 = arith.addi %add3A_894, %add3A_895 : i32
        %dma_start3A_897 = arith.constant 1 : i32
        %dma_start3A_898 = arith.constant 1 : i32
        %dma_start3A_899 = arith.constant 0 : i32
        %dma_start3A_900 = arith.constant 0 : i32
        %dma_start3A_901 = tpu.memref_slice %arg9[%dma_start3A_897, %dma_start3A_899, %dma_start3A_900] : memref<13x128x16xf32, #tpu.memory_space<vmem>> -> memref<1x128x16xf32, #tpu.memory_space<vmem>>
        %dma_start3A_902 = tpu.memref_squeeze %dma_start3A_901 : memref<1x128x16xf32, #tpu.memory_space<vmem>> -> memref<128x16xf32, #tpu.memory_space<vmem>>
        %dma_start3A_903 = arith.constant 0 : i32
        %dma_start3A_904 = tpu.memref_slice %arg5[%add3A_896, %dma_start3A_903] : memref<78x128xi32, #tpu.memory_space<vmem>> -> memref<1x128xi32, #tpu.memory_space<vmem>>
        %dma_start3A_905 = tpu.memref_squeeze %dma_start3A_904 : memref<1x128xi32, #tpu.memory_space<vmem>> -> memref<128xi32, #tpu.memory_space<vmem>>
        %dma_start3A_906 = arith.constant 0 : i32
        %dma_start3A_907 = arith.constant 0 : i32
        %dma_start3A_908 = tpu.memref_slice %arg3[%dma_start3A_906, %dma_start3A_907] : memref<10240x16xf32, #tpu.memory_space<hbm>> -> memref<10240x16xf32, #tpu.memory_space<hbm>>
        %dma_start3A_909 = tpu.memref_slice %arg12[%dma_start3A_898] : memref<13x!tpu.dma_semaphore, #tpu.memory_space<semaphore_mem>> -> memref<1x!tpu.dma_semaphore, #tpu.memory_space<semaphore_mem>>
        %dma_start3A_910 = tpu.memref_squeeze %dma_start3A_909 : memref<1x!tpu.dma_semaphore, #tpu.memory_space<semaphore_mem>> -> memref<!tpu.dma_semaphore, #tpu.memory_space<semaphore_mem>>
        tpu.enqueue_indirect_dma source(%dma_start3A_908 : memref<10240x16xf32, #tpu.memory_space<hbm>>) target(%dma_start3A_902 : memref<128x16xf32, #tpu.memory_space<vmem>>) offsets(%dma_start3A_905 : memref<128xi32, #tpu.memory_space<vmem>>) semaphore(%dma_start3A_910 : memref<!tpu.dma_semaphore, #tpu.memory_space<semaphore_mem>>)
        %add3A_911 = arith.constant 2 : i32
        %add3A_912 = arith.addi %mul3A_421, %add3A_911 : i32
        %dma_wait3A_913 = arith.constant 2 : i32
        %dma_wait3A_914 = arith.constant 2 : i32
        %dma_wait3A_915 = arith.constant 0 : i32
        %dma_wait3A_916 = arith.constant 0 : i32
        %dma_wait3A_917 = tpu.memref_slice %arg9[%dma_wait3A_913, %dma_wait3A_915, %dma_wait3A_916] : memref<13x128x16xf32, #tpu.memory_space<vmem>> -> memref<1x128x16xf32, #tpu.memory_space<vmem>>
        %dma_wait3A_918 = tpu.memref_squeeze %dma_wait3A_917 : memref<1x128x16xf32, #tpu.memory_space<vmem>> -> memref<128x16xf32, #tpu.memory_space<vmem>>
        %dma_wait3A_919 = arith.constant 0 : i32
        %dma_wait3A_920 = tpu.memref_slice %arg6[%add3A_912, %dma_wait3A_919] : memref<78x128xi32, #tpu.memory_space<vmem>> -> memref<1x128xi32, #tpu.memory_space<vmem>>
        %dma_wait3A_921 = tpu.memref_squeeze %dma_wait3A_920 : memref<1x128xi32, #tpu.memory_space<vmem>> -> memref<128xi32, #tpu.memory_space<vmem>>
        %dma_wait3A_922 = arith.constant 0 : i32
        %dma_wait3A_923 = arith.constant 0 : i32
        %dma_wait3A_924 = tpu.memref_slice %arg11[%dma_wait3A_922, %dma_wait3A_923] : memref<10240x16xf32, #tpu.memory_space<vmem_shared>> -> memref<10240x16xf32, #tpu.memory_space<vmem_shared>>
        %dma_wait3A_925 = tpu.memref_slice %arg13[%dma_wait3A_914] : memref<13x!tpu.dma_semaphore, #tpu.memory_space<semaphore_mem>> -> memref<1x!tpu.dma_semaphore, #tpu.memory_space<semaphore_mem>>
        %dma_wait3A_926 = tpu.memref_squeeze %dma_wait3A_925 : memref<1x!tpu.dma_semaphore, #tpu.memory_space<semaphore_mem>> -> memref<!tpu.dma_semaphore, #tpu.memory_space<semaphore_mem>>
        tpu.wait_indirect_dma semaphore(%dma_wait3A_926 : memref<!tpu.dma_semaphore, #tpu.memory_space<semaphore_mem>>) src(%dma_wait3A_918 : memref<128x16xf32, #tpu.memory_space<vmem>>) dst(%dma_wait3A_924 : memref<10240x16xf32, #tpu.memory_space<vmem_shared>>)
        %add3A_927 = arith.constant 13 : i32
        %add3A_928 = arith.addi %mul3A_421, %add3A_927 : i32
        %add3A_929 = arith.constant 2 : i32
        %add3A_930 = arith.addi %add3A_928, %add3A_929 : i32
        %dma_start3A_931 = arith.constant 2 : i32
        %dma_start3A_932 = arith.constant 2 : i32
        %dma_start3A_933 = arith.constant 0 : i32
        %dma_start3A_934 = arith.constant 0 : i32
        %dma_start3A_935 = tpu.memref_slice %arg9[%dma_start3A_931, %dma_start3A_933, %dma_start3A_934] : memref<13x128x16xf32, #tpu.memory_space<vmem>> -> memref<1x128x16xf32, #tpu.memory_space<vmem>>
        %dma_start3A_936 = tpu.memref_squeeze %dma_start3A_935 : memref<1x128x16xf32, #tpu.memory_space<vmem>> -> memref<128x16xf32, #tpu.memory_space<vmem>>
        %dma_start3A_937 = arith.constant 0 : i32
        %dma_start3A_938 = tpu.memref_slice %arg5[%add3A_930, %dma_start3A_937] : memref<78x128xi32, #tpu.memory_space<vmem>> -> memref<1x128xi32, #tpu.memory_space<vmem>>
        %dma_start3A_939 = tpu.memref_squeeze %dma_start3A_938 : memref<1x128xi32, #tpu.memory_space<vmem>> -> memref<128xi32, #tpu.memory_space<vmem>>
        %dma_start3A_940 = arith.constant 0 : i32
        %dma_start3A_941 = arith.constant 0 : i32
        %dma_start3A_942 = tpu.memref_slice %arg3[%dma_start3A_940, %dma_start3A_941] : memref<10240x16xf32, #tpu.memory_space<hbm>> -> memref<10240x16xf32, #tpu.memory_space<hbm>>
        %dma_start3A_943 = tpu.memref_slice %arg12[%dma_start3A_932] : memref<13x!tpu.dma_semaphore, #tpu.memory_space<semaphore_mem>> -> memref<1x!tpu.dma_semaphore, #tpu.memory_space<semaphore_mem>>
        %dma_start3A_944 = tpu.memref_squeeze %dma_start3A_943 : memref<1x!tpu.dma_semaphore, #tpu.memory_space<semaphore_mem>> -> memref<!tpu.dma_semaphore, #tpu.memory_space<semaphore_mem>>
        tpu.enqueue_indirect_dma source(%dma_start3A_942 : memref<10240x16xf32, #tpu.memory_space<hbm>>) target(%dma_start3A_936 : memref<128x16xf32, #tpu.memory_space<vmem>>) offsets(%dma_start3A_939 : memref<128xi32, #tpu.memory_space<vmem>>) semaphore(%dma_start3A_944 : memref<!tpu.dma_semaphore, #tpu.memory_space<semaphore_mem>>)
        %add3A_945 = arith.constant 3 : i32
        %add3A_946 = arith.addi %mul3A_421, %add3A_945 : i32
        %dma_wait3A_947 = arith.constant 3 : i32
        %dma_wait3A_948 = arith.constant 3 : i32
        %dma_wait3A_949 = arith.constant 0 : i32
        %dma_wait3A_950 = arith.constant 0 : i32
        %dma_wait3A_951 = tpu.memref_slice %arg9[%dma_wait3A_947, %dma_wait3A_949, %dma_wait3A_950] : memref<13x128x16xf32, #tpu.memory_space<vmem>> -> memref<1x128x16xf32, #tpu.memory_space<vmem>>
        %dma_wait3A_952 = tpu.memref_squeeze %dma_wait3A_951 : memref<1x128x16xf32, #tpu.memory_space<vmem>> -> memref<128x16xf32, #tpu.memory_space<vmem>>
        %dma_wait3A_953 = arith.constant 0 : i32
        %dma_wait3A_954 = tpu.memref_slice %arg6[%add3A_946, %dma_wait3A_953] : memref<78x128xi32, #tpu.memory_space<vmem>> -> memref<1x128xi32, #tpu.memory_space<vmem>>
        %dma_wait3A_955 = tpu.memref_squeeze %dma_wait3A_954 : memref<1x128xi32, #tpu.memory_space<vmem>> -> memref<128xi32, #tpu.memory_space<vmem>>
        %dma_wait3A_956 = arith.constant 0 : i32
        %dma_wait3A_957 = arith.constant 0 : i32
        %dma_wait3A_958 = tpu.memref_slice %arg11[%dma_wait3A_956, %dma_wait3A_957] : memref<10240x16xf32, #tpu.memory_space<vmem_shared>> -> memref<10240x16xf32, #tpu.memory_space<vmem_shared>>
        %dma_wait3A_959 = tpu.memref_slice %arg13[%dma_wait3A_948] : memref<13x!tpu.dma_semaphore, #tpu.memory_space<semaphore_mem>> -> memref<1x!tpu.dma_semaphore, #tpu.memory_space<semaphore_mem>>
        %dma_wait3A_960 = tpu.memref_squeeze %dma_wait3A_959 : memref<1x!tpu.dma_semaphore, #tpu.memory_space<semaphore_mem>> -> memref<!tpu.dma_semaphore, #tpu.memory_space<semaphore_mem>>
        tpu.wait_indirect_dma semaphore(%dma_wait3A_960 : memref<!tpu.dma_semaphore, #tpu.memory_space<semaphore_mem>>) src(%dma_wait3A_952 : memref<128x16xf32, #tpu.memory_space<vmem>>) dst(%dma_wait3A_958 : memref<10240x16xf32, #tpu.memory_space<vmem_shared>>)
        %add3A_961 = arith.constant 13 : i32
        %add3A_962 = arith.addi %mul3A_421, %add3A_961 : i32
        %add3A_963 = arith.constant 3 : i32
        %add3A_964 = arith.addi %add3A_962, %add3A_963 : i32
        %dma_start3A_965 = arith.constant 3 : i32
        %dma_start3A_966 = arith.constant 3 : i32
        %dma_start3A_967 = arith.constant 0 : i32
        %dma_start3A_968 = arith.constant 0 : i32
        %dma_start3A_969 = tpu.memref_slice %arg9[%dma_start3A_965, %dma_start3A_967, %dma_start3A_968] : memref<13x128x16xf32, #tpu.memory_space<vmem>> -> memref<1x128x16xf32, #tpu.memory_space<vmem>>
        %dma_start3A_970 = tpu.memref_squeeze %dma_start3A_969 : memref<1x128x16xf32, #tpu.memory_space<vmem>> -> memref<128x16xf32, #tpu.memory_space<vmem>>
        %dma_start3A_971 = arith.constant 0 : i32
        %dma_start3A_972 = tpu.memref_slice %arg5[%add3A_964, %dma_start3A_971] : memref<78x128xi32, #tpu.memory_space<vmem>> -> memref<1x128xi32, #tpu.memory_space<vmem>>
        %dma_start3A_973 = tpu.memref_squeeze %dma_start3A_972 : memref<1x128xi32, #tpu.memory_space<vmem>> -> memref<128xi32, #tpu.memory_space<vmem>>
        %dma_start3A_974 = arith.constant 0 : i32
        %dma_start3A_975 = arith.constant 0 : i32
        %dma_start3A_976 = tpu.memref_slice %arg3[%dma_start3A_974, %dma_start3A_975] : memref<10240x16xf32, #tpu.memory_space<hbm>> -> memref<10240x16xf32, #tpu.memory_space<hbm>>
        %dma_start3A_977 = tpu.memref_slice %arg12[%dma_start3A_966] : memref<13x!tpu.dma_semaphore, #tpu.memory_space<semaphore_mem>> -> memref<1x!tpu.dma_semaphore, #tpu.memory_space<semaphore_mem>>
        %dma_start3A_978 = tpu.memref_squeeze %dma_start3A_977 : memref<1x!tpu.dma_semaphore, #tpu.memory_space<semaphore_mem>> -> memref<!tpu.dma_semaphore, #tpu.memory_space<semaphore_mem>>
        tpu.enqueue_indirect_dma source(%dma_start3A_976 : memref<10240x16xf32, #tpu.memory_space<hbm>>) target(%dma_start3A_970 : memref<128x16xf32, #tpu.memory_space<vmem>>) offsets(%dma_start3A_973 : memref<128xi32, #tpu.memory_space<vmem>>) semaphore(%dma_start3A_978 : memref<!tpu.dma_semaphore, #tpu.memory_space<semaphore_mem>>)
        %add3A_979 = arith.constant 4 : i32
        %add3A_980 = arith.addi %mul3A_421, %add3A_979 : i32
        %dma_wait3A_981 = arith.constant 4 : i32
        %dma_wait3A_982 = arith.constant 4 : i32
        %dma_wait3A_983 = arith.constant 0 : i32
        %dma_wait3A_984 = arith.constant 0 : i32
        %dma_wait3A_985 = tpu.memref_slice %arg9[%dma_wait3A_981, %dma_wait3A_983, %dma_wait3A_984] : memref<13x128x16xf32, #tpu.memory_space<vmem>> -> memref<1x128x16xf32, #tpu.memory_space<vmem>>
        %dma_wait3A_986 = tpu.memref_squeeze %dma_wait3A_985 : memref<1x128x16xf32, #tpu.memory_space<vmem>> -> memref<128x16xf32, #tpu.memory_space<vmem>>
        %dma_wait3A_987 = arith.constant 0 : i32
        %dma_wait3A_988 = tpu.memref_slice %arg6[%add3A_980, %dma_wait3A_987] : memref<78x128xi32, #tpu.memory_space<vmem>> -> memref<1x128xi32, #tpu.memory_space<vmem>>
        %dma_wait3A_989 = tpu.memref_squeeze %dma_wait3A_988 : memref<1x128xi32, #tpu.memory_space<vmem>> -> memref<128xi32, #tpu.memory_space<vmem>>
        %dma_wait3A_990 = arith.constant 0 : i32
        %dma_wait3A_991 = arith.constant 0 : i32
        %dma_wait3A_992 = tpu.memref_slice %arg11[%dma_wait3A_990, %dma_wait3A_991] : memref<10240x16xf32, #tpu.memory_space<vmem_shared>> -> memref<10240x16xf32, #tpu.memory_space<vmem_shared>>
        %dma_wait3A_993 = tpu.memref_slice %arg13[%dma_wait3A_982] : memref<13x!tpu.dma_semaphore, #tpu.memory_space<semaphore_mem>> -> memref<1x!tpu.dma_semaphore, #tpu.memory_space<semaphore_mem>>
        %dma_wait3A_994 = tpu.memref_squeeze %dma_wait3A_993 : memref<1x!tpu.dma_semaphore, #tpu.memory_space<semaphore_mem>> -> memref<!tpu.dma_semaphore, #tpu.memory_space<semaphore_mem>>
        tpu.wait_indirect_dma semaphore(%dma_wait3A_994 : memref<!tpu.dma_semaphore, #tpu.memory_space<semaphore_mem>>) src(%dma_wait3A_986 : memref<128x16xf32, #tpu.memory_space<vmem>>) dst(%dma_wait3A_992 : memref<10240x16xf32, #tpu.memory_space<vmem_shared>>)
        %add3A_995 = arith.constant 13 : i32
        %add3A_996 = arith.addi %mul3A_421, %add3A_995 : i32
        %add3A_997 = arith.constant 4 : i32
        %add3A_998 = arith.addi %add3A_996, %add3A_997 : i32
        %dma_start3A_999 = arith.constant 4 : i32
        %dma_start3A_1000 = arith.constant 4 : i32
        %dma_start3A_1001 = arith.constant 0 : i32
        %dma_start3A_1002 = arith.constant 0 : i32
        %dma_start3A_1003 = tpu.memref_slice %arg9[%dma_start3A_999, %dma_start3A_1001, %dma_start3A_1002] : memref<13x128x16xf32, #tpu.memory_space<vmem>> -> memref<1x128x16xf32, #tpu.memory_space<vmem>>
        %dma_start3A_1004 = tpu.memref_squeeze %dma_start3A_1003 : memref<1x128x16xf32, #tpu.memory_space<vmem>> -> memref<128x16xf32, #tpu.memory_space<vmem>>
        %dma_start3A_1005 = arith.constant 0 : i32
        %dma_start3A_1006 = tpu.memref_slice %arg5[%add3A_998, %dma_start3A_1005] : memref<78x128xi32, #tpu.memory_space<vmem>> -> memref<1x128xi32, #tpu.memory_space<vmem>>
        %dma_start3A_1007 = tpu.memref_squeeze %dma_start3A_1006 : memref<1x128xi32, #tpu.memory_space<vmem>> -> memref<128xi32, #tpu.memory_space<vmem>>
        %dma_start3A_1008 = arith.constant 0 : i32
        %dma_start3A_1009 = arith.constant 0 : i32
        %dma_start3A_1010 = tpu.memref_slice %arg3[%dma_start3A_1008, %dma_start3A_1009] : memref<10240x16xf32, #tpu.memory_space<hbm>> -> memref<10240x16xf32, #tpu.memory_space<hbm>>
        %dma_start3A_1011 = tpu.memref_slice %arg12[%dma_start3A_1000] : memref<13x!tpu.dma_semaphore, #tpu.memory_space<semaphore_mem>> -> memref<1x!tpu.dma_semaphore, #tpu.memory_space<semaphore_mem>>
        %dma_start3A_1012 = tpu.memref_squeeze %dma_start3A_1011 : memref<1x!tpu.dma_semaphore, #tpu.memory_space<semaphore_mem>> -> memref<!tpu.dma_semaphore, #tpu.memory_space<semaphore_mem>>
        tpu.enqueue_indirect_dma source(%dma_start3A_1010 : memref<10240x16xf32, #tpu.memory_space<hbm>>) target(%dma_start3A_1004 : memref<128x16xf32, #tpu.memory_space<vmem>>) offsets(%dma_start3A_1007 : memref<128xi32, #tpu.memory_space<vmem>>) semaphore(%dma_start3A_1012 : memref<!tpu.dma_semaphore, #tpu.memory_space<semaphore_mem>>)
        %add3A_1013 = arith.constant 5 : i32
        %add3A_1014 = arith.addi %mul3A_421, %add3A_1013 : i32
        %dma_wait3A_1015 = arith.constant 5 : i32
        %dma_wait3A_1016 = arith.constant 5 : i32
        %dma_wait3A_1017 = arith.constant 0 : i32
        %dma_wait3A_1018 = arith.constant 0 : i32
        %dma_wait3A_1019 = tpu.memref_slice %arg9[%dma_wait3A_1015, %dma_wait3A_1017, %dma_wait3A_1018] : memref<13x128x16xf32, #tpu.memory_space<vmem>> -> memref<1x128x16xf32, #tpu.memory_space<vmem>>
        %dma_wait3A_1020 = tpu.memref_squeeze %dma_wait3A_1019 : memref<1x128x16xf32, #tpu.memory_space<vmem>> -> memref<128x16xf32, #tpu.memory_space<vmem>>
        %dma_wait3A_1021 = arith.constant 0 : i32
        %dma_wait3A_1022 = tpu.memref_slice %arg6[%add3A_1014, %dma_wait3A_1021] : memref<78x128xi32, #tpu.memory_space<vmem>> -> memref<1x128xi32, #tpu.memory_space<vmem>>
        %dma_wait3A_1023 = tpu.memref_squeeze %dma_wait3A_1022 : memref<1x128xi32, #tpu.memory_space<vmem>> -> memref<128xi32, #tpu.memory_space<vmem>>
        %dma_wait3A_1024 = arith.constant 0 : i32
        %dma_wait3A_1025 = arith.constant 0 : i32
        %dma_wait3A_1026 = tpu.memref_slice %arg11[%dma_wait3A_1024, %dma_wait3A_1025] : memref<10240x16xf32, #tpu.memory_space<vmem_shared>> -> memref<10240x16xf32, #tpu.memory_space<vmem_shared>>
        %dma_wait3A_1027 = tpu.memref_slice %arg13[%dma_wait3A_1016] : memref<13x!tpu.dma_semaphore, #tpu.memory_space<semaphore_mem>> -> memref<1x!tpu.dma_semaphore, #tpu.memory_space<semaphore_mem>>
        %dma_wait3A_1028 = tpu.memref_squeeze %dma_wait3A_1027 : memref<1x!tpu.dma_semaphore, #tpu.memory_space<semaphore_mem>> -> memref<!tpu.dma_semaphore, #tpu.memory_space<semaphore_mem>>
        tpu.wait_indirect_dma semaphore(%dma_wait3A_1028 : memref<!tpu.dma_semaphore, #tpu.memory_space<semaphore_mem>>) src(%dma_wait3A_1020 : memref<128x16xf32, #tpu.memory_space<vmem>>) dst(%dma_wait3A_1026 : memref<10240x16xf32, #tpu.memory_space<vmem_shared>>)
        %add3A_1029 = arith.constant 13 : i32
        %add3A_1030 = arith.addi %mul3A_421, %add3A_1029 : i32
        %add3A_1031 = arith.constant 5 : i32
        %add3A_1032 = arith.addi %add3A_1030, %add3A_1031 : i32
        %dma_start3A_1033 = arith.constant 5 : i32
        %dma_start3A_1034 = arith.constant 5 : i32
        %dma_start3A_1035 = arith.constant 0 : i32
        %dma_start3A_1036 = arith.constant 0 : i32
        %dma_start3A_1037 = tpu.memref_slice %arg9[%dma_start3A_1033, %dma_start3A_1035, %dma_start3A_1036] : memref<13x128x16xf32, #tpu.memory_space<vmem>> -> memref<1x128x16xf32, #tpu.memory_space<vmem>>
        %dma_start3A_1038 = tpu.memref_squeeze %dma_start3A_1037 : memref<1x128x16xf32, #tpu.memory_space<vmem>> -> memref<128x16xf32, #tpu.memory_space<vmem>>
        %dma_start3A_1039 = arith.constant 0 : i32
        %dma_start3A_1040 = tpu.memref_slice %arg5[%add3A_1032, %dma_start3A_1039] : memref<78x128xi32, #tpu.memory_space<vmem>> -> memref<1x128xi32, #tpu.memory_space<vmem>>
        %dma_start3A_1041 = tpu.memref_squeeze %dma_start3A_1040 : memref<1x128xi32, #tpu.memory_space<vmem>> -> memref<128xi32, #tpu.memory_space<vmem>>
        %dma_start3A_1042 = arith.constant 0 : i32
        %dma_start3A_1043 = arith.constant 0 : i32
        %dma_start3A_1044 = tpu.memref_slice %arg3[%dma_start3A_1042, %dma_start3A_1043] : memref<10240x16xf32, #tpu.memory_space<hbm>> -> memref<10240x16xf32, #tpu.memory_space<hbm>>
        %dma_start3A_1045 = tpu.memref_slice %arg12[%dma_start3A_1034] : memref<13x!tpu.dma_semaphore, #tpu.memory_space<semaphore_mem>> -> memref<1x!tpu.dma_semaphore, #tpu.memory_space<semaphore_mem>>
        %dma_start3A_1046 = tpu.memref_squeeze %dma_start3A_1045 : memref<1x!tpu.dma_semaphore, #tpu.memory_space<semaphore_mem>> -> memref<!tpu.dma_semaphore, #tpu.memory_space<semaphore_mem>>
        tpu.enqueue_indirect_dma source(%dma_start3A_1044 : memref<10240x16xf32, #tpu.memory_space<hbm>>) target(%dma_start3A_1038 : memref<128x16xf32, #tpu.memory_space<vmem>>) offsets(%dma_start3A_1041 : memref<128xi32, #tpu.memory_space<vmem>>) semaphore(%dma_start3A_1046 : memref<!tpu.dma_semaphore, #tpu.memory_space<semaphore_mem>>)
        %add3A_1047 = arith.constant 6 : i32
        %add3A_1048 = arith.addi %mul3A_421, %add3A_1047 : i32
        %dma_wait3A_1049 = arith.constant 6 : i32
        %dma_wait3A_1050 = arith.constant 6 : i32
        %dma_wait3A_1051 = arith.constant 0 : i32
        %dma_wait3A_1052 = arith.constant 0 : i32
        %dma_wait3A_1053 = tpu.memref_slice %arg9[%dma_wait3A_1049, %dma_wait3A_1051, %dma_wait3A_1052] : memref<13x128x16xf32, #tpu.memory_space<vmem>> -> memref<1x128x16xf32, #tpu.memory_space<vmem>>
        %dma_wait3A_1054 = tpu.memref_squeeze %dma_wait3A_1053 : memref<1x128x16xf32, #tpu.memory_space<vmem>> -> memref<128x16xf32, #tpu.memory_space<vmem>>
        %dma_wait3A_1055 = arith.constant 0 : i32
        %dma_wait3A_1056 = tpu.memref_slice %arg6[%add3A_1048, %dma_wait3A_1055] : memref<78x128xi32, #tpu.memory_space<vmem>> -> memref<1x128xi32, #tpu.memory_space<vmem>>
        %dma_wait3A_1057 = tpu.memref_squeeze %dma_wait3A_1056 : memref<1x128xi32, #tpu.memory_space<vmem>> -> memref<128xi32, #tpu.memory_space<vmem>>
        %dma_wait3A_1058 = arith.constant 0 : i32
        %dma_wait3A_1059 = arith.constant 0 : i32
        %dma_wait3A_1060 = tpu.memref_slice %arg11[%dma_wait3A_1058, %dma_wait3A_1059] : memref<10240x16xf32, #tpu.memory_space<vmem_shared>> -> memref<10240x16xf32, #tpu.memory_space<vmem_shared>>
        %dma_wait3A_1061 = tpu.memref_slice %arg13[%dma_wait3A_1050] : memref<13x!tpu.dma_semaphore, #tpu.memory_space<semaphore_mem>> -> memref<1x!tpu.dma_semaphore, #tpu.memory_space<semaphore_mem>>
        %dma_wait3A_1062 = tpu.memref_squeeze %dma_wait3A_1061 : memref<1x!tpu.dma_semaphore, #tpu.memory_space<semaphore_mem>> -> memref<!tpu.dma_semaphore, #tpu.memory_space<semaphore_mem>>
        tpu.wait_indirect_dma semaphore(%dma_wait3A_1062 : memref<!tpu.dma_semaphore, #tpu.memory_space<semaphore_mem>>) src(%dma_wait3A_1054 : memref<128x16xf32, #tpu.memory_space<vmem>>) dst(%dma_wait3A_1060 : memref<10240x16xf32, #tpu.memory_space<vmem_shared>>)
        %add3A_1063 = arith.constant 13 : i32
        %add3A_1064 = arith.addi %mul3A_421, %add3A_1063 : i32
        %add3A_1065 = arith.constant 6 : i32
        %add3A_1066 = arith.addi %add3A_1064, %add3A_1065 : i32
        %dma_start3A_1067 = arith.constant 6 : i32
        %dma_start3A_1068 = arith.constant 6 : i32
        %dma_start3A_1069 = arith.constant 0 : i32
        %dma_start3A_1070 = arith.constant 0 : i32
        %dma_start3A_1071 = tpu.memref_slice %arg9[%dma_start3A_1067, %dma_start3A_1069, %dma_start3A_1070] : memref<13x128x16xf32, #tpu.memory_space<vmem>> -> memref<1x128x16xf32, #tpu.memory_space<vmem>>
        %dma_start3A_1072 = tpu.memref_squeeze %dma_start3A_1071 : memref<1x128x16xf32, #tpu.memory_space<vmem>> -> memref<128x16xf32, #tpu.memory_space<vmem>>
        %dma_start3A_1073 = arith.constant 0 : i32
        %dma_start3A_1074 = tpu.memref_slice %arg5[%add3A_1066, %dma_start3A_1073] : memref<78x128xi32, #tpu.memory_space<vmem>> -> memref<1x128xi32, #tpu.memory_space<vmem>>
        %dma_start3A_1075 = tpu.memref_squeeze %dma_start3A_1074 : memref<1x128xi32, #tpu.memory_space<vmem>> -> memref<128xi32, #tpu.memory_space<vmem>>
        %dma_start3A_1076 = arith.constant 0 : i32
        %dma_start3A_1077 = arith.constant 0 : i32
        %dma_start3A_1078 = tpu.memref_slice %arg3[%dma_start3A_1076, %dma_start3A_1077] : memref<10240x16xf32, #tpu.memory_space<hbm>> -> memref<10240x16xf32, #tpu.memory_space<hbm>>
        %dma_start3A_1079 = tpu.memref_slice %arg12[%dma_start3A_1068] : memref<13x!tpu.dma_semaphore, #tpu.memory_space<semaphore_mem>> -> memref<1x!tpu.dma_semaphore, #tpu.memory_space<semaphore_mem>>
        %dma_start3A_1080 = tpu.memref_squeeze %dma_start3A_1079 : memref<1x!tpu.dma_semaphore, #tpu.memory_space<semaphore_mem>> -> memref<!tpu.dma_semaphore, #tpu.memory_space<semaphore_mem>>
        tpu.enqueue_indirect_dma source(%dma_start3A_1078 : memref<10240x16xf32, #tpu.memory_space<hbm>>) target(%dma_start3A_1072 : memref<128x16xf32, #tpu.memory_space<vmem>>) offsets(%dma_start3A_1075 : memref<128xi32, #tpu.memory_space<vmem>>) semaphore(%dma_start3A_1080 : memref<!tpu.dma_semaphore, #tpu.memory_space<semaphore_mem>>)
        %add3A_1081 = arith.constant 7 : i32
        %add3A_1082 = arith.addi %mul3A_421, %add3A_1081 : i32
        %dma_wait3A_1083 = arith.constant 7 : i32
        %dma_wait3A_1084 = arith.constant 7 : i32
        %dma_wait3A_1085 = arith.constant 0 : i32
        %dma_wait3A_1086 = arith.constant 0 : i32
        %dma_wait3A_1087 = tpu.memref_slice %arg9[%dma_wait3A_1083, %dma_wait3A_1085, %dma_wait3A_1086] : memref<13x128x16xf32, #tpu.memory_space<vmem>> -> memref<1x128x16xf32, #tpu.memory_space<vmem>>
        %dma_wait3A_1088 = tpu.memref_squeeze %dma_wait3A_1087 : memref<1x128x16xf32, #tpu.memory_space<vmem>> -> memref<128x16xf32, #tpu.memory_space<vmem>>
        %dma_wait3A_1089 = arith.constant 0 : i32
        %dma_wait3A_1090 = tpu.memref_slice %arg6[%add3A_1082, %dma_wait3A_1089] : memref<78x128xi32, #tpu.memory_space<vmem>> -> memref<1x128xi32, #tpu.memory_space<vmem>>
        %dma_wait3A_1091 = tpu.memref_squeeze %dma_wait3A_1090 : memref<1x128xi32, #tpu.memory_space<vmem>> -> memref<128xi32, #tpu.memory_space<vmem>>
        %dma_wait3A_1092 = arith.constant 0 : i32
        %dma_wait3A_1093 = arith.constant 0 : i32
        %dma_wait3A_1094 = tpu.memref_slice %arg11[%dma_wait3A_1092, %dma_wait3A_1093] : memref<10240x16xf32, #tpu.memory_space<vmem_shared>> -> memref<10240x16xf32, #tpu.memory_space<vmem_shared>>
        %dma_wait3A_1095 = tpu.memref_slice %arg13[%dma_wait3A_1084] : memref<13x!tpu.dma_semaphore, #tpu.memory_space<semaphore_mem>> -> memref<1x!tpu.dma_semaphore, #tpu.memory_space<semaphore_mem>>
        %dma_wait3A_1096 = tpu.memref_squeeze %dma_wait3A_1095 : memref<1x!tpu.dma_semaphore, #tpu.memory_space<semaphore_mem>> -> memref<!tpu.dma_semaphore, #tpu.memory_space<semaphore_mem>>
        tpu.wait_indirect_dma semaphore(%dma_wait3A_1096 : memref<!tpu.dma_semaphore, #tpu.memory_space<semaphore_mem>>) src(%dma_wait3A_1088 : memref<128x16xf32, #tpu.memory_space<vmem>>) dst(%dma_wait3A_1094 : memref<10240x16xf32, #tpu.memory_space<vmem_shared>>)
        %add3A_1097 = arith.constant 13 : i32
        %add3A_1098 = arith.addi %mul3A_421, %add3A_1097 : i32
        %add3A_1099 = arith.constant 7 : i32
        %add3A_1100 = arith.addi %add3A_1098, %add3A_1099 : i32
        %dma_start3A_1101 = arith.constant 7 : i32
        %dma_start3A_1102 = arith.constant 7 : i32
        %dma_start3A_1103 = arith.constant 0 : i32
        %dma_start3A_1104 = arith.constant 0 : i32
        %dma_start3A_1105 = tpu.memref_slice %arg9[%dma_start3A_1101, %dma_start3A_1103, %dma_start3A_1104] : memref<13x128x16xf32, #tpu.memory_space<vmem>> -> memref<1x128x16xf32, #tpu.memory_space<vmem>>
        %dma_start3A_1106 = tpu.memref_squeeze %dma_start3A_1105 : memref<1x128x16xf32, #tpu.memory_space<vmem>> -> memref<128x16xf32, #tpu.memory_space<vmem>>
        %dma_start3A_1107 = arith.constant 0 : i32
        %dma_start3A_1108 = tpu.memref_slice %arg5[%add3A_1100, %dma_start3A_1107] : memref<78x128xi32, #tpu.memory_space<vmem>> -> memref<1x128xi32, #tpu.memory_space<vmem>>
        %dma_start3A_1109 = tpu.memref_squeeze %dma_start3A_1108 : memref<1x128xi32, #tpu.memory_space<vmem>> -> memref<128xi32, #tpu.memory_space<vmem>>
        %dma_start3A_1110 = arith.constant 0 : i32
        %dma_start3A_1111 = arith.constant 0 : i32
        %dma_start3A_1112 = tpu.memref_slice %arg3[%dma_start3A_1110, %dma_start3A_1111] : memref<10240x16xf32, #tpu.memory_space<hbm>> -> memref<10240x16xf32, #tpu.memory_space<hbm>>
        %dma_start3A_1113 = tpu.memref_slice %arg12[%dma_start3A_1102] : memref<13x!tpu.dma_semaphore, #tpu.memory_space<semaphore_mem>> -> memref<1x!tpu.dma_semaphore, #tpu.memory_space<semaphore_mem>>
        %dma_start3A_1114 = tpu.memref_squeeze %dma_start3A_1113 : memref<1x!tpu.dma_semaphore, #tpu.memory_space<semaphore_mem>> -> memref<!tpu.dma_semaphore, #tpu.memory_space<semaphore_mem>>
        tpu.enqueue_indirect_dma source(%dma_start3A_1112 : memref<10240x16xf32, #tpu.memory_space<hbm>>) target(%dma_start3A_1106 : memref<128x16xf32, #tpu.memory_space<vmem>>) offsets(%dma_start3A_1109 : memref<128xi32, #tpu.memory_space<vmem>>) semaphore(%dma_start3A_1114 : memref<!tpu.dma_semaphore, #tpu.memory_space<semaphore_mem>>)
        %add3A_1115 = arith.constant 8 : i32
        %add3A_1116 = arith.addi %mul3A_421, %add3A_1115 : i32
        %dma_wait3A_1117 = arith.constant 8 : i32
        %dma_wait3A_1118 = arith.constant 8 : i32
        %dma_wait3A_1119 = arith.constant 0 : i32
        %dma_wait3A_1120 = arith.constant 0 : i32
        %dma_wait3A_1121 = tpu.memref_slice %arg9[%dma_wait3A_1117, %dma_wait3A_1119, %dma_wait3A_1120] : memref<13x128x16xf32, #tpu.memory_space<vmem>> -> memref<1x128x16xf32, #tpu.memory_space<vmem>>
        %dma_wait3A_1122 = tpu.memref_squeeze %dma_wait3A_1121 : memref<1x128x16xf32, #tpu.memory_space<vmem>> -> memref<128x16xf32, #tpu.memory_space<vmem>>
        %dma_wait3A_1123 = arith.constant 0 : i32
        %dma_wait3A_1124 = tpu.memref_slice %arg6[%add3A_1116, %dma_wait3A_1123] : memref<78x128xi32, #tpu.memory_space<vmem>> -> memref<1x128xi32, #tpu.memory_space<vmem>>
        %dma_wait3A_1125 = tpu.memref_squeeze %dma_wait3A_1124 : memref<1x128xi32, #tpu.memory_space<vmem>> -> memref<128xi32, #tpu.memory_space<vmem>>
        %dma_wait3A_1126 = arith.constant 0 : i32
        %dma_wait3A_1127 = arith.constant 0 : i32
        %dma_wait3A_1128 = tpu.memref_slice %arg11[%dma_wait3A_1126, %dma_wait3A_1127] : memref<10240x16xf32, #tpu.memory_space<vmem_shared>> -> memref<10240x16xf32, #tpu.memory_space<vmem_shared>>
        %dma_wait3A_1129 = tpu.memref_slice %arg13[%dma_wait3A_1118] : memref<13x!tpu.dma_semaphore, #tpu.memory_space<semaphore_mem>> -> memref<1x!tpu.dma_semaphore, #tpu.memory_space<semaphore_mem>>
        %dma_wait3A_1130 = tpu.memref_squeeze %dma_wait3A_1129 : memref<1x!tpu.dma_semaphore, #tpu.memory_space<semaphore_mem>> -> memref<!tpu.dma_semaphore, #tpu.memory_space<semaphore_mem>>
        tpu.wait_indirect_dma semaphore(%dma_wait3A_1130 : memref<!tpu.dma_semaphore, #tpu.memory_space<semaphore_mem>>) src(%dma_wait3A_1122 : memref<128x16xf32, #tpu.memory_space<vmem>>) dst(%dma_wait3A_1128 : memref<10240x16xf32, #tpu.memory_space<vmem_shared>>)
        %add3A_1131 = arith.constant 13 : i32
        %add3A_1132 = arith.addi %mul3A_421, %add3A_1131 : i32
        %add3A_1133 = arith.constant 8 : i32
        %add3A_1134 = arith.addi %add3A_1132, %add3A_1133 : i32
        %dma_start3A_1135 = arith.constant 8 : i32
        %dma_start3A_1136 = arith.constant 8 : i32
        %dma_start3A_1137 = arith.constant 0 : i32
        %dma_start3A_1138 = arith.constant 0 : i32
        %dma_start3A_1139 = tpu.memref_slice %arg9[%dma_start3A_1135, %dma_start3A_1137, %dma_start3A_1138] : memref<13x128x16xf32, #tpu.memory_space<vmem>> -> memref<1x128x16xf32, #tpu.memory_space<vmem>>
        %dma_start3A_1140 = tpu.memref_squeeze %dma_start3A_1139 : memref<1x128x16xf32, #tpu.memory_space<vmem>> -> memref<128x16xf32, #tpu.memory_space<vmem>>
        %dma_start3A_1141 = arith.constant 0 : i32
        %dma_start3A_1142 = tpu.memref_slice %arg5[%add3A_1134, %dma_start3A_1141] : memref<78x128xi32, #tpu.memory_space<vmem>> -> memref<1x128xi32, #tpu.memory_space<vmem>>
        %dma_start3A_1143 = tpu.memref_squeeze %dma_start3A_1142 : memref<1x128xi32, #tpu.memory_space<vmem>> -> memref<128xi32, #tpu.memory_space<vmem>>
        %dma_start3A_1144 = arith.constant 0 : i32
        %dma_start3A_1145 = arith.constant 0 : i32
        %dma_start3A_1146 = tpu.memref_slice %arg3[%dma_start3A_1144, %dma_start3A_1145] : memref<10240x16xf32, #tpu.memory_space<hbm>> -> memref<10240x16xf32, #tpu.memory_space<hbm>>
        %dma_start3A_1147 = tpu.memref_slice %arg12[%dma_start3A_1136] : memref<13x!tpu.dma_semaphore, #tpu.memory_space<semaphore_mem>> -> memref<1x!tpu.dma_semaphore, #tpu.memory_space<semaphore_mem>>
        %dma_start3A_1148 = tpu.memref_squeeze %dma_start3A_1147 : memref<1x!tpu.dma_semaphore, #tpu.memory_space<semaphore_mem>> -> memref<!tpu.dma_semaphore, #tpu.memory_space<semaphore_mem>>
        tpu.enqueue_indirect_dma source(%dma_start3A_1146 : memref<10240x16xf32, #tpu.memory_space<hbm>>) target(%dma_start3A_1140 : memref<128x16xf32, #tpu.memory_space<vmem>>) offsets(%dma_start3A_1143 : memref<128xi32, #tpu.memory_space<vmem>>) semaphore(%dma_start3A_1148 : memref<!tpu.dma_semaphore, #tpu.memory_space<semaphore_mem>>)
        %add3A_1149 = arith.constant 9 : i32
        %add3A_1150 = arith.addi %mul3A_421, %add3A_1149 : i32
        %dma_wait3A_1151 = arith.constant 9 : i32
        %dma_wait3A_1152 = arith.constant 9 : i32
        %dma_wait3A_1153 = arith.constant 0 : i32
        %dma_wait3A_1154 = arith.constant 0 : i32
        %dma_wait3A_1155 = tpu.memref_slice %arg9[%dma_wait3A_1151, %dma_wait3A_1153, %dma_wait3A_1154] : memref<13x128x16xf32, #tpu.memory_space<vmem>> -> memref<1x128x16xf32, #tpu.memory_space<vmem>>
        %dma_wait3A_1156 = tpu.memref_squeeze %dma_wait3A_1155 : memref<1x128x16xf32, #tpu.memory_space<vmem>> -> memref<128x16xf32, #tpu.memory_space<vmem>>
        %dma_wait3A_1157 = arith.constant 0 : i32
        %dma_wait3A_1158 = tpu.memref_slice %arg6[%add3A_1150, %dma_wait3A_1157] : memref<78x128xi32, #tpu.memory_space<vmem>> -> memref<1x128xi32, #tpu.memory_space<vmem>>
        %dma_wait3A_1159 = tpu.memref_squeeze %dma_wait3A_1158 : memref<1x128xi32, #tpu.memory_space<vmem>> -> memref<128xi32, #tpu.memory_space<vmem>>
        %dma_wait3A_1160 = arith.constant 0 : i32
        %dma_wait3A_1161 = arith.constant 0 : i32
        %dma_wait3A_1162 = tpu.memref_slice %arg11[%dma_wait3A_1160, %dma_wait3A_1161] : memref<10240x16xf32, #tpu.memory_space<vmem_shared>> -> memref<10240x16xf32, #tpu.memory_space<vmem_shared>>
        %dma_wait3A_1163 = tpu.memref_slice %arg13[%dma_wait3A_1152] : memref<13x!tpu.dma_semaphore, #tpu.memory_space<semaphore_mem>> -> memref<1x!tpu.dma_semaphore, #tpu.memory_space<semaphore_mem>>
        %dma_wait3A_1164 = tpu.memref_squeeze %dma_wait3A_1163 : memref<1x!tpu.dma_semaphore, #tpu.memory_space<semaphore_mem>> -> memref<!tpu.dma_semaphore, #tpu.memory_space<semaphore_mem>>
        tpu.wait_indirect_dma semaphore(%dma_wait3A_1164 : memref<!tpu.dma_semaphore, #tpu.memory_space<semaphore_mem>>) src(%dma_wait3A_1156 : memref<128x16xf32, #tpu.memory_space<vmem>>) dst(%dma_wait3A_1162 : memref<10240x16xf32, #tpu.memory_space<vmem_shared>>)
        %add3A_1165 = arith.constant 13 : i32
        %add3A_1166 = arith.addi %mul3A_421, %add3A_1165 : i32
        %add3A_1167 = arith.constant 9 : i32
        %add3A_1168 = arith.addi %add3A_1166, %add3A_1167 : i32
        %dma_start3A_1169 = arith.constant 9 : i32
        %dma_start3A_1170 = arith.constant 9 : i32
        %dma_start3A_1171 = arith.constant 0 : i32
        %dma_start3A_1172 = arith.constant 0 : i32
        %dma_start3A_1173 = tpu.memref_slice %arg9[%dma_start3A_1169, %dma_start3A_1171, %dma_start3A_1172] : memref<13x128x16xf32, #tpu.memory_space<vmem>> -> memref<1x128x16xf32, #tpu.memory_space<vmem>>
        %dma_start3A_1174 = tpu.memref_squeeze %dma_start3A_1173 : memref<1x128x16xf32, #tpu.memory_space<vmem>> -> memref<128x16xf32, #tpu.memory_space<vmem>>
        %dma_start3A_1175 = arith.constant 0 : i32
        %dma_start3A_1176 = tpu.memref_slice %arg5[%add3A_1168, %dma_start3A_1175] : memref<78x128xi32, #tpu.memory_space<vmem>> -> memref<1x128xi32, #tpu.memory_space<vmem>>
        %dma_start3A_1177 = tpu.memref_squeeze %dma_start3A_1176 : memref<1x128xi32, #tpu.memory_space<vmem>> -> memref<128xi32, #tpu.memory_space<vmem>>
        %dma_start3A_1178 = arith.constant 0 : i32
        %dma_start3A_1179 = arith.constant 0 : i32
        %dma_start3A_1180 = tpu.memref_slice %arg3[%dma_start3A_1178, %dma_start3A_1179] : memref<10240x16xf32, #tpu.memory_space<hbm>> -> memref<10240x16xf32, #tpu.memory_space<hbm>>
        %dma_start3A_1181 = tpu.memref_slice %arg12[%dma_start3A_1170] : memref<13x!tpu.dma_semaphore, #tpu.memory_space<semaphore_mem>> -> memref<1x!tpu.dma_semaphore, #tpu.memory_space<semaphore_mem>>
        %dma_start3A_1182 = tpu.memref_squeeze %dma_start3A_1181 : memref<1x!tpu.dma_semaphore, #tpu.memory_space<semaphore_mem>> -> memref<!tpu.dma_semaphore, #tpu.memory_space<semaphore_mem>>
        tpu.enqueue_indirect_dma source(%dma_start3A_1180 : memref<10240x16xf32, #tpu.memory_space<hbm>>) target(%dma_start3A_1174 : memref<128x16xf32, #tpu.memory_space<vmem>>) offsets(%dma_start3A_1177 : memref<128xi32, #tpu.memory_space<vmem>>) semaphore(%dma_start3A_1182 : memref<!tpu.dma_semaphore, #tpu.memory_space<semaphore_mem>>)
        %add3A_1183 = arith.constant 10 : i32
        %add3A_1184 = arith.addi %mul3A_421, %add3A_1183 : i32
        %dma_wait3A_1185 = arith.constant 10 : i32
        %dma_wait3A_1186 = arith.constant 10 : i32
        %dma_wait3A_1187 = arith.constant 0 : i32
        %dma_wait3A_1188 = arith.constant 0 : i32
        %dma_wait3A_1189 = tpu.memref_slice %arg9[%dma_wait3A_1185, %dma_wait3A_1187, %dma_wait3A_1188] : memref<13x128x16xf32, #tpu.memory_space<vmem>> -> memref<1x128x16xf32, #tpu.memory_space<vmem>>
        %dma_wait3A_1190 = tpu.memref_squeeze %dma_wait3A_1189 : memref<1x128x16xf32, #tpu.memory_space<vmem>> -> memref<128x16xf32, #tpu.memory_space<vmem>>
        %dma_wait3A_1191 = arith.constant 0 : i32
        %dma_wait3A_1192 = tpu.memref_slice %arg6[%add3A_1184, %dma_wait3A_1191] : memref<78x128xi32, #tpu.memory_space<vmem>> -> memref<1x128xi32, #tpu.memory_space<vmem>>
        %dma_wait3A_1193 = tpu.memref_squeeze %dma_wait3A_1192 : memref<1x128xi32, #tpu.memory_space<vmem>> -> memref<128xi32, #tpu.memory_space<vmem>>
        %dma_wait3A_1194 = arith.constant 0 : i32
        %dma_wait3A_1195 = arith.constant 0 : i32
        %dma_wait3A_1196 = tpu.memref_slice %arg11[%dma_wait3A_1194, %dma_wait3A_1195] : memref<10240x16xf32, #tpu.memory_space<vmem_shared>> -> memref<10240x16xf32, #tpu.memory_space<vmem_shared>>
        %dma_wait3A_1197 = tpu.memref_slice %arg13[%dma_wait3A_1186] : memref<13x!tpu.dma_semaphore, #tpu.memory_space<semaphore_mem>> -> memref<1x!tpu.dma_semaphore, #tpu.memory_space<semaphore_mem>>
        %dma_wait3A_1198 = tpu.memref_squeeze %dma_wait3A_1197 : memref<1x!tpu.dma_semaphore, #tpu.memory_space<semaphore_mem>> -> memref<!tpu.dma_semaphore, #tpu.memory_space<semaphore_mem>>
        tpu.wait_indirect_dma semaphore(%dma_wait3A_1198 : memref<!tpu.dma_semaphore, #tpu.memory_space<semaphore_mem>>) src(%dma_wait3A_1190 : memref<128x16xf32, #tpu.memory_space<vmem>>) dst(%dma_wait3A_1196 : memref<10240x16xf32, #tpu.memory_space<vmem_shared>>)
        %add3A_1199 = arith.constant 13 : i32
        %add3A_1200 = arith.addi %mul3A_421, %add3A_1199 : i32
        %add3A_1201 = arith.constant 10 : i32
        %add3A_1202 = arith.addi %add3A_1200, %add3A_1201 : i32
        %dma_start3A_1203 = arith.constant 10 : i32
        %dma_start3A_1204 = arith.constant 10 : i32
        %dma_start3A_1205 = arith.constant 0 : i32
        %dma_start3A_1206 = arith.constant 0 : i32
        %dma_start3A_1207 = tpu.memref_slice %arg9[%dma_start3A_1203, %dma_start3A_1205, %dma_start3A_1206] : memref<13x128x16xf32, #tpu.memory_space<vmem>> -> memref<1x128x16xf32, #tpu.memory_space<vmem>>
        %dma_start3A_1208 = tpu.memref_squeeze %dma_start3A_1207 : memref<1x128x16xf32, #tpu.memory_space<vmem>> -> memref<128x16xf32, #tpu.memory_space<vmem>>
        %dma_start3A_1209 = arith.constant 0 : i32
        %dma_start3A_1210 = tpu.memref_slice %arg5[%add3A_1202, %dma_start3A_1209] : memref<78x128xi32, #tpu.memory_space<vmem>> -> memref<1x128xi32, #tpu.memory_space<vmem>>
        %dma_start3A_1211 = tpu.memref_squeeze %dma_start3A_1210 : memref<1x128xi32, #tpu.memory_space<vmem>> -> memref<128xi32, #tpu.memory_space<vmem>>
        %dma_start3A_1212 = arith.constant 0 : i32
        %dma_start3A_1213 = arith.constant 0 : i32
        %dma_start3A_1214 = tpu.memref_slice %arg3[%dma_start3A_1212, %dma_start3A_1213] : memref<10240x16xf32, #tpu.memory_space<hbm>> -> memref<10240x16xf32, #tpu.memory_space<hbm>>
        %dma_start3A_1215 = tpu.memref_slice %arg12[%dma_start3A_1204] : memref<13x!tpu.dma_semaphore, #tpu.memory_space<semaphore_mem>> -> memref<1x!tpu.dma_semaphore, #tpu.memory_space<semaphore_mem>>
        %dma_start3A_1216 = tpu.memref_squeeze %dma_start3A_1215 : memref<1x!tpu.dma_semaphore, #tpu.memory_space<semaphore_mem>> -> memref<!tpu.dma_semaphore, #tpu.memory_space<semaphore_mem>>
        tpu.enqueue_indirect_dma source(%dma_start3A_1214 : memref<10240x16xf32, #tpu.memory_space<hbm>>) target(%dma_start3A_1208 : memref<128x16xf32, #tpu.memory_space<vmem>>) offsets(%dma_start3A_1211 : memref<128xi32, #tpu.memory_space<vmem>>) semaphore(%dma_start3A_1216 : memref<!tpu.dma_semaphore, #tpu.memory_space<semaphore_mem>>)
        %add3A_1217 = arith.constant 11 : i32
        %add3A_1218 = arith.addi %mul3A_421, %add3A_1217 : i32
        %dma_wait3A_1219 = arith.constant 11 : i32
        %dma_wait3A_1220 = arith.constant 11 : i32
        %dma_wait3A_1221 = arith.constant 0 : i32
        %dma_wait3A_1222 = arith.constant 0 : i32
        %dma_wait3A_1223 = tpu.memref_slice %arg9[%dma_wait3A_1219, %dma_wait3A_1221, %dma_wait3A_1222] : memref<13x128x16xf32, #tpu.memory_space<vmem>> -> memref<1x128x16xf32, #tpu.memory_space<vmem>>
        %dma_wait3A_1224 = tpu.memref_squeeze %dma_wait3A_1223 : memref<1x128x16xf32, #tpu.memory_space<vmem>> -> memref<128x16xf32, #tpu.memory_space<vmem>>
        %dma_wait3A_1225 = arith.constant 0 : i32
        %dma_wait3A_1226 = tpu.memref_slice %arg6[%add3A_1218, %dma_wait3A_1225] : memref<78x128xi32, #tpu.memory_space<vmem>> -> memref<1x128xi32, #tpu.memory_space<vmem>>
        %dma_wait3A_1227 = tpu.memref_squeeze %dma_wait3A_1226 : memref<1x128xi32, #tpu.memory_space<vmem>> -> memref<128xi32, #tpu.memory_space<vmem>>
        %dma_wait3A_1228 = arith.constant 0 : i32
        %dma_wait3A_1229 = arith.constant 0 : i32
        %dma_wait3A_1230 = tpu.memref_slice %arg11[%dma_wait3A_1228, %dma_wait3A_1229] : memref<10240x16xf32, #tpu.memory_space<vmem_shared>> -> memref<10240x16xf32, #tpu.memory_space<vmem_shared>>
        %dma_wait3A_1231 = tpu.memref_slice %arg13[%dma_wait3A_1220] : memref<13x!tpu.dma_semaphore, #tpu.memory_space<semaphore_mem>> -> memref<1x!tpu.dma_semaphore, #tpu.memory_space<semaphore_mem>>
        %dma_wait3A_1232 = tpu.memref_squeeze %dma_wait3A_1231 : memref<1x!tpu.dma_semaphore, #tpu.memory_space<semaphore_mem>> -> memref<!tpu.dma_semaphore, #tpu.memory_space<semaphore_mem>>
        tpu.wait_indirect_dma semaphore(%dma_wait3A_1232 : memref<!tpu.dma_semaphore, #tpu.memory_space<semaphore_mem>>) src(%dma_wait3A_1224 : memref<128x16xf32, #tpu.memory_space<vmem>>) dst(%dma_wait3A_1230 : memref<10240x16xf32, #tpu.memory_space<vmem_shared>>)
        %add3A_1233 = arith.constant 13 : i32
        %add3A_1234 = arith.addi %mul3A_421, %add3A_1233 : i32
        %add3A_1235 = arith.constant 11 : i32
        %add3A_1236 = arith.addi %add3A_1234, %add3A_1235 : i32
        %dma_start3A_1237 = arith.constant 11 : i32
        %dma_start3A_1238 = arith.constant 11 : i32
        %dma_start3A_1239 = arith.constant 0 : i32
        %dma_start3A_1240 = arith.constant 0 : i32
        %dma_start3A_1241 = tpu.memref_slice %arg9[%dma_start3A_1237, %dma_start3A_1239, %dma_start3A_1240] : memref<13x128x16xf32, #tpu.memory_space<vmem>> -> memref<1x128x16xf32, #tpu.memory_space<vmem>>
        %dma_start3A_1242 = tpu.memref_squeeze %dma_start3A_1241 : memref<1x128x16xf32, #tpu.memory_space<vmem>> -> memref<128x16xf32, #tpu.memory_space<vmem>>
        %dma_start3A_1243 = arith.constant 0 : i32
        %dma_start3A_1244 = tpu.memref_slice %arg5[%add3A_1236, %dma_start3A_1243] : memref<78x128xi32, #tpu.memory_space<vmem>> -> memref<1x128xi32, #tpu.memory_space<vmem>>
        %dma_start3A_1245 = tpu.memref_squeeze %dma_start3A_1244 : memref<1x128xi32, #tpu.memory_space<vmem>> -> memref<128xi32, #tpu.memory_space<vmem>>
        %dma_start3A_1246 = arith.constant 0 : i32
        %dma_start3A_1247 = arith.constant 0 : i32
        %dma_start3A_1248 = tpu.memref_slice %arg3[%dma_start3A_1246, %dma_start3A_1247] : memref<10240x16xf32, #tpu.memory_space<hbm>> -> memref<10240x16xf32, #tpu.memory_space<hbm>>
        %dma_start3A_1249 = tpu.memref_slice %arg12[%dma_start3A_1238] : memref<13x!tpu.dma_semaphore, #tpu.memory_space<semaphore_mem>> -> memref<1x!tpu.dma_semaphore, #tpu.memory_space<semaphore_mem>>
        %dma_start3A_1250 = tpu.memref_squeeze %dma_start3A_1249 : memref<1x!tpu.dma_semaphore, #tpu.memory_space<semaphore_mem>> -> memref<!tpu.dma_semaphore, #tpu.memory_space<semaphore_mem>>
        tpu.enqueue_indirect_dma source(%dma_start3A_1248 : memref<10240x16xf32, #tpu.memory_space<hbm>>) target(%dma_start3A_1242 : memref<128x16xf32, #tpu.memory_space<vmem>>) offsets(%dma_start3A_1245 : memref<128xi32, #tpu.memory_space<vmem>>) semaphore(%dma_start3A_1250 : memref<!tpu.dma_semaphore, #tpu.memory_space<semaphore_mem>>)
        %add3A_1251 = arith.constant 12 : i32
        %add3A_1252 = arith.addi %mul3A_421, %add3A_1251 : i32
        %dma_wait3A_1253 = arith.constant 12 : i32
        %dma_wait3A_1254 = arith.constant 12 : i32
        %dma_wait3A_1255 = arith.constant 0 : i32
        %dma_wait3A_1256 = arith.constant 0 : i32
        %dma_wait3A_1257 = tpu.memref_slice %arg9[%dma_wait3A_1253, %dma_wait3A_1255, %dma_wait3A_1256] : memref<13x128x16xf32, #tpu.memory_space<vmem>> -> memref<1x128x16xf32, #tpu.memory_space<vmem>>
        %dma_wait3A_1258 = tpu.memref_squeeze %dma_wait3A_1257 : memref<1x128x16xf32, #tpu.memory_space<vmem>> -> memref<128x16xf32, #tpu.memory_space<vmem>>
        %dma_wait3A_1259 = arith.constant 0 : i32
        %dma_wait3A_1260 = tpu.memref_slice %arg6[%add3A_1252, %dma_wait3A_1259] : memref<78x128xi32, #tpu.memory_space<vmem>> -> memref<1x128xi32, #tpu.memory_space<vmem>>
        %dma_wait3A_1261 = tpu.memref_squeeze %dma_wait3A_1260 : memref<1x128xi32, #tpu.memory_space<vmem>> -> memref<128xi32, #tpu.memory_space<vmem>>
        %dma_wait3A_1262 = arith.constant 0 : i32
        %dma_wait3A_1263 = arith.constant 0 : i32
        %dma_wait3A_1264 = tpu.memref_slice %arg11[%dma_wait3A_1262, %dma_wait3A_1263] : memref<10240x16xf32, #tpu.memory_space<vmem_shared>> -> memref<10240x16xf32, #tpu.memory_space<vmem_shared>>
        %dma_wait3A_1265 = tpu.memref_slice %arg13[%dma_wait3A_1254] : memref<13x!tpu.dma_semaphore, #tpu.memory_space<semaphore_mem>> -> memref<1x!tpu.dma_semaphore, #tpu.memory_space<semaphore_mem>>
        %dma_wait3A_1266 = tpu.memref_squeeze %dma_wait3A_1265 : memref<1x!tpu.dma_semaphore, #tpu.memory_space<semaphore_mem>> -> memref<!tpu.dma_semaphore, #tpu.memory_space<semaphore_mem>>
        tpu.wait_indirect_dma semaphore(%dma_wait3A_1266 : memref<!tpu.dma_semaphore, #tpu.memory_space<semaphore_mem>>) src(%dma_wait3A_1258 : memref<128x16xf32, #tpu.memory_space<vmem>>) dst(%dma_wait3A_1264 : memref<10240x16xf32, #tpu.memory_space<vmem_shared>>)
        %add3A_1267 = arith.constant 13 : i32
        %add3A_1268 = arith.addi %mul3A_421, %add3A_1267 : i32
        %add3A_1269 = arith.constant 12 : i32
        %add3A_1270 = arith.addi %add3A_1268, %add3A_1269 : i32
        %dma_start3A_1271 = arith.constant 12 : i32
        %dma_start3A_1272 = arith.constant 12 : i32
        %dma_start3A_1273 = arith.constant 0 : i32
        %dma_start3A_1274 = arith.constant 0 : i32
        %dma_start3A_1275 = tpu.memref_slice %arg9[%dma_start3A_1271, %dma_start3A_1273, %dma_start3A_1274] : memref<13x128x16xf32, #tpu.memory_space<vmem>> -> memref<1x128x16xf32, #tpu.memory_space<vmem>>
        %dma_start3A_1276 = tpu.memref_squeeze %dma_start3A_1275 : memref<1x128x16xf32, #tpu.memory_space<vmem>> -> memref<128x16xf32, #tpu.memory_space<vmem>>
        %dma_start3A_1277 = arith.constant 0 : i32
        %dma_start3A_1278 = tpu.memref_slice %arg5[%add3A_1270, %dma_start3A_1277] : memref<78x128xi32, #tpu.memory_space<vmem>> -> memref<1x128xi32, #tpu.memory_space<vmem>>
        %dma_start3A_1279 = tpu.memref_squeeze %dma_start3A_1278 : memref<1x128xi32, #tpu.memory_space<vmem>> -> memref<128xi32, #tpu.memory_space<vmem>>
        %dma_start3A_1280 = arith.constant 0 : i32
        %dma_start3A_1281 = arith.constant 0 : i32
        %dma_start3A_1282 = tpu.memref_slice %arg3[%dma_start3A_1280, %dma_start3A_1281] : memref<10240x16xf32, #tpu.memory_space<hbm>> -> memref<10240x16xf32, #tpu.memory_space<hbm>>
        %dma_start3A_1283 = tpu.memref_slice %arg12[%dma_start3A_1272] : memref<13x!tpu.dma_semaphore, #tpu.memory_space<semaphore_mem>> -> memref<1x!tpu.dma_semaphore, #tpu.memory_space<semaphore_mem>>
        %dma_start3A_1284 = tpu.memref_squeeze %dma_start3A_1283 : memref<1x!tpu.dma_semaphore, #tpu.memory_space<semaphore_mem>> -> memref<!tpu.dma_semaphore, #tpu.memory_space<semaphore_mem>>
        tpu.enqueue_indirect_dma source(%dma_start3A_1282 : memref<10240x16xf32, #tpu.memory_space<hbm>>) target(%dma_start3A_1276 : memref<128x16xf32, #tpu.memory_space<vmem>>) offsets(%dma_start3A_1279 : memref<128xi32, #tpu.memory_space<vmem>>) semaphore(%dma_start3A_1284 : memref<!tpu.dma_semaphore, #tpu.memory_space<semaphore_mem>>)
      } else {
      }
    }
    %scan3A_213 = arith.constant 6 : i32
    %dma_wait3A = arith.constant 0 : i32
    %dma_wait3A_214 = arith.constant 65 : i32
    %dma_wait3A_215 = arith.constant 0 : i32
    %dma_wait3A_216 = arith.constant 0 : i32
    %dma_wait3A_217 = arith.constant 0 : i32
    %dma_wait3A_218 = tpu.memref_slice %arg9[%dma_wait3A, %dma_wait3A_216, %dma_wait3A_217] : memref<13x128x16xf32, #tpu.memory_space<vmem>> -> memref<1x128x16xf32, #tpu.memory_space<vmem>>
    %dma_wait3A_219 = tpu.memref_squeeze %dma_wait3A_218 : memref<1x128x16xf32, #tpu.memory_space<vmem>> -> memref<128x16xf32, #tpu.memory_space<vmem>>
    %dma_wait3A_220 = arith.constant 0 : i32
    %dma_wait3A_221 = tpu.memref_slice %arg6[%dma_wait3A_214, %dma_wait3A_220] : memref<78x128xi32, #tpu.memory_space<vmem>> -> memref<1x128xi32, #tpu.memory_space<vmem>>
    %dma_wait3A_222 = tpu.memref_squeeze %dma_wait3A_221 : memref<1x128xi32, #tpu.memory_space<vmem>> -> memref<128xi32, #tpu.memory_space<vmem>>
    %dma_wait3A_223 = arith.constant 0 : i32
    %dma_wait3A_224 = arith.constant 0 : i32
    %dma_wait3A_225 = tpu.memref_slice %arg11[%dma_wait3A_223, %dma_wait3A_224] : memref<10240x16xf32, #tpu.memory_space<vmem_shared>> -> memref<10240x16xf32, #tpu.memory_space<vmem_shared>>
    %dma_wait3A_226 = tpu.memref_slice %arg13[%dma_wait3A_215] : memref<13x!tpu.dma_semaphore, #tpu.memory_space<semaphore_mem>> -> memref<1x!tpu.dma_semaphore, #tpu.memory_space<semaphore_mem>>
    %dma_wait3A_227 = tpu.memref_squeeze %dma_wait3A_226 : memref<1x!tpu.dma_semaphore, #tpu.memory_space<semaphore_mem>> -> memref<!tpu.dma_semaphore, #tpu.memory_space<semaphore_mem>>
    tpu.wait_indirect_dma semaphore(%dma_wait3A_227 : memref<!tpu.dma_semaphore, #tpu.memory_space<semaphore_mem>>) src(%dma_wait3A_219 : memref<128x16xf32, #tpu.memory_space<vmem>>) dst(%dma_wait3A_225 : memref<10240x16xf32, #tpu.memory_space<vmem_shared>>)
    %dma_wait3A_228 = arith.constant 1 : i32
    %dma_wait3A_229 = arith.constant 66 : i32
    %dma_wait3A_230 = arith.constant 1 : i32
    %dma_wait3A_231 = arith.constant 0 : i32
    %dma_wait3A_232 = arith.constant 0 : i32
    %dma_wait3A_233 = tpu.memref_slice %arg9[%dma_wait3A_228, %dma_wait3A_231, %dma_wait3A_232] : memref<13x128x16xf32, #tpu.memory_space<vmem>> -> memref<1x128x16xf32, #tpu.memory_space<vmem>>
    %dma_wait3A_234 = tpu.memref_squeeze %dma_wait3A_233 : memref<1x128x16xf32, #tpu.memory_space<vmem>> -> memref<128x16xf32, #tpu.memory_space<vmem>>
    %dma_wait3A_235 = arith.constant 0 : i32
    %dma_wait3A_236 = tpu.memref_slice %arg6[%dma_wait3A_229, %dma_wait3A_235] : memref<78x128xi32, #tpu.memory_space<vmem>> -> memref<1x128xi32, #tpu.memory_space<vmem>>
    %dma_wait3A_237 = tpu.memref_squeeze %dma_wait3A_236 : memref<1x128xi32, #tpu.memory_space<vmem>> -> memref<128xi32, #tpu.memory_space<vmem>>
    %dma_wait3A_238 = arith.constant 0 : i32
    %dma_wait3A_239 = arith.constant 0 : i32
    %dma_wait3A_240 = tpu.memref_slice %arg11[%dma_wait3A_238, %dma_wait3A_239] : memref<10240x16xf32, #tpu.memory_space<vmem_shared>> -> memref<10240x16xf32, #tpu.memory_space<vmem_shared>>
    %dma_wait3A_241 = tpu.memref_slice %arg13[%dma_wait3A_230] : memref<13x!tpu.dma_semaphore, #tpu.memory_space<semaphore_mem>> -> memref<1x!tpu.dma_semaphore, #tpu.memory_space<semaphore_mem>>
    %dma_wait3A_242 = tpu.memref_squeeze %dma_wait3A_241 : memref<1x!tpu.dma_semaphore, #tpu.memory_space<semaphore_mem>> -> memref<!tpu.dma_semaphore, #tpu.memory_space<semaphore_mem>>
    tpu.wait_indirect_dma semaphore(%dma_wait3A_242 : memref<!tpu.dma_semaphore, #tpu.memory_space<semaphore_mem>>) src(%dma_wait3A_234 : memref<128x16xf32, #tpu.memory_space<vmem>>) dst(%dma_wait3A_240 : memref<10240x16xf32, #tpu.memory_space<vmem_shared>>)
    %dma_wait3A_243 = arith.constant 2 : i32
    %dma_wait3A_244 = arith.constant 67 : i32
    %dma_wait3A_245 = arith.constant 2 : i32
    %dma_wait3A_246 = arith.constant 0 : i32
    %dma_wait3A_247 = arith.constant 0 : i32
    %dma_wait3A_248 = tpu.memref_slice %arg9[%dma_wait3A_243, %dma_wait3A_246, %dma_wait3A_247] : memref<13x128x16xf32, #tpu.memory_space<vmem>> -> memref<1x128x16xf32, #tpu.memory_space<vmem>>
    %dma_wait3A_249 = tpu.memref_squeeze %dma_wait3A_248 : memref<1x128x16xf32, #tpu.memory_space<vmem>> -> memref<128x16xf32, #tpu.memory_space<vmem>>
    %dma_wait3A_250 = arith.constant 0 : i32
    %dma_wait3A_251 = tpu.memref_slice %arg6[%dma_wait3A_244, %dma_wait3A_250] : memref<78x128xi32, #tpu.memory_space<vmem>> -> memref<1x128xi32, #tpu.memory_space<vmem>>
    %dma_wait3A_252 = tpu.memref_squeeze %dma_wait3A_251 : memref<1x128xi32, #tpu.memory_space<vmem>> -> memref<128xi32, #tpu.memory_space<vmem>>
    %dma_wait3A_253 = arith.constant 0 : i32
    %dma_wait3A_254 = arith.constant 0 : i32
    %dma_wait3A_255 = tpu.memref_slice %arg11[%dma_wait3A_253, %dma_wait3A_254] : memref<10240x16xf32, #tpu.memory_space<vmem_shared>> -> memref<10240x16xf32, #tpu.memory_space<vmem_shared>>
    %dma_wait3A_256 = tpu.memref_slice %arg13[%dma_wait3A_245] : memref<13x!tpu.dma_semaphore, #tpu.memory_space<semaphore_mem>> -> memref<1x!tpu.dma_semaphore, #tpu.memory_space<semaphore_mem>>
    %dma_wait3A_257 = tpu.memref_squeeze %dma_wait3A_256 : memref<1x!tpu.dma_semaphore, #tpu.memory_space<semaphore_mem>> -> memref<!tpu.dma_semaphore, #tpu.memory_space<semaphore_mem>>
    tpu.wait_indirect_dma semaphore(%dma_wait3A_257 : memref<!tpu.dma_semaphore, #tpu.memory_space<semaphore_mem>>) src(%dma_wait3A_249 : memref<128x16xf32, #tpu.memory_space<vmem>>) dst(%dma_wait3A_255 : memref<10240x16xf32, #tpu.memory_space<vmem_shared>>)
    %dma_wait3A_258 = arith.constant 3 : i32
    %dma_wait3A_259 = arith.constant 68 : i32
    %dma_wait3A_260 = arith.constant 3 : i32
    %dma_wait3A_261 = arith.constant 0 : i32
    %dma_wait3A_262 = arith.constant 0 : i32
    %dma_wait3A_263 = tpu.memref_slice %arg9[%dma_wait3A_258, %dma_wait3A_261, %dma_wait3A_262] : memref<13x128x16xf32, #tpu.memory_space<vmem>> -> memref<1x128x16xf32, #tpu.memory_space<vmem>>
    %dma_wait3A_264 = tpu.memref_squeeze %dma_wait3A_263 : memref<1x128x16xf32, #tpu.memory_space<vmem>> -> memref<128x16xf32, #tpu.memory_space<vmem>>
    %dma_wait3A_265 = arith.constant 0 : i32
    %dma_wait3A_266 = tpu.memref_slice %arg6[%dma_wait3A_259, %dma_wait3A_265] : memref<78x128xi32, #tpu.memory_space<vmem>> -> memref<1x128xi32, #tpu.memory_space<vmem>>
    %dma_wait3A_267 = tpu.memref_squeeze %dma_wait3A_266 : memref<1x128xi32, #tpu.memory_space<vmem>> -> memref<128xi32, #tpu.memory_space<vmem>>
    %dma_wait3A_268 = arith.constant 0 : i32
    %dma_wait3A_269 = arith.constant 0 : i32
    %dma_wait3A_270 = tpu.memref_slice %arg11[%dma_wait3A_268, %dma_wait3A_269] : memref<10240x16xf32, #tpu.memory_space<vmem_shared>> -> memref<10240x16xf32, #tpu.memory_space<vmem_shared>>
    %dma_wait3A_271 = tpu.memref_slice %arg13[%dma_wait3A_260] : memref<13x!tpu.dma_semaphore, #tpu.memory_space<semaphore_mem>> -> memref<1x!tpu.dma_semaphore, #tpu.memory_space<semaphore_mem>>
    %dma_wait3A_272 = tpu.memref_squeeze %dma_wait3A_271 : memref<1x!tpu.dma_semaphore, #tpu.memory_space<semaphore_mem>> -> memref<!tpu.dma_semaphore, #tpu.memory_space<semaphore_mem>>
    tpu.wait_indirect_dma semaphore(%dma_wait3A_272 : memref<!tpu.dma_semaphore, #tpu.memory_space<semaphore_mem>>) src(%dma_wait3A_264 : memref<128x16xf32, #tpu.memory_space<vmem>>) dst(%dma_wait3A_270 : memref<10240x16xf32, #tpu.memory_space<vmem_shared>>)
    %dma_wait3A_273 = arith.constant 4 : i32
    %dma_wait3A_274 = arith.constant 69 : i32
    %dma_wait3A_275 = arith.constant 4 : i32
    %dma_wait3A_276 = arith.constant 0 : i32
    %dma_wait3A_277 = arith.constant 0 : i32
    %dma_wait3A_278 = tpu.memref_slice %arg9[%dma_wait3A_273, %dma_wait3A_276, %dma_wait3A_277] : memref<13x128x16xf32, #tpu.memory_space<vmem>> -> memref<1x128x16xf32, #tpu.memory_space<vmem>>
    %dma_wait3A_279 = tpu.memref_squeeze %dma_wait3A_278 : memref<1x128x16xf32, #tpu.memory_space<vmem>> -> memref<128x16xf32, #tpu.memory_space<vmem>>
    %dma_wait3A_280 = arith.constant 0 : i32
    %dma_wait3A_281 = tpu.memref_slice %arg6[%dma_wait3A_274, %dma_wait3A_280] : memref<78x128xi32, #tpu.memory_space<vmem>> -> memref<1x128xi32, #tpu.memory_space<vmem>>
    %dma_wait3A_282 = tpu.memref_squeeze %dma_wait3A_281 : memref<1x128xi32, #tpu.memory_space<vmem>> -> memref<128xi32, #tpu.memory_space<vmem>>
    %dma_wait3A_283 = arith.constant 0 : i32
    %dma_wait3A_284 = arith.constant 0 : i32
    %dma_wait3A_285 = tpu.memref_slice %arg11[%dma_wait3A_283, %dma_wait3A_284] : memref<10240x16xf32, #tpu.memory_space<vmem_shared>> -> memref<10240x16xf32, #tpu.memory_space<vmem_shared>>
    %dma_wait3A_286 = tpu.memref_slice %arg13[%dma_wait3A_275] : memref<13x!tpu.dma_semaphore, #tpu.memory_space<semaphore_mem>> -> memref<1x!tpu.dma_semaphore, #tpu.memory_space<semaphore_mem>>
    %dma_wait3A_287 = tpu.memref_squeeze %dma_wait3A_286 : memref<1x!tpu.dma_semaphore, #tpu.memory_space<semaphore_mem>> -> memref<!tpu.dma_semaphore, #tpu.memory_space<semaphore_mem>>
    tpu.wait_indirect_dma semaphore(%dma_wait3A_287 : memref<!tpu.dma_semaphore, #tpu.memory_space<semaphore_mem>>) src(%dma_wait3A_279 : memref<128x16xf32, #tpu.memory_space<vmem>>) dst(%dma_wait3A_285 : memref<10240x16xf32, #tpu.memory_space<vmem_shared>>)
    %dma_wait3A_288 = arith.constant 5 : i32
    %dma_wait3A_289 = arith.constant 70 : i32
    %dma_wait3A_290 = arith.constant 5 : i32
    %dma_wait3A_291 = arith.constant 0 : i32
    %dma_wait3A_292 = arith.constant 0 : i32
    %dma_wait3A_293 = tpu.memref_slice %arg9[%dma_wait3A_288, %dma_wait3A_291, %dma_wait3A_292] : memref<13x128x16xf32, #tpu.memory_space<vmem>> -> memref<1x128x16xf32, #tpu.memory_space<vmem>>
    %dma_wait3A_294 = tpu.memref_squeeze %dma_wait3A_293 : memref<1x128x16xf32, #tpu.memory_space<vmem>> -> memref<128x16xf32, #tpu.memory_space<vmem>>
    %dma_wait3A_295 = arith.constant 0 : i32
    %dma_wait3A_296 = tpu.memref_slice %arg6[%dma_wait3A_289, %dma_wait3A_295] : memref<78x128xi32, #tpu.memory_space<vmem>> -> memref<1x128xi32, #tpu.memory_space<vmem>>
    %dma_wait3A_297 = tpu.memref_squeeze %dma_wait3A_296 : memref<1x128xi32, #tpu.memory_space<vmem>> -> memref<128xi32, #tpu.memory_space<vmem>>
    %dma_wait3A_298 = arith.constant 0 : i32
    %dma_wait3A_299 = arith.constant 0 : i32
    %dma_wait3A_300 = tpu.memref_slice %arg11[%dma_wait3A_298, %dma_wait3A_299] : memref<10240x16xf32, #tpu.memory_space<vmem_shared>> -> memref<10240x16xf32, #tpu.memory_space<vmem_shared>>
    %dma_wait3A_301 = tpu.memref_slice %arg13[%dma_wait3A_290] : memref<13x!tpu.dma_semaphore, #tpu.memory_space<semaphore_mem>> -> memref<1x!tpu.dma_semaphore, #tpu.memory_space<semaphore_mem>>
    %dma_wait3A_302 = tpu.memref_squeeze %dma_wait3A_301 : memref<1x!tpu.dma_semaphore, #tpu.memory_space<semaphore_mem>> -> memref<!tpu.dma_semaphore, #tpu.memory_space<semaphore_mem>>
    tpu.wait_indirect_dma semaphore(%dma_wait3A_302 : memref<!tpu.dma_semaphore, #tpu.memory_space<semaphore_mem>>) src(%dma_wait3A_294 : memref<128x16xf32, #tpu.memory_space<vmem>>) dst(%dma_wait3A_300 : memref<10240x16xf32, #tpu.memory_space<vmem_shared>>)
    %dma_wait3A_303 = arith.constant 6 : i32
    %dma_wait3A_304 = arith.constant 71 : i32
    %dma_wait3A_305 = arith.constant 6 : i32
    %dma_wait3A_306 = arith.constant 0 : i32
    %dma_wait3A_307 = arith.constant 0 : i32
    %dma_wait3A_308 = tpu.memref_slice %arg9[%dma_wait3A_303, %dma_wait3A_306, %dma_wait3A_307] : memref<13x128x16xf32, #tpu.memory_space<vmem>> -> memref<1x128x16xf32, #tpu.memory_space<vmem>>
    %dma_wait3A_309 = tpu.memref_squeeze %dma_wait3A_308 : memref<1x128x16xf32, #tpu.memory_space<vmem>> -> memref<128x16xf32, #tpu.memory_space<vmem>>
    %dma_wait3A_310 = arith.constant 0 : i32
    %dma_wait3A_311 = tpu.memref_slice %arg6[%dma_wait3A_304, %dma_wait3A_310] : memref<78x128xi32, #tpu.memory_space<vmem>> -> memref<1x128xi32, #tpu.memory_space<vmem>>
    %dma_wait3A_312 = tpu.memref_squeeze %dma_wait3A_311 : memref<1x128xi32, #tpu.memory_space<vmem>> -> memref<128xi32, #tpu.memory_space<vmem>>
    %dma_wait3A_313 = arith.constant 0 : i32
    %dma_wait3A_314 = arith.constant 0 : i32
    %dma_wait3A_315 = tpu.memref_slice %arg11[%dma_wait3A_313, %dma_wait3A_314] : memref<10240x16xf32, #tpu.memory_space<vmem_shared>> -> memref<10240x16xf32, #tpu.memory_space<vmem_shared>>
    %dma_wait3A_316 = tpu.memref_slice %arg13[%dma_wait3A_305] : memref<13x!tpu.dma_semaphore, #tpu.memory_space<semaphore_mem>> -> memref<1x!tpu.dma_semaphore, #tpu.memory_space<semaphore_mem>>
    %dma_wait3A_317 = tpu.memref_squeeze %dma_wait3A_316 : memref<1x!tpu.dma_semaphore, #tpu.memory_space<semaphore_mem>> -> memref<!tpu.dma_semaphore, #tpu.memory_space<semaphore_mem>>
    tpu.wait_indirect_dma semaphore(%dma_wait3A_317 : memref<!tpu.dma_semaphore, #tpu.memory_space<semaphore_mem>>) src(%dma_wait3A_309 : memref<128x16xf32, #tpu.memory_space<vmem>>) dst(%dma_wait3A_315 : memref<10240x16xf32, #tpu.memory_space<vmem_shared>>)
    %dma_wait3A_318 = arith.constant 7 : i32
    %dma_wait3A_319 = arith.constant 72 : i32
    %dma_wait3A_320 = arith.constant 7 : i32
    %dma_wait3A_321 = arith.constant 0 : i32
    %dma_wait3A_322 = arith.constant 0 : i32
    %dma_wait3A_323 = tpu.memref_slice %arg9[%dma_wait3A_318, %dma_wait3A_321, %dma_wait3A_322] : memref<13x128x16xf32, #tpu.memory_space<vmem>> -> memref<1x128x16xf32, #tpu.memory_space<vmem>>
    %dma_wait3A_324 = tpu.memref_squeeze %dma_wait3A_323 : memref<1x128x16xf32, #tpu.memory_space<vmem>> -> memref<128x16xf32, #tpu.memory_space<vmem>>
    %dma_wait3A_325 = arith.constant 0 : i32
    %dma_wait3A_326 = tpu.memref_slice %arg6[%dma_wait3A_319, %dma_wait3A_325] : memref<78x128xi32, #tpu.memory_space<vmem>> -> memref<1x128xi32, #tpu.memory_space<vmem>>
    %dma_wait3A_327 = tpu.memref_squeeze %dma_wait3A_326 : memref<1x128xi32, #tpu.memory_space<vmem>> -> memref<128xi32, #tpu.memory_space<vmem>>
    %dma_wait3A_328 = arith.constant 0 : i32
    %dma_wait3A_329 = arith.constant 0 : i32
    %dma_wait3A_330 = tpu.memref_slice %arg11[%dma_wait3A_328, %dma_wait3A_329] : memref<10240x16xf32, #tpu.memory_space<vmem_shared>> -> memref<10240x16xf32, #tpu.memory_space<vmem_shared>>
    %dma_wait3A_331 = tpu.memref_slice %arg13[%dma_wait3A_320] : memref<13x!tpu.dma_semaphore, #tpu.memory_space<semaphore_mem>> -> memref<1x!tpu.dma_semaphore, #tpu.memory_space<semaphore_mem>>
    %dma_wait3A_332 = tpu.memref_squeeze %dma_wait3A_331 : memref<1x!tpu.dma_semaphore, #tpu.memory_space<semaphore_mem>> -> memref<!tpu.dma_semaphore, #tpu.memory_space<semaphore_mem>>
    tpu.wait_indirect_dma semaphore(%dma_wait3A_332 : memref<!tpu.dma_semaphore, #tpu.memory_space<semaphore_mem>>) src(%dma_wait3A_324 : memref<128x16xf32, #tpu.memory_space<vmem>>) dst(%dma_wait3A_330 : memref<10240x16xf32, #tpu.memory_space<vmem_shared>>)
    %dma_wait3A_333 = arith.constant 8 : i32
    %dma_wait3A_334 = arith.constant 73 : i32
    %dma_wait3A_335 = arith.constant 8 : i32
    %dma_wait3A_336 = arith.constant 0 : i32
    %dma_wait3A_337 = arith.constant 0 : i32
    %dma_wait3A_338 = tpu.memref_slice %arg9[%dma_wait3A_333, %dma_wait3A_336, %dma_wait3A_337] : memref<13x128x16xf32, #tpu.memory_space<vmem>> -> memref<1x128x16xf32, #tpu.memory_space<vmem>>
    %dma_wait3A_339 = tpu.memref_squeeze %dma_wait3A_338 : memref<1x128x16xf32, #tpu.memory_space<vmem>> -> memref<128x16xf32, #tpu.memory_space<vmem>>
    %dma_wait3A_340 = arith.constant 0 : i32
    %dma_wait3A_341 = tpu.memref_slice %arg6[%dma_wait3A_334, %dma_wait3A_340] : memref<78x128xi32, #tpu.memory_space<vmem>> -> memref<1x128xi32, #tpu.memory_space<vmem>>
    %dma_wait3A_342 = tpu.memref_squeeze %dma_wait3A_341 : memref<1x128xi32, #tpu.memory_space<vmem>> -> memref<128xi32, #tpu.memory_space<vmem>>
    %dma_wait3A_343 = arith.constant 0 : i32
    %dma_wait3A_344 = arith.constant 0 : i32
    %dma_wait3A_345 = tpu.memref_slice %arg11[%dma_wait3A_343, %dma_wait3A_344] : memref<10240x16xf32, #tpu.memory_space<vmem_shared>> -> memref<10240x16xf32, #tpu.memory_space<vmem_shared>>
    %dma_wait3A_346 = tpu.memref_slice %arg13[%dma_wait3A_335] : memref<13x!tpu.dma_semaphore, #tpu.memory_space<semaphore_mem>> -> memref<1x!tpu.dma_semaphore, #tpu.memory_space<semaphore_mem>>
    %dma_wait3A_347 = tpu.memref_squeeze %dma_wait3A_346 : memref<1x!tpu.dma_semaphore, #tpu.memory_space<semaphore_mem>> -> memref<!tpu.dma_semaphore, #tpu.memory_space<semaphore_mem>>
    tpu.wait_indirect_dma semaphore(%dma_wait3A_347 : memref<!tpu.dma_semaphore, #tpu.memory_space<semaphore_mem>>) src(%dma_wait3A_339 : memref<128x16xf32, #tpu.memory_space<vmem>>) dst(%dma_wait3A_345 : memref<10240x16xf32, #tpu.memory_space<vmem_shared>>)
    %dma_wait3A_348 = arith.constant 9 : i32
    %dma_wait3A_349 = arith.constant 74 : i32
    %dma_wait3A_350 = arith.constant 9 : i32
    %dma_wait3A_351 = arith.constant 0 : i32
    %dma_wait3A_352 = arith.constant 0 : i32
    %dma_wait3A_353 = tpu.memref_slice %arg9[%dma_wait3A_348, %dma_wait3A_351, %dma_wait3A_352] : memref<13x128x16xf32, #tpu.memory_space<vmem>> -> memref<1x128x16xf32, #tpu.memory_space<vmem>>
    %dma_wait3A_354 = tpu.memref_squeeze %dma_wait3A_353 : memref<1x128x16xf32, #tpu.memory_space<vmem>> -> memref<128x16xf32, #tpu.memory_space<vmem>>
    %dma_wait3A_355 = arith.constant 0 : i32
    %dma_wait3A_356 = tpu.memref_slice %arg6[%dma_wait3A_349, %dma_wait3A_355] : memref<78x128xi32, #tpu.memory_space<vmem>> -> memref<1x128xi32, #tpu.memory_space<vmem>>
    %dma_wait3A_357 = tpu.memref_squeeze %dma_wait3A_356 : memref<1x128xi32, #tpu.memory_space<vmem>> -> memref<128xi32, #tpu.memory_space<vmem>>
    %dma_wait3A_358 = arith.constant 0 : i32
    %dma_wait3A_359 = arith.constant 0 : i32
    %dma_wait3A_360 = tpu.memref_slice %arg11[%dma_wait3A_358, %dma_wait3A_359] : memref<10240x16xf32, #tpu.memory_space<vmem_shared>> -> memref<10240x16xf32, #tpu.memory_space<vmem_shared>>
    %dma_wait3A_361 = tpu.memref_slice %arg13[%dma_wait3A_350] : memref<13x!tpu.dma_semaphore, #tpu.memory_space<semaphore_mem>> -> memref<1x!tpu.dma_semaphore, #tpu.memory_space<semaphore_mem>>
    %dma_wait3A_362 = tpu.memref_squeeze %dma_wait3A_361 : memref<1x!tpu.dma_semaphore, #tpu.memory_space<semaphore_mem>> -> memref<!tpu.dma_semaphore, #tpu.memory_space<semaphore_mem>>
    tpu.wait_indirect_dma semaphore(%dma_wait3A_362 : memref<!tpu.dma_semaphore, #tpu.memory_space<semaphore_mem>>) src(%dma_wait3A_354 : memref<128x16xf32, #tpu.memory_space<vmem>>) dst(%dma_wait3A_360 : memref<10240x16xf32, #tpu.memory_space<vmem_shared>>)
    %dma_wait3A_363 = arith.constant 10 : i32
    %dma_wait3A_364 = arith.constant 75 : i32
    %dma_wait3A_365 = arith.constant 10 : i32
    %dma_wait3A_366 = arith.constant 0 : i32
    %dma_wait3A_367 = arith.constant 0 : i32
    %dma_wait3A_368 = tpu.memref_slice %arg9[%dma_wait3A_363, %dma_wait3A_366, %dma_wait3A_367] : memref<13x128x16xf32, #tpu.memory_space<vmem>> -> memref<1x128x16xf32, #tpu.memory_space<vmem>>
    %dma_wait3A_369 = tpu.memref_squeeze %dma_wait3A_368 : memref<1x128x16xf32, #tpu.memory_space<vmem>> -> memref<128x16xf32, #tpu.memory_space<vmem>>
    %dma_wait3A_370 = arith.constant 0 : i32
    %dma_wait3A_371 = tpu.memref_slice %arg6[%dma_wait3A_364, %dma_wait3A_370] : memref<78x128xi32, #tpu.memory_space<vmem>> -> memref<1x128xi32, #tpu.memory_space<vmem>>
    %dma_wait3A_372 = tpu.memref_squeeze %dma_wait3A_371 : memref<1x128xi32, #tpu.memory_space<vmem>> -> memref<128xi32, #tpu.memory_space<vmem>>
    %dma_wait3A_373 = arith.constant 0 : i32
    %dma_wait3A_374 = arith.constant 0 : i32
    %dma_wait3A_375 = tpu.memref_slice %arg11[%dma_wait3A_373, %dma_wait3A_374] : memref<10240x16xf32, #tpu.memory_space<vmem_shared>> -> memref<10240x16xf32, #tpu.memory_space<vmem_shared>>
    %dma_wait3A_376 = tpu.memref_slice %arg13[%dma_wait3A_365] : memref<13x!tpu.dma_semaphore, #tpu.memory_space<semaphore_mem>> -> memref<1x!tpu.dma_semaphore, #tpu.memory_space<semaphore_mem>>
    %dma_wait3A_377 = tpu.memref_squeeze %dma_wait3A_376 : memref<1x!tpu.dma_semaphore, #tpu.memory_space<semaphore_mem>> -> memref<!tpu.dma_semaphore, #tpu.memory_space<semaphore_mem>>
    tpu.wait_indirect_dma semaphore(%dma_wait3A_377 : memref<!tpu.dma_semaphore, #tpu.memory_space<semaphore_mem>>) src(%dma_wait3A_369 : memref<128x16xf32, #tpu.memory_space<vmem>>) dst(%dma_wait3A_375 : memref<10240x16xf32, #tpu.memory_space<vmem_shared>>)
    %dma_wait3A_378 = arith.constant 11 : i32
    %dma_wait3A_379 = arith.constant 76 : i32
    %dma_wait3A_380 = arith.constant 11 : i32
    %dma_wait3A_381 = arith.constant 0 : i32
    %dma_wait3A_382 = arith.constant 0 : i32
    %dma_wait3A_383 = tpu.memref_slice %arg9[%dma_wait3A_378, %dma_wait3A_381, %dma_wait3A_382] : memref<13x128x16xf32, #tpu.memory_space<vmem>> -> memref<1x128x16xf32, #tpu.memory_space<vmem>>
    %dma_wait3A_384 = tpu.memref_squeeze %dma_wait3A_383 : memref<1x128x16xf32, #tpu.memory_space<vmem>> -> memref<128x16xf32, #tpu.memory_space<vmem>>
    %dma_wait3A_385 = arith.constant 0 : i32
    %dma_wait3A_386 = tpu.memref_slice %arg6[%dma_wait3A_379, %dma_wait3A_385] : memref<78x128xi32, #tpu.memory_space<vmem>> -> memref<1x128xi32, #tpu.memory_space<vmem>>
    %dma_wait3A_387 = tpu.memref_squeeze %dma_wait3A_386 : memref<1x128xi32, #tpu.memory_space<vmem>> -> memref<128xi32, #tpu.memory_space<vmem>>
    %dma_wait3A_388 = arith.constant 0 : i32
    %dma_wait3A_389 = arith.constant 0 : i32
    %dma_wait3A_390 = tpu.memref_slice %arg11[%dma_wait3A_388, %dma_wait3A_389] : memref<10240x16xf32, #tpu.memory_space<vmem_shared>> -> memref<10240x16xf32, #tpu.memory_space<vmem_shared>>
    %dma_wait3A_391 = tpu.memref_slice %arg13[%dma_wait3A_380] : memref<13x!tpu.dma_semaphore, #tpu.memory_space<semaphore_mem>> -> memref<1x!tpu.dma_semaphore, #tpu.memory_space<semaphore_mem>>
    %dma_wait3A_392 = tpu.memref_squeeze %dma_wait3A_391 : memref<1x!tpu.dma_semaphore, #tpu.memory_space<semaphore_mem>> -> memref<!tpu.dma_semaphore, #tpu.memory_space<semaphore_mem>>
    tpu.wait_indirect_dma semaphore(%dma_wait3A_392 : memref<!tpu.dma_semaphore, #tpu.memory_space<semaphore_mem>>) src(%dma_wait3A_384 : memref<128x16xf32, #tpu.memory_space<vmem>>) dst(%dma_wait3A_390 : memref<10240x16xf32, #tpu.memory_space<vmem_shared>>)
    %dma_wait3A_393 = arith.constant 12 : i32
    %dma_wait3A_394 = arith.constant 77 : i32
    %dma_wait3A_395 = arith.constant 12 : i32
    %dma_wait3A_396 = arith.constant 0 : i32
    %dma_wait3A_397 = arith.constant 0 : i32
    %dma_wait3A_398 = tpu.memref_slice %arg9[%dma_wait3A_393, %dma_wait3A_396, %dma_wait3A_397] : memref<13x128x16xf32, #tpu.memory_space<vmem>> -> memref<1x128x16xf32, #tpu.memory_space<vmem>>
    %dma_wait3A_399 = tpu.memref_squeeze %dma_wait3A_398 : memref<1x128x16xf32, #tpu.memory_space<vmem>> -> memref<128x16xf32, #tpu.memory_space<vmem>>
    %dma_wait3A_400 = arith.constant 0 : i32
    %dma_wait3A_401 = tpu.memref_slice %arg6[%dma_wait3A_394, %dma_wait3A_400] : memref<78x128xi32, #tpu.memory_space<vmem>> -> memref<1x128xi32, #tpu.memory_space<vmem>>
    %dma_wait3A_402 = tpu.memref_squeeze %dma_wait3A_401 : memref<1x128xi32, #tpu.memory_space<vmem>> -> memref<128xi32, #tpu.memory_space<vmem>>
    %dma_wait3A_403 = arith.constant 0 : i32
    %dma_wait3A_404 = arith.constant 0 : i32
    %dma_wait3A_405 = tpu.memref_slice %arg11[%dma_wait3A_403, %dma_wait3A_404] : memref<10240x16xf32, #tpu.memory_space<vmem_shared>> -> memref<10240x16xf32, #tpu.memory_space<vmem_shared>>
    %dma_wait3A_406 = tpu.memref_slice %arg13[%dma_wait3A_395] : memref<13x!tpu.dma_semaphore, #tpu.memory_space<semaphore_mem>> -> memref<1x!tpu.dma_semaphore, #tpu.memory_space<semaphore_mem>>
    %dma_wait3A_407 = tpu.memref_squeeze %dma_wait3A_406 : memref<1x!tpu.dma_semaphore, #tpu.memory_space<semaphore_mem>> -> memref<!tpu.dma_semaphore, #tpu.memory_space<semaphore_mem>>
    tpu.wait_indirect_dma semaphore(%dma_wait3A_407 : memref<!tpu.dma_semaphore, #tpu.memory_space<semaphore_mem>>) src(%dma_wait3A_399 : memref<128x16xf32, #tpu.memory_space<vmem>>) dst(%dma_wait3A_405 : memref<10240x16xf32, #tpu.memory_space<vmem_shared>>)
    %lt3A = arith.constant 4 : i32
    %lt3A_408 = arith.cmpi slt, %add3A, %lt3A : i32
    %convert_element_type3A = arith.extui %lt3A_408 : i1 to i32
    %cond3A = arith.constant 0 : i32
    %cond3A_409 = arith.cmpi ne, %convert_element_type3A, %cond3A : i32
    scf.if %cond3A_409 {
      %add3A_415 = arith.constant 2496 : i32
      %add3A_416 = arith.addi %add3A_415, %add3A : i32
      %run_scoped3A_417 = arith.constant 0 : i32
      "tpu.region"() ({
        %run_scoped3A_425 = tpu.sem_alloc : memref<!tpu.dma_semaphore, #tpu.memory_space<semaphore_mem>>
        %dma_start3A_426 = arith.constant 0 : i32
        %dma_start3A_427 = tpu.memref_slice %arg2[%run_scoped3A_417, %add3A_416, %dma_start3A_426] : memref<2x2500x128xi32, #tpu.memory_space<hbm>> -> memref<1x1x128xi32, #tpu.memory_space<hbm>>
        %dma_start3A_428 = tpu.memref_squeeze %dma_start3A_427 : memref<1x1x128xi32, #tpu.memory_space<hbm>> -> memref<1x128xi32, #tpu.memory_space<hbm>>
        %dma_start3A_429 = arith.constant 0 : i32
        %dma_start3A_430 = tpu.memref_slice %arg2[%run_scoped3A_417, %add3A_416, %dma_start3A_429] : memref<2x2500x128xi32, #tpu.memory_space<hbm>> -> memref<1x1x128xi32, #tpu.memory_space<hbm>>
        %dma_start3A_431 = tpu.memref_squeeze %dma_start3A_430 : memref<1x1x128xi32, #tpu.memory_space<hbm>> -> memref<1x128xi32, #tpu.memory_space<hbm>>
        tpu.enqueue_dma source(%dma_start3A_431 : memref<1x128xi32, #tpu.memory_space<hbm>>) target(%arg7 : memref<1x128xi32, #tpu.memory_space<vmem>>) target_semaphore(%run_scoped3A_425 : memref<!tpu.dma_semaphore, #tpu.memory_space<semaphore_mem>>)
        %dma_wait3A_432 = arith.constant 0 : i32
        %dma_wait3A_433 = tpu.memref_slice %arg2[%run_scoped3A_417, %add3A_416, %dma_wait3A_432] : memref<2x2500x128xi32, #tpu.memory_space<hbm>> -> memref<1x1x128xi32, #tpu.memory_space<hbm>>
        %dma_wait3A_434 = tpu.memref_squeeze %dma_wait3A_433 : memref<1x1x128xi32, #tpu.memory_space<hbm>> -> memref<1x128xi32, #tpu.memory_space<hbm>>
        %dma_wait3A_435 = arith.constant 0 : i32
        %dma_wait3A_436 = tpu.memref_slice %arg2[%run_scoped3A_417, %add3A_416, %dma_wait3A_435] : memref<2x2500x128xi32, #tpu.memory_space<hbm>> -> memref<1x1x128xi32, #tpu.memory_space<hbm>>
        %dma_wait3A_437 = tpu.memref_squeeze %dma_wait3A_436 : memref<1x1x128xi32, #tpu.memory_space<hbm>> -> memref<1x128xi32, #tpu.memory_space<hbm>>
        tpu.wait_dma2 semaphore(%run_scoped3A_425 : memref<!tpu.dma_semaphore, #tpu.memory_space<semaphore_mem>>) src(%dma_wait3A_437 : memref<1x128xi32, #tpu.memory_space<hbm>>) dst(%arg7 : memref<1x128xi32, #tpu.memory_space<vmem>>)
        tpu.yield
      }) : () -> ()
      %add3A_418 = arith.constant 2496 : i32
      %add3A_419 = arith.addi %add3A_418, %add3A : i32
      %run_scoped3A_420 = arith.constant 1 : i32
      "tpu.region"() ({
        %run_scoped3A_425 = tpu.sem_alloc : memref<!tpu.dma_semaphore, #tpu.memory_space<semaphore_mem>>
        %dma_start3A_426 = arith.constant 0 : i32
        %dma_start3A_427 = tpu.memref_slice %arg2[%run_scoped3A_420, %add3A_419, %dma_start3A_426] : memref<2x2500x128xi32, #tpu.memory_space<hbm>> -> memref<1x1x128xi32, #tpu.memory_space<hbm>>
        %dma_start3A_428 = tpu.memref_squeeze %dma_start3A_427 : memref<1x1x128xi32, #tpu.memory_space<hbm>> -> memref<1x128xi32, #tpu.memory_space<hbm>>
        %dma_start3A_429 = arith.constant 0 : i32
        %dma_start3A_430 = tpu.memref_slice %arg2[%run_scoped3A_420, %add3A_419, %dma_start3A_429] : memref<2x2500x128xi32, #tpu.memory_space<hbm>> -> memref<1x1x128xi32, #tpu.memory_space<hbm>>
        %dma_start3A_431 = tpu.memref_squeeze %dma_start3A_430 : memref<1x1x128xi32, #tpu.memory_space<hbm>> -> memref<1x128xi32, #tpu.memory_space<hbm>>
        tpu.enqueue_dma source(%dma_start3A_431 : memref<1x128xi32, #tpu.memory_space<hbm>>) target(%arg8 : memref<1x128xi32, #tpu.memory_space<vmem>>) target_semaphore(%run_scoped3A_425 : memref<!tpu.dma_semaphore, #tpu.memory_space<semaphore_mem>>)
        %dma_wait3A_432 = arith.constant 0 : i32
        %dma_wait3A_433 = tpu.memref_slice %arg2[%run_scoped3A_420, %add3A_419, %dma_wait3A_432] : memref<2x2500x128xi32, #tpu.memory_space<hbm>> -> memref<1x1x128xi32, #tpu.memory_space<hbm>>
        %dma_wait3A_434 = tpu.memref_squeeze %dma_wait3A_433 : memref<1x1x128xi32, #tpu.memory_space<hbm>> -> memref<1x128xi32, #tpu.memory_space<hbm>>
        %dma_wait3A_435 = arith.constant 0 : i32
        %dma_wait3A_436 = tpu.memref_slice %arg2[%run_scoped3A_420, %add3A_419, %dma_wait3A_435] : memref<2x2500x128xi32, #tpu.memory_space<hbm>> -> memref<1x1x128xi32, #tpu.memory_space<hbm>>
        %dma_wait3A_437 = tpu.memref_squeeze %dma_wait3A_436 : memref<1x1x128xi32, #tpu.memory_space<hbm>> -> memref<1x128xi32, #tpu.memory_space<hbm>>
        tpu.wait_dma2 semaphore(%run_scoped3A_425 : memref<!tpu.dma_semaphore, #tpu.memory_space<semaphore_mem>>) src(%dma_wait3A_437 : memref<1x128xi32, #tpu.memory_space<hbm>>) dst(%arg8 : memref<1x128xi32, #tpu.memory_space<vmem>>)
        tpu.yield
      }) : () -> ()
      %run_scoped3A_421 = arith.constant 0 : i32
      %run_scoped3A_422 = arith.constant 0 : i32
      "tpu.region"() ({
        %run_scoped3A_425 = tpu.sem_alloc : memref<!tpu.dma_semaphore, #tpu.memory_space<semaphore_mem>>
        %dma_start3A_426 = arith.constant 0 : i32
        %dma_start3A_427 = arith.constant 0 : i32
        %dma_start3A_428 = tpu.memref_slice %arg9[%run_scoped3A_422, %dma_start3A_426, %dma_start3A_427] : memref<13x128x16xf32, #tpu.memory_space<vmem>> -> memref<1x128x16xf32, #tpu.memory_space<vmem>>
        %dma_start3A_429 = tpu.memref_squeeze %dma_start3A_428 : memref<1x128x16xf32, #tpu.memory_space<vmem>> -> memref<128x16xf32, #tpu.memory_space<vmem>>
        %dma_start3A_430 = arith.constant 0 : i32
        %dma_start3A_431 = tpu.memref_slice %arg7[%run_scoped3A_421, %dma_start3A_430] : memref<1x128xi32, #tpu.memory_space<vmem>> -> memref<1x128xi32, #tpu.memory_space<vmem>>
        %dma_start3A_432 = tpu.memref_squeeze %dma_start3A_431 : memref<1x128xi32, #tpu.memory_space<vmem>> -> memref<128xi32, #tpu.memory_space<vmem>>
        %dma_start3A_433 = arith.constant 0 : i32
        %dma_start3A_434 = arith.constant 0 : i32
        %dma_start3A_435 = tpu.memref_slice %arg3[%dma_start3A_433, %dma_start3A_434] : memref<10240x16xf32, #tpu.memory_space<hbm>> -> memref<10240x16xf32, #tpu.memory_space<hbm>>
        tpu.enqueue_indirect_dma source(%dma_start3A_435 : memref<10240x16xf32, #tpu.memory_space<hbm>>) target(%dma_start3A_429 : memref<128x16xf32, #tpu.memory_space<vmem>>) offsets(%dma_start3A_432 : memref<128xi32, #tpu.memory_space<vmem>>) semaphore(%run_scoped3A_425 : memref<!tpu.dma_semaphore, #tpu.memory_space<semaphore_mem>>)
        %dma_wait3A_436 = arith.constant 0 : i32
        %dma_wait3A_437 = arith.constant 0 : i32
        %dma_wait3A_438 = tpu.memref_slice %arg9[%run_scoped3A_422, %dma_wait3A_436, %dma_wait3A_437] : memref<13x128x16xf32, #tpu.memory_space<vmem>> -> memref<1x128x16xf32, #tpu.memory_space<vmem>>
        %dma_wait3A_439 = tpu.memref_squeeze %dma_wait3A_438 : memref<1x128x16xf32, #tpu.memory_space<vmem>> -> memref<128x16xf32, #tpu.memory_space<vmem>>
        %dma_wait3A_440 = arith.constant 0 : i32
        %dma_wait3A_441 = tpu.memref_slice %arg7[%run_scoped3A_421, %dma_wait3A_440] : memref<1x128xi32, #tpu.memory_space<vmem>> -> memref<1x128xi32, #tpu.memory_space<vmem>>
        %dma_wait3A_442 = tpu.memref_squeeze %dma_wait3A_441 : memref<1x128xi32, #tpu.memory_space<vmem>> -> memref<128xi32, #tpu.memory_space<vmem>>
        %dma_wait3A_443 = arith.constant 0 : i32
        %dma_wait3A_444 = arith.constant 0 : i32
        %dma_wait3A_445 = tpu.memref_slice %arg3[%dma_wait3A_443, %dma_wait3A_444] : memref<10240x16xf32, #tpu.memory_space<hbm>> -> memref<10240x16xf32, #tpu.memory_space<hbm>>
        tpu.wait_indirect_dma semaphore(%run_scoped3A_425 : memref<!tpu.dma_semaphore, #tpu.memory_space<semaphore_mem>>) src(%dma_wait3A_445 : memref<10240x16xf32, #tpu.memory_space<hbm>>) dst(%dma_wait3A_439 : memref<128x16xf32, #tpu.memory_space<vmem>>)
        tpu.yield
      }) : () -> ()
      %run_scoped3A_423 = arith.constant 0 : i32
      %run_scoped3A_424 = arith.constant 0 : i32
      "tpu.region"() ({
        %run_scoped3A_425 = tpu.sem_alloc : memref<!tpu.dma_semaphore, #tpu.memory_space<semaphore_mem>>
        %dma_start3A_426 = arith.constant 0 : i32
        %dma_start3A_427 = arith.constant 0 : i32
        %dma_start3A_428 = tpu.memref_slice %arg9[%run_scoped3A_423, %dma_start3A_426, %dma_start3A_427] : memref<13x128x16xf32, #tpu.memory_space<vmem>> -> memref<1x128x16xf32, #tpu.memory_space<vmem>>
        %dma_start3A_429 = tpu.memref_squeeze %dma_start3A_428 : memref<1x128x16xf32, #tpu.memory_space<vmem>> -> memref<128x16xf32, #tpu.memory_space<vmem>>
        %dma_start3A_430 = arith.constant 0 : i32
        %dma_start3A_431 = tpu.memref_slice %arg8[%run_scoped3A_424, %dma_start3A_430] : memref<1x128xi32, #tpu.memory_space<vmem>> -> memref<1x128xi32, #tpu.memory_space<vmem>>
        %dma_start3A_432 = tpu.memref_squeeze %dma_start3A_431 : memref<1x128xi32, #tpu.memory_space<vmem>> -> memref<128xi32, #tpu.memory_space<vmem>>
        %dma_start3A_433 = arith.constant 0 : i32
        %dma_start3A_434 = arith.constant 0 : i32
        %dma_start3A_435 = tpu.memref_slice %arg11[%dma_start3A_433, %dma_start3A_434] : memref<10240x16xf32, #tpu.memory_space<vmem_shared>> -> memref<10240x16xf32, #tpu.memory_space<vmem_shared>>
        tpu.enqueue_indirect_dma source(%dma_start3A_429 : memref<128x16xf32, #tpu.memory_space<vmem>>) target(%dma_start3A_435 : memref<10240x16xf32, #tpu.memory_space<vmem_shared>>) offsets(%dma_start3A_432 : memref<128xi32, #tpu.memory_space<vmem>>) semaphore(%run_scoped3A_425 : memref<!tpu.dma_semaphore, #tpu.memory_space<semaphore_mem>>) {add = true}
        %dma_wait3A_436 = arith.constant 0 : i32
        %dma_wait3A_437 = arith.constant 0 : i32
        %dma_wait3A_438 = tpu.memref_slice %arg9[%run_scoped3A_423, %dma_wait3A_436, %dma_wait3A_437] : memref<13x128x16xf32, #tpu.memory_space<vmem>> -> memref<1x128x16xf32, #tpu.memory_space<vmem>>
        %dma_wait3A_439 = tpu.memref_squeeze %dma_wait3A_438 : memref<1x128x16xf32, #tpu.memory_space<vmem>> -> memref<128x16xf32, #tpu.memory_space<vmem>>
        %dma_wait3A_440 = arith.constant 0 : i32
        %dma_wait3A_441 = tpu.memref_slice %arg8[%run_scoped3A_424, %dma_wait3A_440] : memref<1x128xi32, #tpu.memory_space<vmem>> -> memref<1x128xi32, #tpu.memory_space<vmem>>
        %dma_wait3A_442 = tpu.memref_squeeze %dma_wait3A_441 : memref<1x128xi32, #tpu.memory_space<vmem>> -> memref<128xi32, #tpu.memory_space<vmem>>
        %dma_wait3A_443 = arith.constant 0 : i32
        %dma_wait3A_444 = arith.constant 0 : i32
        %dma_wait3A_445 = tpu.memref_slice %arg11[%dma_wait3A_443, %dma_wait3A_444] : memref<10240x16xf32, #tpu.memory_space<vmem_shared>> -> memref<10240x16xf32, #tpu.memory_space<vmem_shared>>
        tpu.wait_indirect_dma semaphore(%run_scoped3A_425 : memref<!tpu.dma_semaphore, #tpu.memory_space<semaphore_mem>>) src(%dma_wait3A_439 : memref<128x16xf32, #tpu.memory_space<vmem>>) dst(%dma_wait3A_445 : memref<10240x16xf32, #tpu.memory_space<vmem_shared>>)
        tpu.yield
      }) : () -> ()
    } else {
    }
    %barrier3A_410 = arith.constant 0 : index
    tpu.barrier barrier_id(%barrier3A_410)
    %mul3A_411 = arith.constant 640 : i32
    %mul3A_412 = arith.muli %arg1, %mul3A_411 : i32
    %mul3A_413 = arith.constant 640 : i32
    %mul3A_414 = arith.muli %arg1, %mul3A_413 : i32
    "tpu.region"() ({
      %run_scoped3A_415 = tpu.sem_alloc : memref<!tpu.dma_semaphore, #tpu.memory_space<semaphore_mem>>
      %dma_start3A_416 = arith.constant 0 : i32
      %dma_start3A_417 = tpu.memref_slice %arg4[%arg0, %mul3A_414, %dma_start3A_416] : memref<2x10240x16xf32, #tpu.memory_space<hbm>> -> memref<1x640x16xf32, #tpu.memory_space<hbm>>
      %dma_start3A_418 = tpu.memref_squeeze %dma_start3A_417 : memref<1x640x16xf32, #tpu.memory_space<hbm>> -> memref<640x16xf32, #tpu.memory_space<hbm>>
      %dma_start3A_419 = arith.constant 0 : i32
      %dma_start3A_420 = tpu.memref_slice %arg11[%mul3A_412, %dma_start3A_419] : memref<10240x16xf32, #tpu.memory_space<vmem_shared>> -> memref<640x16xf32, #tpu.memory_space<vmem_shared>>
      tpu.enqueue_dma source(%dma_start3A_420 : memref<640x16xf32, #tpu.memory_space<vmem_shared>>) target(%dma_start3A_418 : memref<640x16xf32, #tpu.memory_space<hbm>>) target_semaphore(%run_scoped3A_415 : memref<!tpu.dma_semaphore, #tpu.memory_space<semaphore_mem>>)
      %dma_wait3A_421 = arith.constant 0 : i32
      %dma_wait3A_422 = tpu.memref_slice %arg4[%arg0, %mul3A_414, %dma_wait3A_421] : memref<2x10240x16xf32, #tpu.memory_space<hbm>> -> memref<1x640x16xf32, #tpu.memory_space<hbm>>
      %dma_wait3A_423 = tpu.memref_squeeze %dma_wait3A_422 : memref<1x640x16xf32, #tpu.memory_space<hbm>> -> memref<640x16xf32, #tpu.memory_space<hbm>>
      %dma_wait3A_424 = arith.constant 0 : i32
      %dma_wait3A_425 = tpu.memref_slice %arg11[%mul3A_412, %dma_wait3A_424] : memref<10240x16xf32, #tpu.memory_space<vmem_shared>> -> memref<640x16xf32, #tpu.memory_space<vmem_shared>>
      tpu.wait_dma2 semaphore(%run_scoped3A_415 : memref<!tpu.dma_semaphore, #tpu.memory_space<semaphore_mem>>) src(%dma_wait3A_425 : memref<640x16xf32, #tpu.memory_space<vmem_shared>>) dst(%dma_wait3A_423 : memref<640x16xf32, #tpu.memory_space<hbm>>)
      tpu.yield
    }) : () -> ()
    return
  }
}

module attributes {stable_mosaic.version = 14 : i64} {
  func.func @_matmul1_body(%arg0: memref<10000x128xf32, #tpu.memory_space<vmem>>, %arg1: memref<128x16xf32, #tpu.memory_space<vmem>>, %arg2: memref<10240x16xf32, #tpu.memory_space<vmem>>) attributes {dimension_semantics = [], scalar_prefetch = 0 : i64, scratch_operands = 0 : i64, tpu.core_type = #tpu.core_type<tc>} {
    %get3A = arith.constant 0 : index
    %get3A_0 = arith.constant 0 : index
    %get3A_1 = vector.load %arg0[%get3A, %get3A_0] : memref<10000x128xf32, #tpu.memory_space<vmem>>, vector<10000x128xf32>
    %get3A_2 = arith.constant 0 : index
    %get3A_3 = arith.constant 0 : index
    %get3A_4 = vector.load %arg1[%get3A_2, %get3A_3] : memref<128x16xf32, #tpu.memory_space<vmem>>, vector<128x16xf32>
    %dot_general3A = arith.constant dense<0.000000e+00> : vector<10000x16xf32>
    %dot_general3A_5 = tpu.matmul %get3A_1, %get3A_4, %dot_general3A {dimension_numbers = #tpu.dot_dimension_numbers<[1], [0], [0], [1], [0, 0, 1, 1], [], []>, precision = #tpu.contract_precision<fp32>, transpose_lhs_hint = false} : vector<10000x128xf32>, vector<128x16xf32>, vector<10000x16xf32> -> vector<10000x16xf32>
    %swap3A = arith.constant 0 : index
    %swap3A_6 = arith.constant 0 : index
    %swap3A_7 = vector.load %arg2[%swap3A, %swap3A_6] : memref<10240x16xf32, #tpu.memory_space<vmem>>, vector<10000x16xf32>
    tpu.vector_store %arg2[%swap3A, %swap3A_6], %dot_general3A_5 {strides = array<i32>} : memref<10240x16xf32, #tpu.memory_space<vmem>>, vector<10000x16xf32>,
    %broadcast_in_dim3A = arith.constant 0.000000e+00 : f32
    %broadcast_in_dim3A_8 = vector.broadcast %broadcast_in_dim3A : f32 to vector<240x16xf32>
    %swap3A_9 = arith.constant 10000 : index
    %swap3A_10 = arith.constant 0 : index
    %swap3A_11 = vector.load %arg2[%swap3A_9, %swap3A_10] : memref<10240x16xf32, #tpu.memory_space<vmem>>, vector<240x16xf32>
    tpu.vector_store %arg2[%swap3A_9, %swap3A_10], %broadcast_in_dim3A_8 {strides = array<i32>} : memref<10240x16xf32, #tpu.memory_space<vmem>>, vector<240x16xf32>,
    return
  }
}

module attributes {stable_mosaic.version = 14 : i64} {
  func.func @_scale_body(%arg0: memref<2x1280x128xf32, #tpu.memory_space<vmem>>, %arg1: memref<1280x128xf32, #tpu.memory_space<vmem>>, %arg2: memref<1280x128xf32, #tpu.memory_space<vmem>>, %arg3: memref<1280x128xf32, #tpu.memory_space<vmem>>) attributes {dimension_semantics = [], scalar_prefetch = 0 : i64, scratch_operands = 0 : i64, tpu.core_type = #tpu.core_type<tc>} {
    %get3A = arith.constant 0 : index
    %get3A_0 = arith.constant 0 : index
    %get3A_1 = arith.constant 0 : index
    %get3A_2 = vector.load %arg0[%get3A, %get3A_0, %get3A_1] : memref<2x1280x128xf32, #tpu.memory_space<vmem>>, vector<1x1280x128xf32>
    %get3A_3 = vector.shape_cast %get3A_2 : vector<1x1280x128xf32> to vector<1280x128xf32>
    %get3A_4 = arith.constant 1 : index
    %get3A_5 = arith.constant 0 : index
    %get3A_6 = arith.constant 0 : index
    %get3A_7 = vector.load %arg0[%get3A_4, %get3A_5, %get3A_6] : memref<2x1280x128xf32, #tpu.memory_space<vmem>>, vector<1x1280x128xf32>
    %get3A_8 = vector.shape_cast %get3A_7 : vector<1x1280x128xf32> to vector<1280x128xf32>
    %add3A = arith.addf %get3A_3, %get3A_8 : vector<1280x128xf32>
    %add3A_9 = arith.constant 1.000000e+00 : f32
    %add3A_10 = vector.broadcast %add3A_9 : f32 to vector<1280x128xf32>
    %add3A_11 = arith.addf %add3A, %add3A_10 : vector<1280x128xf32>
    %rsqrt3A = math.rsqrt %add3A_11 : vector<1280x128xf32>
    %swap3A = arith.constant 0 : index
    %swap3A_12 = arith.constant 0 : index
    %swap3A_13 = vector.load %arg3[%swap3A, %swap3A_12] : memref<1280x128xf32, #tpu.memory_space<vmem>>, vector<1280x128xf32>
    tpu.vector_store %arg3[%swap3A, %swap3A_12], %rsqrt3A {strides = array<i32>} : memref<1280x128xf32, #tpu.memory_space<vmem>>, vector<1280x128xf32>,
    %get3A_14 = arith.constant 0 : index
    %get3A_15 = arith.constant 0 : index
    %get3A_16 = vector.load %arg1[%get3A_14, %get3A_15] : memref<1280x128xf32, #tpu.memory_space<vmem>>, vector<1280x128xf32>
    %mul3A = arith.mulf %get3A_16, %rsqrt3A : vector<1280x128xf32>
    %swap3A_17 = arith.constant 0 : index
    %swap3A_18 = arith.constant 0 : index
    %swap3A_19 = vector.load %arg2[%swap3A_17, %swap3A_18] : memref<1280x128xf32, #tpu.memory_space<vmem>>, vector<1280x128xf32>
    tpu.vector_store %arg2[%swap3A_17, %swap3A_18], %mul3A {strides = array<i32>} : memref<1280x128xf32, #tpu.memory_space<vmem>>, vector<1280x128xf32>,
    return
  }
}

module attributes {stable_mosaic.version = 14 : i64} {
  func.func @_post1_body(%arg0: memref<2x1280x128xf32, #tpu.memory_space<vmem>>, %arg1: memref<1280x128xf32, #tpu.memory_space<vmem>>, %arg2: memref<1280x128xf32, #tpu.memory_space<vmem>>, %arg3: memref<1x128xf32, #tpu.memory_space<vmem>>, %arg4: memref<1280x128xf32, #tpu.memory_space<vmem>>, %arg5: memref<1280x128xf32, #tpu.memory_space<vmem>>) attributes {dimension_semantics = [], scalar_prefetch = 0 : i64, scratch_operands = 0 : i64, tpu.core_type = #tpu.core_type<tc>} {
    %get3A = arith.constant 0 : index
    %get3A_0 = arith.constant 0 : index
    %get3A_1 = vector.load %arg1[%get3A, %get3A_0] : memref<1280x128xf32, #tpu.memory_space<vmem>>, vector<1280x128xf32>
    %get3A_2 = arith.constant 0 : index
    %get3A_3 = arith.constant 0 : index
    %get3A_4 = arith.constant 0 : index
    %get3A_5 = vector.load %arg0[%get3A_2, %get3A_3, %get3A_4] : memref<2x1280x128xf32, #tpu.memory_space<vmem>>, vector<1x1280x128xf32>
    %get3A_6 = vector.shape_cast %get3A_5 : vector<1x1280x128xf32> to vector<1280x128xf32>
    %get3A_7 = arith.constant 1 : index
    %get3A_8 = arith.constant 0 : index
    %get3A_9 = arith.constant 0 : index
    %get3A_10 = vector.load %arg0[%get3A_7, %get3A_8, %get3A_9] : memref<2x1280x128xf32, #tpu.memory_space<vmem>>, vector<1x1280x128xf32>
    %get3A_11 = vector.shape_cast %get3A_10 : vector<1x1280x128xf32> to vector<1280x128xf32>
    %add3A = arith.addf %get3A_6, %get3A_11 : vector<1280x128xf32>
    %mul3A = arith.mulf %get3A_1, %add3A : vector<1280x128xf32>
    %mul3A_12 = arith.mulf %get3A_1, %get3A_1 : vector<1280x128xf32>
    %get3A_13 = arith.constant 0 : index
    %get3A_14 = arith.constant 0 : index
    %get3A_15 = vector.load %arg2[%get3A_13, %get3A_14] : memref<1280x128xf32, #tpu.memory_space<vmem>>, vector<1280x128xf32>
    %mul3A_16 = arith.mulf %mul3A_12, %get3A_15 : vector<1280x128xf32>
    %add3A_17 = arith.addf %mul3A, %mul3A_16 : vector<1280x128xf32>
    %get3A_18 = arith.constant 0 : index
    %get3A_19 = arith.constant 0 : index
    %get3A_20 = vector.load %arg3[%get3A_18, %get3A_19] : memref<1x128xf32, #tpu.memory_space<vmem>>, vector<1x128xf32>
    %add3A_21 = vector.broadcast %get3A_20 : vector<1x128xf32> to vector<1280x128xf32>
    %add3A_22 = arith.addf %add3A_17, %add3A_21 : vector<1280x128xf32>
    %max3A = arith.constant 0.000000e+00 : f32
    %max3A_23 = vector.broadcast %max3A : f32 to vector<1280x128xf32>
    %max3A_24 = arith.maximumf %add3A_22, %max3A_23 : vector<1280x128xf32>
    %swap3A = arith.constant 0 : index
    %swap3A_25 = arith.constant 0 : index
    %swap3A_26 = vector.load %arg4[%swap3A, %swap3A_25] : memref<1280x128xf32, #tpu.memory_space<vmem>>, vector<1280x128xf32>
    tpu.vector_store %arg4[%swap3A, %swap3A_25], %max3A_24 {strides = array<i32>} : memref<1280x128xf32, #tpu.memory_space<vmem>>, vector<1280x128xf32>,
    %mul3A_27 = arith.mulf %max3A_24, %get3A_1 : vector<1280x128xf32>
    %swap3A_28 = arith.constant 0 : index
    %swap3A_29 = arith.constant 0 : index
    %swap3A_30 = vector.load %arg5[%swap3A_28, %swap3A_29] : memref<1280x128xf32, #tpu.memory_space<vmem>>, vector<1280x128xf32>
    tpu.vector_store %arg5[%swap3A_28, %swap3A_29], %mul3A_27 {strides = array<i32>} : memref<1280x128xf32, #tpu.memory_space<vmem>>, vector<1280x128xf32>,
    return
  }
}

module attributes {stable_mosaic.version = 14 : i64} {
  func.func @_final_body(%arg0: memref<2x1280x128xf32, #tpu.memory_space<vmem>>, %arg1: memref<1280x128xf32, #tpu.memory_space<vmem>>, %arg2: memref<1280x128xf32, #tpu.memory_space<vmem>>, %arg3: memref<128x1024xf32, #tpu.memory_space<vmem>>, %arg4: memref<1x128xf32, #tpu.memory_space<vmem>>, %arg5: memref<1280x1024xf32, #tpu.memory_space<vmem>>) attributes {dimension_semantics = [], scalar_prefetch = 0 : i64, scratch_operands = 0 : i64, tpu.core_type = #tpu.core_type<tc>} {
    %get3A = arith.constant 0 : index
    %get3A_0 = arith.constant 0 : index
    %get3A_1 = vector.load %arg1[%get3A, %get3A_0] : memref<1280x128xf32, #tpu.memory_space<vmem>>, vector<1280x128xf32>
    %get3A_2 = arith.constant 0 : index
    %get3A_3 = arith.constant 0 : index
    %get3A_4 = arith.constant 0 : index
    %get3A_5 = vector.load %arg0[%get3A_2, %get3A_3, %get3A_4] : memref<2x1280x128xf32, #tpu.memory_space<vmem>>, vector<1x1280x128xf32>
    %get3A_6 = vector.shape_cast %get3A_5 : vector<1x1280x128xf32> to vector<1280x128xf32>
    %get3A_7 = arith.constant 1 : index
    %get3A_8 = arith.constant 0 : index
    %get3A_9 = arith.constant 0 : index
    %get3A_10 = vector.load %arg0[%get3A_7, %get3A_8, %get3A_9] : memref<2x1280x128xf32, #tpu.memory_space<vmem>>, vector<1x1280x128xf32>
    %get3A_11 = vector.shape_cast %get3A_10 : vector<1x1280x128xf32> to vector<1280x128xf32>
    %add3A = arith.addf %get3A_6, %get3A_11 : vector<1280x128xf32>
    %mul3A = arith.mulf %get3A_1, %add3A : vector<1280x128xf32>
    %mul3A_12 = arith.mulf %get3A_1, %get3A_1 : vector<1280x128xf32>
    %get3A_13 = arith.constant 0 : index
    %get3A_14 = arith.constant 0 : index
    %get3A_15 = vector.load %arg2[%get3A_13, %get3A_14] : memref<1280x128xf32, #tpu.memory_space<vmem>>, vector<1280x128xf32>
    %mul3A_16 = arith.mulf %mul3A_12, %get3A_15 : vector<1280x128xf32>
    %add3A_17 = arith.addf %mul3A, %mul3A_16 : vector<1280x128xf32>
    %get3A_18 = arith.constant 0 : index
    %get3A_19 = arith.constant 0 : index
    %get3A_20 = vector.load %arg3[%get3A_18, %get3A_19] : memref<128x1024xf32, #tpu.memory_space<vmem>>, vector<128x1024xf32>
    %dot_general3A = arith.constant dense<0.000000e+00> : vector<1280x1024xf32>
    %dot_general3A_21 = tpu.matmul %add3A_17, %get3A_20, %dot_general3A {dimension_numbers = #tpu.dot_dimension_numbers<[1], [0], [0], [1], [0, 0, 1, 1], [], []>, precision = #tpu.contract_precision<fp32>, transpose_lhs_hint = false} : vector<1280x128xf32>, vector<128x1024xf32>, vector<1280x1024xf32> -> vector<1280x1024xf32>
    %slice3A = vector.extract_strided_slice %dot_general3A_21 {offsets = [0, 0], sizes = [1280, 128], strides = [1, 1]} : vector<1280x1024xf32> to vector<1280x128xf32>
    %get3A_22 = arith.constant 0 : index
    %get3A_23 = arith.constant 0 : index
    %get3A_24 = vector.load %arg4[%get3A_22, %get3A_23] : memref<1x128xf32, #tpu.memory_space<vmem>>, vector<1x128xf32>
    %add3A_25 = vector.broadcast %get3A_24 : vector<1x128xf32> to vector<1280x128xf32>
    %add3A_26 = arith.addf %slice3A, %add3A_25 : vector<1280x128xf32>
    %reduce_max3A = arith.constant dense<0xFF800000> : vector<1280xf32>
    %reduce_max3A_27 = vector.multi_reduction <maximumf>, %add3A_26, %reduce_max3A [1] : vector<1280x128xf32> to vector<1280xf32>
    %broadcast_in_dim3A = vector.shape_cast %reduce_max3A_27 : vector<1280xf32> to vector<1280x1xf32>
    %sub3A = vector.broadcast %broadcast_in_dim3A : vector<1280x1xf32> to vector<1280x128xf32>
    %sub3A_28 = arith.subf %add3A_26, %sub3A : vector<1280x128xf32>
    %exp3A = math.exp %sub3A_28 : vector<1280x128xf32>
    %reduce_sum3A = arith.constant dense<0.000000e+00> : vector<1280xf32>
    %reduce_sum3A_29 = vector.multi_reduction <add>, %exp3A, %reduce_sum3A [1] : vector<1280x128xf32> to vector<1280xf32>
    %broadcast_in_dim3A_30 = vector.shape_cast %reduce_sum3A_29 : vector<1280xf32> to vector<1280x1xf32>
    %log3A = math.log %broadcast_in_dim3A_30 : vector<1280x1xf32>
    %sub3A_31 = vector.broadcast %log3A : vector<1280x1xf32> to vector<1280x128xf32>
    %sub3A_32 = arith.subf %sub3A_28, %sub3A_31 : vector<1280x128xf32>
    %swap3A = arith.constant 0 : index
    %swap3A_33 = arith.constant 0 : index
    %swap3A_34 = vector.load %arg5[%swap3A, %swap3A_33] : memref<1280x1024xf32, #tpu.memory_space<vmem>>, vector<1280x128xf32>
    tpu.vector_store %arg5[%swap3A, %swap3A_33], %sub3A_32 {strides = array<i32>} : memref<1280x1024xf32, #tpu.memory_space<vmem>>, vector<1280x128xf32>,
    %slice3A_35 = vector.extract_strided_slice %dot_general3A_21 {offsets = [0, 128], sizes = [1280, 128], strides = [1, 1]} : vector<1280x1024xf32> to vector<1280x128xf32>
    %get3A_36 = arith.constant 0 : index
    %get3A_37 = arith.constant 0 : index
    %get3A_38 = vector.load %arg4[%get3A_36, %get3A_37] : memref<1x128xf32, #tpu.memory_space<vmem>>, vector<1x128xf32>
    %add3A_39 = vector.broadcast %get3A_38 : vector<1x128xf32> to vector<1280x128xf32>
    %add3A_40 = arith.addf %slice3A_35, %add3A_39 : vector<1280x128xf32>
    %reduce_max3A_41 = arith.constant dense<0xFF800000> : vector<1280xf32>
    %reduce_max3A_42 = vector.multi_reduction <maximumf>, %add3A_40, %reduce_max3A_41 [1] : vector<1280x128xf32> to vector<1280xf32>
    %broadcast_in_dim3A_43 = vector.shape_cast %reduce_max3A_42 : vector<1280xf32> to vector<1280x1xf32>
    %sub3A_44 = vector.broadcast %broadcast_in_dim3A_43 : vector<1280x1xf32> to vector<1280x128xf32>
    %sub3A_45 = arith.subf %add3A_40, %sub3A_44 : vector<1280x128xf32>
    %exp3A_46 = math.exp %sub3A_45 : vector<1280x128xf32>
    %reduce_sum3A_47 = arith.constant dense<0.000000e+00> : vector<1280xf32>
    %reduce_sum3A_48 = vector.multi_reduction <add>, %exp3A_46, %reduce_sum3A_47 [1] : vector<1280x128xf32> to vector<1280xf32>
    %broadcast_in_dim3A_49 = vector.shape_cast %reduce_sum3A_48 : vector<1280xf32> to vector<1280x1xf32>
    %log3A_50 = math.log %broadcast_in_dim3A_49 : vector<1280x1xf32>
    %sub3A_51 = vector.broadcast %log3A_50 : vector<1280x1xf32> to vector<1280x128xf32>
    %sub3A_52 = arith.subf %sub3A_45, %sub3A_51 : vector<1280x128xf32>
    %swap3A_53 = arith.constant 0 : index
    %swap3A_54 = arith.constant 128 : index
    %swap3A_55 = vector.load %arg5[%swap3A_53, %swap3A_54] : memref<1280x1024xf32, #tpu.memory_space<vmem>>, vector<1280x128xf32>
    tpu.vector_store %arg5[%swap3A_53, %swap3A_54], %sub3A_52 {strides = array<i32>} : memref<1280x1024xf32, #tpu.memory_space<vmem>>, vector<1280x128xf32>,
    %slice3A_56 = vector.extract_strided_slice %dot_general3A_21 {offsets = [0, 256], sizes = [1280, 128], strides = [1, 1]} : vector<1280x1024xf32> to vector<1280x128xf32>
    %get3A_57 = arith.constant 0 : index
    %get3A_58 = arith.constant 0 : index
    %get3A_59 = vector.load %arg4[%get3A_57, %get3A_58] : memref<1x128xf32, #tpu.memory_space<vmem>>, vector<1x128xf32>
    %add3A_60 = vector.broadcast %get3A_59 : vector<1x128xf32> to vector<1280x128xf32>
    %add3A_61 = arith.addf %slice3A_56, %add3A_60 : vector<1280x128xf32>
    %reduce_max3A_62 = arith.constant dense<0xFF800000> : vector<1280xf32>
    %reduce_max3A_63 = vector.multi_reduction <maximumf>, %add3A_61, %reduce_max3A_62 [1] : vector<1280x128xf32> to vector<1280xf32>
    %broadcast_in_dim3A_64 = vector.shape_cast %reduce_max3A_63 : vector<1280xf32> to vector<1280x1xf32>
    %sub3A_65 = vector.broadcast %broadcast_in_dim3A_64 : vector<1280x1xf32> to vector<1280x128xf32>
    %sub3A_66 = arith.subf %add3A_61, %sub3A_65 : vector<1280x128xf32>
    %exp3A_67 = math.exp %sub3A_66 : vector<1280x128xf32>
    %reduce_sum3A_68 = arith.constant dense<0.000000e+00> : vector<1280xf32>
    %reduce_sum3A_69 = vector.multi_reduction <add>, %exp3A_67, %reduce_sum3A_68 [1] : vector<1280x128xf32> to vector<1280xf32>
    %broadcast_in_dim3A_70 = vector.shape_cast %reduce_sum3A_69 : vector<1280xf32> to vector<1280x1xf32>
    %log3A_71 = math.log %broadcast_in_dim3A_70 : vector<1280x1xf32>
    %sub3A_72 = vector.broadcast %log3A_71 : vector<1280x1xf32> to vector<1280x128xf32>
    %sub3A_73 = arith.subf %sub3A_66, %sub3A_72 : vector<1280x128xf32>
    %swap3A_74 = arith.constant 0 : index
    %swap3A_75 = arith.constant 256 : index
    %swap3A_76 = vector.load %arg5[%swap3A_74, %swap3A_75] : memref<1280x1024xf32, #tpu.memory_space<vmem>>, vector<1280x128xf32>
    tpu.vector_store %arg5[%swap3A_74, %swap3A_75], %sub3A_73 {strides = array<i32>} : memref<1280x1024xf32, #tpu.memory_space<vmem>>, vector<1280x128xf32>,
    %slice3A_77 = vector.extract_strided_slice %dot_general3A_21 {offsets = [0, 384], sizes = [1280, 128], strides = [1, 1]} : vector<1280x1024xf32> to vector<1280x128xf32>
    %get3A_78 = arith.constant 0 : index
    %get3A_79 = arith.constant 0 : index
    %get3A_80 = vector.load %arg4[%get3A_78, %get3A_79] : memref<1x128xf32, #tpu.memory_space<vmem>>, vector<1x128xf32>
    %add3A_81 = vector.broadcast %get3A_80 : vector<1x128xf32> to vector<1280x128xf32>
    %add3A_82 = arith.addf %slice3A_77, %add3A_81 : vector<1280x128xf32>
    %reduce_max3A_83 = arith.constant dense<0xFF800000> : vector<1280xf32>
    %reduce_max3A_84 = vector.multi_reduction <maximumf>, %add3A_82, %reduce_max3A_83 [1] : vector<1280x128xf32> to vector<1280xf32>
    %broadcast_in_dim3A_85 = vector.shape_cast %reduce_max3A_84 : vector<1280xf32> to vector<1280x1xf32>
    %sub3A_86 = vector.broadcast %broadcast_in_dim3A_85 : vector<1280x1xf32> to vector<1280x128xf32>
    %sub3A_87 = arith.subf %add3A_82, %sub3A_86 : vector<1280x128xf32>
    %exp3A_88 = math.exp %sub3A_87 : vector<1280x128xf32>
    %reduce_sum3A_89 = arith.constant dense<0.000000e+00> : vector<1280xf32>
    %reduce_sum3A_90 = vector.multi_reduction <add>, %exp3A_88, %reduce_sum3A_89 [1] : vector<1280x128xf32> to vector<1280xf32>
    %broadcast_in_dim3A_91 = vector.shape_cast %reduce_sum3A_90 : vector<1280xf32> to vector<1280x1xf32>
    %log3A_92 = math.log %broadcast_in_dim3A_91 : vector<1280x1xf32>
    %sub3A_93 = vector.broadcast %log3A_92 : vector<1280x1xf32> to vector<1280x128xf32>
    %sub3A_94 = arith.subf %sub3A_87, %sub3A_93 : vector<1280x128xf32>
    %swap3A_95 = arith.constant 0 : index
    %swap3A_96 = arith.constant 384 : index
    %swap3A_97 = vector.load %arg5[%swap3A_95, %swap3A_96] : memref<1280x1024xf32, #tpu.memory_space<vmem>>, vector<1280x128xf32>
    tpu.vector_store %arg5[%swap3A_95, %swap3A_96], %sub3A_94 {strides = array<i32>} : memref<1280x1024xf32, #tpu.memory_space<vmem>>, vector<1280x128xf32>,
    %slice3A_98 = vector.extract_strided_slice %dot_general3A_21 {offsets = [0, 512], sizes = [1280, 128], strides = [1, 1]} : vector<1280x1024xf32> to vector<1280x128xf32>
    %get3A_99 = arith.constant 0 : index
    %get3A_100 = arith.constant 0 : index
    %get3A_101 = vector.load %arg4[%get3A_99, %get3A_100] : memref<1x128xf32, #tpu.memory_space<vmem>>, vector<1x128xf32>
    %add3A_102 = vector.broadcast %get3A_101 : vector<1x128xf32> to vector<1280x128xf32>
    %add3A_103 = arith.addf %slice3A_98, %add3A_102 : vector<1280x128xf32>
    %reduce_max3A_104 = arith.constant dense<0xFF800000> : vector<1280xf32>
    %reduce_max3A_105 = vector.multi_reduction <maximumf>, %add3A_103, %reduce_max3A_104 [1] : vector<1280x128xf32> to vector<1280xf32>
    %broadcast_in_dim3A_106 = vector.shape_cast %reduce_max3A_105 : vector<1280xf32> to vector<1280x1xf32>
    %sub3A_107 = vector.broadcast %broadcast_in_dim3A_106 : vector<1280x1xf32> to vector<1280x128xf32>
    %sub3A_108 = arith.subf %add3A_103, %sub3A_107 : vector<1280x128xf32>
    %exp3A_109 = math.exp %sub3A_108 : vector<1280x128xf32>
    %reduce_sum3A_110 = arith.constant dense<0.000000e+00> : vector<1280xf32>
    %reduce_sum3A_111 = vector.multi_reduction <add>, %exp3A_109, %reduce_sum3A_110 [1] : vector<1280x128xf32> to vector<1280xf32>
    %broadcast_in_dim3A_112 = vector.shape_cast %reduce_sum3A_111 : vector<1280xf32> to vector<1280x1xf32>
    %log3A_113 = math.log %broadcast_in_dim3A_112 : vector<1280x1xf32>
    %sub3A_114 = vector.broadcast %log3A_113 : vector<1280x1xf32> to vector<1280x128xf32>
    %sub3A_115 = arith.subf %sub3A_108, %sub3A_114 : vector<1280x128xf32>
    %swap3A_116 = arith.constant 0 : index
    %swap3A_117 = arith.constant 512 : index
    %swap3A_118 = vector.load %arg5[%swap3A_116, %swap3A_117] : memref<1280x1024xf32, #tpu.memory_space<vmem>>, vector<1280x128xf32>
    tpu.vector_store %arg5[%swap3A_116, %swap3A_117], %sub3A_115 {strides = array<i32>} : memref<1280x1024xf32, #tpu.memory_space<vmem>>, vector<1280x128xf32>,
    %slice3A_119 = vector.extract_strided_slice %dot_general3A_21 {offsets = [0, 640], sizes = [1280, 128], strides = [1, 1]} : vector<1280x1024xf32> to vector<1280x128xf32>
    %get3A_120 = arith.constant 0 : index
    %get3A_121 = arith.constant 0 : index
    %get3A_122 = vector.load %arg4[%get3A_120, %get3A_121] : memref<1x128xf32, #tpu.memory_space<vmem>>, vector<1x128xf32>
    %add3A_123 = vector.broadcast %get3A_122 : vector<1x128xf32> to vector<1280x128xf32>
    %add3A_124 = arith.addf %slice3A_119, %add3A_123 : vector<1280x128xf32>
    %reduce_max3A_125 = arith.constant dense<0xFF800000> : vector<1280xf32>
    %reduce_max3A_126 = vector.multi_reduction <maximumf>, %add3A_124, %reduce_max3A_125 [1] : vector<1280x128xf32> to vector<1280xf32>
    %broadcast_in_dim3A_127 = vector.shape_cast %reduce_max3A_126 : vector<1280xf32> to vector<1280x1xf32>
    %sub3A_128 = vector.broadcast %broadcast_in_dim3A_127 : vector<1280x1xf32> to vector<1280x128xf32>
    %sub3A_129 = arith.subf %add3A_124, %sub3A_128 : vector<1280x128xf32>
    %exp3A_130 = math.exp %sub3A_129 : vector<1280x128xf32>
    %reduce_sum3A_131 = arith.constant dense<0.000000e+00> : vector<1280xf32>
    %reduce_sum3A_132 = vector.multi_reduction <add>, %exp3A_130, %reduce_sum3A_131 [1] : vector<1280x128xf32> to vector<1280xf32>
    %broadcast_in_dim3A_133 = vector.shape_cast %reduce_sum3A_132 : vector<1280xf32> to vector<1280x1xf32>
    %log3A_134 = math.log %broadcast_in_dim3A_133 : vector<1280x1xf32>
    %sub3A_135 = vector.broadcast %log3A_134 : vector<1280x1xf32> to vector<1280x128xf32>
    %sub3A_136 = arith.subf %sub3A_129, %sub3A_135 : vector<1280x128xf32>
    %swap3A_137 = arith.constant 0 : index
    %swap3A_138 = arith.constant 640 : index
    %swap3A_139 = vector.load %arg5[%swap3A_137, %swap3A_138] : memref<1280x1024xf32, #tpu.memory_space<vmem>>, vector<1280x128xf32>
    tpu.vector_store %arg5[%swap3A_137, %swap3A_138], %sub3A_136 {strides = array<i32>} : memref<1280x1024xf32, #tpu.memory_space<vmem>>, vector<1280x128xf32>,
    %slice3A_140 = vector.extract_strided_slice %dot_general3A_21 {offsets = [0, 768], sizes = [1280, 128], strides = [1, 1]} : vector<1280x1024xf32> to vector<1280x128xf32>
    %get3A_141 = arith.constant 0 : index
    %get3A_142 = arith.constant 0 : index
    %get3A_143 = vector.load %arg4[%get3A_141, %get3A_142] : memref<1x128xf32, #tpu.memory_space<vmem>>, vector<1x128xf32>
    %add3A_144 = vector.broadcast %get3A_143 : vector<1x128xf32> to vector<1280x128xf32>
    %add3A_145 = arith.addf %slice3A_140, %add3A_144 : vector<1280x128xf32>
    %reduce_max3A_146 = arith.constant dense<0xFF800000> : vector<1280xf32>
    %reduce_max3A_147 = vector.multi_reduction <maximumf>, %add3A_145, %reduce_max3A_146 [1] : vector<1280x128xf32> to vector<1280xf32>
    %broadcast_in_dim3A_148 = vector.shape_cast %reduce_max3A_147 : vector<1280xf32> to vector<1280x1xf32>
    %sub3A_149 = vector.broadcast %broadcast_in_dim3A_148 : vector<1280x1xf32> to vector<1280x128xf32>
    %sub3A_150 = arith.subf %add3A_145, %sub3A_149 : vector<1280x128xf32>
    %exp3A_151 = math.exp %sub3A_150 : vector<1280x128xf32>
    %reduce_sum3A_152 = arith.constant dense<0.000000e+00> : vector<1280xf32>
    %reduce_sum3A_153 = vector.multi_reduction <add>, %exp3A_151, %reduce_sum3A_152 [1] : vector<1280x128xf32> to vector<1280xf32>
    %broadcast_in_dim3A_154 = vector.shape_cast %reduce_sum3A_153 : vector<1280xf32> to vector<1280x1xf32>
    %log3A_155 = math.log %broadcast_in_dim3A_154 : vector<1280x1xf32>
    %sub3A_156 = vector.broadcast %log3A_155 : vector<1280x1xf32> to vector<1280x128xf32>
    %sub3A_157 = arith.subf %sub3A_150, %sub3A_156 : vector<1280x128xf32>
    %swap3A_158 = arith.constant 0 : index
    %swap3A_159 = arith.constant 768 : index
    %swap3A_160 = vector.load %arg5[%swap3A_158, %swap3A_159] : memref<1280x1024xf32, #tpu.memory_space<vmem>>, vector<1280x128xf32>
    tpu.vector_store %arg5[%swap3A_158, %swap3A_159], %sub3A_157 {strides = array<i32>} : memref<1280x1024xf32, #tpu.memory_space<vmem>>, vector<1280x128xf32>,
    %slice3A_161 = vector.extract_strided_slice %dot_general3A_21 {offsets = [0, 896], sizes = [1280, 128], strides = [1, 1]} : vector<1280x1024xf32> to vector<1280x128xf32>
    %get3A_162 = arith.constant 0 : index
    %get3A_163 = arith.constant 0 : index
    %get3A_164 = vector.load %arg4[%get3A_162, %get3A_163] : memref<1x128xf32, #tpu.memory_space<vmem>>, vector<1x128xf32>
    %add3A_165 = vector.broadcast %get3A_164 : vector<1x128xf32> to vector<1280x128xf32>
    %add3A_166 = arith.addf %slice3A_161, %add3A_165 : vector<1280x128xf32>
    %reduce_max3A_167 = arith.constant dense<0xFF800000> : vector<1280xf32>
    %reduce_max3A_168 = vector.multi_reduction <maximumf>, %add3A_166, %reduce_max3A_167 [1] : vector<1280x128xf32> to vector<1280xf32>
    %broadcast_in_dim3A_169 = vector.shape_cast %reduce_max3A_168 : vector<1280xf32> to vector<1280x1xf32>
    %sub3A_170 = vector.broadcast %broadcast_in_dim3A_169 : vector<1280x1xf32> to vector<1280x128xf32>
    %sub3A_171 = arith.subf %add3A_166, %sub3A_170 : vector<1280x128xf32>
    %exp3A_172 = math.exp %sub3A_171 : vector<1280x128xf32>
    %reduce_sum3A_173 = arith.constant dense<0.000000e+00> : vector<1280xf32>
    %reduce_sum3A_174 = vector.multi_reduction <add>, %exp3A_172, %reduce_sum3A_173 [1] : vector<1280x128xf32> to vector<1280xf32>
    %broadcast_in_dim3A_175 = vector.shape_cast %reduce_sum3A_174 : vector<1280xf32> to vector<1280x1xf32>
    %log3A_176 = math.log %broadcast_in_dim3A_175 : vector<1280x1xf32>
    %sub3A_177 = vector.broadcast %log3A_176 : vector<1280x1xf32> to vector<1280x128xf32>
    %sub3A_178 = arith.subf %sub3A_171, %sub3A_177 : vector<1280x128xf32>
    %swap3A_179 = arith.constant 0 : index
    %swap3A_180 = arith.constant 896 : index
    %swap3A_181 = vector.load %arg5[%swap3A_179, %swap3A_180] : memref<1280x1024xf32, #tpu.memory_space<vmem>>, vector<1280x128xf32>
    tpu.vector_store %arg5[%swap3A_179, %swap3A_180], %sub3A_178 {strides = array<i32>} : memref<1280x1024xf32, #tpu.memory_space<vmem>>, vector<1280x128xf32>,
    return
  }
}

</mosaic_0001>

<sc_bundles>
// kernel: kernel.12.cloned.1.call-start
scs
__scs_entry_jumppad:
0x0: {  	(pc) =	sbr.rel $0x88, $3  }
0x1: {  	(tag) =	ssettag $0x0;
	lr =	simm.s32 $0x1  }
0x2: {  	[smem:$0x3F9B] =	sst lr;
	_ =	strace $0xD0000000  }
0x3: {  	_ = 	snop  }
0x4: {  	_ = 	snop  }
0x5: {  	_ = 	snop  }
0x6: {  	_ = 	snop  }
0x7: {  	_ = 	snop  }
__scs_overlays_trampoline_lowered:
0x8: {  	[smem:$0x3FAA] =	sst s0  }
0x9: {  	[smem:$0x3FAB] =	sst s1  }
0xa: {  	[smem:$0x3FAC] =	sst s2  }
0xb: {  	[smem:$0x3FAD] =	sst s3  }
0xc: {  	[smem:$0x3FAE] =	sst s4  }
0xd: {  	[smem:$0x3FAF] =	sst s5  }
0xe: {  	[smem:$0x3FB0] =	sst s6  }
0xf: {  	[smem:$0x3FB1] =	sst s7  }
0x10: {  	[smem:$0x3FB2] =	sst s8  }
0x11: {  	[smem:$0x3FB3] =	sst s9;
	s0 =	simm.s32 @!p0 $0x0  }
0x12: {  	s1 =	sld [smem:$0x3F99];
	s0 =	simm.s32 @p0 $0x1  }
0x13: {  	[smem:$0x3FB4] =	sst s0;
	s0 =	simm.s32 @!p1 $0x0  }
0x14: {  	s2 =	sld [smem:$0x3F98];
	s0 =	simm.s32 @p1 $0x1  }
0x15: {  	[smem:$0x3FB5] =	sst s0;
	s0 =	simm.s32 @!p2 $0x0  }
0x16: {  	s3 =	sld [smem:$0x3FDB];
	s0 =	simm.s32 @p2 $0x1  }
0x17: {  	s4 =	simm.s32 $0x1BF5;
	[smem:$0x3FB7] =	sst s0  }
0x18: {  	s0 =	sld [smem:$0x3F9A];
	_ =	swait.ge [sflag:s4], $0x0  }
0x19: {  	s7 =	sld [smem:$0x3F9B]  }
0x1a: {  	s8 =	sadd.s32 $0xFFFFE003, lr  }
0x1b: {  	s9 =	sadd.s32 $0xFFFFFEF7, lr;
	s5 =	simm.s32 $0xFFFFFFFF;
	p2 =	slt.u32 s8, $0xFFFFF086  }
0x1c: {  	p1 =	slt.u32 s9, $0xF7A;
	s5 =	simm.s32 @!p2 $0x0  }
0x1d: {  	s5 =	simm.s32 @p1 $0x1;
	p0 =	seq.s32 s7, s2  }
0x1e: {  	s7 =	smul.u32 @!p0 $0xF7A, s2;
	p2 =	seq.s32 @!p0 s5, $0x0  }
0x1f: {  	s9 =	smul.u32 $0xF7A, s1;
	s8 =	simm.s32 @!p0 $0x1BF5;
	p2 =	por !p2, p0  }
0x20: {  	[sflag:s8] =	ssyncset.s32 @!p0 $0xFFFFF086;
	s6 =	sadd.s32 @!p0 s3, s7;
	s7 =	simm.s32 @!p0 $0x108  }
0x21: {  	s3 =	sadd.s32 s3, s9;
	s6 =	sadd.s32 @!p0 $0x88, s6;
	s7 =	simm.s32 @p2 $0x1082  }
0x22: {  	[simem:s7], [sflag:s8] =	dma.local @!p0 [hbm:s6], $0xF7A  }
0x23: {  	s9 =	sor.u32 $0xD0000000, s2;
	s6 =	simm.s32 $0x108;
	_ =	swait.ge @!p0 [sflag:s8], $0x0  }
0x24: {  	s3 =	sadd.s32 $0x88, s3;
	s6 =	simm.s32 @!p1 $0x1082;
	[sflag:s4] =	ssyncset.s32 $0xFFFFF086  }
0x25: {  	[simem:s6], [sflag:s4] =	dma.local [hbm:s3], $0xF7A  }
0x26: {  	[smem:$0x3F9B] =	sst s1;
	(tag) =	ssettag s2;
	_ =	strace s9  }
0x27: {  	s1 =	sld [smem:$0x3FAB]  }
0x28: {  	s2 =	sld [smem:$0x3FAC]  }
0x29: {  	s4 =	sld [smem:$0x3FAE]  }
0x2a: {  	p0 =	seq.s32 s5, $0x0;
	s5 =	sld [smem:$0x3FAF]  }
0x2b: {  	s6 =	sld [smem:$0x3FB0]  }
0x2c: {  	s7 =	sld [smem:$0x3FB1]  }
0x2d: {  	s3 =	simm.s32 $0x108;
	s8 =	sld [smem:$0x3FB2]  }
0x2e: {  	s3 =	simm.s32 @!p0 $0x1082;
	s9 =	sld [smem:$0x3FB3]  }
0x2f: {  	lr =	sadd.s32 s0, s3;
	s0 =	sld [smem:$0x3FAA]  }
0x30: {  	s3 =	sld [smem:$0x3FAD]  }
0x31: {  	[smem:$0x3FB6] =	sst s10  }
0x32: {  	s10 =	sld [smem:$0x3FB4];
	_ =	sdelay $0x3  }
0x33: {  	p0 =	seq.s32 s10, $0x1;
	s10 =	sld [smem:$0x3FB6];
	_ =	sdelay $0x3  }
0x34: {  	[smem:$0x3FB6] =	sst s10  }
0x35: {  	s10 =	sld [smem:$0x3FB5];
	_ =	sdelay $0x3  }
0x36: {  	p1 =	seq.s32 s10, $0x1;
	s10 =	sld [smem:$0x3FB6];
	_ =	sdelay $0x3  }
0x37: {  	[smem:$0x3FB6] =	sst s10  }
0x38: {  	s10 =	sld [smem:$0x3FB7]  }
0x39: {  	_ = 	snop;
	(pc) =	sbr.ind lr, $3  }
0x3a: {  	_ = 	snop  }
0x3b: {  	_ = 	snop  }
0x3c: {  	p2 =	seq.s32 s10, $0x1;
	s10 =	sld [smem:$0x3FB6]  }
0x3d: {  	_ =	shalt  }
0x3e: {  	_ =	shalt  }
0x3f: {  	_ =	shalt  }
0x40: {  	_ =	shalt  }
0x41: {  	_ =	shalt  }
0x42: {  	_ =	shalt  }
0x43: {  	_ =	shalt  }
0x44: {  	_ =	shalt  }
0x45: {  	_ =	shalt  }
0x46: {  	_ =	shalt  }
0x47: {  	_ =	shalt  }
0x48: {  	_ =	shalt  }
0x49: {  	_ =	shalt  }
0x4a: {  	_ =	shalt  }
0x4b: {  	_ =	shalt  }
0x4c: {  	_ =	shalt  }
0x4d: {  	_ =	shalt  }
0x4e: {  	_ =	shalt  }
0x4f: {  	_ =	shalt  }
0x50: {  	_ =	shalt  }
0x51: {  	_ =	shalt  }
0x52: {  	_ =	shalt  }
0x53: {  	_ =	shalt  }
0x54: {  	_ =	shalt  }
0x55: {  	_ =	shalt  }
0x56: {  	_ =	shalt  }
0x57: {  	_ =	shalt  }
0x58: {  	_ =	shalt  }
0x59: {  	_ =	shalt  }
0x5a: {  	_ =	shalt  }
0x5b: {  	_ =	shalt  }
0x5c: {  	_ =	shalt  }
0x5d: {  	_ =	shalt  }
0x5e: {  	_ =	shalt  }
0x5f: {  	_ =	shalt  }
0x60: {  	_ =	shalt  }
0x61: {  	_ =	shalt  }
0x62: {  	_ =	shalt  }
0x63: {  	_ =	shalt  }
0x64: {  	_ =	shalt  }
0x65: {  	_ =	shalt  }
0x66: {  	_ =	shalt  }
0x67: {  	_ =	shalt  }
0x68: {  	_ =	shalt  }
0x69: {  	_ =	shalt  }
0x6a: {  	_ =	shalt  }
0x6b: {  	_ =	shalt  }
0x6c: {  	_ =	shalt  }
0x6d: {  	_ =	shalt  }
0x6e: {  	_ =	shalt  }
0x6f: {  	_ =	shalt  }
0x70: {  	_ =	shalt  }
0x71: {  	_ =	shalt  }
0x72: {  	_ =	shalt  }
0x73: {  	_ =	shalt  }
0x74: {  	_ =	shalt  }
0x75: {  	_ =	shalt  }
0x76: {  	_ =	shalt  }
0x77: {  	_ =	shalt  }
0x78: {  	_ =	shalt  }
0x79: {  	_ =	shalt  }
0x7a: {  	_ =	shalt  }
0x7b: {  	_ =	shalt  }
0x7c: {  	_ =	shalt  }
0x7d: {  	_ =	shalt  }
0x7e: {  	_ =	shalt  }
0x7f: {  	_ =	shalt  }
0x80: {  	_ =	shalt  }
0x81: {  	_ =	shalt  }
0x82: {  	_ =	shalt  }
0x83: {  	_ =	shalt  }
0x84: {  	_ =	shalt  }
0x85: {  	_ =	shalt  }
0x86: {  	_ =	shalt  }
0x87: {  	_ =	shalt  }
.Lfunc_end0:
.L_simem_size_0:
called_computation.1_lowered:
.L_overlay_start_0:
0x88: {  	s2 =	sld [smem:$0x3FD9]  }
0x89: {  	s3 =	sld [smem:$0x3FFE];
	_ =	sdelay $0x1  }
0x8a: {  	s1 =	srdreg.scid  }
0x8b: {  	s0 =	sand.u32 $0x1, s1  }
0x8c: {  	s17 =	sshll.u32 s0, $0xA;
	s2 =	sadd.s32 s3, s2  }
0x8d: {  	s2 =	sadd.s32 s2, s17  }
0x8e: {  	[smem:$0x3FC2] =	sst s2  }
0x8f: {  	_ = 	snop  }
0x90: {  	s2 =	sld [smem:$0x3FD0];
	(tm) =	ssettm $0x1  }
0x91: {  	s18 =	sld [smem:$0x3FFB];
	_ =	sdelay $0x3  }
0x92: {  	_ =	strace s18  }
0x93: {  	s3 =	sld [smem:$0x3FFC];
	_ =	sdelay $0x3  }
0x94: {  	_ =	strace s3  }
0x95: {  	s3 =	sld [smem:$0x3FFD];
	_ =	sdelay $0x3  }
0x96: {  	_ =	strace s3  }
0x97: {  	_ =	strace $0x8FFFFFFF  }
0x98: {  	s19 =	sld [smem:$0x3FDB];
	_ =	sdelay $0x1  }
0x99: {  	s4 =	simm.s32 $_scs_section_size  }
0x9a: {  	s5 =	simm.s32 $_size__tile_overlayer_lowered;
	s6 =	simm.s32 $_tile_overlayer_lowered  }
0x9b: {  	s22 =	simm.s32 $0x1BFF;
	s21 =	sshll.u32 s6, $0x1;
	s3 =	sadd.s32 s4, s19  }
0x9c: {  	s7 =	simm.s32 $0x0;
	s20 =	sshll.u32 s5, $0x1;
	s5 =	sadd.s32 s21, s3  }
0x9d: {  	[timem:s7], [sflag:s22] =	dma.local [hbm:s5], s20  }
0x9e: {  	_ =	swait.ge [sflag:s22], s20  }
0x9f: {  	s4 =	ssub.s32 $0x0, s20;
	[sflag:s22] =	ssyncset.done $0x0  }
0xa0: {  	[sflag:s22] =	ssyncadd.s32 s4;
	_ =	sdelay $0x1  }
0xa1: {  	s23 =	simm.s32 $0x1B8B  }
0xa2: {  	_ =	swait.ge [sflag:s23], $0x1  }
0xa3: {  	[sflag:s23] =	ssyncset.done $0x0  }
0xa4: {  	s25 =	simm.s32 $0x1B8E;
	s24 =	sld [smem:$0x3FFE];
	[sflag:s23] =	ssyncadd.s32 $0xFFFFFFFF  }
0xa5: {  	s26 =	simm.s32 $execute0_lowered;
	[smem:$0x3FD2] =	sst s25  }
0xa6: {  	s5 =	sshll.u32 s26, $0x1;
	_ =	strace $0x80000049;
	[dreg:$0x1] =	wrdreg $0xFFFFFFFF  }
0xa7: {  	s28 =	simm.s32 $_size_execute0_lowered;
	s3 =	sadd.s32 s3, s5;
	[dreg:$0x0] =	wrdreg $0x0  }
0xa8: {  	s5 =	sshll.u32 s28, $0x1;
	[dreg:$0x2] =	wrdreg s3  }
0xa9: {  	[dreg:$0x3] =	wrdreg s5  }
0xaa: {  	[dreg:$0x4] =	wrdreg $0xC0  }
0xab: {  	_ =	task [dreg:s7], $0x5FFFF  }
0xac: {  	[dreg:$0x1] =	wrdreg $0xFFFFFFFF  }
0xad: {  	[dreg:$0x0] =	wrdreg $0x60  }
0xae: {  	[dreg:$0x2] =	wrdreg s2  }
0xaf: {  	[dreg:$0x3] =	wrdreg s24  }
0xb0: {  	[dreg:$0x4] =	wrdreg $0xBF000  }
0xb1: {  	[dreg:$0x5] =	wrdreg $0x9  }
0xb2: {  	_ =	task.clear_ibuf [dreg:s7], $0x6FFFF;
	_ =	strace $0x90000049  }
0xb3: {  	s29 =	simm.s32 $0x9;
	_ =	strace $0x8000004B  }
0xb4: {  	_ =	swait.ge [sflag:s29], $0x1  }
0xb5: {  	[sflag:s29] =	ssyncadd.s32 $0xFFFFFFFF  }
0xb6: {  	_ =	strace $0x9000004B  }
0xb7: {  	_ =	sfence  }
0xb8: {  	s30 =	sld [smem:$0x0];
	_ =	sdelay $0x2  }
0xb9: {  	s31 =	sshll.u32 s1, $0xD;
	s1 =	sshrl.u32 s1, $0x2  }
0xba: {  	s3 =	sand.u32 $0x4000, s31;
	s1 =	sadd.s32 s1, s30  }
0xbb: {  	s0 =	sor.u32 s3, s0;
	s1 =	sshll.u32 s1, $0x11  }
0xbc: {  	s0 =	sor.u32 s1, s0  }
0xbd: {  	s0 =	sadd.s32 $0x8F2B, s0  }
0xbe: {  	[sflag:s0] =	ssyncadd.remote.s32 $0x1  }
0xbf: {  	_ =	sfence.sel $0xFFFF  }
0xc0: {  	[dreg:$0x0] =	wrdreg $0xFFFFFFFF;
	(pc) =	sbr.abs _section_cstart, $3  }
0xc1: {  	[dreg:$0x1] =	wrdreg $0xFFFFFFFF  }
0xc2: {  	_ =	task.clear_ibuf [dreg:s7], $0x2FFFF;
	_ =	strace $0x9FFFFFFF  }
0xc3: {  	(tm) =	ssettm $0x7FFFFFFF  }
tec
execute0_lowered:
.L_overlay_start_1:
0x0: {  	(tag) =	ssettag $0x1  }
0x1: {  	s0 =	rddreg [dreg:$0x0];
	s1 =	srdreg.scid  }
0x2: {  	s3 =	rddreg [dreg:$0x1];
	s10 =	stileid.u32  }
0x3: {  	s2 =	rddreg [dreg:$0x2];
	s22 =	simm.s32 $0x0;
	s29 =	simm.s32 $0x14  }
0x4: {  	s31 =	simm.s32 $0x15;
	s28 =	simm.s32 $0x1A;
	s11 =	simm.s32 $0x6700  }
0x5: {  	s12 =	simm.s32 $0x7700;
	s13 =	simm.s32 $0x7F00;
	s14 =	simm.s32 $0x8700  }
0x6: {  	s15 =	simm.s32 $0x8F00;
	s1 =	sand.u32 $0x1, s1;
	s5 =	smul.u32 $0x2800, s10  }
0x7: {  	[smem:$0x7FF] =	sst s22;
	s9 =	smul.u32 $0xA000, s10;
	s17 =	sshll.u32 s10, $0x4  }
0x8: {  	s4 =	smul.u32 $0x28000, s1;
	s6 =	sshll.u32 s1, $0x4;
	s1 =	ssub.s32 $0x2, s1  }
0x9: {  	_ =	strace $0x8000004A;
	s6 =	sor.u32 s10, s6;
	s16 =	sshrl.u32 s1, $0x1  }
0xa: {  	s18 =	sshrl.u32 s9, $0x2;
	s23 =	sadd.s32 s5, s2;
	s9 =	simm.s32 $0x5700  }
0xb: {  	s10 =	simm.s32 $0x5F00;
	s4 =	sadd.s32 s5, s4;
	s8 =	smul.u32 $0x2700, s6  }
0xc: {  	s1 =	ssub.s32 s1, s16;
	s19 =	sadd.s32 s18, s2;
	p0 =	sgt.u32 s6, $0x3  }
0xd: {  	s16 =	simm.s32 $0xF;
	s1 =	smax.u32 s1, $0x1;
	[dreg:$0x7] =	wrdreg s19  }
0xe: {  	s18 =	simm.s32 $0xA700;
	s24 =	sadd.s32 $0x800, s19;
	[dreg:$0xb] =	wrdreg s1  }
0xf: {  	s7 =	sshrl.u32 s4, $0x3;
	s25 =	sadd.s32 $0x1000, s19;
	[dreg:$0xc] =	wrdreg s24  }
0x10: {  	s4 =	sadd.s32 $0x2A00, s3;
	s26 =	sadd.s32 $0x1800, s19;
	[dreg:$0xd] =	wrdreg s25  }
0x11: {  	s30 =	sadd.s32 $0x2000, s19;
	s19 =	simm.s32 $0x80;
	[dreg:$0xe] =	wrdreg s26  }
0x12: {  	s3 =	sadd.s32 s7, s3;
	s8 =	sshrl.u32 s8, $0x3;
	[dreg:$0xf] =	wrdreg s30  }
0x13: {  	s26 =	simm.s32 $0x13;
	s24 =	simm.s32 $0x17;
	s1 =	simm.s32 $0x19  }
0x14: {  	s25 =	simm.s32 $0x9700;
	s7 =	simm.s32 $0x9F00;
	s8 =	sadd.s32 s0, s8  }
0x15: {  	s0 =	sadd.s32 s17, s0;
	s21 =	sadd.s32 $0x7A00, s3;
	[dreg:$0x5] =	wrdreg s8  }
.Ltmp0:
0x16: {  	s8 =	sadd.s32 $0x9C40, s8;
	[dreg:$0xa] =	wrdreg s21;
	(pc) =	sbr.rel .LBB2_1-.Ltmp0, $4  }
0x17: {  	s17 =	simm.s32 $0x16;
	s20 =	sadd.s32 $0x9C00, s0;
	[dreg:$0x6] =	wrdreg s8  }
0x18: {  	s0 =	sadd.s32 $0x13840, s0;
	s21 =	simm.s32 $0x11;
	[dreg:$0x8] =	wrdreg s20  }
0x19: {  	[dreg:$0x9] =	wrdreg s0;
	s0 =	sshrl.u32 s23, $0x3;
	s20 =	simm.s32 $0x10  }
0x1a: {  	v0 =	vimm.f32 $0.0e+00;
	s23 =	simm.s32 $0x12;
	[dreg:$0x10] =	wrdreg s0;
	s0 =	simm.s32 $0x18  }
.LBB2_6:
0x1b: {  	_ =	swait.ge [sflag:s16], $0x800  }
0x1c: {  	[sflag:s16] =	ssyncset.done $0x0  }
0x1d: {  	[sflag:s16] =	ssyncadd.s32 $0xFFFFF800  }
0x1e: {  	_ =	swait.ge [sflag:s20], $0x800  }
0x1f: {  	[sflag:s20] =	ssyncset.done $0x0  }
0x20: {  	[sflag:s20] =	ssyncadd.s32 $0xFFFFF800  }
0x21: {  	_ =	swait.ge [sflag:s21], $0x800  }
0x22: {  	[sflag:s21] =	ssyncset.done $0x0  }
0x23: {  	[sflag:s21] =	ssyncadd.s32 $0xFFFFF800  }
0x24: {  	_ =	swait.ge [sflag:s23], $0x800  }
0x25: {  	[sflag:s23] =	ssyncset.done $0x0  }
0x26: {  	[sflag:s23] =	ssyncadd.s32 $0xFFFFF800  }
0x27: {  	_ =	swait.ge [sflag:s26], $0x800  }
0x28: {  	[sflag:s26] =	ssyncset.done $0x0  }
0x29: {  	[sflag:s26] =	ssyncadd.s32 $0xFFFFF800  }
0x2a: {  	_ =	swait.ge [sflag:s29], $0x800  }
0x2b: {  	[sflag:s29] =	ssyncset.done $0x0  }
0x2c: {  	[sflag:s29] =	ssyncadd.s32 $0xFFFFF800  }
0x2d: {  	_ =	swait.ge [sflag:s31], $0x800  }
0x2e: {  	[sflag:s31] =	ssyncset.done $0x0  }
0x2f: {  	[sflag:s31] =	ssyncadd.s32 $0xFFFFF800  }
0x30: {  	_ =	swait.ge [sflag:s17], $0x800  }
0x31: {  	[sflag:s17] =	ssyncset.done $0x0  }
0x32: {  	[sflag:s17] =	ssyncadd.s32 $0xFFFFF800  }
0x33: {  	_ =	swait.ge [sflag:s24], $0x800  }
0x34: {  	[sflag:s24] =	ssyncset.done $0x0  }
0x35: {  	[sflag:s24] =	ssyncadd.s32 $0xFFFFF800  }
0x36: {  	_ =	swait.ge [sflag:s0], $0x800  }
0x37: {  	[sflag:s0] =	ssyncset.done $0x0  }
0x38: {  	[sflag:s0] =	ssyncadd.s32 $0xFFFFF800  }
0x39: {  	_ =	swait.ge [sflag:s1], $0x800  }
0x3a: {  	[sflag:s1] =	ssyncset.done $0x0  }
0x3b: {  	[sflag:s1] =	ssyncadd.s32 $0xFFFFF800  }
0x3c: {  	_ =	swait.ge [sflag:s28], $0x800  }
0x3d: {  	s6 =	simm.s32 @!p0 $0x0;
	s3 =	simm.s32 @!p0 $0x4E00;
	[sflag:s28] =	ssyncset.done $0x0  }
0x3e: {  	s30 =	simm.s32 @!p0 $0x1B;
	s22 =	rddreg [dreg:$0x8];
	[sflag:s28] =	ssyncadd.s32 $0xFFFFF800  }
0x3f: {  	[tilespmem:s3], [sflag:$0x1B] =	stream.linear.gather @!p0 [hbm4b:s22+s6], $0x80, $0x38;
	[tilespmem:$0xE700] =	vst v63  }
0x40: {  	_ =	swait.ge @!p0 [sflag:s30], $0x80  }
0x41: {  	[sflag:s30] =	ssyncset.done @!p0 $0x0  }
0x42: {  	s5 =	simm.s32 @!p0 $0x4E80;
	s22 =	rddreg [dreg:$0x9];
	[sflag:s30] =	ssyncadd.s32 @!p0 $0xFFFFFF80  }
0x43: {  	[tilespmem:s5], [sflag:$0x1B] =	stream.linear.gather @!p0 [hbm4b:s22+s6], $0x80, $0x38;
	[tilespmem:$0xE700] =	vst v63  }
0x44: {  	_ =	swait.ge @!p0 [sflag:s30], $0x80  }
0x45: {  	[sflag:s30] =	ssyncset.done @!p0 $0x0  }
0x46: {  	s22 =	simm.s32 @!p0 $0x80;
	s6 =	simm.s32 @!p0 $0x4F00;
	[sflag:s30] =	ssyncadd.s32 @!p0 $0xFFFFFF80  }
0x47: {  	[tilespmem:s6], [sflag:$0x1B] =	stream.indirect.gather @!p0 [hbm4b:s4+s22], $0x10, s3, s22, $0xb8;
	[tilespmem:$0xE700] =	vst v63  }
0x48: {  	_ =	swait.ge @!p0 [sflag:s30], $0x800  }
0x49: {  	[sflag:s30] =	ssyncset.done @!p0 $0x0  }
0x4a: {  	[sflag:s30] =	ssyncadd.s32 @!p0 $0xFFFFF800  }
0x4b: {  	[spmem:s2] =	stream.indirect.scatter.add.f32 @!p0 [tilespmem:s6], [sflag:$0x1B], $0x10, s5, s22, $0xb8;
	[tilespmem:$0xE700] =	vst v63  }
0x4c: {  	_ =	swait.ge @!p0 [sflag:s30], $0x800  }
0x4d: {  	[sflag:s30] =	ssyncset.done @!p0 $0x0  }
0x4e: {  	[sflag:s30] =	ssyncadd.s32 @!p0 $0xFFFFF800  }
0x4f: {  	s30 =	stileid.u32;
	[bflag:$0x0] =	sbarrier.arrive $0xFFFF  }
0x50: {  	s6 =	sshll.u32 s30, $0x6;
	s3 =	rddreg [dreg:$0xa]  }
0x51: {  	s5 =	simm.s32 $0x1B;
	s6 =	sor.u32 $0x1C1B, s6;
	s8 =	rddreg [dreg:$0x10]  }
0x52: {  	[hbm:s3], [sflag:s6] =	dma.local [spmem:s8], $0x500  }
0x53: {  	_ =	swait.ge [sflag:s5], $0x500  }
0x54: {  	s6 =	rddreg [dreg:$0x4]  }
0x55: {  	s8 =	rddreg [dreg:$0xb];
	s22 =	sadd.s32 $0x1, s6  }
0x56: {  	p1 =	sne.s32 s22, s8  }
.Ltmp1:
0x57: {  	_ = 	snop;
	(pc) =	sbr.rel @!p1 .LBB2_7-.Ltmp1, $3  }
0x58: {  	_ =	sdelay $0x1  }
0x59: {  	[sflag:s5] =	ssyncset.done $0x0  }
0x5a: {  	[sflag:s5] =	ssyncadd.s32 $0xFFFFFB00  }
.LBB2_1:
0x5b: {  	[dreg:$0x4] =	wrdreg s22;
	s22 =	simm.s32 $0x40;
	s30 =	simm.s32 $0x0  }
.LBB2_2:
0x5c: {  	p1 =	sne.s32 s22, $0x1FC0;
	[tilespmem:s30+$0xB700] =	vst v0;
	s30 =	smov.u32 s22;
	s22 =	sadd.s32 $0x40, s22  }
.Ltmp2:
0x5d: {  	(pc) =	sbr.rel @p1 .LBB2_2-.Ltmp2, $2  }
0x5e: {  	_ =	sdelay $0x2  }
0x5f: {  	s30 =	sshra.s32 s30, $0x2  }
0x60: {  	[tilespmem:s30+$0xB700] =	vst v0;
	s22 =	simm.s32 $0x0;
	s6 =	rddreg [dreg:$0x5];
	s30 =	simm.s32 $0x1B  }
0x61: {  	[tilespmem:s22], [sflag:$0x1B] =	stream.linear.gather [hbm4b:s6+s22], $0x2700, $0x38;
	[tilespmem:$0xE700] =	vst v63  }
0x62: {  	_ =	swait.ge [sflag:s30], $0x2700  }
0x63: {  	[sflag:s30] =	ssyncset.done $0x0  }
0x64: {  	s8 =	simm.s32 $0x2700;
	s3 =	rddreg [dreg:$0x6];
	[sflag:s30] =	ssyncadd.s32 $0xFFFFD900  }
0x65: {  	[tilespmem:s8], [sflag:$0x1B] =	stream.linear.gather [hbm4b:s3+s22], $0x2700, $0x38;
	[tilespmem:$0xE700] =	vst v63  }
0x66: {  	_ =	swait.ge [sflag:s30], $0x2700  }
0x67: {  	[sflag:s30] =	ssyncset.done $0x0  }
0x68: {  	s8 =	simm.s32 $0xB700;
	s5 =	rddreg [dreg:$0x7];
	[sflag:s30] =	ssyncadd.s32 $0xFFFFD900  }
0x69: {  	[spmem:s5] =	stream.linear.scatter [tilespmem:s8], [sflag:$0x1B], $0x800, $0x38;
	[tilespmem:$0xE700] =	vst v63  }
0x6a: {  	_ =	swait.ge [sflag:s30], $0x800  }
0x6b: {  	[sflag:s30] =	ssyncset.done $0x0  }
0x6c: {  	s3 =	rddreg [dreg:$0xc];
	[sflag:s30] =	ssyncadd.s32 $0xFFFFF800  }
0x6d: {  	[spmem:s3] =	stream.linear.scatter [tilespmem:s8], [sflag:$0x1B], $0x800, $0x38;
	[tilespmem:$0xE700] =	vst v63  }
0x6e: {  	_ =	swait.ge [sflag:s30], $0x800  }
0x6f: {  	[sflag:s30] =	ssyncset.done $0x0  }
0x70: {  	s5 =	rddreg [dreg:$0xd];
	[sflag:s30] =	ssyncadd.s32 $0xFFFFF800  }
0x71: {  	[spmem:s5] =	stream.linear.scatter [tilespmem:s8], [sflag:$0x1B], $0x800, $0x38;
	[tilespmem:$0xE700] =	vst v63  }
0x72: {  	_ =	swait.ge [sflag:s30], $0x800  }
0x73: {  	[sflag:s30] =	ssyncset.done $0x0  }
0x74: {  	s3 =	rddreg [dreg:$0xe];
	[sflag:s30] =	ssyncadd.s32 $0xFFFFF800  }
0x75: {  	[spmem:s3] =	stream.linear.scatter [tilespmem:s8], [sflag:$0x1B], $0x800, $0x38;
	[tilespmem:$0xE700] =	vst v63  }
0x76: {  	_ =	swait.ge [sflag:s30], $0x800  }
0x77: {  	[sflag:s30] =	ssyncset.done $0x0  }
0x78: {  	s5 =	rddreg [dreg:$0xf];
	[sflag:s30] =	ssyncadd.s32 $0xFFFFF800  }
0x79: {  	[spmem:s5] =	stream.linear.scatter [tilespmem:s8], [sflag:$0x1B], $0x800, $0x38;
	[tilespmem:$0xE700] =	vst v63  }
0x7a: {  	_ =	swait.ge [sflag:s30], $0x800  }
0x7b: {  	[sflag:s30] =	ssyncset.done $0x0  }
0x7c: {  	[sflag:s30] =	ssyncadd.s32 $0xFFFFF800  }
0x7d: {  	s8 =	simm.s32 $0x4F00;
	[bflag:$0x0] =	sbarrier.arrive $0xFFFF  }
0x7e: {  	[tilespmem:s8], [sflag:$0x1] =	stream.indirect.gather [hbm4b:s4+s19], $0x10, s22, s19, $0xb8;
	[tilespmem:$0xE700] =	vst v63  }
0x7f: {  	_ = 	snop  }
0x80: {  	[tilespmem:s9], [sflag:$0x2] =	stream.indirect.gather [hbm4b:s4+s19], $0x10, s19, s19, $0xb8;
	[tilespmem:$0xE700] =	vst v63  }
0x81: {  	s3 =	simm.s32 $0x100  }
0x82: {  	[tilespmem:s10], [sflag:$0x3] =	stream.indirect.gather [hbm4b:s4+s19], $0x10, s3, s19, $0xb8;
	[tilespmem:$0xE700] =	vst v63  }
0x83: {  	s5 =	simm.s32 $0x180  }
0x84: {  	[tilespmem:s11], [sflag:$0x4] =	stream.indirect.gather [hbm4b:s4+s19], $0x10, s5, s19, $0xb8;
	[tilespmem:$0xE700] =	vst v63  }
0x85: {  	s30 =	simm.s32 $0x200;
	s5 =	simm.s32 $0x6F00  }
0x86: {  	[tilespmem:s5], [sflag:$0x5] =	stream.indirect.gather [hbm4b:s4+s19], $0x10, s30, s19, $0xb8;
	[tilespmem:$0xE700] =	vst v63  }
0x87: {  	s3 =	simm.s32 $0x280  }
0x88: {  	[tilespmem:s12], [sflag:$0x6] =	stream.indirect.gather [hbm4b:s4+s19], $0x10, s3, s19, $0xb8;
	[tilespmem:$0xE700] =	vst v63  }
0x89: {  	s30 =	simm.s32 $0x300  }
0x8a: {  	[tilespmem:s13], [sflag:$0x7] =	stream.indirect.gather [hbm4b:s4+s19], $0x10, s30, s19, $0xb8;
	[tilespmem:$0xE700] =	vst v63  }
0x8b: {  	s3 =	simm.s32 $0x380  }
0x8c: {  	[tilespmem:s14], [sflag:$0x8] =	stream.indirect.gather [hbm4b:s4+s19], $0x10, s3, s19, $0xb8;
	[tilespmem:$0xE700] =	vst v63  }
0x8d: {  	s30 =	simm.s32 $0x400  }
0x8e: {  	[tilespmem:s15], [sflag:$0x9] =	stream.indirect.gather [hbm4b:s4+s19], $0x10, s30, s19, $0xb8;
	[tilespmem:$0xE700] =	vst v63  }
0x8f: {  	s3 =	simm.s32 $0x480  }
0x90: {  	[tilespmem:s25], [sflag:$0xA] =	stream.indirect.gather [hbm4b:s4+s19], $0x10, s3, s19, $0xb8;
	[tilespmem:$0xE700] =	vst v63  }
0x91: {  	s30 =	simm.s32 $0x500  }
0x92: {  	[tilespmem:s7], [sflag:$0xB] =	stream.indirect.gather [hbm4b:s4+s19], $0x10, s30, s19, $0xb8;
	[tilespmem:$0xE700] =	vst v63  }
0x93: {  	s3 =	simm.s32 $0x580  }
0x94: {  	[tilespmem:s18], [sflag:$0xC] =	stream.indirect.gather [hbm4b:s4+s19], $0x10, s3, s19, $0xb8;
	[tilespmem:$0xE700] =	vst v63  }
0x95: {  	s30 =	simm.s32 $0x600;
	s3 =	simm.s32 $0xAF00  }
0x96: {  	[tilespmem:s3], [sflag:$0xD] =	stream.indirect.gather [hbm4b:s4+s19], $0x10, s30, s19, $0xb8;
	[tilespmem:$0xE700] =	vst v63  }
.LBB2_4:
0x97: {  	s6 =	simm.s32 $0x1  }
0x98: {  	_ =	swait.ge [sflag:s6], $0x800  }
0x99: {  	s30 =	sshra.s32 s22, $0x2;
	[sflag:s6] =	ssyncset.done $0x0  }
0x9a: {  	[sflag:s6] =	ssyncadd.s32 $0xFFFFF800;
	s6 =	sadd.s32 $0x2700, s30  }
0x9b: {  	[spmem:s2] =	stream.indirect.scatter.add.f32 [tilespmem:s8], [sflag:$0xE], $0x10, s6, s19, $0xb8;
	[tilespmem:$0xE700] =	vst v63  }
0x9c: {  	s6 =	simm.s32 $0x2  }
0x9d: {  	_ =	swait.ge [sflag:s6], $0x800  }
0x9e: {  	[sflag:s6] =	ssyncset.done $0x0  }
0x9f: {  	[sflag:s6] =	ssyncadd.s32 $0xFFFFF800;
	s6 =	sadd.s32 $0x2780, s30  }
0xa0: {  	[spmem:s2] =	stream.indirect.scatter.add.f32 [tilespmem:s9], [sflag:$0xF], $0x10, s6, s19, $0xb8;
	[tilespmem:$0xE700] =	vst v63  }
0xa1: {  	s6 =	simm.s32 $0x3  }
0xa2: {  	_ =	swait.ge [sflag:s6], $0x800  }
0xa3: {  	[sflag:s6] =	ssyncset.done $0x0  }
0xa4: {  	[sflag:s6] =	ssyncadd.s32 $0xFFFFF800;
	s6 =	sadd.s32 $0x2800, s30  }
0xa5: {  	[spmem:s2] =	stream.indirect.scatter.add.f32 [tilespmem:s10], [sflag:$0x10], $0x10, s6, s19, $0xb8;
	[tilespmem:$0xE700] =	vst v63  }
0xa6: {  	s6 =	simm.s32 $0x4  }
0xa7: {  	_ =	swait.ge [sflag:s6], $0x800  }
0xa8: {  	[sflag:s6] =	ssyncset.done $0x0  }
0xa9: {  	[sflag:s6] =	ssyncadd.s32 $0xFFFFF800;
	s6 =	sadd.s32 $0x2880, s30  }
0xaa: {  	[spmem:s2] =	stream.indirect.scatter.add.f32 [tilespmem:s11], [sflag:$0x11], $0x10, s6, s19, $0xb8;
	[tilespmem:$0xE700] =	vst v63  }
0xab: {  	s6 =	simm.s32 $0x5  }
0xac: {  	_ =	swait.ge [sflag:s6], $0x800  }
0xad: {  	[sflag:s6] =	ssyncset.done $0x0  }
0xae: {  	[sflag:s6] =	ssyncadd.s32 $0xFFFFF800;
	s6 =	sadd.s32 $0x2900, s30  }
0xaf: {  	[spmem:s2] =	stream.indirect.scatter.add.f32 [tilespmem:s5], [sflag:$0x12], $0x10, s6, s19, $0xb8;
	[tilespmem:$0xE700] =	vst v63  }
0xb0: {  	s6 =	simm.s32 $0x6  }
0xb1: {  	_ =	swait.ge [sflag:s6], $0x800  }
0xb2: {  	[sflag:s6] =	ssyncset.done $0x0  }
0xb3: {  	[sflag:s6] =	ssyncadd.s32 $0xFFFFF800;
	s6 =	sadd.s32 $0x2980, s30  }
0xb4: {  	[spmem:s2] =	stream.indirect.scatter.add.f32 [tilespmem:s12], [sflag:$0x13], $0x10, s6, s19, $0xb8;
	[tilespmem:$0xE700] =	vst v63  }
0xb5: {  	s6 =	simm.s32 $0x7  }
0xb6: {  	_ =	swait.ge [sflag:s6], $0x800  }
0xb7: {  	[sflag:s6] =	ssyncset.done $0x0  }
0xb8: {  	[sflag:s6] =	ssyncadd.s32 $0xFFFFF800;
	s6 =	sadd.s32 $0x2A00, s30  }
0xb9: {  	[spmem:s2] =	stream.indirect.scatter.add.f32 [tilespmem:s13], [sflag:$0x14], $0x10, s6, s19, $0xb8;
	[tilespmem:$0xE700] =	vst v63  }
0xba: {  	s6 =	simm.s32 $0x8  }
0xbb: {  	_ =	swait.ge [sflag:s6], $0x800  }
0xbc: {  	[sflag:s6] =	ssyncset.done $0x0  }
0xbd: {  	[sflag:s6] =	ssyncadd.s32 $0xFFFFF800;
	s6 =	sadd.s32 $0x2A80, s30  }
0xbe: {  	[spmem:s2] =	stream.indirect.scatter.add.f32 [tilespmem:s14], [sflag:$0x15], $0x10, s6, s19, $0xb8;
	[tilespmem:$0xE700] =	vst v63  }
0xbf: {  	s6 =	simm.s32 $0x9  }
0xc0: {  	_ =	swait.ge [sflag:s6], $0x800  }
0xc1: {  	[sflag:s6] =	ssyncset.done $0x0  }
0xc2: {  	[sflag:s6] =	ssyncadd.s32 $0xFFFFF800;
	s6 =	sadd.s32 $0x2B00, s30  }
0xc3: {  	[spmem:s2] =	stream.indirect.scatter.add.f32 [tilespmem:s15], [sflag:$0x16], $0x10, s6, s19, $0xb8;
	[tilespmem:$0xE700] =	vst v63  }
0xc4: {  	s6 =	simm.s32 $0xA  }
0xc5: {  	_ =	swait.ge [sflag:s6], $0x800  }
0xc6: {  	[sflag:s6] =	ssyncset.done $0x0  }
0xc7: {  	[sflag:s6] =	ssyncadd.s32 $0xFFFFF800;
	s6 =	sadd.s32 $0x2B80, s30  }
0xc8: {  	[spmem:s2] =	stream.indirect.scatter.add.f32 [tilespmem:s25], [sflag:$0x17], $0x10, s6, s19, $0xb8;
	[tilespmem:$0xE700] =	vst v63  }
0xc9: {  	s6 =	simm.s32 $0xB  }
0xca: {  	_ =	swait.ge [sflag:s6], $0x800  }
0xcb: {  	[sflag:s6] =	ssyncset.done $0x0  }
0xcc: {  	[sflag:s6] =	ssyncadd.s32 $0xFFFFF800;
	s6 =	sadd.s32 $0x2C00, s30  }
0xcd: {  	[spmem:s2] =	stream.indirect.scatter.add.f32 [tilespmem:s7], [sflag:$0x18], $0x10, s6, s19, $0xb8;
	[tilespmem:$0xE700] =	vst v63  }
0xce: {  	s6 =	simm.s32 $0xC  }
0xcf: {  	_ =	swait.ge [sflag:s6], $0x800  }
0xd0: {  	[sflag:s6] =	ssyncset.done $0x0  }
0xd1: {  	[sflag:s6] =	ssyncadd.s32 $0xFFFFF800;
	s6 =	sadd.s32 $0x2C80, s30  }
0xd2: {  	[spmem:s2] =	stream.indirect.scatter.add.f32 [tilespmem:s18], [sflag:$0x19], $0x10, s6, s19, $0xb8;
	[tilespmem:$0xE700] =	vst v63  }
0xd3: {  	s6 =	simm.s32 $0xD  }
0xd4: {  	_ =	swait.ge [sflag:s6], $0x800  }
0xd5: {  	[sflag:s6] =	ssyncset.done $0x0  }
0xd6: {  	p1 =	seq.s32 s22, $0x8200;
	[sflag:s6] =	ssyncadd.s32 $0xFFFFF800;
	s6 =	sadd.s32 $0x2D00, s30  }
0xd7: {  	[spmem:s2] =	stream.indirect.scatter.add.f32 [tilespmem:s3], [sflag:$0x1A], $0x10, s6, s19, $0xb8;
	[tilespmem:$0xE700] =	vst v63  }
.Ltmp3:
0xd8: {  	_ = 	snop;
	(pc) =	sbr.rel @p1 .LBB2_6-.Ltmp3, $4  }
0xd9: {  	s6 =	simm.s32 $0xE  }
0xda: {  	_ =	swait.ge [sflag:s6], $0x800  }
0xdb: {  	[sflag:s6] =	ssyncset.done $0x0  }
0xdc: {  	[sflag:s6] =	ssyncadd.s32 $0xFFFFF800  }
0xdd: {  	s6 =	sadd.s32 $0x680, s30  }
0xde: {  	[tilespmem:s8], [sflag:$0x1] =	stream.indirect.gather [hbm4b:s4+s19], $0x10, s6, s19, $0xb8;
	[tilespmem:$0xE700] =	vst v63  }
0xdf: {  	_ =	swait.ge [sflag:s16], $0x800  }
0xe0: {  	[sflag:s16] =	ssyncset.done $0x0  }
0xe1: {  	s6 =	sadd.s32 $0x700, s30;
	[sflag:s16] =	ssyncadd.s32 $0xFFFFF800  }
0xe2: {  	[tilespmem:s9], [sflag:$0x2] =	stream.indirect.gather [hbm4b:s4+s19], $0x10, s6, s19, $0xb8;
	[tilespmem:$0xE700] =	vst v63  }
0xe3: {  	_ =	swait.ge [sflag:s20], $0x800  }
0xe4: {  	[sflag:s20] =	ssyncset.done $0x0  }
0xe5: {  	s6 =	sadd.s32 $0x780, s30;
	[sflag:s20] =	ssyncadd.s32 $0xFFFFF800  }
0xe6: {  	[tilespmem:s10], [sflag:$0x3] =	stream.indirect.gather [hbm4b:s4+s19], $0x10, s6, s19, $0xb8;
	[tilespmem:$0xE700] =	vst v63  }
0xe7: {  	_ =	swait.ge [sflag:s21], $0x800  }
0xe8: {  	[sflag:s21] =	ssyncset.done $0x0  }
0xe9: {  	s6 =	sadd.s32 $0x800, s30;
	[sflag:s21] =	ssyncadd.s32 $0xFFFFF800  }
0xea: {  	[tilespmem:s11], [sflag:$0x4] =	stream.indirect.gather [hbm4b:s4+s19], $0x10, s6, s19, $0xb8;
	[tilespmem:$0xE700] =	vst v63  }
0xeb: {  	_ =	swait.ge [sflag:s23], $0x800  }
0xec: {  	[sflag:s23] =	ssyncset.done $0x0  }
0xed: {  	s6 =	sadd.s32 $0x880, s30;
	[sflag:s23] =	ssyncadd.s32 $0xFFFFF800  }
0xee: {  	[tilespmem:s5], [sflag:$0x5] =	stream.indirect.gather [hbm4b:s4+s19], $0x10, s6, s19, $0xb8;
	[tilespmem:$0xE700] =	vst v63  }
0xef: {  	_ =	swait.ge [sflag:s26], $0x800  }
0xf0: {  	[sflag:s26] =	ssyncset.done $0x0  }
0xf1: {  	s6 =	sadd.s32 $0x900, s30;
	[sflag:s26] =	ssyncadd.s32 $0xFFFFF800  }
0xf2: {  	[tilespmem:s12], [sflag:$0x6] =	stream.indirect.gather [hbm4b:s4+s19], $0x10, s6, s19, $0xb8;
	[tilespmem:$0xE700] =	vst v63  }
0xf3: {  	_ =	swait.ge [sflag:s29], $0x800  }
0xf4: {  	[sflag:s29] =	ssyncset.done $0x0  }
0xf5: {  	s6 =	sadd.s32 $0x980, s30;
	[sflag:s29] =	ssyncadd.s32 $0xFFFFF800  }
0xf6: {  	[tilespmem:s13], [sflag:$0x7] =	stream.indirect.gather [hbm4b:s4+s19], $0x10, s6, s19, $0xb8;
	[tilespmem:$0xE700] =	vst v63  }
0xf7: {  	_ =	swait.ge [sflag:s31], $0x800  }
0xf8: {  	[sflag:s31] =	ssyncset.done $0x0  }
0xf9: {  	s6 =	sadd.s32 $0xA00, s30;
	[sflag:s31] =	ssyncadd.s32 $0xFFFFF800  }
0xfa: {  	[tilespmem:s14], [sflag:$0x8] =	stream.indirect.gather [hbm4b:s4+s19], $0x10, s6, s19, $0xb8;
	[tilespmem:$0xE700] =	vst v63  }
0xfb: {  	_ =	swait.ge [sflag:s17], $0x800  }
0xfc: {  	[sflag:s17] =	ssyncset.done $0x0  }
0xfd: {  	s6 =	sadd.s32 $0xA80, s30;
	[sflag:s17] =	ssyncadd.s32 $0xFFFFF800  }
0xfe: {  	[tilespmem:s15], [sflag:$0x9] =	stream.indirect.gather [hbm4b:s4+s19], $0x10, s6, s19, $0xb8;
	[tilespmem:$0xE700] =	vst v63  }
0xff: {  	_ =	swait.ge [sflag:s24], $0x800  }
0x100: {  	[sflag:s24] =	ssyncset.done $0x0  }
0x101: {  	s6 =	sadd.s32 $0xB00, s30;
	[sflag:s24] =	ssyncadd.s32 $0xFFFFF800  }
0x102: {  	[tilespmem:s25], [sflag:$0xA] =	stream.indirect.gather [hbm4b:s4+s19], $0x10, s6, s19, $0xb8;
	[tilespmem:$0xE700] =	vst v63  }
0x103: {  	_ =	swait.ge [sflag:s0], $0x800  }
0x104: {  	[sflag:s0] =	ssyncset.done $0x0  }
0x105: {  	s6 =	sadd.s32 $0xB80, s30;
	[sflag:s0] =	ssyncadd.s32 $0xFFFFF800  }
0x106: {  	[tilespmem:s7], [sflag:$0xB] =	stream.indirect.gather [hbm4b:s4+s19], $0x10, s6, s19, $0xb8;
	[tilespmem:$0xE700] =	vst v63  }
0x107: {  	_ =	swait.ge [sflag:s1], $0x800  }
0x108: {  	[sflag:s1] =	ssyncset.done $0x0  }
0x109: {  	s6 =	sadd.s32 $0xC00, s30;
	[sflag:s1] =	ssyncadd.s32 $0xFFFFF800  }
0x10a: {  	[tilespmem:s18], [sflag:$0xC] =	stream.indirect.gather [hbm4b:s4+s19], $0x10, s6, s19, $0xb8;
	[tilespmem:$0xE700] =	vst v63  }
.Ltmp4:
0x10b: {  	_ = 	snop;
	(pc) =	sbr.rel .LBB2_4-.Ltmp4, $4  }
0x10c: {  	_ =	swait.ge [sflag:s28], $0x800  }
0x10d: {  	[sflag:s28] =	ssyncset.done $0x0  }
0x10e: {  	s22 =	sadd.s32 $0x1A00, s22;
	s30 =	sadd.s32 $0xC80, s30;
	[sflag:s28] =	ssyncadd.s32 $0xFFFFF800  }
0x10f: {  	[tilespmem:s3], [sflag:$0xD] =	stream.indirect.gather [hbm4b:s4+s19], $0x10, s30, s19, $0xb8;
	[tilespmem:$0xE700] =	vst v63  }
.LBB2_7:
0x110: {  	_ =	sfence.sel $0x180000  }
0x111: {  	[bflag:$0x0] =	sbarrier.arrive $0xFFFF  }
0x112: {  	_ =	strace $0x9000004A  }
0x113: {  	s0 =	stileid.u32;
	[bflag:$0x2] =	sbarrier.arrive $0xFFFF  }
0x114: {  	p0 =	sne.s32 s0, $0x0;
	s0 =	rddreg [dreg:$0x3]  }
0x115: {  	s0 =	sadd.s32 @!p0 $0x100000, s0  }
0x116: {  	[sflag:s0] =	ssyncadd.tile.s32 @!p0 $0x1;
	_ =	shalt  }
.Lfunc_end2:
_tile_overlayer_lowered:
.L_overlay_start_2:
0x117: {  	(tag) =	ssettag $0x2  }
0x118: {  	s0 =	rddreg [dreg:$0x0];
	s2 =	stileid.u32  }
0x119: {  	s1 =	rddreg [dreg:$0x1];
	p0 =	sne.s32 s2, $0x0  }
0x11a: {  	s3 =	rddreg [dreg:$0x2];
	[bflag:$0x3] =	sbarrier.arrive $0xFFFF;
	s2 =	simm.s32 @!p0 $0x1C1B  }
0x11b: {  	[timem:s3], [sflag:s2] =	dma.local @!p0 [hbm:s0], s1  }
0x11c: {  	s0 =	simm.s32 @!p0 $0x1B  }
0x11d: {  	_ =	swait.ge @!p0 [sflag:s0], s1  }
0x11e: {  	s1 =	ssub.s32 @!p0 $0x0, s1;
	[sflag:s0] =	ssyncset.done @!p0 $0x0  }
0x11f: {  	[sflag:s0] =	ssyncadd.s32 @!p0 s1  }
0x120: {  	[bflag:$0x3] =	sbarrier.arrive $0xFFFF  }
0x121: {  	_ =	shalt  }

// kernel: kernel.15.cloned.1.call-start
scs
__scs_entry_jumppad:
0x0: {  	(pc) =	sbr.rel $0x88, $3  }
0x1: {  	(tag) =	ssettag $0x0;
	lr =	simm.s32 $0x1  }
0x2: {  	[smem:$0x3F9B] =	sst lr;
	_ =	strace $0xD0000000  }
0x3: {  	_ = 	snop  }
0x4: {  	_ = 	snop  }
0x5: {  	_ = 	snop  }
0x6: {  	_ = 	snop  }
0x7: {  	_ = 	snop  }
__scs_overlays_trampoline_lowered:
0x8: {  	[smem:$0x3FAA] =	sst s0  }
0x9: {  	[smem:$0x3FAB] =	sst s1  }
0xa: {  	[smem:$0x3FAC] =	sst s2  }
0xb: {  	[smem:$0x3FAD] =	sst s3  }
0xc: {  	[smem:$0x3FAE] =	sst s4  }
0xd: {  	[smem:$0x3FAF] =	sst s5  }
0xe: {  	[smem:$0x3FB0] =	sst s6  }
0xf: {  	[smem:$0x3FB1] =	sst s7  }
0x10: {  	[smem:$0x3FB2] =	sst s8  }
0x11: {  	[smem:$0x3FB3] =	sst s9;
	s0 =	simm.s32 @!p0 $0x0  }
0x12: {  	s1 =	sld [smem:$0x3F99];
	s0 =	simm.s32 @p0 $0x1  }
0x13: {  	[smem:$0x3FB4] =	sst s0;
	s0 =	simm.s32 @!p1 $0x0  }
0x14: {  	s2 =	sld [smem:$0x3F98];
	s0 =	simm.s32 @p1 $0x1  }
0x15: {  	[smem:$0x3FB5] =	sst s0;
	s0 =	simm.s32 @!p2 $0x0  }
0x16: {  	s3 =	sld [smem:$0x3FDB];
	s0 =	simm.s32 @p2 $0x1  }
0x17: {  	s4 =	simm.s32 $0x1BF5;
	[smem:$0x3FB7] =	sst s0  }
0x18: {  	s0 =	sld [smem:$0x3F9A];
	_ =	swait.ge [sflag:s4], $0x0  }
0x19: {  	s7 =	sld [smem:$0x3F9B]  }
0x1a: {  	s8 =	sadd.s32 $0xFFFFE003, lr  }
0x1b: {  	s9 =	sadd.s32 $0xFFFFFEF7, lr;
	s5 =	simm.s32 $0xFFFFFFFF;
	p2 =	slt.u32 s8, $0xFFFFF086  }
0x1c: {  	p1 =	slt.u32 s9, $0xF7A;
	s5 =	simm.s32 @!p2 $0x0  }
0x1d: {  	s5 =	simm.s32 @p1 $0x1;
	p0 =	seq.s32 s7, s2  }
0x1e: {  	s7 =	smul.u32 @!p0 $0xF7A, s2;
	p2 =	seq.s32 @!p0 s5, $0x0  }
0x1f: {  	s9 =	smul.u32 $0xF7A, s1;
	s8 =	simm.s32 @!p0 $0x1BF5;
	p2 =	por !p2, p0  }
0x20: {  	[sflag:s8] =	ssyncset.s32 @!p0 $0xFFFFF086;
	s6 =	sadd.s32 @!p0 s3, s7;
	s7 =	simm.s32 @!p0 $0x108  }
0x21: {  	s3 =	sadd.s32 s3, s9;
	s6 =	sadd.s32 @!p0 $0x88, s6;
	s7 =	simm.s32 @p2 $0x1082  }
0x22: {  	[simem:s7], [sflag:s8] =	dma.local @!p0 [hbm:s6], $0xF7A  }
0x23: {  	s9 =	sor.u32 $0xD0000000, s2;
	s6 =	simm.s32 $0x108;
	_ =	swait.ge @!p0 [sflag:s8], $0x0  }
0x24: {  	s3 =	sadd.s32 $0x88, s3;
	s6 =	simm.s32 @!p1 $0x1082;
	[sflag:s4] =	ssyncset.s32 $0xFFFFF086  }
0x25: {  	[simem:s6], [sflag:s4] =	dma.local [hbm:s3], $0xF7A  }
0x26: {  	[smem:$0x3F9B] =	sst s1;
	(tag) =	ssettag s2;
	_ =	strace s9  }
0x27: {  	s1 =	sld [smem:$0x3FAB]  }
0x28: {  	s2 =	sld [smem:$0x3FAC]  }
0x29: {  	s4 =	sld [smem:$0x3FAE]  }
0x2a: {  	p0 =	seq.s32 s5, $0x0;
	s5 =	sld [smem:$0x3FAF]  }
0x2b: {  	s6 =	sld [smem:$0x3FB0]  }
0x2c: {  	s7 =	sld [smem:$0x3FB1]  }
0x2d: {  	s3 =	simm.s32 $0x108;
	s8 =	sld [smem:$0x3FB2]  }
0x2e: {  	s3 =	simm.s32 @!p0 $0x1082;
	s9 =	sld [smem:$0x3FB3]  }
0x2f: {  	lr =	sadd.s32 s0, s3;
	s0 =	sld [smem:$0x3FAA]  }
0x30: {  	s3 =	sld [smem:$0x3FAD]  }
0x31: {  	[smem:$0x3FB6] =	sst s10  }
0x32: {  	s10 =	sld [smem:$0x3FB4];
	_ =	sdelay $0x3  }
0x33: {  	p0 =	seq.s32 s10, $0x1;
	s10 =	sld [smem:$0x3FB6];
	_ =	sdelay $0x3  }
0x34: {  	[smem:$0x3FB6] =	sst s10  }
0x35: {  	s10 =	sld [smem:$0x3FB5];
	_ =	sdelay $0x3  }
0x36: {  	p1 =	seq.s32 s10, $0x1;
	s10 =	sld [smem:$0x3FB6];
	_ =	sdelay $0x3  }
0x37: {  	[smem:$0x3FB6] =	sst s10  }
0x38: {  	s10 =	sld [smem:$0x3FB7]  }
0x39: {  	_ = 	snop;
	(pc) =	sbr.ind lr, $3  }
0x3a: {  	_ = 	snop  }
0x3b: {  	_ = 	snop  }
0x3c: {  	p2 =	seq.s32 s10, $0x1;
	s10 =	sld [smem:$0x3FB6]  }
0x3d: {  	_ =	shalt  }
0x3e: {  	_ =	shalt  }
0x3f: {  	_ =	shalt  }
0x40: {  	_ =	shalt  }
0x41: {  	_ =	shalt  }
0x42: {  	_ =	shalt  }
0x43: {  	_ =	shalt  }
0x44: {  	_ =	shalt  }
0x45: {  	_ =	shalt  }
0x46: {  	_ =	shalt  }
0x47: {  	_ =	shalt  }
0x48: {  	_ =	shalt  }
0x49: {  	_ =	shalt  }
0x4a: {  	_ =	shalt  }
0x4b: {  	_ =	shalt  }
0x4c: {  	_ =	shalt  }
0x4d: {  	_ =	shalt  }
0x4e: {  	_ =	shalt  }
0x4f: {  	_ =	shalt  }
0x50: {  	_ =	shalt  }
0x51: {  	_ =	shalt  }
0x52: {  	_ =	shalt  }
0x53: {  	_ =	shalt  }
0x54: {  	_ =	shalt  }
0x55: {  	_ =	shalt  }
0x56: {  	_ =	shalt  }
0x57: {  	_ =	shalt  }
0x58: {  	_ =	shalt  }
0x59: {  	_ =	shalt  }
0x5a: {  	_ =	shalt  }
0x5b: {  	_ =	shalt  }
0x5c: {  	_ =	shalt  }
0x5d: {  	_ =	shalt  }
0x5e: {  	_ =	shalt  }
0x5f: {  	_ =	shalt  }
0x60: {  	_ =	shalt  }
0x61: {  	_ =	shalt  }
0x62: {  	_ =	shalt  }
0x63: {  	_ =	shalt  }
0x64: {  	_ =	shalt  }
0x65: {  	_ =	shalt  }
0x66: {  	_ =	shalt  }
0x67: {  	_ =	shalt  }
0x68: {  	_ =	shalt  }
0x69: {  	_ =	shalt  }
0x6a: {  	_ =	shalt  }
0x6b: {  	_ =	shalt  }
0x6c: {  	_ =	shalt  }
0x6d: {  	_ =	shalt  }
0x6e: {  	_ =	shalt  }
0x6f: {  	_ =	shalt  }
0x70: {  	_ =	shalt  }
0x71: {  	_ =	shalt  }
0x72: {  	_ =	shalt  }
0x73: {  	_ =	shalt  }
0x74: {  	_ =	shalt  }
0x75: {  	_ =	shalt  }
0x76: {  	_ =	shalt  }
0x77: {  	_ =	shalt  }
0x78: {  	_ =	shalt  }
0x79: {  	_ =	shalt  }
0x7a: {  	_ =	shalt  }
0x7b: {  	_ =	shalt  }
0x7c: {  	_ =	shalt  }
0x7d: {  	_ =	shalt  }
0x7e: {  	_ =	shalt  }
0x7f: {  	_ =	shalt  }
0x80: {  	_ =	shalt  }
0x81: {  	_ =	shalt  }
0x82: {  	_ =	shalt  }
0x83: {  	_ =	shalt  }
0x84: {  	_ =	shalt  }
0x85: {  	_ =	shalt  }
0x86: {  	_ =	shalt  }
0x87: {  	_ =	shalt  }
.Lfunc_end0:
.L_simem_size_0:
called_computation.2_lowered:
.L_overlay_start_0:
0x88: {  	s2 =	sld [smem:$0x3FD9]  }
0x89: {  	s3 =	sld [smem:$0x3FFE];
	_ =	sdelay $0x1  }
0x8a: {  	s1 =	srdreg.scid  }
0x8b: {  	s0 =	sand.u32 $0x1, s1  }
0x8c: {  	s17 =	sshll.u32 s0, $0xA;
	s2 =	sadd.s32 s3, s2  }
0x8d: {  	s2 =	sadd.s32 s2, s17  }
0x8e: {  	[smem:$0x3FC2] =	sst s2  }
0x8f: {  	_ = 	snop  }
0x90: {  	s2 =	sld [smem:$0x3FD0];
	(tm) =	ssettm $0x1  }
0x91: {  	s18 =	sld [smem:$0x3FFB];
	_ =	sdelay $0x3  }
0x92: {  	_ =	strace s18  }
0x93: {  	s3 =	sld [smem:$0x3FFC];
	_ =	sdelay $0x3  }
0x94: {  	_ =	strace s3  }
0x95: {  	s3 =	sld [smem:$0x3FFD];
	_ =	sdelay $0x3  }
0x96: {  	_ =	strace s3  }
0x97: {  	_ =	strace $0x8FFFFFFF  }
0x98: {  	s19 =	sld [smem:$0x3FDB];
	_ =	sdelay $0x1  }
0x99: {  	s4 =	simm.s32 $_scs_section_size  }
0x9a: {  	s5 =	simm.s32 $_size__tile_overlayer_lowered;
	s6 =	simm.s32 $_tile_overlayer_lowered  }
0x9b: {  	s22 =	simm.s32 $0x1BFF;
	s21 =	sshll.u32 s6, $0x1;
	s3 =	sadd.s32 s4, s19  }
0x9c: {  	s7 =	simm.s32 $0x0;
	s20 =	sshll.u32 s5, $0x1;
	s5 =	sadd.s32 s21, s3  }
0x9d: {  	[timem:s7], [sflag:s22] =	dma.local [hbm:s5], s20  }
0x9e: {  	_ =	swait.ge [sflag:s22], s20  }
0x9f: {  	s4 =	ssub.s32 $0x0, s20;
	[sflag:s22] =	ssyncset.done $0x0  }
0xa0: {  	[sflag:s22] =	ssyncadd.s32 s4;
	_ =	sdelay $0x1  }
0xa1: {  	s23 =	simm.s32 $0x1B8B  }
0xa2: {  	_ =	swait.ge [sflag:s23], $0x1  }
0xa3: {  	[sflag:s23] =	ssyncset.done $0x0  }
0xa4: {  	s25 =	simm.s32 $0x1B8E;
	s24 =	sld [smem:$0x3FFE];
	[sflag:s23] =	ssyncadd.s32 $0xFFFFFFFF  }
0xa5: {  	s26 =	simm.s32 $execute0_lowered;
	[smem:$0x3FD2] =	sst s25  }
0xa6: {  	s5 =	sshll.u32 s26, $0x1;
	_ =	strace $0x8000004C;
	[dreg:$0x1] =	wrdreg $0xFFFFFFFF  }
0xa7: {  	s28 =	simm.s32 $_size_execute0_lowered;
	s3 =	sadd.s32 s3, s5;
	[dreg:$0x0] =	wrdreg $0x0  }
0xa8: {  	s5 =	sshll.u32 s28, $0x1;
	[dreg:$0x2] =	wrdreg s3  }
0xa9: {  	[dreg:$0x3] =	wrdreg s5  }
0xaa: {  	[dreg:$0x4] =	wrdreg $0xC0  }
0xab: {  	_ =	task [dreg:s7], $0x5FFFF  }
0xac: {  	[dreg:$0x1] =	wrdreg $0xFFFFFFFF  }
0xad: {  	[dreg:$0x0] =	wrdreg $0x60  }
0xae: {  	[dreg:$0x2] =	wrdreg s2  }
0xaf: {  	[dreg:$0x3] =	wrdreg s24  }
0xb0: {  	[dreg:$0x4] =	wrdreg $0xBF000  }
0xb1: {  	[dreg:$0x5] =	wrdreg $0x9  }
0xb2: {  	_ =	task.clear_ibuf [dreg:s7], $0x6FFFF;
	_ =	strace $0x9000004C  }
0xb3: {  	s29 =	simm.s32 $0x9;
	_ =	strace $0x8000004E  }
0xb4: {  	_ =	swait.ge [sflag:s29], $0x1  }
0xb5: {  	[sflag:s29] =	ssyncadd.s32 $0xFFFFFFFF  }
0xb6: {  	_ =	strace $0x9000004E  }
0xb7: {  	_ =	sfence  }
0xb8: {  	s30 =	sld [smem:$0x0];
	_ =	sdelay $0x2  }
0xb9: {  	s31 =	sshll.u32 s1, $0xD;
	s1 =	sshrl.u32 s1, $0x2  }
0xba: {  	s3 =	sand.u32 $0x4000, s31;
	s1 =	sadd.s32 s1, s30  }
0xbb: {  	s0 =	sor.u32 s3, s0;
	s1 =	sshll.u32 s1, $0x11  }
0xbc: {  	s0 =	sor.u32 s1, s0  }
0xbd: {  	s0 =	sadd.s32 $0x8F2B, s0  }
0xbe: {  	[sflag:s0] =	ssyncadd.remote.s32 $0x1  }
0xbf: {  	_ =	sfence.sel $0xFFFF  }
0xc0: {  	[dreg:$0x0] =	wrdreg $0xFFFFFFFF;
	(pc) =	sbr.abs _section_cstart, $3  }
0xc1: {  	[dreg:$0x1] =	wrdreg $0xFFFFFFFF  }
0xc2: {  	_ =	task.clear_ibuf [dreg:s7], $0x2FFFF;
	_ =	strace $0x9FFFFFFF  }
0xc3: {  	(tm) =	ssettm $0x7FFFFFFF  }
tec
execute0_lowered:
.L_overlay_start_1:
0x0: {  	(tag) =	ssettag $0x1  }
0x1: {  	s0 =	rddreg [dreg:$0x0];
	s1 =	srdreg.scid  }
0x2: {  	s3 =	rddreg [dreg:$0x1];
	s10 =	stileid.u32  }
0x3: {  	s2 =	rddreg [dreg:$0x2];
	s22 =	simm.s32 $0x0;
	s29 =	simm.s32 $0x14  }
0x4: {  	s31 =	simm.s32 $0x15;
	s28 =	simm.s32 $0x1A;
	s11 =	simm.s32 $0x6700  }
0x5: {  	s12 =	simm.s32 $0x7700;
	s13 =	simm.s32 $0x7F00;
	s14 =	simm.s32 $0x8700  }
0x6: {  	s15 =	simm.s32 $0x8F00;
	s1 =	sand.u32 $0x1, s1;
	s5 =	smul.u32 $0x2800, s10  }
0x7: {  	[smem:$0x7FF] =	sst s22;
	s9 =	smul.u32 $0xA000, s10;
	s17 =	sshll.u32 s10, $0x4  }
0x8: {  	s4 =	smul.u32 $0x28000, s1;
	s6 =	sshll.u32 s1, $0x4;
	s1 =	ssub.s32 $0x2, s1  }
0x9: {  	_ =	strace $0x8000004D;
	s6 =	sor.u32 s10, s6;
	s16 =	sshrl.u32 s1, $0x1  }
0xa: {  	s18 =	sshrl.u32 s9, $0x2;
	s23 =	sadd.s32 s5, s2;
	s9 =	simm.s32 $0x5700  }
0xb: {  	s10 =	simm.s32 $0x5F00;
	s4 =	sadd.s32 s5, s4;
	s8 =	smul.u32 $0x2700, s6  }
0xc: {  	s1 =	ssub.s32 s1, s16;
	s19 =	sadd.s32 s18, s2;
	p0 =	sgt.u32 s6, $0x3  }
0xd: {  	s16 =	simm.s32 $0xF;
	s1 =	smax.u32 s1, $0x1;
	[dreg:$0x7] =	wrdreg s19  }
0xe: {  	s18 =	simm.s32 $0xA700;
	s24 =	sadd.s32 $0x800, s19;
	[dreg:$0xb] =	wrdreg s1  }
0xf: {  	s7 =	sshrl.u32 s4, $0x3;
	s25 =	sadd.s32 $0x1000, s19;
	[dreg:$0xc] =	wrdreg s24  }
0x10: {  	s4 =	sadd.s32 $0x2A00, s3;
	s26 =	sadd.s32 $0x1800, s19;
	[dreg:$0xd] =	wrdreg s25  }
0x11: {  	s30 =	sadd.s32 $0x2000, s19;
	s19 =	simm.s32 $0x80;
	[dreg:$0xe] =	wrdreg s26  }
0x12: {  	s3 =	sadd.s32 s7, s3;
	s8 =	sshrl.u32 s8, $0x3;
	[dreg:$0xf] =	wrdreg s30  }
0x13: {  	s26 =	simm.s32 $0x13;
	s24 =	simm.s32 $0x17;
	s1 =	simm.s32 $0x19  }
0x14: {  	s25 =	simm.s32 $0x9700;
	s7 =	simm.s32 $0x9F00;
	s8 =	sadd.s32 s0, s8  }
0x15: {  	s0 =	sadd.s32 s17, s0;
	s21 =	sadd.s32 $0x7A00, s3;
	[dreg:$0x5] =	wrdreg s8  }
.Ltmp0:
0x16: {  	s8 =	sadd.s32 $0x9C40, s8;
	[dreg:$0xa] =	wrdreg s21;
	(pc) =	sbr.rel .LBB2_1-.Ltmp0, $4  }
0x17: {  	s17 =	simm.s32 $0x16;
	s20 =	sadd.s32 $0x9C00, s0;
	[dreg:$0x6] =	wrdreg s8  }
0x18: {  	s0 =	sadd.s32 $0x13840, s0;
	s21 =	simm.s32 $0x11;
	[dreg:$0x8] =	wrdreg s20  }
0x19: {  	[dreg:$0x9] =	wrdreg s0;
	s0 =	sshrl.u32 s23, $0x3;
	s20 =	simm.s32 $0x10  }
0x1a: {  	v0 =	vimm.f32 $0.0e+00;
	s23 =	simm.s32 $0x12;
	[dreg:$0x10] =	wrdreg s0;
	s0 =	simm.s32 $0x18  }
.LBB2_6:
0x1b: {  	_ =	swait.ge [sflag:s16], $0x800  }
0x1c: {  	[sflag:s16] =	ssyncset.done $0x0  }
0x1d: {  	[sflag:s16] =	ssyncadd.s32 $0xFFFFF800  }
0x1e: {  	_ =	swait.ge [sflag:s20], $0x800  }
0x1f: {  	[sflag:s20] =	ssyncset.done $0x0  }
0x20: {  	[sflag:s20] =	ssyncadd.s32 $0xFFFFF800  }
0x21: {  	_ =	swait.ge [sflag:s21], $0x800  }
0x22: {  	[sflag:s21] =	ssyncset.done $0x0  }
0x23: {  	[sflag:s21] =	ssyncadd.s32 $0xFFFFF800  }
0x24: {  	_ =	swait.ge [sflag:s23], $0x800  }
0x25: {  	[sflag:s23] =	ssyncset.done $0x0  }
0x26: {  	[sflag:s23] =	ssyncadd.s32 $0xFFFFF800  }
0x27: {  	_ =	swait.ge [sflag:s26], $0x800  }
0x28: {  	[sflag:s26] =	ssyncset.done $0x0  }
0x29: {  	[sflag:s26] =	ssyncadd.s32 $0xFFFFF800  }
0x2a: {  	_ =	swait.ge [sflag:s29], $0x800  }
0x2b: {  	[sflag:s29] =	ssyncset.done $0x0  }
0x2c: {  	[sflag:s29] =	ssyncadd.s32 $0xFFFFF800  }
0x2d: {  	_ =	swait.ge [sflag:s31], $0x800  }
0x2e: {  	[sflag:s31] =	ssyncset.done $0x0  }
0x2f: {  	[sflag:s31] =	ssyncadd.s32 $0xFFFFF800  }
0x30: {  	_ =	swait.ge [sflag:s17], $0x800  }
0x31: {  	[sflag:s17] =	ssyncset.done $0x0  }
0x32: {  	[sflag:s17] =	ssyncadd.s32 $0xFFFFF800  }
0x33: {  	_ =	swait.ge [sflag:s24], $0x800  }
0x34: {  	[sflag:s24] =	ssyncset.done $0x0  }
0x35: {  	[sflag:s24] =	ssyncadd.s32 $0xFFFFF800  }
0x36: {  	_ =	swait.ge [sflag:s0], $0x800  }
0x37: {  	[sflag:s0] =	ssyncset.done $0x0  }
0x38: {  	[sflag:s0] =	ssyncadd.s32 $0xFFFFF800  }
0x39: {  	_ =	swait.ge [sflag:s1], $0x800  }
0x3a: {  	[sflag:s1] =	ssyncset.done $0x0  }
0x3b: {  	[sflag:s1] =	ssyncadd.s32 $0xFFFFF800  }
0x3c: {  	_ =	swait.ge [sflag:s28], $0x800  }
0x3d: {  	s6 =	simm.s32 @!p0 $0x0;
	s3 =	simm.s32 @!p0 $0x4E00;
	[sflag:s28] =	ssyncset.done $0x0  }
0x3e: {  	s30 =	simm.s32 @!p0 $0x1B;
	s22 =	rddreg [dreg:$0x8];
	[sflag:s28] =	ssyncadd.s32 $0xFFFFF800  }
0x3f: {  	[tilespmem:s3], [sflag:$0x1B] =	stream.linear.gather @!p0 [hbm4b:s22+s6], $0x80, $0x38;
	[tilespmem:$0xE700] =	vst v63  }
0x40: {  	_ =	swait.ge @!p0 [sflag:s30], $0x80  }
0x41: {  	[sflag:s30] =	ssyncset.done @!p0 $0x0  }
0x42: {  	s5 =	simm.s32 @!p0 $0x4E80;
	s22 =	rddreg [dreg:$0x9];
	[sflag:s30] =	ssyncadd.s32 @!p0 $0xFFFFFF80  }
0x43: {  	[tilespmem:s5], [sflag:$0x1B] =	stream.linear.gather @!p0 [hbm4b:s22+s6], $0x80, $0x38;
	[tilespmem:$0xE700] =	vst v63  }
0x44: {  	_ =	swait.ge @!p0 [sflag:s30], $0x80  }
0x45: {  	[sflag:s30] =	ssyncset.done @!p0 $0x0  }
0x46: {  	s22 =	simm.s32 @!p0 $0x80;
	s6 =	simm.s32 @!p0 $0x4F00;
	[sflag:s30] =	ssyncadd.s32 @!p0 $0xFFFFFF80  }
0x47: {  	[tilespmem:s6], [sflag:$0x1B] =	stream.indirect.gather @!p0 [hbm4b:s4+s22], $0x10, s3, s22, $0xb8;
	[tilespmem:$0xE700] =	vst v63  }
0x48: {  	_ =	swait.ge @!p0 [sflag:s30], $0x800  }
0x49: {  	[sflag:s30] =	ssyncset.done @!p0 $0x0  }
0x4a: {  	[sflag:s30] =	ssyncadd.s32 @!p0 $0xFFFFF800  }
0x4b: {  	[spmem:s2] =	stream.indirect.scatter.add.f32 @!p0 [tilespmem:s6], [sflag:$0x1B], $0x10, s5, s22, $0xb8;
	[tilespmem:$0xE700] =	vst v63  }
0x4c: {  	_ =	swait.ge @!p0 [sflag:s30], $0x800  }
0x4d: {  	[sflag:s30] =	ssyncset.done @!p0 $0x0  }
0x4e: {  	[sflag:s30] =	ssyncadd.s32 @!p0 $0xFFFFF800  }
0x4f: {  	s30 =	stileid.u32;
	[bflag:$0x0] =	sbarrier.arrive $0xFFFF  }
0x50: {  	s6 =	sshll.u32 s30, $0x6;
	s3 =	rddreg [dreg:$0xa]  }
0x51: {  	s5 =	simm.s32 $0x1B;
	s6 =	sor.u32 $0x1C1B, s6;
	s8 =	rddreg [dreg:$0x10]  }
0x52: {  	[hbm:s3], [sflag:s6] =	dma.local [spmem:s8], $0x500  }
0x53: {  	_ =	swait.ge [sflag:s5], $0x500  }
0x54: {  	s6 =	rddreg [dreg:$0x4]  }
0x55: {  	s8 =	rddreg [dreg:$0xb];
	s22 =	sadd.s32 $0x1, s6  }
0x56: {  	p1 =	sne.s32 s22, s8  }
.Ltmp1:
0x57: {  	_ = 	snop;
	(pc) =	sbr.rel @!p1 .LBB2_7-.Ltmp1, $3  }
0x58: {  	_ =	sdelay $0x1  }
0x59: {  	[sflag:s5] =	ssyncset.done $0x0  }
0x5a: {  	[sflag:s5] =	ssyncadd.s32 $0xFFFFFB00  }
.LBB2_1:
0x5b: {  	[dreg:$0x4] =	wrdreg s22;
	s22 =	simm.s32 $0x40;
	s30 =	simm.s32 $0x0  }
.LBB2_2:
0x5c: {  	p1 =	sne.s32 s22, $0x1FC0;
	[tilespmem:s30+$0xB700] =	vst v0;
	s30 =	smov.u32 s22;
	s22 =	sadd.s32 $0x40, s22  }
.Ltmp2:
0x5d: {  	(pc) =	sbr.rel @p1 .LBB2_2-.Ltmp2, $2  }
0x5e: {  	_ =	sdelay $0x2  }
0x5f: {  	s30 =	sshra.s32 s30, $0x2  }
0x60: {  	[tilespmem:s30+$0xB700] =	vst v0;
	s22 =	simm.s32 $0x0;
	s6 =	rddreg [dreg:$0x5];
	s30 =	simm.s32 $0x1B  }
0x61: {  	[tilespmem:s22], [sflag:$0x1B] =	stream.linear.gather [hbm4b:s6+s22], $0x2700, $0x38;
	[tilespmem:$0xE700] =	vst v63  }
0x62: {  	_ =	swait.ge [sflag:s30], $0x2700  }
0x63: {  	[sflag:s30] =	ssyncset.done $0x0  }
0x64: {  	s8 =	simm.s32 $0x2700;
	s3 =	rddreg [dreg:$0x6];
	[sflag:s30] =	ssyncadd.s32 $0xFFFFD900  }
0x65: {  	[tilespmem:s8], [sflag:$0x1B] =	stream.linear.gather [hbm4b:s3+s22], $0x2700, $0x38;
	[tilespmem:$0xE700] =	vst v63  }
0x66: {  	_ =	swait.ge [sflag:s30], $0x2700  }
0x67: {  	[sflag:s30] =	ssyncset.done $0x0  }
0x68: {  	s8 =	simm.s32 $0xB700;
	s5 =	rddreg [dreg:$0x7];
	[sflag:s30] =	ssyncadd.s32 $0xFFFFD900  }
0x69: {  	[spmem:s5] =	stream.linear.scatter [tilespmem:s8], [sflag:$0x1B], $0x800, $0x38;
	[tilespmem:$0xE700] =	vst v63  }
0x6a: {  	_ =	swait.ge [sflag:s30], $0x800  }
0x6b: {  	[sflag:s30] =	ssyncset.done $0x0  }
0x6c: {  	s3 =	rddreg [dreg:$0xc];
	[sflag:s30] =	ssyncadd.s32 $0xFFFFF800  }
0x6d: {  	[spmem:s3] =	stream.linear.scatter [tilespmem:s8], [sflag:$0x1B], $0x800, $0x38;
	[tilespmem:$0xE700] =	vst v63  }
0x6e: {  	_ =	swait.ge [sflag:s30], $0x800  }
0x6f: {  	[sflag:s30] =	ssyncset.done $0x0  }
0x70: {  	s5 =	rddreg [dreg:$0xd];
	[sflag:s30] =	ssyncadd.s32 $0xFFFFF800  }
0x71: {  	[spmem:s5] =	stream.linear.scatter [tilespmem:s8], [sflag:$0x1B], $0x800, $0x38;
	[tilespmem:$0xE700] =	vst v63  }
0x72: {  	_ =	swait.ge [sflag:s30], $0x800  }
0x73: {  	[sflag:s30] =	ssyncset.done $0x0  }
0x74: {  	s3 =	rddreg [dreg:$0xe];
	[sflag:s30] =	ssyncadd.s32 $0xFFFFF800  }
0x75: {  	[spmem:s3] =	stream.linear.scatter [tilespmem:s8], [sflag:$0x1B], $0x800, $0x38;
	[tilespmem:$0xE700] =	vst v63  }
0x76: {  	_ =	swait.ge [sflag:s30], $0x800  }
0x77: {  	[sflag:s30] =	ssyncset.done $0x0  }
0x78: {  	s5 =	rddreg [dreg:$0xf];
	[sflag:s30] =	ssyncadd.s32 $0xFFFFF800  }
0x79: {  	[spmem:s5] =	stream.linear.scatter [tilespmem:s8], [sflag:$0x1B], $0x800, $0x38;
	[tilespmem:$0xE700] =	vst v63  }
0x7a: {  	_ =	swait.ge [sflag:s30], $0x800  }
0x7b: {  	[sflag:s30] =	ssyncset.done $0x0  }
0x7c: {  	[sflag:s30] =	ssyncadd.s32 $0xFFFFF800  }
0x7d: {  	s8 =	simm.s32 $0x4F00;
	[bflag:$0x0] =	sbarrier.arrive $0xFFFF  }
0x7e: {  	[tilespmem:s8], [sflag:$0x1] =	stream.indirect.gather [hbm4b:s4+s19], $0x10, s22, s19, $0xb8;
	[tilespmem:$0xE700] =	vst v63  }
0x7f: {  	_ = 	snop  }
0x80: {  	[tilespmem:s9], [sflag:$0x2] =	stream.indirect.gather [hbm4b:s4+s19], $0x10, s19, s19, $0xb8;
	[tilespmem:$0xE700] =	vst v63  }
0x81: {  	s3 =	simm.s32 $0x100  }
0x82: {  	[tilespmem:s10], [sflag:$0x3] =	stream.indirect.gather [hbm4b:s4+s19], $0x10, s3, s19, $0xb8;
	[tilespmem:$0xE700] =	vst v63  }
0x83: {  	s5 =	simm.s32 $0x180  }
0x84: {  	[tilespmem:s11], [sflag:$0x4] =	stream.indirect.gather [hbm4b:s4+s19], $0x10, s5, s19, $0xb8;
	[tilespmem:$0xE700] =	vst v63  }
0x85: {  	s30 =	simm.s32 $0x200;
	s5 =	simm.s32 $0x6F00  }
0x86: {  	[tilespmem:s5], [sflag:$0x5] =	stream.indirect.gather [hbm4b:s4+s19], $0x10, s30, s19, $0xb8;
	[tilespmem:$0xE700] =	vst v63  }
0x87: {  	s3 =	simm.s32 $0x280  }
0x88: {  	[tilespmem:s12], [sflag:$0x6] =	stream.indirect.gather [hbm4b:s4+s19], $0x10, s3, s19, $0xb8;
	[tilespmem:$0xE700] =	vst v63  }
0x89: {  	s30 =	simm.s32 $0x300  }
0x8a: {  	[tilespmem:s13], [sflag:$0x7] =	stream.indirect.gather [hbm4b:s4+s19], $0x10, s30, s19, $0xb8;
	[tilespmem:$0xE700] =	vst v63  }
0x8b: {  	s3 =	simm.s32 $0x380  }
0x8c: {  	[tilespmem:s14], [sflag:$0x8] =	stream.indirect.gather [hbm4b:s4+s19], $0x10, s3, s19, $0xb8;
	[tilespmem:$0xE700] =	vst v63  }
0x8d: {  	s30 =	simm.s32 $0x400  }
0x8e: {  	[tilespmem:s15], [sflag:$0x9] =	stream.indirect.gather [hbm4b:s4+s19], $0x10, s30, s19, $0xb8;
	[tilespmem:$0xE700] =	vst v63  }
0x8f: {  	s3 =	simm.s32 $0x480  }
0x90: {  	[tilespmem:s25], [sflag:$0xA] =	stream.indirect.gather [hbm4b:s4+s19], $0x10, s3, s19, $0xb8;
	[tilespmem:$0xE700] =	vst v63  }
0x91: {  	s30 =	simm.s32 $0x500  }
0x92: {  	[tilespmem:s7], [sflag:$0xB] =	stream.indirect.gather [hbm4b:s4+s19], $0x10, s30, s19, $0xb8;
	[tilespmem:$0xE700] =	vst v63  }
0x93: {  	s3 =	simm.s32 $0x580  }
0x94: {  	[tilespmem:s18], [sflag:$0xC] =	stream.indirect.gather [hbm4b:s4+s19], $0x10, s3, s19, $0xb8;
	[tilespmem:$0xE700] =	vst v63  }
0x95: {  	s30 =	simm.s32 $0x600;
	s3 =	simm.s32 $0xAF00  }
0x96: {  	[tilespmem:s3], [sflag:$0xD] =	stream.indirect.gather [hbm4b:s4+s19], $0x10, s30, s19, $0xb8;
	[tilespmem:$0xE700] =	vst v63  }
.LBB2_4:
0x97: {  	s6 =	simm.s32 $0x1  }
0x98: {  	_ =	swait.ge [sflag:s6], $0x800  }
0x99: {  	s30 =	sshra.s32 s22, $0x2;
	[sflag:s6] =	ssyncset.done $0x0  }
0x9a: {  	[sflag:s6] =	ssyncadd.s32 $0xFFFFF800;
	s6 =	sadd.s32 $0x2700, s30  }
0x9b: {  	[spmem:s2] =	stream.indirect.scatter.add.f32 [tilespmem:s8], [sflag:$0xE], $0x10, s6, s19, $0xb8;
	[tilespmem:$0xE700] =	vst v63  }
0x9c: {  	s6 =	simm.s32 $0x2  }
0x9d: {  	_ =	swait.ge [sflag:s6], $0x800  }
0x9e: {  	[sflag:s6] =	ssyncset.done $0x0  }
0x9f: {  	[sflag:s6] =	ssyncadd.s32 $0xFFFFF800;
	s6 =	sadd.s32 $0x2780, s30  }
0xa0: {  	[spmem:s2] =	stream.indirect.scatter.add.f32 [tilespmem:s9], [sflag:$0xF], $0x10, s6, s19, $0xb8;
	[tilespmem:$0xE700] =	vst v63  }
0xa1: {  	s6 =	simm.s32 $0x3  }
0xa2: {  	_ =	swait.ge [sflag:s6], $0x800  }
0xa3: {  	[sflag:s6] =	ssyncset.done $0x0  }
0xa4: {  	[sflag:s6] =	ssyncadd.s32 $0xFFFFF800;
	s6 =	sadd.s32 $0x2800, s30  }
0xa5: {  	[spmem:s2] =	stream.indirect.scatter.add.f32 [tilespmem:s10], [sflag:$0x10], $0x10, s6, s19, $0xb8;
	[tilespmem:$0xE700] =	vst v63  }
0xa6: {  	s6 =	simm.s32 $0x4  }
0xa7: {  	_ =	swait.ge [sflag:s6], $0x800  }
0xa8: {  	[sflag:s6] =	ssyncset.done $0x0  }
0xa9: {  	[sflag:s6] =	ssyncadd.s32 $0xFFFFF800;
	s6 =	sadd.s32 $0x2880, s30  }
0xaa: {  	[spmem:s2] =	stream.indirect.scatter.add.f32 [tilespmem:s11], [sflag:$0x11], $0x10, s6, s19, $0xb8;
	[tilespmem:$0xE700] =	vst v63  }
0xab: {  	s6 =	simm.s32 $0x5  }
0xac: {  	_ =	swait.ge [sflag:s6], $0x800  }
0xad: {  	[sflag:s6] =	ssyncset.done $0x0  }
0xae: {  	[sflag:s6] =	ssyncadd.s32 $0xFFFFF800;
	s6 =	sadd.s32 $0x2900, s30  }
0xaf: {  	[spmem:s2] =	stream.indirect.scatter.add.f32 [tilespmem:s5], [sflag:$0x12], $0x10, s6, s19, $0xb8;
	[tilespmem:$0xE700] =	vst v63  }
0xb0: {  	s6 =	simm.s32 $0x6  }
0xb1: {  	_ =	swait.ge [sflag:s6], $0x800  }
0xb2: {  	[sflag:s6] =	ssyncset.done $0x0  }
0xb3: {  	[sflag:s6] =	ssyncadd.s32 $0xFFFFF800;
	s6 =	sadd.s32 $0x2980, s30  }
0xb4: {  	[spmem:s2] =	stream.indirect.scatter.add.f32 [tilespmem:s12], [sflag:$0x13], $0x10, s6, s19, $0xb8;
	[tilespmem:$0xE700] =	vst v63  }
0xb5: {  	s6 =	simm.s32 $0x7  }
0xb6: {  	_ =	swait.ge [sflag:s6], $0x800  }
0xb7: {  	[sflag:s6] =	ssyncset.done $0x0  }
0xb8: {  	[sflag:s6] =	ssyncadd.s32 $0xFFFFF800;
	s6 =	sadd.s32 $0x2A00, s30  }
0xb9: {  	[spmem:s2] =	stream.indirect.scatter.add.f32 [tilespmem:s13], [sflag:$0x14], $0x10, s6, s19, $0xb8;
	[tilespmem:$0xE700] =	vst v63  }
0xba: {  	s6 =	simm.s32 $0x8  }
0xbb: {  	_ =	swait.ge [sflag:s6], $0x800  }
0xbc: {  	[sflag:s6] =	ssyncset.done $0x0  }
0xbd: {  	[sflag:s6] =	ssyncadd.s32 $0xFFFFF800;
	s6 =	sadd.s32 $0x2A80, s30  }
0xbe: {  	[spmem:s2] =	stream.indirect.scatter.add.f32 [tilespmem:s14], [sflag:$0x15], $0x10, s6, s19, $0xb8;
	[tilespmem:$0xE700] =	vst v63  }
0xbf: {  	s6 =	simm.s32 $0x9  }
0xc0: {  	_ =	swait.ge [sflag:s6], $0x800  }
0xc1: {  	[sflag:s6] =	ssyncset.done $0x0  }
0xc2: {  	[sflag:s6] =	ssyncadd.s32 $0xFFFFF800;
	s6 =	sadd.s32 $0x2B00, s30  }
0xc3: {  	[spmem:s2] =	stream.indirect.scatter.add.f32 [tilespmem:s15], [sflag:$0x16], $0x10, s6, s19, $0xb8;
	[tilespmem:$0xE700] =	vst v63  }
0xc4: {  	s6 =	simm.s32 $0xA  }
0xc5: {  	_ =	swait.ge [sflag:s6], $0x800  }
0xc6: {  	[sflag:s6] =	ssyncset.done $0x0  }
0xc7: {  	[sflag:s6] =	ssyncadd.s32 $0xFFFFF800;
	s6 =	sadd.s32 $0x2B80, s30  }
0xc8: {  	[spmem:s2] =	stream.indirect.scatter.add.f32 [tilespmem:s25], [sflag:$0x17], $0x10, s6, s19, $0xb8;
	[tilespmem:$0xE700] =	vst v63  }
0xc9: {  	s6 =	simm.s32 $0xB  }
0xca: {  	_ =	swait.ge [sflag:s6], $0x800  }
0xcb: {  	[sflag:s6] =	ssyncset.done $0x0  }
0xcc: {  	[sflag:s6] =	ssyncadd.s32 $0xFFFFF800;
	s6 =	sadd.s32 $0x2C00, s30  }
0xcd: {  	[spmem:s2] =	stream.indirect.scatter.add.f32 [tilespmem:s7], [sflag:$0x18], $0x10, s6, s19, $0xb8;
	[tilespmem:$0xE700] =	vst v63  }
0xce: {  	s6 =	simm.s32 $0xC  }
0xcf: {  	_ =	swait.ge [sflag:s6], $0x800  }
0xd0: {  	[sflag:s6] =	ssyncset.done $0x0  }
0xd1: {  	[sflag:s6] =	ssyncadd.s32 $0xFFFFF800;
	s6 =	sadd.s32 $0x2C80, s30  }
0xd2: {  	[spmem:s2] =	stream.indirect.scatter.add.f32 [tilespmem:s18], [sflag:$0x19], $0x10, s6, s19, $0xb8;
	[tilespmem:$0xE700] =	vst v63  }
0xd3: {  	s6 =	simm.s32 $0xD  }
0xd4: {  	_ =	swait.ge [sflag:s6], $0x800  }
0xd5: {  	[sflag:s6] =	ssyncset.done $0x0  }
0xd6: {  	p1 =	seq.s32 s22, $0x8200;
	[sflag:s6] =	ssyncadd.s32 $0xFFFFF800;
	s6 =	sadd.s32 $0x2D00, s30  }
0xd7: {  	[spmem:s2] =	stream.indirect.scatter.add.f32 [tilespmem:s3], [sflag:$0x1A], $0x10, s6, s19, $0xb8;
	[tilespmem:$0xE700] =	vst v63  }
.Ltmp3:
0xd8: {  	_ = 	snop;
	(pc) =	sbr.rel @p1 .LBB2_6-.Ltmp3, $4  }
0xd9: {  	s6 =	simm.s32 $0xE  }
0xda: {  	_ =	swait.ge [sflag:s6], $0x800  }
0xdb: {  	[sflag:s6] =	ssyncset.done $0x0  }
0xdc: {  	[sflag:s6] =	ssyncadd.s32 $0xFFFFF800  }
0xdd: {  	s6 =	sadd.s32 $0x680, s30  }
0xde: {  	[tilespmem:s8], [sflag:$0x1] =	stream.indirect.gather [hbm4b:s4+s19], $0x10, s6, s19, $0xb8;
	[tilespmem:$0xE700] =	vst v63  }
0xdf: {  	_ =	swait.ge [sflag:s16], $0x800  }
0xe0: {  	[sflag:s16] =	ssyncset.done $0x0  }
0xe1: {  	s6 =	sadd.s32 $0x700, s30;
	[sflag:s16] =	ssyncadd.s32 $0xFFFFF800  }
0xe2: {  	[tilespmem:s9], [sflag:$0x2] =	stream.indirect.gather [hbm4b:s4+s19], $0x10, s6, s19, $0xb8;
	[tilespmem:$0xE700] =	vst v63  }
0xe3: {  	_ =	swait.ge [sflag:s20], $0x800  }
0xe4: {  	[sflag:s20] =	ssyncset.done $0x0  }
0xe5: {  	s6 =	sadd.s32 $0x780, s30;
	[sflag:s20] =	ssyncadd.s32 $0xFFFFF800  }
0xe6: {  	[tilespmem:s10], [sflag:$0x3] =	stream.indirect.gather [hbm4b:s4+s19], $0x10, s6, s19, $0xb8;
	[tilespmem:$0xE700] =	vst v63  }
0xe7: {  	_ =	swait.ge [sflag:s21], $0x800  }
0xe8: {  	[sflag:s21] =	ssyncset.done $0x0  }
0xe9: {  	s6 =	sadd.s32 $0x800, s30;
	[sflag:s21] =	ssyncadd.s32 $0xFFFFF800  }
0xea: {  	[tilespmem:s11], [sflag:$0x4] =	stream.indirect.gather [hbm4b:s4+s19], $0x10, s6, s19, $0xb8;
	[tilespmem:$0xE700] =	vst v63  }
0xeb: {  	_ =	swait.ge [sflag:s23], $0x800  }
0xec: {  	[sflag:s23] =	ssyncset.done $0x0  }
0xed: {  	s6 =	sadd.s32 $0x880, s30;
	[sflag:s23] =	ssyncadd.s32 $0xFFFFF800  }
0xee: {  	[tilespmem:s5], [sflag:$0x5] =	stream.indirect.gather [hbm4b:s4+s19], $0x10, s6, s19, $0xb8;
	[tilespmem:$0xE700] =	vst v63  }
0xef: {  	_ =	swait.ge [sflag:s26], $0x800  }
0xf0: {  	[sflag:s26] =	ssyncset.done $0x0  }
0xf1: {  	s6 =	sadd.s32 $0x900, s30;
	[sflag:s26] =	ssyncadd.s32 $0xFFFFF800  }
0xf2: {  	[tilespmem:s12], [sflag:$0x6] =	stream.indirect.gather [hbm4b:s4+s19], $0x10, s6, s19, $0xb8;
	[tilespmem:$0xE700] =	vst v63  }
0xf3: {  	_ =	swait.ge [sflag:s29], $0x800  }
0xf4: {  	[sflag:s29] =	ssyncset.done $0x0  }
0xf5: {  	s6 =	sadd.s32 $0x980, s30;
	[sflag:s29] =	ssyncadd.s32 $0xFFFFF800  }
0xf6: {  	[tilespmem:s13], [sflag:$0x7] =	stream.indirect.gather [hbm4b:s4+s19], $0x10, s6, s19, $0xb8;
	[tilespmem:$0xE700] =	vst v63  }
0xf7: {  	_ =	swait.ge [sflag:s31], $0x800  }
0xf8: {  	[sflag:s31] =	ssyncset.done $0x0  }
0xf9: {  	s6 =	sadd.s32 $0xA00, s30;
	[sflag:s31] =	ssyncadd.s32 $0xFFFFF800  }
0xfa: {  	[tilespmem:s14], [sflag:$0x8] =	stream.indirect.gather [hbm4b:s4+s19], $0x10, s6, s19, $0xb8;
	[tilespmem:$0xE700] =	vst v63  }
0xfb: {  	_ =	swait.ge [sflag:s17], $0x800  }
0xfc: {  	[sflag:s17] =	ssyncset.done $0x0  }
0xfd: {  	s6 =	sadd.s32 $0xA80, s30;
	[sflag:s17] =	ssyncadd.s32 $0xFFFFF800  }
0xfe: {  	[tilespmem:s15], [sflag:$0x9] =	stream.indirect.gather [hbm4b:s4+s19], $0x10, s6, s19, $0xb8;
	[tilespmem:$0xE700] =	vst v63  }
0xff: {  	_ =	swait.ge [sflag:s24], $0x800  }
0x100: {  	[sflag:s24] =	ssyncset.done $0x0  }
0x101: {  	s6 =	sadd.s32 $0xB00, s30;
	[sflag:s24] =	ssyncadd.s32 $0xFFFFF800  }
0x102: {  	[tilespmem:s25], [sflag:$0xA] =	stream.indirect.gather [hbm4b:s4+s19], $0x10, s6, s19, $0xb8;
	[tilespmem:$0xE700] =	vst v63  }
0x103: {  	_ =	swait.ge [sflag:s0], $0x800  }
0x104: {  	[sflag:s0] =	ssyncset.done $0x0  }
0x105: {  	s6 =	sadd.s32 $0xB80, s30;
	[sflag:s0] =	ssyncadd.s32 $0xFFFFF800  }
0x106: {  	[tilespmem:s7], [sflag:$0xB] =	stream.indirect.gather [hbm4b:s4+s19], $0x10, s6, s19, $0xb8;
	[tilespmem:$0xE700] =	vst v63  }
0x107: {  	_ =	swait.ge [sflag:s1], $0x800  }
0x108: {  	[sflag:s1] =	ssyncset.done $0x0  }
0x109: {  	s6 =	sadd.s32 $0xC00, s30;
	[sflag:s1] =	ssyncadd.s32 $0xFFFFF800  }
0x10a: {  	[tilespmem:s18], [sflag:$0xC] =	stream.indirect.gather [hbm4b:s4+s19], $0x10, s6, s19, $0xb8;
	[tilespmem:$0xE700] =	vst v63  }
.Ltmp4:
0x10b: {  	_ = 	snop;
	(pc) =	sbr.rel .LBB2_4-.Ltmp4, $4  }
0x10c: {  	_ =	swait.ge [sflag:s28], $0x800  }
0x10d: {  	[sflag:s28] =	ssyncset.done $0x0  }
0x10e: {  	s22 =	sadd.s32 $0x1A00, s22;
	s30 =	sadd.s32 $0xC80, s30;
	[sflag:s28] =	ssyncadd.s32 $0xFFFFF800  }
0x10f: {  	[tilespmem:s3], [sflag:$0xD] =	stream.indirect.gather [hbm4b:s4+s19], $0x10, s30, s19, $0xb8;
	[tilespmem:$0xE700] =	vst v63  }
.LBB2_7:
0x110: {  	_ =	sfence.sel $0x180000  }
0x111: {  	[bflag:$0x0] =	sbarrier.arrive $0xFFFF  }
0x112: {  	_ =	strace $0x9000004D  }
0x113: {  	s0 =	stileid.u32;
	[bflag:$0x2] =	sbarrier.arrive $0xFFFF  }
0x114: {  	p0 =	sne.s32 s0, $0x0;
	s0 =	rddreg [dreg:$0x3]  }
0x115: {  	s0 =	sadd.s32 @!p0 $0x100000, s0  }
0x116: {  	[sflag:s0] =	ssyncadd.tile.s32 @!p0 $0x1;
	_ =	shalt  }
.Lfunc_end2:
_tile_overlayer_lowered:
.L_overlay_start_2:
0x117: {  	(tag) =	ssettag $0x2  }
0x118: {  	s0 =	rddreg [dreg:$0x0];
	s2 =	stileid.u32  }
0x119: {  	s1 =	rddreg [dreg:$0x1];
	p0 =	sne.s32 s2, $0x0  }
0x11a: {  	s3 =	rddreg [dreg:$0x2];
	[bflag:$0x3] =	sbarrier.arrive $0xFFFF;
	s2 =	simm.s32 @!p0 $0x1C1B  }
0x11b: {  	[timem:s3], [sflag:s2] =	dma.local @!p0 [hbm:s0], s1  }
0x11c: {  	s0 =	simm.s32 @!p0 $0x1B  }
0x11d: {  	_ =	swait.ge @!p0 [sflag:s0], s1  }
0x11e: {  	s1 =	ssub.s32 @!p0 $0x0, s1;
	[sflag:s0] =	ssyncset.done @!p0 $0x0  }
0x11f: {  	[sflag:s0] =	ssyncadd.s32 @!p0 s1  }
0x120: {  	[bflag:$0x3] =	sbarrier.arrive $0xFFFF  }
0x121: {  	_ =	shalt  }

// kernel: kernel.9.cloned.1.call-start
scs
__scs_entry_jumppad:
0x0: {  	(pc) =	sbr.rel $0x88, $3  }
0x1: {  	(tag) =	ssettag $0x0;
	lr =	simm.s32 $0x1  }
0x2: {  	[smem:$0x3F9B] =	sst lr;
	_ =	strace $0xD0000000  }
0x3: {  	_ = 	snop  }
0x4: {  	_ = 	snop  }
0x5: {  	_ = 	snop  }
0x6: {  	_ = 	snop  }
0x7: {  	_ = 	snop  }
__scs_overlays_trampoline_lowered:
0x8: {  	[smem:$0x3FAA] =	sst s0  }
0x9: {  	[smem:$0x3FAB] =	sst s1  }
0xa: {  	[smem:$0x3FAC] =	sst s2  }
0xb: {  	[smem:$0x3FAD] =	sst s3  }
0xc: {  	[smem:$0x3FAE] =	sst s4  }
0xd: {  	[smem:$0x3FAF] =	sst s5  }
0xe: {  	[smem:$0x3FB0] =	sst s6  }
0xf: {  	[smem:$0x3FB1] =	sst s7  }
0x10: {  	[smem:$0x3FB2] =	sst s8  }
0x11: {  	[smem:$0x3FB3] =	sst s9;
	s0 =	simm.s32 @!p0 $0x0  }
0x12: {  	s1 =	sld [smem:$0x3F99];
	s0 =	simm.s32 @p0 $0x1  }
0x13: {  	[smem:$0x3FB4] =	sst s0;
	s0 =	simm.s32 @!p1 $0x0  }
0x14: {  	s2 =	sld [smem:$0x3F98];
	s0 =	simm.s32 @p1 $0x1  }
0x15: {  	[smem:$0x3FB5] =	sst s0;
	s0 =	simm.s32 @!p2 $0x0  }
0x16: {  	s3 =	sld [smem:$0x3FDB];
	s0 =	simm.s32 @p2 $0x1  }
0x17: {  	s4 =	simm.s32 $0x1BF5;
	[smem:$0x3FB7] =	sst s0  }
0x18: {  	s0 =	sld [smem:$0x3F9A];
	_ =	swait.ge [sflag:s4], $0x0  }
0x19: {  	s7 =	sld [smem:$0x3F9B]  }
0x1a: {  	s8 =	sadd.s32 $0xFFFFE003, lr  }
0x1b: {  	s9 =	sadd.s32 $0xFFFFFEF7, lr;
	s5 =	simm.s32 $0xFFFFFFFF;
	p2 =	slt.u32 s8, $0xFFFFF086  }
0x1c: {  	p1 =	slt.u32 s9, $0xF7A;
	s5 =	simm.s32 @!p2 $0x0  }
0x1d: {  	s5 =	simm.s32 @p1 $0x1;
	p0 =	seq.s32 s7, s2  }
0x1e: {  	s7 =	smul.u32 @!p0 $0xF7A, s2;
	p2 =	seq.s32 @!p0 s5, $0x0  }
0x1f: {  	s9 =	smul.u32 $0xF7A, s1;
	s8 =	simm.s32 @!p0 $0x1BF5;
	p2 =	por !p2, p0  }
0x20: {  	[sflag:s8] =	ssyncset.s32 @!p0 $0xFFFFF086;
	s6 =	sadd.s32 @!p0 s3, s7;
	s7 =	simm.s32 @!p0 $0x108  }
0x21: {  	s3 =	sadd.s32 s3, s9;
	s6 =	sadd.s32 @!p0 $0x88, s6;
	s7 =	simm.s32 @p2 $0x1082  }
0x22: {  	[simem:s7], [sflag:s8] =	dma.local @!p0 [hbm:s6], $0xF7A  }
0x23: {  	s9 =	sor.u32 $0xD0000000, s2;
	s6 =	simm.s32 $0x108;
	_ =	swait.ge @!p0 [sflag:s8], $0x0  }
0x24: {  	s3 =	sadd.s32 $0x88, s3;
	s6 =	simm.s32 @!p1 $0x1082;
	[sflag:s4] =	ssyncset.s32 $0xFFFFF086  }
0x25: {  	[simem:s6], [sflag:s4] =	dma.local [hbm:s3], $0xF7A  }
0x26: {  	[smem:$0x3F9B] =	sst s1;
	(tag) =	ssettag s2;
	_ =	strace s9  }
0x27: {  	s1 =	sld [smem:$0x3FAB]  }
0x28: {  	s2 =	sld [smem:$0x3FAC]  }
0x29: {  	s4 =	sld [smem:$0x3FAE]  }
0x2a: {  	p0 =	seq.s32 s5, $0x0;
	s5 =	sld [smem:$0x3FAF]  }
0x2b: {  	s6 =	sld [smem:$0x3FB0]  }
0x2c: {  	s7 =	sld [smem:$0x3FB1]  }
0x2d: {  	s3 =	simm.s32 $0x108;
	s8 =	sld [smem:$0x3FB2]  }
0x2e: {  	s3 =	simm.s32 @!p0 $0x1082;
	s9 =	sld [smem:$0x3FB3]  }
0x2f: {  	lr =	sadd.s32 s0, s3;
	s0 =	sld [smem:$0x3FAA]  }
0x30: {  	s3 =	sld [smem:$0x3FAD]  }
0x31: {  	[smem:$0x3FB6] =	sst s10  }
0x32: {  	s10 =	sld [smem:$0x3FB4];
	_ =	sdelay $0x3  }
0x33: {  	p0 =	seq.s32 s10, $0x1;
	s10 =	sld [smem:$0x3FB6];
	_ =	sdelay $0x3  }
0x34: {  	[smem:$0x3FB6] =	sst s10  }
0x35: {  	s10 =	sld [smem:$0x3FB5];
	_ =	sdelay $0x3  }
0x36: {  	p1 =	seq.s32 s10, $0x1;
	s10 =	sld [smem:$0x3FB6];
	_ =	sdelay $0x3  }
0x37: {  	[smem:$0x3FB6] =	sst s10  }
0x38: {  	s10 =	sld [smem:$0x3FB7]  }
0x39: {  	_ = 	snop;
	(pc) =	sbr.ind lr, $3  }
0x3a: {  	_ = 	snop  }
0x3b: {  	_ = 	snop  }
0x3c: {  	p2 =	seq.s32 s10, $0x1;
	s10 =	sld [smem:$0x3FB6]  }
0x3d: {  	_ =	shalt  }
0x3e: {  	_ =	shalt  }
0x3f: {  	_ =	shalt  }
0x40: {  	_ =	shalt  }
0x41: {  	_ =	shalt  }
0x42: {  	_ =	shalt  }
0x43: {  	_ =	shalt  }
0x44: {  	_ =	shalt  }
0x45: {  	_ =	shalt  }
0x46: {  	_ =	shalt  }
0x47: {  	_ =	shalt  }
0x48: {  	_ =	shalt  }
0x49: {  	_ =	shalt  }
0x4a: {  	_ =	shalt  }
0x4b: {  	_ =	shalt  }
0x4c: {  	_ =	shalt  }
0x4d: {  	_ =	shalt  }
0x4e: {  	_ =	shalt  }
0x4f: {  	_ =	shalt  }
0x50: {  	_ =	shalt  }
0x51: {  	_ =	shalt  }
0x52: {  	_ =	shalt  }
0x53: {  	_ =	shalt  }
0x54: {  	_ =	shalt  }
0x55: {  	_ =	shalt  }
0x56: {  	_ =	shalt  }
0x57: {  	_ =	shalt  }
0x58: {  	_ =	shalt  }
0x59: {  	_ =	shalt  }
0x5a: {  	_ =	shalt  }
0x5b: {  	_ =	shalt  }
0x5c: {  	_ =	shalt  }
0x5d: {  	_ =	shalt  }
0x5e: {  	_ =	shalt  }
0x5f: {  	_ =	shalt  }
0x60: {  	_ =	shalt  }
0x61: {  	_ =	shalt  }
0x62: {  	_ =	shalt  }
0x63: {  	_ =	shalt  }
0x64: {  	_ =	shalt  }
0x65: {  	_ =	shalt  }
0x66: {  	_ =	shalt  }
0x67: {  	_ =	shalt  }
0x68: {  	_ =	shalt  }
0x69: {  	_ =	shalt  }
0x6a: {  	_ =	shalt  }
0x6b: {  	_ =	shalt  }
0x6c: {  	_ =	shalt  }
0x6d: {  	_ =	shalt  }
0x6e: {  	_ =	shalt  }
0x6f: {  	_ =	shalt  }
0x70: {  	_ =	shalt  }
0x71: {  	_ =	shalt  }
0x72: {  	_ =	shalt  }
0x73: {  	_ =	shalt  }
0x74: {  	_ =	shalt  }
0x75: {  	_ =	shalt  }
0x76: {  	_ =	shalt  }
0x77: {  	_ =	shalt  }
0x78: {  	_ =	shalt  }
0x79: {  	_ =	shalt  }
0x7a: {  	_ =	shalt  }
0x7b: {  	_ =	shalt  }
0x7c: {  	_ =	shalt  }
0x7d: {  	_ =	shalt  }
0x7e: {  	_ =	shalt  }
0x7f: {  	_ =	shalt  }
0x80: {  	_ =	shalt  }
0x81: {  	_ =	shalt  }
0x82: {  	_ =	shalt  }
0x83: {  	_ =	shalt  }
0x84: {  	_ =	shalt  }
0x85: {  	_ =	shalt  }
0x86: {  	_ =	shalt  }
0x87: {  	_ =	shalt  }
.Lfunc_end0:
.L_simem_size_0:
called_computation_lowered:
.L_overlay_start_0:
0x88: {  	s2 =	sld [smem:$0x3FD9]  }
0x89: {  	s3 =	sld [smem:$0x3FFE];
	_ =	sdelay $0x1  }
0x8a: {  	s1 =	srdreg.scid  }
0x8b: {  	s0 =	sand.u32 $0x1, s1  }
0x8c: {  	s17 =	sshll.u32 s0, $0xA;
	s2 =	sadd.s32 s3, s2  }
0x8d: {  	s2 =	sadd.s32 s2, s17  }
0x8e: {  	[smem:$0x3FC2] =	sst s2  }
0x8f: {  	_ = 	snop  }
0x90: {  	s2 =	sld [smem:$0x3FD0];
	(tm) =	ssettm $0x1  }
0x91: {  	s18 =	sld [smem:$0x3FFB];
	_ =	sdelay $0x3  }
0x92: {  	_ =	strace s18  }
0x93: {  	s3 =	sld [smem:$0x3FFC];
	_ =	sdelay $0x3  }
0x94: {  	_ =	strace s3  }
0x95: {  	s3 =	sld [smem:$0x3FFD];
	_ =	sdelay $0x3  }
0x96: {  	_ =	strace s3  }
0x97: {  	_ =	strace $0x8FFFFFFF  }
0x98: {  	s19 =	sld [smem:$0x3FDB];
	_ =	sdelay $0x1  }
0x99: {  	s4 =	simm.s32 $_scs_section_size  }
0x9a: {  	s5 =	simm.s32 $_size__tile_overlayer_lowered;
	s6 =	simm.s32 $_tile_overlayer_lowered  }
0x9b: {  	s22 =	simm.s32 $0x1BFF;
	s21 =	sshll.u32 s6, $0x1;
	s3 =	sadd.s32 s4, s19  }
0x9c: {  	s7 =	simm.s32 $0x0;
	s20 =	sshll.u32 s5, $0x1;
	s5 =	sadd.s32 s21, s3  }
0x9d: {  	[timem:s7], [sflag:s22] =	dma.local [hbm:s5], s20  }
0x9e: {  	_ =	swait.ge [sflag:s22], s20  }
0x9f: {  	s4 =	ssub.s32 $0x0, s20;
	[sflag:s22] =	ssyncset.done $0x0  }
0xa0: {  	[sflag:s22] =	ssyncadd.s32 s4;
	_ =	sdelay $0x1  }
0xa1: {  	s23 =	simm.s32 $0x1B8B  }
0xa2: {  	_ =	swait.ge [sflag:s23], $0x1  }
0xa3: {  	[sflag:s23] =	ssyncset.done $0x0  }
0xa4: {  	s25 =	simm.s32 $0x1B8E;
	s24 =	sld [smem:$0x3FFE];
	[sflag:s23] =	ssyncadd.s32 $0xFFFFFFFF  }
0xa5: {  	s26 =	simm.s32 $execute0_lowered;
	[smem:$0x3FD2] =	sst s25  }
0xa6: {  	s5 =	sshll.u32 s26, $0x1;
	_ =	strace $0x80000046;
	[dreg:$0x1] =	wrdreg $0xFFFFFFFF  }
0xa7: {  	s28 =	simm.s32 $_size_execute0_lowered;
	s3 =	sadd.s32 s3, s5;
	[dreg:$0x0] =	wrdreg $0x0  }
0xa8: {  	s5 =	sshll.u32 s28, $0x1;
	[dreg:$0x2] =	wrdreg s3  }
0xa9: {  	[dreg:$0x3] =	wrdreg s5  }
0xaa: {  	[dreg:$0x4] =	wrdreg $0xC0  }
0xab: {  	_ =	task [dreg:s7], $0x5FFFF  }
0xac: {  	[dreg:$0x1] =	wrdreg $0xFFFFFFFF  }
0xad: {  	[dreg:$0x0] =	wrdreg $0x60  }
0xae: {  	[dreg:$0x2] =	wrdreg s2  }
0xaf: {  	[dreg:$0x3] =	wrdreg s24  }
0xb0: {  	[dreg:$0x4] =	wrdreg $0x37800  }
0xb1: {  	[dreg:$0x5] =	wrdreg $0x9  }
0xb2: {  	_ =	task.clear_ibuf [dreg:s7], $0x6FFFF;
	_ =	strace $0x90000046  }
0xb3: {  	s29 =	simm.s32 $0x9;
	_ =	strace $0x80000048  }
0xb4: {  	_ =	swait.ge [sflag:s29], $0x1  }
0xb5: {  	[sflag:s29] =	ssyncadd.s32 $0xFFFFFFFF  }
0xb6: {  	_ =	strace $0x90000048  }
0xb7: {  	_ =	sfence  }
0xb8: {  	s30 =	sld [smem:$0x0];
	_ =	sdelay $0x2  }
0xb9: {  	s31 =	sshll.u32 s1, $0xD;
	s1 =	sshrl.u32 s1, $0x2  }
0xba: {  	s3 =	sand.u32 $0x4000, s31;
	s1 =	sadd.s32 s1, s30  }
0xbb: {  	s0 =	sor.u32 s3, s0;
	s1 =	sshll.u32 s1, $0x11  }
0xbc: {  	s0 =	sor.u32 s1, s0  }
0xbd: {  	s0 =	sadd.s32 $0x8F2B, s0  }
0xbe: {  	[sflag:s0] =	ssyncadd.remote.s32 $0x1  }
0xbf: {  	_ =	sfence.sel $0xFFFF  }
0xc0: {  	[dreg:$0x0] =	wrdreg $0xFFFFFFFF;
	(pc) =	sbr.abs _section_cstart, $3  }
0xc1: {  	[dreg:$0x1] =	wrdreg $0xFFFFFFFF  }
0xc2: {  	_ =	task.clear_ibuf [dreg:s7], $0x2FFFF;
	_ =	strace $0x9FFFFFFF  }
0xc3: {  	(tm) =	ssettm $0x7FFFFFFF  }
tec
execute0_lowered:
.L_overlay_start_1:
0x0: {  	(tag) =	ssettag $0x1  }
0x1: {  	s6 =	rddreg [dreg:$0x0]  }
0x2: {  	s4 =	rddreg [dreg:$0x1]  }
0x3: {  	s1 =	rddreg [dreg:$0x2]  }
0x4: {  	s2 =	srdreg.scid;
	s0 =	rddreg [dreg:$0x3]  }
0x5: {  	s3 =	simm.s32 $0x0;
	s13 =	simm.s32 $0x2;
	s14 =	simm.s32 $0x2F80  }
0x6: {  	s15 =	simm.s32 $0x80;
	s16 =	simm.s32 $0x2780;
	s5 =	sand.u32 $0x1, s2  }
0x7: {  	s17 =	simm.s32 $0x1;
	s2 =	stileid.u32;
	s7 =	smul.u32 $0x28000, s5  }
0x8: {  	[smem:$0x7FF] =	sst s3;
	s8 =	smul.u32 $0x2800, s2;
	s9 =	sshll.u32 s5, $0x4  }
0x9: {  	_ =	strace $0x80000047;
	s5 =	ssub.s32 $0x2, s5;
	s11 =	smul.u32 $0xA000, s2  }
0xa: {  	s31 =	sshll.u32 s2, $0x4;
	s18 =	sor.u32 s2, s9;
	s10 =	sshrl.u32 s5, $0x1  }
0xb: {  	s7 =	sadd.s32 s8, s7;
	s9 =	smul.u32 $0x2700, s18;
	s10 =	ssub.s32 s5, s10  }
0xc: {  	s30 =	sshrl.u32 s11, $0x2;
	s19 =	sadd.s32 s8, s1;
	p0 =	sgt.u32 s18, $0x3  }
0xd: {  	s7 =	sshrl.u32 s7, $0x3;
	s5 =	sadd.s32 s30, s1;
	s8 =	smax.u32 s10, $0x1  }
0xe: {  	s18 =	sshrl.u32 s19, $0x3;
	s7 =	sadd.s32 s7, s4;
	s29 =	sshrl.u32 s9, $0x3  }
0xf: {  	s9 =	sadd.s32 $0x800, s5;
	s10 =	sadd.s32 $0x1000, s5;
	s11 =	sadd.s32 $0x1800, s5  }
0x10: {  	s12 =	sadd.s32 $0x2000, s5;
	s4 =	sadd.s32 s6, s29;
	s6 =	sadd.s32 s31, s6  }
0x11: {  	v0 =	vimm.f32 $0.0e+00;
	v1 =	vimm.f32 $1.000000000e+00;
	s7 =	sadd.s32 $0x2A00, s7;
	s4 =	sadd.s32 $0x9C40, s4;
	s6 =	sadd.s32 $0x13840, s6  }
.LBB2_1:
0x12: {  	s19 =	simm.s32 $0x0  }
.LBB2_2:
0x13: {  	p1 =	sne.s32 s19, $0x1FC0  }
.Ltmp0:
0x14: {  	_ = 	snop;
	(pc) =	sbr.rel @p1 .LBB2_2-.Ltmp0, $3  }
0x15: {  	_ =	sdelay $0x1  }
0x16: {  	s20 =	sshra.s32 s19, $0x2  }
0x17: {  	s19 =	sadd.s32 $0x40, s19;
	[tilespmem:s20+$0x2F80] =	vst v0  }
0x18: {  	s19 =	simm.s32 $0x40;
	s20 =	simm.s32 $0x0  }
.LBB2_4:
0x19: {  	p1 =	sne.s32 s19, $0x1FC0;
	[tilespmem:s20+$0x2780] =	vst v1;
	s20 =	smov.u32 s19;
	s19 =	sadd.s32 $0x40, s19  }
.Ltmp1:
0x1a: {  	(pc) =	sbr.rel @p1 .LBB2_4-.Ltmp1, $2  }
0x1b: {  	_ =	sdelay $0x2  }
0x1c: {  	s20 =	sshra.s32 s20, $0x2  }
0x1d: {  	[tilespmem:s20+$0x2780] =	vst v1;
	s19 =	simm.s32 $0x0  }
0x1e: {  	[tilespmem:s19], [sflag:$0x2] =	stream.linear.gather [hbm4b:s4+s19], $0x2700, $0x38;
	[tilespmem:$0x5F80] =	vst v63  }
0x1f: {  	_ =	swait.ge [sflag:s13], $0x2700  }
0x20: {  	[sflag:s13] =	ssyncset.done $0x0  }
0x21: {  	[sflag:s13] =	ssyncadd.s32 $0xFFFFD900  }
0x22: {  	[spmem:s5] =	stream.linear.scatter [tilespmem:s14], [sflag:$0x2], $0x800, $0x38;
	[tilespmem:$0x5F80] =	vst v63  }
0x23: {  	_ =	swait.ge [sflag:s13], $0x800  }
0x24: {  	[sflag:s13] =	ssyncset.done $0x0  }
0x25: {  	[sflag:s13] =	ssyncadd.s32 $0xFFFFF800  }
0x26: {  	[spmem:s9] =	stream.linear.scatter [tilespmem:s14], [sflag:$0x2], $0x800, $0x38;
	[tilespmem:$0x5F80] =	vst v63  }
0x27: {  	_ =	swait.ge [sflag:s13], $0x800  }
0x28: {  	[sflag:s13] =	ssyncset.done $0x0  }
0x29: {  	[sflag:s13] =	ssyncadd.s32 $0xFFFFF800  }
0x2a: {  	[spmem:s10] =	stream.linear.scatter [tilespmem:s14], [sflag:$0x2], $0x800, $0x38;
	[tilespmem:$0x5F80] =	vst v63  }
0x2b: {  	_ =	swait.ge [sflag:s13], $0x800  }
0x2c: {  	[sflag:s13] =	ssyncset.done $0x0  }
0x2d: {  	[sflag:s13] =	ssyncadd.s32 $0xFFFFF800  }
0x2e: {  	[spmem:s11] =	stream.linear.scatter [tilespmem:s14], [sflag:$0x2], $0x800, $0x38;
	[tilespmem:$0x5F80] =	vst v63  }
0x2f: {  	_ =	swait.ge [sflag:s13], $0x800  }
0x30: {  	[sflag:s13] =	ssyncset.done $0x0  }
0x31: {  	[sflag:s13] =	ssyncadd.s32 $0xFFFFF800  }
0x32: {  	[spmem:s12] =	stream.linear.scatter [tilespmem:s14], [sflag:$0x2], $0x800, $0x38;
	[tilespmem:$0x5F80] =	vst v63  }
0x33: {  	_ =	swait.ge [sflag:s13], $0x800  }
0x34: {  	[sflag:s13] =	ssyncset.done $0x0  }
0x35: {  	[sflag:s13] =	ssyncadd.s32 $0xFFFFF800  }
0x36: {  	s30 =	simm.s32 $0x0;
	[bflag:$0x0] =	sbarrier.arrive $0xFFFF  }
0x37: {  	[spmem:s1] =	stream.indirect.scatter.add.f32 [tilespmem:s16], [sflag:$0x1], $0x10, s30, s15, $0xb8;
	[tilespmem:$0x5F80] =	vst v63  }
0x38: {  	s31 =	simm.s32 $0x80  }
0x39: {  	[spmem:s1] =	stream.indirect.scatter.add.f32 [tilespmem:s16], [sflag:$0x1], $0x10, s31, s15, $0xb8;
	[tilespmem:$0x5F80] =	vst v63  }
0x3a: {  	s20 =	simm.s32 $0x100  }
0x3b: {  	[spmem:s1] =	stream.indirect.scatter.add.f32 [tilespmem:s16], [sflag:$0x1], $0x10, s20, s15, $0xb8;
	[tilespmem:$0x5F80] =	vst v63  }
0x3c: {  	s21 =	simm.s32 $0x180  }
0x3d: {  	[spmem:s1] =	stream.indirect.scatter.add.f32 [tilespmem:s16], [sflag:$0x1], $0x10, s21, s15, $0xb8;
	[tilespmem:$0x5F80] =	vst v63  }
0x3e: {  	s22 =	simm.s32 $0x200  }
0x3f: {  	[spmem:s1] =	stream.indirect.scatter.add.f32 [tilespmem:s16], [sflag:$0x1], $0x10, s22, s15, $0xb8;
	[tilespmem:$0x5F80] =	vst v63  }
0x40: {  	s23 =	simm.s32 $0x280  }
0x41: {  	[spmem:s1] =	stream.indirect.scatter.add.f32 [tilespmem:s16], [sflag:$0x1], $0x10, s23, s15, $0xb8;
	[tilespmem:$0x5F80] =	vst v63  }
0x42: {  	s24 =	simm.s32 $0x300  }
0x43: {  	[spmem:s1] =	stream.indirect.scatter.add.f32 [tilespmem:s16], [sflag:$0x1], $0x10, s24, s15, $0xb8;
	[tilespmem:$0x5F80] =	vst v63  }
0x44: {  	s25 =	simm.s32 $0x380  }
0x45: {  	[spmem:s1] =	stream.indirect.scatter.add.f32 [tilespmem:s16], [sflag:$0x1], $0x10, s25, s15, $0xb8;
	[tilespmem:$0x5F80] =	vst v63  }
0x46: {  	s26 =	simm.s32 $0x400  }
0x47: {  	[spmem:s1] =	stream.indirect.scatter.add.f32 [tilespmem:s16], [sflag:$0x1], $0x10, s26, s15, $0xb8;
	[tilespmem:$0x5F80] =	vst v63  }
0x48: {  	s28 =	simm.s32 $0x480  }
0x49: {  	[spmem:s1] =	stream.indirect.scatter.add.f32 [tilespmem:s16], [sflag:$0x1], $0x10, s28, s15, $0xb8;
	[tilespmem:$0x5F80] =	vst v63  }
0x4a: {  	s29 =	simm.s32 $0x500  }
0x4b: {  	[spmem:s1] =	stream.indirect.scatter.add.f32 [tilespmem:s16], [sflag:$0x1], $0x10, s29, s15, $0xb8;
	[tilespmem:$0x5F80] =	vst v63  }
0x4c: {  	s30 =	simm.s32 $0x580  }
0x4d: {  	[spmem:s1] =	stream.indirect.scatter.add.f32 [tilespmem:s16], [sflag:$0x1], $0x10, s30, s15, $0xb8;
	[tilespmem:$0x5F80] =	vst v63  }
0x4e: {  	s31 =	simm.s32 $0x600  }
0x4f: {  	[spmem:s1] =	stream.indirect.scatter.add.f32 [tilespmem:s16], [sflag:$0x1], $0x10, s31, s15, $0xb8;
	[tilespmem:$0x5F80] =	vst v63  }
0x50: {  	_ =	swait.ge [sflag:s17], $0x800  }
0x51: {  	[sflag:s17] =	ssyncset.done $0x0  }
0x52: {  	[sflag:s17] =	ssyncadd.s32 $0xFFFFF800  }
0x53: {  	_ =	swait.ge [sflag:s17], $0x800  }
0x54: {  	[sflag:s17] =	ssyncset.done $0x0  }
0x55: {  	[sflag:s17] =	ssyncadd.s32 $0xFFFFF800  }
0x56: {  	_ =	swait.ge [sflag:s17], $0x800  }
0x57: {  	[sflag:s17] =	ssyncset.done $0x0  }
0x58: {  	[sflag:s17] =	ssyncadd.s32 $0xFFFFF800  }
0x59: {  	_ =	swait.ge [sflag:s17], $0x800  }
0x5a: {  	[sflag:s17] =	ssyncset.done $0x0  }
0x5b: {  	[sflag:s17] =	ssyncadd.s32 $0xFFFFF800  }
0x5c: {  	_ =	swait.ge [sflag:s17], $0x800  }
0x5d: {  	[sflag:s17] =	ssyncset.done $0x0  }
0x5e: {  	[sflag:s17] =	ssyncadd.s32 $0xFFFFF800  }
0x5f: {  	_ =	swait.ge [sflag:s17], $0x800  }
0x60: {  	[sflag:s17] =	ssyncset.done $0x0  }
0x61: {  	[sflag:s17] =	ssyncadd.s32 $0xFFFFF800  }
0x62: {  	_ =	swait.ge [sflag:s17], $0x800  }
0x63: {  	[sflag:s17] =	ssyncset.done $0x0  }
0x64: {  	[sflag:s17] =	ssyncadd.s32 $0xFFFFF800  }
0x65: {  	_ =	swait.ge [sflag:s17], $0x800  }
0x66: {  	[sflag:s17] =	ssyncset.done $0x0  }
0x67: {  	[sflag:s17] =	ssyncadd.s32 $0xFFFFF800  }
0x68: {  	_ =	swait.ge [sflag:s17], $0x800  }
0x69: {  	[sflag:s17] =	ssyncset.done $0x0  }
0x6a: {  	[sflag:s17] =	ssyncadd.s32 $0xFFFFF800  }
0x6b: {  	_ =	swait.ge [sflag:s17], $0x800  }
0x6c: {  	[sflag:s17] =	ssyncset.done $0x0  }
0x6d: {  	[sflag:s17] =	ssyncadd.s32 $0xFFFFF800  }
0x6e: {  	_ =	swait.ge [sflag:s17], $0x800  }
0x6f: {  	[sflag:s17] =	ssyncset.done $0x0  }
0x70: {  	[sflag:s17] =	ssyncadd.s32 $0xFFFFF800  }
0x71: {  	_ =	swait.ge [sflag:s17], $0x800  }
0x72: {  	[sflag:s17] =	ssyncset.done $0x0  }
0x73: {  	[sflag:s17] =	ssyncadd.s32 $0xFFFFF800  }
0x74: {  	_ =	swait.ge [sflag:s17], $0x800  }
0x75: {  	s19 =	simm.s32 $0x1A00;
	s21 =	simm.s32 $0x3400;
	[sflag:s17] =	ssyncset.done $0x0  }
.LBB2_6:
0x76: {  	s22 =	sshra.s32 s19, $0x2  }
0x77: {  	[sflag:s17] =	ssyncadd.s32 $0xFFFFF800;
	s19 =	smov.u32 s21;
	s20 =	sadd.s32 $0x1A00, s21  }
0x78: {  	[spmem:s1] =	stream.indirect.scatter.add.f32 [tilespmem:s16], [sflag:$0x1], $0x10, s22, s15, $0xb8;
	[tilespmem:$0x5F80] =	vst v63  }
0x79: {  	p1 =	sne.s32 s21, $0x8200;
	s21 =	sadd.s32 $0x80, s22  }
0x7a: {  	[spmem:s1] =	stream.indirect.scatter.add.f32 [tilespmem:s16], [sflag:$0x1], $0x10, s21, s15, $0xb8;
	[tilespmem:$0x5F80] =	vst v63  }
0x7b: {  	s21 =	sadd.s32 $0x100, s22  }
0x7c: {  	[spmem:s1] =	stream.indirect.scatter.add.f32 [tilespmem:s16], [sflag:$0x1], $0x10, s21, s15, $0xb8;
	[tilespmem:$0x5F80] =	vst v63  }
0x7d: {  	s21 =	sadd.s32 $0x180, s22  }
0x7e: {  	[spmem:s1] =	stream.indirect.scatter.add.f32 [tilespmem:s16], [sflag:$0x1], $0x10, s21, s15, $0xb8;
	[tilespmem:$0x5F80] =	vst v63  }
0x7f: {  	s21 =	sadd.s32 $0x200, s22  }
0x80: {  	[spmem:s1] =	stream.indirect.scatter.add.f32 [tilespmem:s16], [sflag:$0x1], $0x10, s21, s15, $0xb8;
	[tilespmem:$0x5F80] =	vst v63  }
0x81: {  	s21 =	sadd.s32 $0x280, s22  }
0x82: {  	[spmem:s1] =	stream.indirect.scatter.add.f32 [tilespmem:s16], [sflag:$0x1], $0x10, s21, s15, $0xb8;
	[tilespmem:$0x5F80] =	vst v63  }
0x83: {  	s21 =	sadd.s32 $0x300, s22  }
0x84: {  	[spmem:s1] =	stream.indirect.scatter.add.f32 [tilespmem:s16], [sflag:$0x1], $0x10, s21, s15, $0xb8;
	[tilespmem:$0x5F80] =	vst v63  }
0x85: {  	s21 =	sadd.s32 $0x380, s22  }
0x86: {  	[spmem:s1] =	stream.indirect.scatter.add.f32 [tilespmem:s16], [sflag:$0x1], $0x10, s21, s15, $0xb8;
	[tilespmem:$0x5F80] =	vst v63  }
0x87: {  	s21 =	sadd.s32 $0x400, s22  }
0x88: {  	[spmem:s1] =	stream.indirect.scatter.add.f32 [tilespmem:s16], [sflag:$0x1], $0x10, s21, s15, $0xb8;
	[tilespmem:$0x5F80] =	vst v63  }
0x89: {  	s21 =	sadd.s32 $0x480, s22  }
0x8a: {  	[spmem:s1] =	stream.indirect.scatter.add.f32 [tilespmem:s16], [sflag:$0x1], $0x10, s21, s15, $0xb8;
	[tilespmem:$0x5F80] =	vst v63  }
0x8b: {  	s21 =	sadd.s32 $0x500, s22  }
0x8c: {  	[spmem:s1] =	stream.indirect.scatter.add.f32 [tilespmem:s16], [sflag:$0x1], $0x10, s21, s15, $0xb8;
	[tilespmem:$0x5F80] =	vst v63  }
0x8d: {  	s21 =	sadd.s32 $0x580, s22  }
0x8e: {  	[spmem:s1] =	stream.indirect.scatter.add.f32 [tilespmem:s16], [sflag:$0x1], $0x10, s21, s15, $0xb8;
	[tilespmem:$0x5F80] =	vst v63  }
0x8f: {  	s21 =	sadd.s32 $0x600, s22  }
0x90: {  	[spmem:s1] =	stream.indirect.scatter.add.f32 [tilespmem:s16], [sflag:$0x1], $0x10, s21, s15, $0xb8;
	[tilespmem:$0x5F80] =	vst v63  }
0x91: {  	_ =	swait.ge [sflag:s17], $0x800  }
0x92: {  	[sflag:s17] =	ssyncset.done $0x0  }
0x93: {  	[sflag:s17] =	ssyncadd.s32 $0xFFFFF800  }
0x94: {  	_ =	swait.ge [sflag:s17], $0x800  }
0x95: {  	[sflag:s17] =	ssyncset.done $0x0  }
0x96: {  	[sflag:s17] =	ssyncadd.s32 $0xFFFFF800  }
0x97: {  	_ =	swait.ge [sflag:s17], $0x800  }
0x98: {  	[sflag:s17] =	ssyncset.done $0x0  }
0x99: {  	[sflag:s17] =	ssyncadd.s32 $0xFFFFF800  }
0x9a: {  	_ =	swait.ge [sflag:s17], $0x800  }
0x9b: {  	[sflag:s17] =	ssyncset.done $0x0  }
0x9c: {  	[sflag:s17] =	ssyncadd.s32 $0xFFFFF800  }
0x9d: {  	_ =	swait.ge [sflag:s17], $0x800  }
0x9e: {  	[sflag:s17] =	ssyncset.done $0x0  }
0x9f: {  	[sflag:s17] =	ssyncadd.s32 $0xFFFFF800  }
0xa0: {  	_ =	swait.ge [sflag:s17], $0x800  }
0xa1: {  	[sflag:s17] =	ssyncset.done $0x0  }
0xa2: {  	[sflag:s17] =	ssyncadd.s32 $0xFFFFF800  }
0xa3: {  	_ =	swait.ge [sflag:s17], $0x800  }
0xa4: {  	[sflag:s17] =	ssyncset.done $0x0  }
0xa5: {  	[sflag:s17] =	ssyncadd.s32 $0xFFFFF800  }
0xa6: {  	_ =	swait.ge [sflag:s17], $0x800  }
0xa7: {  	[sflag:s17] =	ssyncset.done $0x0  }
0xa8: {  	[sflag:s17] =	ssyncadd.s32 $0xFFFFF800  }
0xa9: {  	_ =	swait.ge [sflag:s17], $0x800  }
0xaa: {  	[sflag:s17] =	ssyncset.done $0x0  }
0xab: {  	[sflag:s17] =	ssyncadd.s32 $0xFFFFF800  }
0xac: {  	_ =	swait.ge [sflag:s17], $0x800  }
0xad: {  	[sflag:s17] =	ssyncset.done $0x0  }
0xae: {  	[sflag:s17] =	ssyncadd.s32 $0xFFFFF800  }
0xaf: {  	_ =	swait.ge [sflag:s17], $0x800  }
0xb0: {  	[sflag:s17] =	ssyncset.done $0x0  }
0xb1: {  	[sflag:s17] =	ssyncadd.s32 $0xFFFFF800  }
.Ltmp2:
0xb2: {  	_ =	swait.ge [sflag:s17], $0x800;
	(pc) =	sbr.rel @p1 .LBB2_6-.Ltmp2, $4  }
0xb3: {  	[sflag:s17] =	ssyncset.done $0x0  }
0xb4: {  	[sflag:s17] =	ssyncadd.s32 $0xFFFFF800  }
0xb5: {  	_ =	swait.ge [sflag:s17], $0x800  }
0xb6: {  	s21 =	smov.u32 s20;
	[sflag:s17] =	ssyncset.done $0x0  }
0xb7: {  	s19 =	sshra.s32 s19, $0x2;
	[sflag:s17] =	ssyncadd.s32 $0xFFFFF800  }
0xb8: {  	[spmem:s1] =	stream.indirect.scatter.add.f32 [tilespmem:s16], [sflag:$0x1], $0x10, s19, s15, $0xb8;
	[tilespmem:$0x5F80] =	vst v63  }
0xb9: {  	s20 =	sadd.s32 $0x80, s19  }
0xba: {  	[spmem:s1] =	stream.indirect.scatter.add.f32 [tilespmem:s16], [sflag:$0x1], $0x10, s20, s15, $0xb8;
	[tilespmem:$0x5F80] =	vst v63  }
0xbb: {  	s31 =	sadd.s32 $0x100, s19  }
0xbc: {  	[spmem:s1] =	stream.indirect.scatter.add.f32 [tilespmem:s16], [sflag:$0x1], $0x10, s31, s15, $0xb8;
	[tilespmem:$0x5F80] =	vst v63  }
0xbd: {  	s21 =	sadd.s32 $0x180, s19  }
0xbe: {  	[spmem:s1] =	stream.indirect.scatter.add.f32 [tilespmem:s16], [sflag:$0x1], $0x10, s21, s15, $0xb8;
	[tilespmem:$0x5F80] =	vst v63  }
0xbf: {  	s22 =	sadd.s32 $0x200, s19  }
0xc0: {  	[spmem:s1] =	stream.indirect.scatter.add.f32 [tilespmem:s16], [sflag:$0x1], $0x10, s22, s15, $0xb8;
	[tilespmem:$0x5F80] =	vst v63  }
0xc1: {  	s23 =	sadd.s32 $0x280, s19  }
0xc2: {  	[spmem:s1] =	stream.indirect.scatter.add.f32 [tilespmem:s16], [sflag:$0x1], $0x10, s23, s15, $0xb8;
	[tilespmem:$0x5F80] =	vst v63  }
0xc3: {  	s24 =	sadd.s32 $0x300, s19  }
0xc4: {  	[spmem:s1] =	stream.indirect.scatter.add.f32 [tilespmem:s16], [sflag:$0x1], $0x10, s24, s15, $0xb8;
	[tilespmem:$0x5F80] =	vst v63  }
0xc5: {  	s25 =	sadd.s32 $0x380, s19  }
0xc6: {  	[spmem:s1] =	stream.indirect.scatter.add.f32 [tilespmem:s16], [sflag:$0x1], $0x10, s25, s15, $0xb8;
	[tilespmem:$0x5F80] =	vst v63  }
0xc7: {  	s26 =	sadd.s32 $0x400, s19  }
0xc8: {  	[spmem:s1] =	stream.indirect.scatter.add.f32 [tilespmem:s16], [sflag:$0x1], $0x10, s26, s15, $0xb8;
	[tilespmem:$0x5F80] =	vst v63  }
0xc9: {  	s28 =	sadd.s32 $0x480, s19  }
0xca: {  	[spmem:s1] =	stream.indirect.scatter.add.f32 [tilespmem:s16], [sflag:$0x1], $0x10, s28, s15, $0xb8;
	[tilespmem:$0x5F80] =	vst v63  }
0xcb: {  	s29 =	sadd.s32 $0x500, s19  }
0xcc: {  	[spmem:s1] =	stream.indirect.scatter.add.f32 [tilespmem:s16], [sflag:$0x1], $0x10, s29, s15, $0xb8;
	[tilespmem:$0x5F80] =	vst v63  }
0xcd: {  	s30 =	sadd.s32 $0x580, s19  }
0xce: {  	[spmem:s1] =	stream.indirect.scatter.add.f32 [tilespmem:s16], [sflag:$0x1], $0x10, s30, s15, $0xb8;
	[tilespmem:$0x5F80] =	vst v63  }
0xcf: {  	s19 =	sadd.s32 $0x600, s19  }
0xd0: {  	[spmem:s1] =	stream.indirect.scatter.add.f32 [tilespmem:s16], [sflag:$0x1], $0x10, s19, s15, $0xb8;
	[tilespmem:$0x5F80] =	vst v63  }
0xd1: {  	_ =	swait.ge [sflag:s17], $0x800  }
0xd2: {  	[sflag:s17] =	ssyncset.done $0x0  }
0xd3: {  	[sflag:s17] =	ssyncadd.s32 $0xFFFFF800  }
0xd4: {  	_ =	swait.ge [sflag:s17], $0x800  }
0xd5: {  	[sflag:s17] =	ssyncset.done $0x0  }
0xd6: {  	[sflag:s17] =	ssyncadd.s32 $0xFFFFF800  }
0xd7: {  	_ =	swait.ge [sflag:s17], $0x800  }
0xd8: {  	[sflag:s17] =	ssyncset.done $0x0  }
0xd9: {  	[sflag:s17] =	ssyncadd.s32 $0xFFFFF800  }
0xda: {  	_ =	swait.ge [sflag:s17], $0x800  }
0xdb: {  	[sflag:s17] =	ssyncset.done $0x0  }
0xdc: {  	[sflag:s17] =	ssyncadd.s32 $0xFFFFF800  }
0xdd: {  	_ =	swait.ge [sflag:s17], $0x800  }
0xde: {  	[sflag:s17] =	ssyncset.done $0x0  }
0xdf: {  	[sflag:s17] =	ssyncadd.s32 $0xFFFFF800  }
0xe0: {  	_ =	swait.ge [sflag:s17], $0x800  }
0xe1: {  	[sflag:s17] =	ssyncset.done $0x0  }
0xe2: {  	[sflag:s17] =	ssyncadd.s32 $0xFFFFF800  }
0xe3: {  	_ =	swait.ge [sflag:s17], $0x800  }
0xe4: {  	[sflag:s17] =	ssyncset.done $0x0  }
0xe5: {  	[sflag:s17] =	ssyncadd.s32 $0xFFFFF800  }
0xe6: {  	_ =	swait.ge [sflag:s17], $0x800  }
0xe7: {  	[sflag:s17] =	ssyncset.done $0x0  }
0xe8: {  	[sflag:s17] =	ssyncadd.s32 $0xFFFFF800  }
0xe9: {  	_ =	swait.ge [sflag:s17], $0x800  }
0xea: {  	[sflag:s17] =	ssyncset.done $0x0  }
0xeb: {  	[sflag:s17] =	ssyncadd.s32 $0xFFFFF800  }
0xec: {  	_ =	swait.ge [sflag:s17], $0x800  }
0xed: {  	[sflag:s17] =	ssyncset.done $0x0  }
0xee: {  	[sflag:s17] =	ssyncadd.s32 $0xFFFFF800  }
0xef: {  	_ =	swait.ge [sflag:s17], $0x800  }
0xf0: {  	[sflag:s17] =	ssyncset.done $0x0  }
0xf1: {  	[sflag:s17] =	ssyncadd.s32 $0xFFFFF800  }
0xf2: {  	_ =	swait.ge [sflag:s17], $0x800  }
0xf3: {  	[sflag:s17] =	ssyncset.done $0x0  }
0xf4: {  	[sflag:s17] =	ssyncadd.s32 $0xFFFFF800  }
0xf5: {  	_ =	swait.ge [sflag:s17], $0x800  }
0xf6: {  	[sflag:s17] =	ssyncset.done $0x0  }
0xf7: {  	s20 =	simm.s32 @!p0 $0x2700;
	s19 =	simm.s32 @!p0 $0x0;
	[sflag:s17] =	ssyncadd.s32 $0xFFFFF800  }
0xf8: {  	[tilespmem:s20], [sflag:$0x2] =	stream.linear.gather @!p0 [hbm4b:s6+s19], $0x80, $0x38;
	[tilespmem:$0x5F80] =	vst v63  }
0xf9: {  	s19 =	simm.s32 @!p0 $0x2  }
0xfa: {  	_ =	swait.ge @!p0 [sflag:s19], $0x80  }
0xfb: {  	[sflag:s19] =	ssyncset.done @!p0 $0x0  }
0xfc: {  	s21 =	simm.s32 @!p0 $0x80;
	s22 =	simm.s32 @!p0 $0x2780;
	[sflag:s19] =	ssyncadd.s32 @!p0 $0xFFFFFF80  }
0xfd: {  	[spmem:s1] =	stream.indirect.scatter.add.f32 @!p0 [tilespmem:s22], [sflag:$0x2], $0x10, s20, s21, $0xb8;
	[tilespmem:$0x5F80] =	vst v63  }
0xfe: {  	_ =	swait.ge @!p0 [sflag:s19], $0x800  }
0xff: {  	s3 =	sadd.s32 $0x1, s3;
	[sflag:s19] =	ssyncset.done @!p0 $0x0  }
0x100: {  	p1 =	sne.s32 s3, s8;
	s31 =	sshll.u32 s2, $0x6;
	[sflag:s19] =	ssyncadd.s32 @!p0 $0xFFFFF800  }
.Ltmp3:
0x101: {  	s19 =	sor.u32 $0x1C02, s31;
	[bflag:$0x0] =	sbarrier.arrive $0xFFFF;
	(pc) =	sbr.rel @p1 .LBB2_1-.Ltmp3, $4  }
0x102: {  	[hbm:s7], [sflag:s19] =	dma.local [spmem:s18], $0x500  }
0x103: {  	_ =	swait.ge [sflag:s13], $0x500  }
0x104: {  	[sflag:s13] =	ssyncset.done $0x0  }
0x105: {  	[sflag:s13] =	ssyncadd.s32 $0xFFFFFB00  }
0x106: {  	_ =	sfence.sel $0x180000  }
0x107: {  	[bflag:$0x0] =	sbarrier.arrive $0xFFFF  }
0x108: {  	p0 =	sne.s32 s2, $0x0;
	_ =	strace $0x90000047  }
0x109: {  	s0 =	sadd.s32 @!p0 $0x100000, s0;
	[bflag:$0x2] =	sbarrier.arrive $0xFFFF  }
0x10a: {  	[sflag:s0] =	ssyncadd.tile.s32 @!p0 $0x1;
	_ =	shalt  }
.Lfunc_end2:
_tile_overlayer_lowered:
.L_overlay_start_2:
0x10b: {  	(tag) =	ssettag $0x2  }
0x10c: {  	s0 =	rddreg [dreg:$0x0];
	s2 =	stileid.u32  }
0x10d: {  	s1 =	rddreg [dreg:$0x1];
	p0 =	sne.s32 s2, $0x0  }
0x10e: {  	s3 =	rddreg [dreg:$0x2];
	[bflag:$0x3] =	sbarrier.arrive $0xFFFF;
	s2 =	simm.s32 @!p0 $0x1C02  }
0x10f: {  	[timem:s3], [sflag:s2] =	dma.local @!p0 [hbm:s0], s1  }
0x110: {  	s0 =	simm.s32 @!p0 $0x2  }
0x111: {  	_ =	swait.ge @!p0 [sflag:s0], s1  }
0x112: {  	s1 =	ssub.s32 @!p0 $0x0, s1;
	[sflag:s0] =	ssyncset.done @!p0 $0x0  }
0x113: {  	[sflag:s0] =	ssyncadd.s32 @!p0 s1  }
0x114: {  	[bflag:$0x3] =	sbarrier.arrive $0xFFFF  }
0x115: {  	_ =	shalt  }

</sc_bundles>
